<compile_context>
chip_gen: v7x
topology: tpu7x:2x2x1
jax: 0.10.2.dev20260603
libtpu: 0.0.44.dev20260713+nightly
codegen_flags: <defaults>
</compile_context>

<pallas_src>
import functools

import jax
import jax.numpy as jnp
from jax import lax
from jax.experimental import pallas as pl
from jax.experimental.pallas import tpu as pltpu
from jax.experimental.pallas import tpu_sc as plsc

NUM_TEXT = 100000
NUM_POS = 2048
DIM = 64
B = 4096
L = 200

_NC = 2
_NS = 16
_NW = _NC * _NS
_ROWS_PER_W = B // _NW

_CHUNK0 = 128
_CHUNK1 = L - _CHUNK0


def _body(x_hbm, text_hbm, pos_hbm, out_hbm, idx_v, rows0, rows1, pos_v,
          gsem0, gsem1, wsem0, wsem1):
    wid = lax.axis_index("s") * _NC + lax.axis_index("c")
    base = wid * _ROWS_PER_W

    pltpu.sync_copy(pos_hbm.at[pl.ds(0, L)], pos_v)
    pltpu.sync_copy(x_hbm.at[pl.ds(base, _ROWS_PER_W)], idx_v)

    rows = (rows0, rows1)
    gsems = (gsem0, gsem1)
    wsems = (wsem0, wsem1)

    def prefill(p):
        rp = rows[p]

        def fill_row(l4, carry2):
            for u in range(8):
                l = l4 * 8 + u
                for g in range(DIM // 16):
                    sl = pl.ds(g * 16, 16)
                    rp[l, sl] = pos_v[l, sl]
            return carry2

        lax.fori_loop(0, L // 8, fill_row, 0)

    def start_gather(i, p):
        pltpu.async_copy(
            text_hbm.at[idx_v.at[i, pl.ds(0, _CHUNK0)]],
            rows[p].at[pl.ds(0, _CHUNK0)],
            gsems[p],
            add=True,
        )
        pltpu.async_copy(
            text_hbm.at[idx_v.at[i, pl.ds(_CHUNK0, _CHUNK1)]],
            rows[p].at[pl.ds(_CHUNK0, _CHUNK1)],
            gsems[p],
            add=True,
        )

    def wait_gather(i, p):
        pltpu.make_async_copy(
            text_hbm.at[idx_v.at[i, pl.ds(0, _CHUNK0)]],
            rows[p].at[pl.ds(0, _CHUNK0)],
            gsems[p],
        ).wait()
        pltpu.make_async_copy(
            text_hbm.at[idx_v.at[i, pl.ds(_CHUNK0, _CHUNK1)]],
            rows[p].at[pl.ds(_CHUNK0, _CHUNK1)],
            gsems[p],
        ).wait()

    def start_write(i, p):
        pltpu.async_copy(
            rows[p],
            out_hbm.at[pl.ds((base + i) * L, L)],
            wsems[p],
        )

    def wait_write(p):
        pltpu.make_async_copy(
            rows[p],
            out_hbm.at[pl.ds(base * L, L)],
            wsems[p],
        ).wait()

    prefill(0)
    start_gather(0, 0)
    prefill(1)
    start_gather(1, 1)
    wait_gather(0, 0)
    start_write(0, 0)

    def step(j, carry):
        for p in range(2):
            i = 2 * j + 2 + p
            other = 1 - p
            wait_write(p)
            prefill(p)
            start_gather(i, p)
            wait_gather(i - 1, other)
            start_write(i - 1, other)
        return carry

    lax.fori_loop(0, (_ROWS_PER_W - 4) // 2, step, 0)

    wait_write(0)
    prefill(0)
    start_gather(_ROWS_PER_W - 2, 0)
    wait_gather(_ROWS_PER_W - 3, 1)
    start_write(_ROWS_PER_W - 3, 1)
    wait_write(1)
    prefill(1)
    start_gather(_ROWS_PER_W - 1, 1)
    wait_gather(_ROWS_PER_W - 2, 0)
    start_write(_ROWS_PER_W - 2, 0)
    wait_gather(_ROWS_PER_W - 1, 1)
    start_write(_ROWS_PER_W - 1, 1)
    wait_write(0)
    wait_write(1)


@jax.jit
def kernel(x, text_table, pos_table):
    mesh = plsc.VectorSubcoreMesh(core_axis_name="c", subcore_axis_name="s")
    run = functools.partial(
        pl.kernel,
        out_type=jax.ShapeDtypeStruct((B * L, DIM), jnp.float32),
        mesh=mesh,
        scratch_types=[
            pltpu.VMEM((_ROWS_PER_W, L), jnp.int32),
            pltpu.VMEM((L, DIM), jnp.float32),
            pltpu.VMEM((L, DIM), jnp.float32),
            pltpu.VMEM((L, DIM), jnp.float32),
            pltpu.SemaphoreType.DMA,
            pltpu.SemaphoreType.DMA,
            pltpu.SemaphoreType.DMA,
            pltpu.SemaphoreType.DMA,
        ],
        compiler_params=pltpu.CompilerParams(use_tc_tiling_on_sc=False),
    )(_body)
    out = run(x.astype(jnp.int32), text_table, pos_table)
    return jnp.reshape(out, (B, L, DIM))

# --- scband reference (transcript-rebuilt; emitter-appended) ---
"""Pipeline reference for scband-embedding-system-37787122270632 (READ-ONLY COPY).

The authoritative reference and input builder live on the scoring server;
editing this copy changes nothing except your own understanding.
"""

import jax, jax.numpy as jnp
import numpy as np

NUM_TEXT = 100000
NUM_POS = 2048
DIM = 64
B = 4096
L = 200

def setup_inputs(seed: int = 0) -> dict:
    key = jax.random.key(seed)
    k1, k2, k3 = jax.random.split(key, 3)
    x = jax.random.randint(k1, (B, L), 0, NUM_TEXT, dtype=jnp.int64) if jax.config.jax_enable_x64 else jax.random.randint(k1, (B, L), 0, NUM_TEXT, dtype=jnp.int32)
    text_table = jax.random.normal(k2, (NUM_TEXT, DIM), dtype=jnp.float32)
    pos_table = jax.random.normal(k3, (NUM_POS, DIM), dtype=jnp.float32)
    return {"x": x, "text_table": text_table, "pos_table": pos_table}

def reference(x, text_table, pos_table):
    # token embedding lookup (gather)
    tok = jnp.take(text_table, x, axis=0)            # [B, L, DIM]
    # positional embedding lookup for arange(L)
    pos_idx = jnp.arange(x.shape[-1])
    pos = jnp.take(pos_table, pos_idx, axis=0)       # [L, DIM]
    return tok + pos[None, :, :]

if __name__ == "__main__":
    import jax
    _d = setup_inputs()
    print(jax.jit(kernel)(*tuple(_d.values())))

</pallas_src>

<mosaic_0001>
#map = affine_map<(d0, d1) -> (0, 0)>
module attributes {stable_mosaic.version = 14 : i64} {
  func.func @_body(%arg0: i32, %arg1: i32, %arg2: memref<4096x200xi32, #tpu.memory_space<hbm>>, %arg3: memref<100000x64xf32, #tpu.memory_space<hbm>>, %arg4: memref<2048x64xf32, #tpu.memory_space<hbm>>, %arg5: memref<819200x64xf32, #tpu.memory_space<hbm>>, %arg6: memref<128x200xi32, #tpu.memory_space<vmem>>, %arg7: memref<200x64xf32, #tpu.memory_space<vmem>>, %arg8: memref<200x64xf32, #tpu.memory_space<vmem>>, %arg9: memref<200x64xf32, #tpu.memory_space<vmem>>, %arg10: memref<!tpu.dma_semaphore, #tpu.memory_space<semaphore_mem>>, %arg11: memref<!tpu.dma_semaphore, #tpu.memory_space<semaphore_mem>>, %arg12: memref<!tpu.dma_semaphore, #tpu.memory_space<semaphore_mem>>, %arg13: memref<!tpu.dma_semaphore, #tpu.memory_space<semaphore_mem>>) attributes {dimension_semantics = [#tpu.dimension_semantics<core_parallel>, #tpu.dimension_semantics<subcore_parallel>], iteration_bounds = array<i64: 2, 16>, scalar_prefetch = 0 : i64, scratch_operands = 8 : i64, tpu.core_type = #tpu.core_type<sc_vector_subcore>, window_params = [{transform_indices = #map}, {transform_indices = #map}, {transform_indices = #map}, {transform_indices = #map}]} {
    %mul3A = arith.constant 2 : i32
    %mul3A_0 = arith.muli %arg1, %mul3A : i32
    %add3A = arith.addi %mul3A_0, %arg0 : i32
    %mul3A_1 = arith.constant 128 : i32
    %mul3A_2 = arith.muli %add3A, %mul3A_1 : i32
    "tpu.region"() ({
      %run_scoped3A = tpu.sem_alloc : memref<!tpu.dma_semaphore, #tpu.memory_space<semaphore_mem>>
      %dma_start3A_246 = arith.constant 0 : i32
      %dma_start3A_247 = arith.constant 0 : i32
      %dma_start3A_248 = tpu.memref_slice %arg4[%dma_start3A_246, %dma_start3A_247] : memref<2048x64xf32, #tpu.memory_space<hbm>> -> memref<200x64xf32, #tpu.memory_space<hbm>>
      %dma_start3A_249 = arith.constant 0 : i32
      %dma_start3A_250 = arith.constant 0 : i32
      %dma_start3A_251 = tpu.memref_slice %arg4[%dma_start3A_249, %dma_start3A_250] : memref<2048x64xf32, #tpu.memory_space<hbm>> -> memref<200x64xf32, #tpu.memory_space<hbm>>
      tpu.enqueue_dma source(%dma_start3A_251 : memref<200x64xf32, #tpu.memory_space<hbm>>) target(%arg9 : memref<200x64xf32, #tpu.memory_space<vmem>>) target_semaphore(%run_scoped3A : memref<!tpu.dma_semaphore, #tpu.memory_space<semaphore_mem>>)
      %dma_wait3A_252 = arith.constant 0 : i32
      %dma_wait3A_253 = arith.constant 0 : i32
      %dma_wait3A_254 = tpu.memref_slice %arg4[%dma_wait3A_252, %dma_wait3A_253] : memref<2048x64xf32, #tpu.memory_space<hbm>> -> memref<200x64xf32, #tpu.memory_space<hbm>>
      %dma_wait3A_255 = arith.constant 0 : i32
      %dma_wait3A_256 = arith.constant 0 : i32
      %dma_wait3A_257 = tpu.memref_slice %arg4[%dma_wait3A_255, %dma_wait3A_256] : memref<2048x64xf32, #tpu.memory_space<hbm>> -> memref<200x64xf32, #tpu.memory_space<hbm>>
      tpu.wait_dma2 semaphore(%run_scoped3A : memref<!tpu.dma_semaphore, #tpu.memory_space<semaphore_mem>>) src(%dma_wait3A_257 : memref<200x64xf32, #tpu.memory_space<hbm>>) dst(%arg9 : memref<200x64xf32, #tpu.memory_space<vmem>>)
      tpu.yield
    }) : () -> ()
    "tpu.region"() ({
      %run_scoped3A = tpu.sem_alloc : memref<!tpu.dma_semaphore, #tpu.memory_space<semaphore_mem>>
      %dma_start3A_246 = arith.constant 0 : i32
      %dma_start3A_247 = tpu.memref_slice %arg2[%mul3A_2, %dma_start3A_246] : memref<4096x200xi32, #tpu.memory_space<hbm>> -> memref<128x200xi32, #tpu.memory_space<hbm>>
      %dma_start3A_248 = arith.constant 0 : i32
      %dma_start3A_249 = tpu.memref_slice %arg2[%mul3A_2, %dma_start3A_248] : memref<4096x200xi32, #tpu.memory_space<hbm>> -> memref<128x200xi32, #tpu.memory_space<hbm>>
      tpu.enqueue_dma source(%dma_start3A_249 : memref<128x200xi32, #tpu.memory_space<hbm>>) target(%arg6 : memref<128x200xi32, #tpu.memory_space<vmem>>) target_semaphore(%run_scoped3A : memref<!tpu.dma_semaphore, #tpu.memory_space<semaphore_mem>>)
      %dma_wait3A_250 = arith.constant 0 : i32
      %dma_wait3A_251 = tpu.memref_slice %arg2[%mul3A_2, %dma_wait3A_250] : memref<4096x200xi32, #tpu.memory_space<hbm>> -> memref<128x200xi32, #tpu.memory_space<hbm>>
      %dma_wait3A_252 = arith.constant 0 : i32
      %dma_wait3A_253 = tpu.memref_slice %arg2[%mul3A_2, %dma_wait3A_252] : memref<4096x200xi32, #tpu.memory_space<hbm>> -> memref<128x200xi32, #tpu.memory_space<hbm>>
      tpu.wait_dma2 semaphore(%run_scoped3A : memref<!tpu.dma_semaphore, #tpu.memory_space<semaphore_mem>>) src(%dma_wait3A_253 : memref<128x200xi32, #tpu.memory_space<hbm>>) dst(%arg6 : memref<128x200xi32, #tpu.memory_space<vmem>>)
      tpu.yield
    }) : () -> ()
    %scan3A = arith.constant 0 : i32
    %scan3A_3 = arith.constant 0 : i32
    %scan3A_4 = arith.constant 25 : i32
    %scan3A_5 = arith.addi %scan3A_3, %scan3A_4 : i32
    %scan3A_6 = arith.constant 1 : i32
    scf.for %scan3A_246 = %scan3A_3 to %scan3A_5 step %scan3A_6  : i32 {
      %mul3A_247 = arith.constant 8 : i32
      %mul3A_248 = arith.muli %scan3A_246, %mul3A_247 : i32
      %add3A_249 = arith.constant 0 : i32
      %add3A_250 = arith.addi %mul3A_248, %add3A_249 : i32
      %get3A = arith.index_cast %add3A_250 : i32 to index
      %get3A_251 = arith.constant 0 : index
      %get3A_252 = tpu.vector_load %arg9[%get3A, %get3A_251] {strides = array<i32>} : memref<200x64xf32, #tpu.memory_space<vmem>>, vector<1x16xf32>,
      %get3A_253 = vector.shape_cast %get3A_252 : vector<1x16xf32> to vector<16xf32>
      %swap3A = arith.index_cast %add3A_250 : i32 to index
      %swap3A_254 = arith.constant 0 : index
      %swap3A_255 = tpu.vector_load %arg7[%swap3A, %swap3A_254] {strides = array<i32>} : memref<200x64xf32, #tpu.memory_space<vmem>>, vector<1x16xf32>,
      %swap3A_256 = vector.shape_cast %swap3A_255 : vector<1x16xf32> to vector<16xf32>
      %swap3A_257 = vector.shape_cast %get3A_253 : vector<16xf32> to vector<1x16xf32>
      tpu.vector_store %arg7[%swap3A, %swap3A_254], %swap3A_257 {strides = array<i32>} : memref<200x64xf32, #tpu.memory_space<vmem>>, vector<1x16xf32>,
      %get3A_258 = arith.index_cast %add3A_250 : i32 to index
      %get3A_259 = arith.constant 16 : index
      %get3A_260 = tpu.vector_load %arg9[%get3A_258, %get3A_259] {strides = array<i32>} : memref<200x64xf32, #tpu.memory_space<vmem>>, vector<1x16xf32>,
      %get3A_261 = vector.shape_cast %get3A_260 : vector<1x16xf32> to vector<16xf32>
      %swap3A_262 = arith.index_cast %add3A_250 : i32 to index
      %swap3A_263 = arith.constant 16 : index
      %swap3A_264 = tpu.vector_load %arg7[%swap3A_262, %swap3A_263] {strides = array<i32>} : memref<200x64xf32, #tpu.memory_space<vmem>>, vector<1x16xf32>,
      %swap3A_265 = vector.shape_cast %swap3A_264 : vector<1x16xf32> to vector<16xf32>
      %swap3A_266 = vector.shape_cast %get3A_261 : vector<16xf32> to vector<1x16xf32>
      tpu.vector_store %arg7[%swap3A_262, %swap3A_263], %swap3A_266 {strides = array<i32>} : memref<200x64xf32, #tpu.memory_space<vmem>>, vector<1x16xf32>,
      %get3A_267 = arith.index_cast %add3A_250 : i32 to index
      %get3A_268 = arith.constant 32 : index
      %get3A_269 = tpu.vector_load %arg9[%get3A_267, %get3A_268] {strides = array<i32>} : memref<200x64xf32, #tpu.memory_space<vmem>>, vector<1x16xf32>,
      %get3A_270 = vector.shape_cast %get3A_269 : vector<1x16xf32> to vector<16xf32>
      %swap3A_271 = arith.index_cast %add3A_250 : i32 to index
      %swap3A_272 = arith.constant 32 : index
      %swap3A_273 = tpu.vector_load %arg7[%swap3A_271, %swap3A_272] {strides = array<i32>} : memref<200x64xf32, #tpu.memory_space<vmem>>, vector<1x16xf32>,
      %swap3A_274 = vector.shape_cast %swap3A_273 : vector<1x16xf32> to vector<16xf32>
      %swap3A_275 = vector.shape_cast %get3A_270 : vector<16xf32> to vector<1x16xf32>
      tpu.vector_store %arg7[%swap3A_271, %swap3A_272], %swap3A_275 {strides = array<i32>} : memref<200x64xf32, #tpu.memory_space<vmem>>, vector<1x16xf32>,
      %get3A_276 = arith.index_cast %add3A_250 : i32 to index
      %get3A_277 = arith.constant 48 : index
      %get3A_278 = tpu.vector_load %arg9[%get3A_276, %get3A_277] {strides = array<i32>} : memref<200x64xf32, #tpu.memory_space<vmem>>, vector<1x16xf32>,
      %get3A_279 = vector.shape_cast %get3A_278 : vector<1x16xf32> to vector<16xf32>
      %swap3A_280 = arith.index_cast %add3A_250 : i32 to index
      %swap3A_281 = arith.constant 48 : index
      %swap3A_282 = tpu.vector_load %arg7[%swap3A_280, %swap3A_281] {strides = array<i32>} : memref<200x64xf32, #tpu.memory_space<vmem>>, vector<1x16xf32>,
      %swap3A_283 = vector.shape_cast %swap3A_282 : vector<1x16xf32> to vector<16xf32>
      %swap3A_284 = vector.shape_cast %get3A_279 : vector<16xf32> to vector<1x16xf32>
      tpu.vector_store %arg7[%swap3A_280, %swap3A_281], %swap3A_284 {strides = array<i32>} : memref<200x64xf32, #tpu.memory_space<vmem>>, vector<1x16xf32>,
      %mul3A_285 = arith.constant 8 : i32
      %mul3A_286 = arith.muli %scan3A_246, %mul3A_285 : i32
      %add3A_287 = arith.constant 1 : i32
      %add3A_288 = arith.addi %mul3A_286, %add3A_287 : i32
      %get3A_289 = arith.index_cast %add3A_288 : i32 to index
      %get3A_290 = arith.constant 0 : index
      %get3A_291 = tpu.vector_load %arg9[%get3A_289, %get3A_290] {strides = array<i32>} : memref<200x64xf32, #tpu.memory_space<vmem>>, vector<1x16xf32>,
      %get3A_292 = vector.shape_cast %get3A_291 : vector<1x16xf32> to vector<16xf32>
      %swap3A_293 = arith.index_cast %add3A_288 : i32 to index
      %swap3A_294 = arith.constant 0 : index
      %swap3A_295 = tpu.vector_load %arg7[%swap3A_293, %swap3A_294] {strides = array<i32>} : memref<200x64xf32, #tpu.memory_space<vmem>>, vector<1x16xf32>,
      %swap3A_296 = vector.shape_cast %swap3A_295 : vector<1x16xf32> to vector<16xf32>
      %swap3A_297 = vector.shape_cast %get3A_292 : vector<16xf32> to vector<1x16xf32>
      tpu.vector_store %arg7[%swap3A_293, %swap3A_294], %swap3A_297 {strides = array<i32>} : memref<200x64xf32, #tpu.memory_space<vmem>>, vector<1x16xf32>,
      %get3A_298 = arith.index_cast %add3A_288 : i32 to index
      %get3A_299 = arith.constant 16 : index
      %get3A_300 = tpu.vector_load %arg9[%get3A_298, %get3A_299] {strides = array<i32>} : memref<200x64xf32, #tpu.memory_space<vmem>>, vector<1x16xf32>,
      %get3A_301 = vector.shape_cast %get3A_300 : vector<1x16xf32> to vector<16xf32>
      %swap3A_302 = arith.index_cast %add3A_288 : i32 to index
      %swap3A_303 = arith.constant 16 : index
      %swap3A_304 = tpu.vector_load %arg7[%swap3A_302, %swap3A_303] {strides = array<i32>} : memref<200x64xf32, #tpu.memory_space<vmem>>, vector<1x16xf32>,
      %swap3A_305 = vector.shape_cast %swap3A_304 : vector<1x16xf32> to vector<16xf32>
      %swap3A_306 = vector.shape_cast %get3A_301 : vector<16xf32> to vector<1x16xf32>
      tpu.vector_store %arg7[%swap3A_302, %swap3A_303], %swap3A_306 {strides = array<i32>} : memref<200x64xf32, #tpu.memory_space<vmem>>, vector<1x16xf32>,
      %get3A_307 = arith.index_cast %add3A_288 : i32 to index
      %get3A_308 = arith.constant 32 : index
      %get3A_309 = tpu.vector_load %arg9[%get3A_307, %get3A_308] {strides = array<i32>} : memref<200x64xf32, #tpu.memory_space<vmem>>, vector<1x16xf32>,
      %get3A_310 = vector.shape_cast %get3A_309 : vector<1x16xf32> to vector<16xf32>
      %swap3A_311 = arith.index_cast %add3A_288 : i32 to index
      %swap3A_312 = arith.constant 32 : index
      %swap3A_313 = tpu.vector_load %arg7[%swap3A_311, %swap3A_312] {strides = array<i32>} : memref<200x64xf32, #tpu.memory_space<vmem>>, vector<1x16xf32>,
      %swap3A_314 = vector.shape_cast %swap3A_313 : vector<1x16xf32> to vector<16xf32>
      %swap3A_315 = vector.shape_cast %get3A_310 : vector<16xf32> to vector<1x16xf32>
      tpu.vector_store %arg7[%swap3A_311, %swap3A_312], %swap3A_315 {strides = array<i32>} : memref<200x64xf32, #tpu.memory_space<vmem>>, vector<1x16xf32>,
      %get3A_316 = arith.index_cast %add3A_288 : i32 to index
      %get3A_317 = arith.constant 48 : index
      %get3A_318 = tpu.vector_load %arg9[%get3A_316, %get3A_317] {strides = array<i32>} : memref<200x64xf32, #tpu.memory_space<vmem>>, vector<1x16xf32>,
      %get3A_319 = vector.shape_cast %get3A_318 : vector<1x16xf32> to vector<16xf32>
      %swap3A_320 = arith.index_cast %add3A_288 : i32 to index
      %swap3A_321 = arith.constant 48 : index
      %swap3A_322 = tpu.vector_load %arg7[%swap3A_320, %swap3A_321] {strides = array<i32>} : memref<200x64xf32, #tpu.memory_space<vmem>>, vector<1x16xf32>,
      %swap3A_323 = vector.shape_cast %swap3A_322 : vector<1x16xf32> to vector<16xf32>
      %swap3A_324 = vector.shape_cast %get3A_319 : vector<16xf32> to vector<1x16xf32>
      tpu.vector_store %arg7[%swap3A_320, %swap3A_321], %swap3A_324 {strides = array<i32>} : memref<200x64xf32, #tpu.memory_space<vmem>>, vector<1x16xf32>,
      %mul3A_325 = arith.constant 8 : i32
      %mul3A_326 = arith.muli %scan3A_246, %mul3A_325 : i32
      %add3A_327 = arith.constant 2 : i32
      %add3A_328 = arith.addi %mul3A_326, %add3A_327 : i32
      %get3A_329 = arith.index_cast %add3A_328 : i32 to index
      %get3A_330 = arith.constant 0 : index
      %get3A_331 = tpu.vector_load %arg9[%get3A_329, %get3A_330] {strides = array<i32>} : memref<200x64xf32, #tpu.memory_space<vmem>>, vector<1x16xf32>,
      %get3A_332 = vector.shape_cast %get3A_331 : vector<1x16xf32> to vector<16xf32>
      %swap3A_333 = arith.index_cast %add3A_328 : i32 to index
      %swap3A_334 = arith.constant 0 : index
      %swap3A_335 = tpu.vector_load %arg7[%swap3A_333, %swap3A_334] {strides = array<i32>} : memref<200x64xf32, #tpu.memory_space<vmem>>, vector<1x16xf32>,
      %swap3A_336 = vector.shape_cast %swap3A_335 : vector<1x16xf32> to vector<16xf32>
      %swap3A_337 = vector.shape_cast %get3A_332 : vector<16xf32> to vector<1x16xf32>
      tpu.vector_store %arg7[%swap3A_333, %swap3A_334], %swap3A_337 {strides = array<i32>} : memref<200x64xf32, #tpu.memory_space<vmem>>, vector<1x16xf32>,
      %get3A_338 = arith.index_cast %add3A_328 : i32 to index
      %get3A_339 = arith.constant 16 : index
      %get3A_340 = tpu.vector_load %arg9[%get3A_338, %get3A_339] {strides = array<i32>} : memref<200x64xf32, #tpu.memory_space<vmem>>, vector<1x16xf32>,
      %get3A_341 = vector.shape_cast %get3A_340 : vector<1x16xf32> to vector<16xf32>
      %swap3A_342 = arith.index_cast %add3A_328 : i32 to index
      %swap3A_343 = arith.constant 16 : index
      %swap3A_344 = tpu.vector_load %arg7[%swap3A_342, %swap3A_343] {strides = array<i32>} : memref<200x64xf32, #tpu.memory_space<vmem>>, vector<1x16xf32>,
      %swap3A_345 = vector.shape_cast %swap3A_344 : vector<1x16xf32> to vector<16xf32>
      %swap3A_346 = vector.shape_cast %get3A_341 : vector<16xf32> to vector<1x16xf32>
      tpu.vector_store %arg7[%swap3A_342, %swap3A_343], %swap3A_346 {strides = array<i32>} : memref<200x64xf32, #tpu.memory_space<vmem>>, vector<1x16xf32>,
      %get3A_347 = arith.index_cast %add3A_328 : i32 to index
      %get3A_348 = arith.constant 32 : index
      %get3A_349 = tpu.vector_load %arg9[%get3A_347, %get3A_348] {strides = array<i32>} : memref<200x64xf32, #tpu.memory_space<vmem>>, vector<1x16xf32>,
      %get3A_350 = vector.shape_cast %get3A_349 : vector<1x16xf32> to vector<16xf32>
      %swap3A_351 = arith.index_cast %add3A_328 : i32 to index
      %swap3A_352 = arith.constant 32 : index
      %swap3A_353 = tpu.vector_load %arg7[%swap3A_351, %swap3A_352] {strides = array<i32>} : memref<200x64xf32, #tpu.memory_space<vmem>>, vector<1x16xf32>,
      %swap3A_354 = vector.shape_cast %swap3A_353 : vector<1x16xf32> to vector<16xf32>
      %swap3A_355 = vector.shape_cast %get3A_350 : vector<16xf32> to vector<1x16xf32>
      tpu.vector_store %arg7[%swap3A_351, %swap3A_352], %swap3A_355 {strides = array<i32>} : memref<200x64xf32, #tpu.memory_space<vmem>>, vector<1x16xf32>,
      %get3A_356 = arith.index_cast %add3A_328 : i32 to index
      %get3A_357 = arith.constant 48 : index
      %get3A_358 = tpu.vector_load %arg9[%get3A_356, %get3A_357] {strides = array<i32>} : memref<200x64xf32, #tpu.memory_space<vmem>>, vector<1x16xf32>,
      %get3A_359 = vector.shape_cast %get3A_358 : vector<1x16xf32> to vector<16xf32>
      %swap3A_360 = arith.index_cast %add3A_328 : i32 to index
      %swap3A_361 = arith.constant 48 : index
      %swap3A_362 = tpu.vector_load %arg7[%swap3A_360, %swap3A_361] {strides = array<i32>} : memref<200x64xf32, #tpu.memory_space<vmem>>, vector<1x16xf32>,
      %swap3A_363 = vector.shape_cast %swap3A_362 : vector<1x16xf32> to vector<16xf32>
      %swap3A_364 = vector.shape_cast %get3A_359 : vector<16xf32> to vector<1x16xf32>
      tpu.vector_store %arg7[%swap3A_360, %swap3A_361], %swap3A_364 {strides = array<i32>} : memref<200x64xf32, #tpu.memory_space<vmem>>, vector<1x16xf32>,
      %mul3A_365 = arith.constant 8 : i32
      %mul3A_366 = arith.muli %scan3A_246, %mul3A_365 : i32
      %add3A_367 = arith.constant 3 : i32
      %add3A_368 = arith.addi %mul3A_366, %add3A_367 : i32
      %get3A_369 = arith.index_cast %add3A_368 : i32 to index
      %get3A_370 = arith.constant 0 : index
      %get3A_371 = tpu.vector_load %arg9[%get3A_369, %get3A_370] {strides = array<i32>} : memref<200x64xf32, #tpu.memory_space<vmem>>, vector<1x16xf32>,
      %get3A_372 = vector.shape_cast %get3A_371 : vector<1x16xf32> to vector<16xf32>
      %swap3A_373 = arith.index_cast %add3A_368 : i32 to index
      %swap3A_374 = arith.constant 0 : index
      %swap3A_375 = tpu.vector_load %arg7[%swap3A_373, %swap3A_374] {strides = array<i32>} : memref<200x64xf32, #tpu.memory_space<vmem>>, vector<1x16xf32>,
      %swap3A_376 = vector.shape_cast %swap3A_375 : vector<1x16xf32> to vector<16xf32>
      %swap3A_377 = vector.shape_cast %get3A_372 : vector<16xf32> to vector<1x16xf32>
      tpu.vector_store %arg7[%swap3A_373, %swap3A_374], %swap3A_377 {strides = array<i32>} : memref<200x64xf32, #tpu.memory_space<vmem>>, vector<1x16xf32>,
      %get3A_378 = arith.index_cast %add3A_368 : i32 to index
      %get3A_379 = arith.constant 16 : index
      %get3A_380 = tpu.vector_load %arg9[%get3A_378, %get3A_379] {strides = array<i32>} : memref<200x64xf32, #tpu.memory_space<vmem>>, vector<1x16xf32>,
      %get3A_381 = vector.shape_cast %get3A_380 : vector<1x16xf32> to vector<16xf32>
      %swap3A_382 = arith.index_cast %add3A_368 : i32 to index
      %swap3A_383 = arith.constant 16 : index
      %swap3A_384 = tpu.vector_load %arg7[%swap3A_382, %swap3A_383] {strides = array<i32>} : memref<200x64xf32, #tpu.memory_space<vmem>>, vector<1x16xf32>,
      %swap3A_385 = vector.shape_cast %swap3A_384 : vector<1x16xf32> to vector<16xf32>
      %swap3A_386 = vector.shape_cast %get3A_381 : vector<16xf32> to vector<1x16xf32>
      tpu.vector_store %arg7[%swap3A_382, %swap3A_383], %swap3A_386 {strides = array<i32>} : memref<200x64xf32, #tpu.memory_space<vmem>>, vector<1x16xf32>,
      %get3A_387 = arith.index_cast %add3A_368 : i32 to index
      %get3A_388 = arith.constant 32 : index
      %get3A_389 = tpu.vector_load %arg9[%get3A_387, %get3A_388] {strides = array<i32>} : memref<200x64xf32, #tpu.memory_space<vmem>>, vector<1x16xf32>,
      %get3A_390 = vector.shape_cast %get3A_389 : vector<1x16xf32> to vector<16xf32>
      %swap3A_391 = arith.index_cast %add3A_368 : i32 to index
      %swap3A_392 = arith.constant 32 : index
      %swap3A_393 = tpu.vector_load %arg7[%swap3A_391, %swap3A_392] {strides = array<i32>} : memref<200x64xf32, #tpu.memory_space<vmem>>, vector<1x16xf32>,
      %swap3A_394 = vector.shape_cast %swap3A_393 : vector<1x16xf32> to vector<16xf32>
      %swap3A_395 = vector.shape_cast %get3A_390 : vector<16xf32> to vector<1x16xf32>
      tpu.vector_store %arg7[%swap3A_391, %swap3A_392], %swap3A_395 {strides = array<i32>} : memref<200x64xf32, #tpu.memory_space<vmem>>, vector<1x16xf32>,
      %get3A_396 = arith.index_cast %add3A_368 : i32 to index
      %get3A_397 = arith.constant 48 : index
      %get3A_398 = tpu.vector_load %arg9[%get3A_396, %get3A_397] {strides = array<i32>} : memref<200x64xf32, #tpu.memory_space<vmem>>, vector<1x16xf32>,
      %get3A_399 = vector.shape_cast %get3A_398 : vector<1x16xf32> to vector<16xf32>
      %swap3A_400 = arith.index_cast %add3A_368 : i32 to index
      %swap3A_401 = arith.constant 48 : index
      %swap3A_402 = tpu.vector_load %arg7[%swap3A_400, %swap3A_401] {strides = array<i32>} : memref<200x64xf32, #tpu.memory_space<vmem>>, vector<1x16xf32>,
      %swap3A_403 = vector.shape_cast %swap3A_402 : vector<1x16xf32> to vector<16xf32>
      %swap3A_404 = vector.shape_cast %get3A_399 : vector<16xf32> to vector<1x16xf32>
      tpu.vector_store %arg7[%swap3A_400, %swap3A_401], %swap3A_404 {strides = array<i32>} : memref<200x64xf32, #tpu.memory_space<vmem>>, vector<1x16xf32>,
      %mul3A_405 = arith.constant 8 : i32
      %mul3A_406 = arith.muli %scan3A_246, %mul3A_405 : i32
      %add3A_407 = arith.constant 4 : i32
      %add3A_408 = arith.addi %mul3A_406, %add3A_407 : i32
      %get3A_409 = arith.index_cast %add3A_408 : i32 to index
      %get3A_410 = arith.constant 0 : index
      %get3A_411 = tpu.vector_load %arg9[%get3A_409, %get3A_410] {strides = array<i32>} : memref<200x64xf32, #tpu.memory_space<vmem>>, vector<1x16xf32>,
      %get3A_412 = vector.shape_cast %get3A_411 : vector<1x16xf32> to vector<16xf32>
      %swap3A_413 = arith.index_cast %add3A_408 : i32 to index
      %swap3A_414 = arith.constant 0 : index
      %swap3A_415 = tpu.vector_load %arg7[%swap3A_413, %swap3A_414] {strides = array<i32>} : memref<200x64xf32, #tpu.memory_space<vmem>>, vector<1x16xf32>,
      %swap3A_416 = vector.shape_cast %swap3A_415 : vector<1x16xf32> to vector<16xf32>
      %swap3A_417 = vector.shape_cast %get3A_412 : vector<16xf32> to vector<1x16xf32>
      tpu.vector_store %arg7[%swap3A_413, %swap3A_414], %swap3A_417 {strides = array<i32>} : memref<200x64xf32, #tpu.memory_space<vmem>>, vector<1x16xf32>,
      %get3A_418 = arith.index_cast %add3A_408 : i32 to index
      %get3A_419 = arith.constant 16 : index
      %get3A_420 = tpu.vector_load %arg9[%get3A_418, %get3A_419] {strides = array<i32>} : memref<200x64xf32, #tpu.memory_space<vmem>>, vector<1x16xf32>,
      %get3A_421 = vector.shape_cast %get3A_420 : vector<1x16xf32> to vector<16xf32>
      %swap3A_422 = arith.index_cast %add3A_408 : i32 to index
      %swap3A_423 = arith.constant 16 : index
      %swap3A_424 = tpu.vector_load %arg7[%swap3A_422, %swap3A_423] {strides = array<i32>} : memref<200x64xf32, #tpu.memory_space<vmem>>, vector<1x16xf32>,
      %swap3A_425 = vector.shape_cast %swap3A_424 : vector<1x16xf32> to vector<16xf32>
      %swap3A_426 = vector.shape_cast %get3A_421 : vector<16xf32> to vector<1x16xf32>
      tpu.vector_store %arg7[%swap3A_422, %swap3A_423], %swap3A_426 {strides = array<i32>} : memref<200x64xf32, #tpu.memory_space<vmem>>, vector<1x16xf32>,
      %get3A_427 = arith.index_cast %add3A_408 : i32 to index
      %get3A_428 = arith.constant 32 : index
      %get3A_429 = tpu.vector_load %arg9[%get3A_427, %get3A_428] {strides = array<i32>} : memref<200x64xf32, #tpu.memory_space<vmem>>, vector<1x16xf32>,
      %get3A_430 = vector.shape_cast %get3A_429 : vector<1x16xf32> to vector<16xf32>
      %swap3A_431 = arith.index_cast %add3A_408 : i32 to index
      %swap3A_432 = arith.constant 32 : index
      %swap3A_433 = tpu.vector_load %arg7[%swap3A_431, %swap3A_432] {strides = array<i32>} : memref<200x64xf32, #tpu.memory_space<vmem>>, vector<1x16xf32>,
      %swap3A_434 = vector.shape_cast %swap3A_433 : vector<1x16xf32> to vector<16xf32>
      %swap3A_435 = vector.shape_cast %get3A_430 : vector<16xf32> to vector<1x16xf32>
      tpu.vector_store %arg7[%swap3A_431, %swap3A_432], %swap3A_435 {strides = array<i32>} : memref<200x64xf32, #tpu.memory_space<vmem>>, vector<1x16xf32>,
      %get3A_436 = arith.index_cast %add3A_408 : i32 to index
      %get3A_437 = arith.constant 48 : index
      %get3A_438 = tpu.vector_load %arg9[%get3A_436, %get3A_437] {strides = array<i32>} : memref<200x64xf32, #tpu.memory_space<vmem>>, vector<1x16xf32>,
      %get3A_439 = vector.shape_cast %get3A_438 : vector<1x16xf32> to vector<16xf32>
      %swap3A_440 = arith.index_cast %add3A_408 : i32 to index
      %swap3A_441 = arith.constant 48 : index
      %swap3A_442 = tpu.vector_load %arg7[%swap3A_440, %swap3A_441] {strides = array<i32>} : memref<200x64xf32, #tpu.memory_space<vmem>>, vector<1x16xf32>,
      %swap3A_443 = vector.shape_cast %swap3A_442 : vector<1x16xf32> to vector<16xf32>
      %swap3A_444 = vector.shape_cast %get3A_439 : vector<16xf32> to vector<1x16xf32>
      tpu.vector_store %arg7[%swap3A_440, %swap3A_441], %swap3A_444 {strides = array<i32>} : memref<200x64xf32, #tpu.memory_space<vmem>>, vector<1x16xf32>,
      %mul3A_445 = arith.constant 8 : i32
      %mul3A_446 = arith.muli %scan3A_246, %mul3A_445 : i32
      %add3A_447 = arith.constant 5 : i32
      %add3A_448 = arith.addi %mul3A_446, %add3A_447 : i32
      %get3A_449 = arith.index_cast %add3A_448 : i32 to index
      %get3A_450 = arith.constant 0 : index
      %get3A_451 = tpu.vector_load %arg9[%get3A_449, %get3A_450] {strides = array<i32>} : memref<200x64xf32, #tpu.memory_space<vmem>>, vector<1x16xf32>,
      %get3A_452 = vector.shape_cast %get3A_451 : vector<1x16xf32> to vector<16xf32>
      %swap3A_453 = arith.index_cast %add3A_448 : i32 to index
      %swap3A_454 = arith.constant 0 : index
      %swap3A_455 = tpu.vector_load %arg7[%swap3A_453, %swap3A_454] {strides = array<i32>} : memref<200x64xf32, #tpu.memory_space<vmem>>, vector<1x16xf32>,
      %swap3A_456 = vector.shape_cast %swap3A_455 : vector<1x16xf32> to vector<16xf32>
      %swap3A_457 = vector.shape_cast %get3A_452 : vector<16xf32> to vector<1x16xf32>
      tpu.vector_store %arg7[%swap3A_453, %swap3A_454], %swap3A_457 {strides = array<i32>} : memref<200x64xf32, #tpu.memory_space<vmem>>, vector<1x16xf32>,
      %get3A_458 = arith.index_cast %add3A_448 : i32 to index
      %get3A_459 = arith.constant 16 : index
      %get3A_460 = tpu.vector_load %arg9[%get3A_458, %get3A_459] {strides = array<i32>} : memref<200x64xf32, #tpu.memory_space<vmem>>, vector<1x16xf32>,
      %get3A_461 = vector.shape_cast %get3A_460 : vector<1x16xf32> to vector<16xf32>
      %swap3A_462 = arith.index_cast %add3A_448 : i32 to index
      %swap3A_463 = arith.constant 16 : index
      %swap3A_464 = tpu.vector_load %arg7[%swap3A_462, %swap3A_463] {strides = array<i32>} : memref<200x64xf32, #tpu.memory_space<vmem>>, vector<1x16xf32>,
      %swap3A_465 = vector.shape_cast %swap3A_464 : vector<1x16xf32> to vector<16xf32>
      %swap3A_466 = vector.shape_cast %get3A_461 : vector<16xf32> to vector<1x16xf32>
      tpu.vector_store %arg7[%swap3A_462, %swap3A_463], %swap3A_466 {strides = array<i32>} : memref<200x64xf32, #tpu.memory_space<vmem>>, vector<1x16xf32>,
      %get3A_467 = arith.index_cast %add3A_448 : i32 to index
      %get3A_468 = arith.constant 32 : index
      %get3A_469 = tpu.vector_load %arg9[%get3A_467, %get3A_468] {strides = array<i32>} : memref<200x64xf32, #tpu.memory_space<vmem>>, vector<1x16xf32>,
      %get3A_470 = vector.shape_cast %get3A_469 : vector<1x16xf32> to vector<16xf32>
      %swap3A_471 = arith.index_cast %add3A_448 : i32 to index
      %swap3A_472 = arith.constant 32 : index
      %swap3A_473 = tpu.vector_load %arg7[%swap3A_471, %swap3A_472] {strides = array<i32>} : memref<200x64xf32, #tpu.memory_space<vmem>>, vector<1x16xf32>,
      %swap3A_474 = vector.shape_cast %swap3A_473 : vector<1x16xf32> to vector<16xf32>
      %swap3A_475 = vector.shape_cast %get3A_470 : vector<16xf32> to vector<1x16xf32>
      tpu.vector_store %arg7[%swap3A_471, %swap3A_472], %swap3A_475 {strides = array<i32>} : memref<200x64xf32, #tpu.memory_space<vmem>>, vector<1x16xf32>,
      %get3A_476 = arith.index_cast %add3A_448 : i32 to index
      %get3A_477 = arith.constant 48 : index
      %get3A_478 = tpu.vector_load %arg9[%get3A_476, %get3A_477] {strides = array<i32>} : memref<200x64xf32, #tpu.memory_space<vmem>>, vector<1x16xf32>,
      %get3A_479 = vector.shape_cast %get3A_478 : vector<1x16xf32> to vector<16xf32>
      %swap3A_480 = arith.index_cast %add3A_448 : i32 to index
      %swap3A_481 = arith.constant 48 : index
      %swap3A_482 = tpu.vector_load %arg7[%swap3A_480, %swap3A_481] {strides = array<i32>} : memref<200x64xf32, #tpu.memory_space<vmem>>, vector<1x16xf32>,
      %swap3A_483 = vector.shape_cast %swap3A_482 : vector<1x16xf32> to vector<16xf32>
      %swap3A_484 = vector.shape_cast %get3A_479 : vector<16xf32> to vector<1x16xf32>
      tpu.vector_store %arg7[%swap3A_480, %swap3A_481], %swap3A_484 {strides = array<i32>} : memref<200x64xf32, #tpu.memory_space<vmem>>, vector<1x16xf32>,
      %mul3A_485 = arith.constant 8 : i32
      %mul3A_486 = arith.muli %scan3A_246, %mul3A_485 : i32
      %add3A_487 = arith.constant 6 : i32
      %add3A_488 = arith.addi %mul3A_486, %add3A_487 : i32
      %get3A_489 = arith.index_cast %add3A_488 : i32 to index
      %get3A_490 = arith.constant 0 : index
      %get3A_491 = tpu.vector_load %arg9[%get3A_489, %get3A_490] {strides = array<i32>} : memref<200x64xf32, #tpu.memory_space<vmem>>, vector<1x16xf32>,
      %get3A_492 = vector.shape_cast %get3A_491 : vector<1x16xf32> to vector<16xf32>
      %swap3A_493 = arith.index_cast %add3A_488 : i32 to index
      %swap3A_494 = arith.constant 0 : index
      %swap3A_495 = tpu.vector_load %arg7[%swap3A_493, %swap3A_494] {strides = array<i32>} : memref<200x64xf32, #tpu.memory_space<vmem>>, vector<1x16xf32>,
      %swap3A_496 = vector.shape_cast %swap3A_495 : vector<1x16xf32> to vector<16xf32>
      %swap3A_497 = vector.shape_cast %get3A_492 : vector<16xf32> to vector<1x16xf32>
      tpu.vector_store %arg7[%swap3A_493, %swap3A_494], %swap3A_497 {strides = array<i32>} : memref<200x64xf32, #tpu.memory_space<vmem>>, vector<1x16xf32>,
      %get3A_498 = arith.index_cast %add3A_488 : i32 to index
      %get3A_499 = arith.constant 16 : index
      %get3A_500 = tpu.vector_load %arg9[%get3A_498, %get3A_499] {strides = array<i32>} : memref<200x64xf32, #tpu.memory_space<vmem>>, vector<1x16xf32>,
      %get3A_501 = vector.shape_cast %get3A_500 : vector<1x16xf32> to vector<16xf32>
      %swap3A_502 = arith.index_cast %add3A_488 : i32 to index
      %swap3A_503 = arith.constant 16 : index
      %swap3A_504 = tpu.vector_load %arg7[%swap3A_502, %swap3A_503] {strides = array<i32>} : memref<200x64xf32, #tpu.memory_space<vmem>>, vector<1x16xf32>,
      %swap3A_505 = vector.shape_cast %swap3A_504 : vector<1x16xf32> to vector<16xf32>
      %swap3A_506 = vector.shape_cast %get3A_501 : vector<16xf32> to vector<1x16xf32>
      tpu.vector_store %arg7[%swap3A_502, %swap3A_503], %swap3A_506 {strides = array<i32>} : memref<200x64xf32, #tpu.memory_space<vmem>>, vector<1x16xf32>,
      %get3A_507 = arith.index_cast %add3A_488 : i32 to index
      %get3A_508 = arith.constant 32 : index
      %get3A_509 = tpu.vector_load %arg9[%get3A_507, %get3A_508] {strides = array<i32>} : memref<200x64xf32, #tpu.memory_space<vmem>>, vector<1x16xf32>,
      %get3A_510 = vector.shape_cast %get3A_509 : vector<1x16xf32> to vector<16xf32>
      %swap3A_511 = arith.index_cast %add3A_488 : i32 to index
      %swap3A_512 = arith.constant 32 : index
      %swap3A_513 = tpu.vector_load %arg7[%swap3A_511, %swap3A_512] {strides = array<i32>} : memref<200x64xf32, #tpu.memory_space<vmem>>, vector<1x16xf32>,
      %swap3A_514 = vector.shape_cast %swap3A_513 : vector<1x16xf32> to vector<16xf32>
      %swap3A_515 = vector.shape_cast %get3A_510 : vector<16xf32> to vector<1x16xf32>
      tpu.vector_store %arg7[%swap3A_511, %swap3A_512], %swap3A_515 {strides = array<i32>} : memref<200x64xf32, #tpu.memory_space<vmem>>, vector<1x16xf32>,
      %get3A_516 = arith.index_cast %add3A_488 : i32 to index
      %get3A_517 = arith.constant 48 : index
      %get3A_518 = tpu.vector_load %arg9[%get3A_516, %get3A_517] {strides = array<i32>} : memref<200x64xf32, #tpu.memory_space<vmem>>, vector<1x16xf32>,
      %get3A_519 = vector.shape_cast %get3A_518 : vector<1x16xf32> to vector<16xf32>
      %swap3A_520 = arith.index_cast %add3A_488 : i32 to index
      %swap3A_521 = arith.constant 48 : index
      %swap3A_522 = tpu.vector_load %arg7[%swap3A_520, %swap3A_521] {strides = array<i32>} : memref<200x64xf32, #tpu.memory_space<vmem>>, vector<1x16xf32>,
      %swap3A_523 = vector.shape_cast %swap3A_522 : vector<1x16xf32> to vector<16xf32>
      %swap3A_524 = vector.shape_cast %get3A_519 : vector<16xf32> to vector<1x16xf32>
      tpu.vector_store %arg7[%swap3A_520, %swap3A_521], %swap3A_524 {strides = array<i32>} : memref<200x64xf32, #tpu.memory_space<vmem>>, vector<1x16xf32>,
      %mul3A_525 = arith.constant 8 : i32
      %mul3A_526 = arith.muli %scan3A_246, %mul3A_525 : i32
      %add3A_527 = arith.constant 7 : i32
      %add3A_528 = arith.addi %mul3A_526, %add3A_527 : i32
      %get3A_529 = arith.index_cast %add3A_528 : i32 to index
      %get3A_530 = arith.constant 0 : index
      %get3A_531 = tpu.vector_load %arg9[%get3A_529, %get3A_530] {strides = array<i32>} : memref<200x64xf32, #tpu.memory_space<vmem>>, vector<1x16xf32>,
      %get3A_532 = vector.shape_cast %get3A_531 : vector<1x16xf32> to vector<16xf32>
      %swap3A_533 = arith.index_cast %add3A_528 : i32 to index
      %swap3A_534 = arith.constant 0 : index
      %swap3A_535 = tpu.vector_load %arg7[%swap3A_533, %swap3A_534] {strides = array<i32>} : memref<200x64xf32, #tpu.memory_space<vmem>>, vector<1x16xf32>,
      %swap3A_536 = vector.shape_cast %swap3A_535 : vector<1x16xf32> to vector<16xf32>
      %swap3A_537 = vector.shape_cast %get3A_532 : vector<16xf32> to vector<1x16xf32>
      tpu.vector_store %arg7[%swap3A_533, %swap3A_534], %swap3A_537 {strides = array<i32>} : memref<200x64xf32, #tpu.memory_space<vmem>>, vector<1x16xf32>,
      %get3A_538 = arith.index_cast %add3A_528 : i32 to index
      %get3A_539 = arith.constant 16 : index
      %get3A_540 = tpu.vector_load %arg9[%get3A_538, %get3A_539] {strides = array<i32>} : memref<200x64xf32, #tpu.memory_space<vmem>>, vector<1x16xf32>,
      %get3A_541 = vector.shape_cast %get3A_540 : vector<1x16xf32> to vector<16xf32>
      %swap3A_542 = arith.index_cast %add3A_528 : i32 to index
      %swap3A_543 = arith.constant 16 : index
      %swap3A_544 = tpu.vector_load %arg7[%swap3A_542, %swap3A_543] {strides = array<i32>} : memref<200x64xf32, #tpu.memory_space<vmem>>, vector<1x16xf32>,
      %swap3A_545 = vector.shape_cast %swap3A_544 : vector<1x16xf32> to vector<16xf32>
      %swap3A_546 = vector.shape_cast %get3A_541 : vector<16xf32> to vector<1x16xf32>
      tpu.vector_store %arg7[%swap3A_542, %swap3A_543], %swap3A_546 {strides = array<i32>} : memref<200x64xf32, #tpu.memory_space<vmem>>, vector<1x16xf32>,
      %get3A_547 = arith.index_cast %add3A_528 : i32 to index
      %get3A_548 = arith.constant 32 : index
      %get3A_549 = tpu.vector_load %arg9[%get3A_547, %get3A_548] {strides = array<i32>} : memref<200x64xf32, #tpu.memory_space<vmem>>, vector<1x16xf32>,
      %get3A_550 = vector.shape_cast %get3A_549 : vector<1x16xf32> to vector<16xf32>
      %swap3A_551 = arith.index_cast %add3A_528 : i32 to index
      %swap3A_552 = arith.constant 32 : index
      %swap3A_553 = tpu.vector_load %arg7[%swap3A_551, %swap3A_552] {strides = array<i32>} : memref<200x64xf32, #tpu.memory_space<vmem>>, vector<1x16xf32>,
      %swap3A_554 = vector.shape_cast %swap3A_553 : vector<1x16xf32> to vector<16xf32>
      %swap3A_555 = vector.shape_cast %get3A_550 : vector<16xf32> to vector<1x16xf32>
      tpu.vector_store %arg7[%swap3A_551, %swap3A_552], %swap3A_555 {strides = array<i32>} : memref<200x64xf32, #tpu.memory_space<vmem>>, vector<1x16xf32>,
      %get3A_556 = arith.index_cast %add3A_528 : i32 to index
      %get3A_557 = arith.constant 48 : index
      %get3A_558 = tpu.vector_load %arg9[%get3A_556, %get3A_557] {strides = array<i32>} : memref<200x64xf32, #tpu.memory_space<vmem>>, vector<1x16xf32>,
      %get3A_559 = vector.shape_cast %get3A_558 : vector<1x16xf32> to vector<16xf32>
      %swap3A_560 = arith.index_cast %add3A_528 : i32 to index
      %swap3A_561 = arith.constant 48 : index
      %swap3A_562 = tpu.vector_load %arg7[%swap3A_560, %swap3A_561] {strides = array<i32>} : memref<200x64xf32, #tpu.memory_space<vmem>>, vector<1x16xf32>,
      %swap3A_563 = vector.shape_cast %swap3A_562 : vector<1x16xf32> to vector<16xf32>
      %swap3A_564 = vector.shape_cast %get3A_559 : vector<16xf32> to vector<1x16xf32>
      tpu.vector_store %arg7[%swap3A_560, %swap3A_561], %swap3A_564 {strides = array<i32>} : memref<200x64xf32, #tpu.memory_space<vmem>>, vector<1x16xf32>,
    }
    %scan3A_7 = arith.constant 25 : i32
    %dma_start3A = arith.constant 0 : i32
    %dma_start3A_8 = arith.constant 0 : i32
    %dma_start3A_9 = arith.constant 0 : i32
    %dma_start3A_10 = tpu.memref_slice %arg7[%dma_start3A_8, %dma_start3A_9] : memref<200x64xf32, #tpu.memory_space<vmem>> -> memref<128x64xf32, #tpu.memory_space<vmem>>
    %dma_start3A_11 = arith.constant 0 : i32
    %dma_start3A_12 = tpu.memref_slice %arg6[%dma_start3A, %dma_start3A_11] : memref<128x200xi32, #tpu.memory_space<vmem>> -> memref<1x128xi32, #tpu.memory_space<vmem>>
    %dma_start3A_13 = tpu.memref_squeeze %dma_start3A_12 : memref<1x128xi32, #tpu.memory_space<vmem>> -> memref<128xi32, #tpu.memory_space<vmem>>
    %dma_start3A_14 = arith.constant 0 : i32
    %dma_start3A_15 = arith.constant 0 : i32
    %dma_start3A_16 = tpu.memref_slice %arg3[%dma_start3A_14, %dma_start3A_15] : memref<100000x64xf32, #tpu.memory_space<hbm>> -> memref<100000x64xf32, #tpu.memory_space<hbm>>
    tpu.enqueue_indirect_dma source(%dma_start3A_16 : memref<100000x64xf32, #tpu.memory_space<hbm>>) target(%dma_start3A_10 : memref<128x64xf32, #tpu.memory_space<vmem>>) offsets(%dma_start3A_13 : memref<128xi32, #tpu.memory_space<vmem>>) semaphore(%arg10 : memref<!tpu.dma_semaphore, #tpu.memory_space<semaphore_mem>>) {add = true}
    %dma_start3A_17 = arith.constant 0 : i32
    %dma_start3A_18 = arith.constant 128 : i32
    %dma_start3A_19 = arith.constant 0 : i32
    %dma_start3A_20 = tpu.memref_slice %arg7[%dma_start3A_18, %dma_start3A_19] : memref<200x64xf32, #tpu.memory_space<vmem>> -> memref<72x64xf32, #tpu.memory_space<vmem>>
    %dma_start3A_21 = arith.constant 128 : i32
    %dma_start3A_22 = tpu.memref_slice %arg6[%dma_start3A_17, %dma_start3A_21] : memref<128x200xi32, #tpu.memory_space<vmem>> -> memref<1x72xi32, #tpu.memory_space<vmem>>
    %dma_start3A_23 = tpu.memref_squeeze %dma_start3A_22 : memref<1x72xi32, #tpu.memory_space<vmem>> -> memref<72xi32, #tpu.memory_space<vmem>>
    %dma_start3A_24 = arith.constant 0 : i32
    %dma_start3A_25 = arith.constant 0 : i32
    %dma_start3A_26 = tpu.memref_slice %arg3[%dma_start3A_24, %dma_start3A_25] : memref<100000x64xf32, #tpu.memory_space<hbm>> -> memref<100000x64xf32, #tpu.memory_space<hbm>>
    tpu.enqueue_indirect_dma source(%dma_start3A_26 : memref<100000x64xf32, #tpu.memory_space<hbm>>) target(%dma_start3A_20 : memref<72x64xf32, #tpu.memory_space<vmem>>) offsets(%dma_start3A_23 : memref<72xi32, #tpu.memory_space<vmem>>) semaphore(%arg10 : memref<!tpu.dma_semaphore, #tpu.memory_space<semaphore_mem>>) {add = true}
    %scan3A_27 = arith.constant 0 : i32
    %scan3A_28 = arith.constant 0 : i32
    %scan3A_29 = arith.constant 25 : i32
    %scan3A_30 = arith.addi %scan3A_28, %scan3A_29 : i32
    %scan3A_31 = arith.constant 1 : i32
    scf.for %scan3A_246 = %scan3A_28 to %scan3A_30 step %scan3A_31  : i32 {
      %mul3A_247 = arith.constant 8 : i32
      %mul3A_248 = arith.muli %scan3A_246, %mul3A_247 : i32
      %add3A_249 = arith.constant 0 : i32
      %add3A_250 = arith.addi %mul3A_248, %add3A_249 : i32
      %get3A = arith.index_cast %add3A_250 : i32 to index
      %get3A_251 = arith.constant 0 : index
      %get3A_252 = tpu.vector_load %arg9[%get3A, %get3A_251] {strides = array<i32>} : memref<200x64xf32, #tpu.memory_space<vmem>>, vector<1x16xf32>,
      %get3A_253 = vector.shape_cast %get3A_252 : vector<1x16xf32> to vector<16xf32>
      %swap3A = arith.index_cast %add3A_250 : i32 to index
      %swap3A_254 = arith.constant 0 : index
      %swap3A_255 = tpu.vector_load %arg8[%swap3A, %swap3A_254] {strides = array<i32>} : memref<200x64xf32, #tpu.memory_space<vmem>>, vector<1x16xf32>,
      %swap3A_256 = vector.shape_cast %swap3A_255 : vector<1x16xf32> to vector<16xf32>
      %swap3A_257 = vector.shape_cast %get3A_253 : vector<16xf32> to vector<1x16xf32>
      tpu.vector_store %arg8[%swap3A, %swap3A_254], %swap3A_257 {strides = array<i32>} : memref<200x64xf32, #tpu.memory_space<vmem>>, vector<1x16xf32>,
      %get3A_258 = arith.index_cast %add3A_250 : i32 to index
      %get3A_259 = arith.constant 16 : index
      %get3A_260 = tpu.vector_load %arg9[%get3A_258, %get3A_259] {strides = array<i32>} : memref<200x64xf32, #tpu.memory_space<vmem>>, vector<1x16xf32>,
      %get3A_261 = vector.shape_cast %get3A_260 : vector<1x16xf32> to vector<16xf32>
      %swap3A_262 = arith.index_cast %add3A_250 : i32 to index
      %swap3A_263 = arith.constant 16 : index
      %swap3A_264 = tpu.vector_load %arg8[%swap3A_262, %swap3A_263] {strides = array<i32>} : memref<200x64xf32, #tpu.memory_space<vmem>>, vector<1x16xf32>,
      %swap3A_265 = vector.shape_cast %swap3A_264 : vector<1x16xf32> to vector<16xf32>
      %swap3A_266 = vector.shape_cast %get3A_261 : vector<16xf32> to vector<1x16xf32>
      tpu.vector_store %arg8[%swap3A_262, %swap3A_263], %swap3A_266 {strides = array<i32>} : memref<200x64xf32, #tpu.memory_space<vmem>>, vector<1x16xf32>,
      %get3A_267 = arith.index_cast %add3A_250 : i32 to index
      %get3A_268 = arith.constant 32 : index
      %get3A_269 = tpu.vector_load %arg9[%get3A_267, %get3A_268] {strides = array<i32>} : memref<200x64xf32, #tpu.memory_space<vmem>>, vector<1x16xf32>,
      %get3A_270 = vector.shape_cast %get3A_269 : vector<1x16xf32> to vector<16xf32>
      %swap3A_271 = arith.index_cast %add3A_250 : i32 to index
      %swap3A_272 = arith.constant 32 : index
      %swap3A_273 = tpu.vector_load %arg8[%swap3A_271, %swap3A_272] {strides = array<i32>} : memref<200x64xf32, #tpu.memory_space<vmem>>, vector<1x16xf32>,
      %swap3A_274 = vector.shape_cast %swap3A_273 : vector<1x16xf32> to vector<16xf32>
      %swap3A_275 = vector.shape_cast %get3A_270 : vector<16xf32> to vector<1x16xf32>
      tpu.vector_store %arg8[%swap3A_271, %swap3A_272], %swap3A_275 {strides = array<i32>} : memref<200x64xf32, #tpu.memory_space<vmem>>, vector<1x16xf32>,
      %get3A_276 = arith.index_cast %add3A_250 : i32 to index
      %get3A_277 = arith.constant 48 : index
      %get3A_278 = tpu.vector_load %arg9[%get3A_276, %get3A_277] {strides = array<i32>} : memref<200x64xf32, #tpu.memory_space<vmem>>, vector<1x16xf32>,
      %get3A_279 = vector.shape_cast %get3A_278 : vector<1x16xf32> to vector<16xf32>
      %swap3A_280 = arith.index_cast %add3A_250 : i32 to index
      %swap3A_281 = arith.constant 48 : index
      %swap3A_282 = tpu.vector_load %arg8[%swap3A_280, %swap3A_281] {strides = array<i32>} : memref<200x64xf32, #tpu.memory_space<vmem>>, vector<1x16xf32>,
      %swap3A_283 = vector.shape_cast %swap3A_282 : vector<1x16xf32> to vector<16xf32>
      %swap3A_284 = vector.shape_cast %get3A_279 : vector<16xf32> to vector<1x16xf32>
      tpu.vector_store %arg8[%swap3A_280, %swap3A_281], %swap3A_284 {strides = array<i32>} : memref<200x64xf32, #tpu.memory_space<vmem>>, vector<1x16xf32>,
      %mul3A_285 = arith.constant 8 : i32
      %mul3A_286 = arith.muli %scan3A_246, %mul3A_285 : i32
      %add3A_287 = arith.constant 1 : i32
      %add3A_288 = arith.addi %mul3A_286, %add3A_287 : i32
      %get3A_289 = arith.index_cast %add3A_288 : i32 to index
      %get3A_290 = arith.constant 0 : index
      %get3A_291 = tpu.vector_load %arg9[%get3A_289, %get3A_290] {strides = array<i32>} : memref<200x64xf32, #tpu.memory_space<vmem>>, vector<1x16xf32>,
      %get3A_292 = vector.shape_cast %get3A_291 : vector<1x16xf32> to vector<16xf32>
      %swap3A_293 = arith.index_cast %add3A_288 : i32 to index
      %swap3A_294 = arith.constant 0 : index
      %swap3A_295 = tpu.vector_load %arg8[%swap3A_293, %swap3A_294] {strides = array<i32>} : memref<200x64xf32, #tpu.memory_space<vmem>>, vector<1x16xf32>,
      %swap3A_296 = vector.shape_cast %swap3A_295 : vector<1x16xf32> to vector<16xf32>
      %swap3A_297 = vector.shape_cast %get3A_292 : vector<16xf32> to vector<1x16xf32>
      tpu.vector_store %arg8[%swap3A_293, %swap3A_294], %swap3A_297 {strides = array<i32>} : memref<200x64xf32, #tpu.memory_space<vmem>>, vector<1x16xf32>,
      %get3A_298 = arith.index_cast %add3A_288 : i32 to index
      %get3A_299 = arith.constant 16 : index
      %get3A_300 = tpu.vector_load %arg9[%get3A_298, %get3A_299] {strides = array<i32>} : memref<200x64xf32, #tpu.memory_space<vmem>>, vector<1x16xf32>,
      %get3A_301 = vector.shape_cast %get3A_300 : vector<1x16xf32> to vector<16xf32>
      %swap3A_302 = arith.index_cast %add3A_288 : i32 to index
      %swap3A_303 = arith.constant 16 : index
      %swap3A_304 = tpu.vector_load %arg8[%swap3A_302, %swap3A_303] {strides = array<i32>} : memref<200x64xf32, #tpu.memory_space<vmem>>, vector<1x16xf32>,
      %swap3A_305 = vector.shape_cast %swap3A_304 : vector<1x16xf32> to vector<16xf32>
      %swap3A_306 = vector.shape_cast %get3A_301 : vector<16xf32> to vector<1x16xf32>
      tpu.vector_store %arg8[%swap3A_302, %swap3A_303], %swap3A_306 {strides = array<i32>} : memref<200x64xf32, #tpu.memory_space<vmem>>, vector<1x16xf32>,
      %get3A_307 = arith.index_cast %add3A_288 : i32 to index
      %get3A_308 = arith.constant 32 : index
      %get3A_309 = tpu.vector_load %arg9[%get3A_307, %get3A_308] {strides = array<i32>} : memref<200x64xf32, #tpu.memory_space<vmem>>, vector<1x16xf32>,
      %get3A_310 = vector.shape_cast %get3A_309 : vector<1x16xf32> to vector<16xf32>
      %swap3A_311 = arith.index_cast %add3A_288 : i32 to index
      %swap3A_312 = arith.constant 32 : index
      %swap3A_313 = tpu.vector_load %arg8[%swap3A_311, %swap3A_312] {strides = array<i32>} : memref<200x64xf32, #tpu.memory_space<vmem>>, vector<1x16xf32>,
      %swap3A_314 = vector.shape_cast %swap3A_313 : vector<1x16xf32> to vector<16xf32>
      %swap3A_315 = vector.shape_cast %get3A_310 : vector<16xf32> to vector<1x16xf32>
      tpu.vector_store %arg8[%swap3A_311, %swap3A_312], %swap3A_315 {strides = array<i32>} : memref<200x64xf32, #tpu.memory_space<vmem>>, vector<1x16xf32>,
      %get3A_316 = arith.index_cast %add3A_288 : i32 to index
      %get3A_317 = arith.constant 48 : index
      %get3A_318 = tpu.vector_load %arg9[%get3A_316, %get3A_317] {strides = array<i32>} : memref<200x64xf32, #tpu.memory_space<vmem>>, vector<1x16xf32>,
      %get3A_319 = vector.shape_cast %get3A_318 : vector<1x16xf32> to vector<16xf32>
      %swap3A_320 = arith.index_cast %add3A_288 : i32 to index
      %swap3A_321 = arith.constant 48 : index
      %swap3A_322 = tpu.vector_load %arg8[%swap3A_320, %swap3A_321] {strides = array<i32>} : memref<200x64xf32, #tpu.memory_space<vmem>>, vector<1x16xf32>,
      %swap3A_323 = vector.shape_cast %swap3A_322 : vector<1x16xf32> to vector<16xf32>
      %swap3A_324 = vector.shape_cast %get3A_319 : vector<16xf32> to vector<1x16xf32>
      tpu.vector_store %arg8[%swap3A_320, %swap3A_321], %swap3A_324 {strides = array<i32>} : memref<200x64xf32, #tpu.memory_space<vmem>>, vector<1x16xf32>,
      %mul3A_325 = arith.constant 8 : i32
      %mul3A_326 = arith.muli %scan3A_246, %mul3A_325 : i32
      %add3A_327 = arith.constant 2 : i32
      %add3A_328 = arith.addi %mul3A_326, %add3A_327 : i32
      %get3A_329 = arith.index_cast %add3A_328 : i32 to index
      %get3A_330 = arith.constant 0 : index
      %get3A_331 = tpu.vector_load %arg9[%get3A_329, %get3A_330] {strides = array<i32>} : memref<200x64xf32, #tpu.memory_space<vmem>>, vector<1x16xf32>,
      %get3A_332 = vector.shape_cast %get3A_331 : vector<1x16xf32> to vector<16xf32>
      %swap3A_333 = arith.index_cast %add3A_328 : i32 to index
      %swap3A_334 = arith.constant 0 : index
      %swap3A_335 = tpu.vector_load %arg8[%swap3A_333, %swap3A_334] {strides = array<i32>} : memref<200x64xf32, #tpu.memory_space<vmem>>, vector<1x16xf32>,
      %swap3A_336 = vector.shape_cast %swap3A_335 : vector<1x16xf32> to vector<16xf32>
      %swap3A_337 = vector.shape_cast %get3A_332 : vector<16xf32> to vector<1x16xf32>
      tpu.vector_store %arg8[%swap3A_333, %swap3A_334], %swap3A_337 {strides = array<i32>} : memref<200x64xf32, #tpu.memory_space<vmem>>, vector<1x16xf32>,
      %get3A_338 = arith.index_cast %add3A_328 : i32 to index
      %get3A_339 = arith.constant 16 : index
      %get3A_340 = tpu.vector_load %arg9[%get3A_338, %get3A_339] {strides = array<i32>} : memref<200x64xf32, #tpu.memory_space<vmem>>, vector<1x16xf32>,
      %get3A_341 = vector.shape_cast %get3A_340 : vector<1x16xf32> to vector<16xf32>
      %swap3A_342 = arith.index_cast %add3A_328 : i32 to index
      %swap3A_343 = arith.constant 16 : index
      %swap3A_344 = tpu.vector_load %arg8[%swap3A_342, %swap3A_343] {strides = array<i32>} : memref<200x64xf32, #tpu.memory_space<vmem>>, vector<1x16xf32>,
      %swap3A_345 = vector.shape_cast %swap3A_344 : vector<1x16xf32> to vector<16xf32>
      %swap3A_346 = vector.shape_cast %get3A_341 : vector<16xf32> to vector<1x16xf32>
      tpu.vector_store %arg8[%swap3A_342, %swap3A_343], %swap3A_346 {strides = array<i32>} : memref<200x64xf32, #tpu.memory_space<vmem>>, vector<1x16xf32>,
      %get3A_347 = arith.index_cast %add3A_328 : i32 to index
      %get3A_348 = arith.constant 32 : index
      %get3A_349 = tpu.vector_load %arg9[%get3A_347, %get3A_348] {strides = array<i32>} : memref<200x64xf32, #tpu.memory_space<vmem>>, vector<1x16xf32>,
      %get3A_350 = vector.shape_cast %get3A_349 : vector<1x16xf32> to vector<16xf32>
      %swap3A_351 = arith.index_cast %add3A_328 : i32 to index
      %swap3A_352 = arith.constant 32 : index
      %swap3A_353 = tpu.vector_load %arg8[%swap3A_351, %swap3A_352] {strides = array<i32>} : memref<200x64xf32, #tpu.memory_space<vmem>>, vector<1x16xf32>,
      %swap3A_354 = vector.shape_cast %swap3A_353 : vector<1x16xf32> to vector<16xf32>
      %swap3A_355 = vector.shape_cast %get3A_350 : vector<16xf32> to vector<1x16xf32>
      tpu.vector_store %arg8[%swap3A_351, %swap3A_352], %swap3A_355 {strides = array<i32>} : memref<200x64xf32, #tpu.memory_space<vmem>>, vector<1x16xf32>,
      %get3A_356 = arith.index_cast %add3A_328 : i32 to index
      %get3A_357 = arith.constant 48 : index
      %get3A_358 = tpu.vector_load %arg9[%get3A_356, %get3A_357] {strides = array<i32>} : memref<200x64xf32, #tpu.memory_space<vmem>>, vector<1x16xf32>,
      %get3A_359 = vector.shape_cast %get3A_358 : vector<1x16xf32> to vector<16xf32>
      %swap3A_360 = arith.index_cast %add3A_328 : i32 to index
      %swap3A_361 = arith.constant 48 : index
      %swap3A_362 = tpu.vector_load %arg8[%swap3A_360, %swap3A_361] {strides = array<i32>} : memref<200x64xf32, #tpu.memory_space<vmem>>, vector<1x16xf32>,
      %swap3A_363 = vector.shape_cast %swap3A_362 : vector<1x16xf32> to vector<16xf32>
      %swap3A_364 = vector.shape_cast %get3A_359 : vector<16xf32> to vector<1x16xf32>
      tpu.vector_store %arg8[%swap3A_360, %swap3A_361], %swap3A_364 {strides = array<i32>} : memref<200x64xf32, #tpu.memory_space<vmem>>, vector<1x16xf32>,
      %mul3A_365 = arith.constant 8 : i32
      %mul3A_366 = arith.muli %scan3A_246, %mul3A_365 : i32
      %add3A_367 = arith.constant 3 : i32
      %add3A_368 = arith.addi %mul3A_366, %add3A_367 : i32
      %get3A_369 = arith.index_cast %add3A_368 : i32 to index
      %get3A_370 = arith.constant 0 : index
      %get3A_371 = tpu.vector_load %arg9[%get3A_369, %get3A_370] {strides = array<i32>} : memref<200x64xf32, #tpu.memory_space<vmem>>, vector<1x16xf32>,
      %get3A_372 = vector.shape_cast %get3A_371 : vector<1x16xf32> to vector<16xf32>
      %swap3A_373 = arith.index_cast %add3A_368 : i32 to index
      %swap3A_374 = arith.constant 0 : index
      %swap3A_375 = tpu.vector_load %arg8[%swap3A_373, %swap3A_374] {strides = array<i32>} : memref<200x64xf32, #tpu.memory_space<vmem>>, vector<1x16xf32>,
      %swap3A_376 = vector.shape_cast %swap3A_375 : vector<1x16xf32> to vector<16xf32>
      %swap3A_377 = vector.shape_cast %get3A_372 : vector<16xf32> to vector<1x16xf32>
      tpu.vector_store %arg8[%swap3A_373, %swap3A_374], %swap3A_377 {strides = array<i32>} : memref<200x64xf32, #tpu.memory_space<vmem>>, vector<1x16xf32>,
      %get3A_378 = arith.index_cast %add3A_368 : i32 to index
      %get3A_379 = arith.constant 16 : index
      %get3A_380 = tpu.vector_load %arg9[%get3A_378, %get3A_379] {strides = array<i32>} : memref<200x64xf32, #tpu.memory_space<vmem>>, vector<1x16xf32>,
      %get3A_381 = vector.shape_cast %get3A_380 : vector<1x16xf32> to vector<16xf32>
      %swap3A_382 = arith.index_cast %add3A_368 : i32 to index
      %swap3A_383 = arith.constant 16 : index
      %swap3A_384 = tpu.vector_load %arg8[%swap3A_382, %swap3A_383] {strides = array<i32>} : memref<200x64xf32, #tpu.memory_space<vmem>>, vector<1x16xf32>,
      %swap3A_385 = vector.shape_cast %swap3A_384 : vector<1x16xf32> to vector<16xf32>
      %swap3A_386 = vector.shape_cast %get3A_381 : vector<16xf32> to vector<1x16xf32>
      tpu.vector_store %arg8[%swap3A_382, %swap3A_383], %swap3A_386 {strides = array<i32>} : memref<200x64xf32, #tpu.memory_space<vmem>>, vector<1x16xf32>,
      %get3A_387 = arith.index_cast %add3A_368 : i32 to index
      %get3A_388 = arith.constant 32 : index
      %get3A_389 = tpu.vector_load %arg9[%get3A_387, %get3A_388] {strides = array<i32>} : memref<200x64xf32, #tpu.memory_space<vmem>>, vector<1x16xf32>,
      %get3A_390 = vector.shape_cast %get3A_389 : vector<1x16xf32> to vector<16xf32>
      %swap3A_391 = arith.index_cast %add3A_368 : i32 to index
      %swap3A_392 = arith.constant 32 : index
      %swap3A_393 = tpu.vector_load %arg8[%swap3A_391, %swap3A_392] {strides = array<i32>} : memref<200x64xf32, #tpu.memory_space<vmem>>, vector<1x16xf32>,
      %swap3A_394 = vector.shape_cast %swap3A_393 : vector<1x16xf32> to vector<16xf32>
      %swap3A_395 = vector.shape_cast %get3A_390 : vector<16xf32> to vector<1x16xf32>
      tpu.vector_store %arg8[%swap3A_391, %swap3A_392], %swap3A_395 {strides = array<i32>} : memref<200x64xf32, #tpu.memory_space<vmem>>, vector<1x16xf32>,
      %get3A_396 = arith.index_cast %add3A_368 : i32 to index
      %get3A_397 = arith.constant 48 : index
      %get3A_398 = tpu.vector_load %arg9[%get3A_396, %get3A_397] {strides = array<i32>} : memref<200x64xf32, #tpu.memory_space<vmem>>, vector<1x16xf32>,
      %get3A_399 = vector.shape_cast %get3A_398 : vector<1x16xf32> to vector<16xf32>
      %swap3A_400 = arith.index_cast %add3A_368 : i32 to index
      %swap3A_401 = arith.constant 48 : index
      %swap3A_402 = tpu.vector_load %arg8[%swap3A_400, %swap3A_401] {strides = array<i32>} : memref<200x64xf32, #tpu.memory_space<vmem>>, vector<1x16xf32>,
      %swap3A_403 = vector.shape_cast %swap3A_402 : vector<1x16xf32> to vector<16xf32>
      %swap3A_404 = vector.shape_cast %get3A_399 : vector<16xf32> to vector<1x16xf32>
      tpu.vector_store %arg8[%swap3A_400, %swap3A_401], %swap3A_404 {strides = array<i32>} : memref<200x64xf32, #tpu.memory_space<vmem>>, vector<1x16xf32>,
      %mul3A_405 = arith.constant 8 : i32
      %mul3A_406 = arith.muli %scan3A_246, %mul3A_405 : i32
      %add3A_407 = arith.constant 4 : i32
      %add3A_408 = arith.addi %mul3A_406, %add3A_407 : i32
      %get3A_409 = arith.index_cast %add3A_408 : i32 to index
      %get3A_410 = arith.constant 0 : index
      %get3A_411 = tpu.vector_load %arg9[%get3A_409, %get3A_410] {strides = array<i32>} : memref<200x64xf32, #tpu.memory_space<vmem>>, vector<1x16xf32>,
      %get3A_412 = vector.shape_cast %get3A_411 : vector<1x16xf32> to vector<16xf32>
      %swap3A_413 = arith.index_cast %add3A_408 : i32 to index
      %swap3A_414 = arith.constant 0 : index
      %swap3A_415 = tpu.vector_load %arg8[%swap3A_413, %swap3A_414] {strides = array<i32>} : memref<200x64xf32, #tpu.memory_space<vmem>>, vector<1x16xf32>,
      %swap3A_416 = vector.shape_cast %swap3A_415 : vector<1x16xf32> to vector<16xf32>
      %swap3A_417 = vector.shape_cast %get3A_412 : vector<16xf32> to vector<1x16xf32>
      tpu.vector_store %arg8[%swap3A_413, %swap3A_414], %swap3A_417 {strides = array<i32>} : memref<200x64xf32, #tpu.memory_space<vmem>>, vector<1x16xf32>,
      %get3A_418 = arith.index_cast %add3A_408 : i32 to index
      %get3A_419 = arith.constant 16 : index
      %get3A_420 = tpu.vector_load %arg9[%get3A_418, %get3A_419] {strides = array<i32>} : memref<200x64xf32, #tpu.memory_space<vmem>>, vector<1x16xf32>,
      %get3A_421 = vector.shape_cast %get3A_420 : vector<1x16xf32> to vector<16xf32>
      %swap3A_422 = arith.index_cast %add3A_408 : i32 to index
      %swap3A_423 = arith.constant 16 : index
      %swap3A_424 = tpu.vector_load %arg8[%swap3A_422, %swap3A_423] {strides = array<i32>} : memref<200x64xf32, #tpu.memory_space<vmem>>, vector<1x16xf32>,
      %swap3A_425 = vector.shape_cast %swap3A_424 : vector<1x16xf32> to vector<16xf32>
      %swap3A_426 = vector.shape_cast %get3A_421 : vector<16xf32> to vector<1x16xf32>
      tpu.vector_store %arg8[%swap3A_422, %swap3A_423], %swap3A_426 {strides = array<i32>} : memref<200x64xf32, #tpu.memory_space<vmem>>, vector<1x16xf32>,
      %get3A_427 = arith.index_cast %add3A_408 : i32 to index
      %get3A_428 = arith.constant 32 : index
      %get3A_429 = tpu.vector_load %arg9[%get3A_427, %get3A_428] {strides = array<i32>} : memref<200x64xf32, #tpu.memory_space<vmem>>, vector<1x16xf32>,
      %get3A_430 = vector.shape_cast %get3A_429 : vector<1x16xf32> to vector<16xf32>
      %swap3A_431 = arith.index_cast %add3A_408 : i32 to index
      %swap3A_432 = arith.constant 32 : index
      %swap3A_433 = tpu.vector_load %arg8[%swap3A_431, %swap3A_432] {strides = array<i32>} : memref<200x64xf32, #tpu.memory_space<vmem>>, vector<1x16xf32>,
      %swap3A_434 = vector.shape_cast %swap3A_433 : vector<1x16xf32> to vector<16xf32>
      %swap3A_435 = vector.shape_cast %get3A_430 : vector<16xf32> to vector<1x16xf32>
      tpu.vector_store %arg8[%swap3A_431, %swap3A_432], %swap3A_435 {strides = array<i32>} : memref<200x64xf32, #tpu.memory_space<vmem>>, vector<1x16xf32>,
      %get3A_436 = arith.index_cast %add3A_408 : i32 to index
      %get3A_437 = arith.constant 48 : index
      %get3A_438 = tpu.vector_load %arg9[%get3A_436, %get3A_437] {strides = array<i32>} : memref<200x64xf32, #tpu.memory_space<vmem>>, vector<1x16xf32>,
      %get3A_439 = vector.shape_cast %get3A_438 : vector<1x16xf32> to vector<16xf32>
      %swap3A_440 = arith.index_cast %add3A_408 : i32 to index
      %swap3A_441 = arith.constant 48 : index
      %swap3A_442 = tpu.vector_load %arg8[%swap3A_440, %swap3A_441] {strides = array<i32>} : memref<200x64xf32, #tpu.memory_space<vmem>>, vector<1x16xf32>,
      %swap3A_443 = vector.shape_cast %swap3A_442 : vector<1x16xf32> to vector<16xf32>
      %swap3A_444 = vector.shape_cast %get3A_439 : vector<16xf32> to vector<1x16xf32>
      tpu.vector_store %arg8[%swap3A_440, %swap3A_441], %swap3A_444 {strides = array<i32>} : memref<200x64xf32, #tpu.memory_space<vmem>>, vector<1x16xf32>,
      %mul3A_445 = arith.constant 8 : i32
      %mul3A_446 = arith.muli %scan3A_246, %mul3A_445 : i32
      %add3A_447 = arith.constant 5 : i32
      %add3A_448 = arith.addi %mul3A_446, %add3A_447 : i32
      %get3A_449 = arith.index_cast %add3A_448 : i32 to index
      %get3A_450 = arith.constant 0 : index
      %get3A_451 = tpu.vector_load %arg9[%get3A_449, %get3A_450] {strides = array<i32>} : memref<200x64xf32, #tpu.memory_space<vmem>>, vector<1x16xf32>,
      %get3A_452 = vector.shape_cast %get3A_451 : vector<1x16xf32> to vector<16xf32>
      %swap3A_453 = arith.index_cast %add3A_448 : i32 to index
      %swap3A_454 = arith.constant 0 : index
      %swap3A_455 = tpu.vector_load %arg8[%swap3A_453, %swap3A_454] {strides = array<i32>} : memref<200x64xf32, #tpu.memory_space<vmem>>, vector<1x16xf32>,
      %swap3A_456 = vector.shape_cast %swap3A_455 : vector<1x16xf32> to vector<16xf32>
      %swap3A_457 = vector.shape_cast %get3A_452 : vector<16xf32> to vector<1x16xf32>
      tpu.vector_store %arg8[%swap3A_453, %swap3A_454], %swap3A_457 {strides = array<i32>} : memref<200x64xf32, #tpu.memory_space<vmem>>, vector<1x16xf32>,
      %get3A_458 = arith.index_cast %add3A_448 : i32 to index
      %get3A_459 = arith.constant 16 : index
      %get3A_460 = tpu.vector_load %arg9[%get3A_458, %get3A_459] {strides = array<i32>} : memref<200x64xf32, #tpu.memory_space<vmem>>, vector<1x16xf32>,
      %get3A_461 = vector.shape_cast %get3A_460 : vector<1x16xf32> to vector<16xf32>
      %swap3A_462 = arith.index_cast %add3A_448 : i32 to index
      %swap3A_463 = arith.constant 16 : index
      %swap3A_464 = tpu.vector_load %arg8[%swap3A_462, %swap3A_463] {strides = array<i32>} : memref<200x64xf32, #tpu.memory_space<vmem>>, vector<1x16xf32>,
      %swap3A_465 = vector.shape_cast %swap3A_464 : vector<1x16xf32> to vector<16xf32>
      %swap3A_466 = vector.shape_cast %get3A_461 : vector<16xf32> to vector<1x16xf32>
      tpu.vector_store %arg8[%swap3A_462, %swap3A_463], %swap3A_466 {strides = array<i32>} : memref<200x64xf32, #tpu.memory_space<vmem>>, vector<1x16xf32>,
      %get3A_467 = arith.index_cast %add3A_448 : i32 to index
      %get3A_468 = arith.constant 32 : index
      %get3A_469 = tpu.vector_load %arg9[%get3A_467, %get3A_468] {strides = array<i32>} : memref<200x64xf32, #tpu.memory_space<vmem>>, vector<1x16xf32>,
      %get3A_470 = vector.shape_cast %get3A_469 : vector<1x16xf32> to vector<16xf32>
      %swap3A_471 = arith.index_cast %add3A_448 : i32 to index
      %swap3A_472 = arith.constant 32 : index
      %swap3A_473 = tpu.vector_load %arg8[%swap3A_471, %swap3A_472] {strides = array<i32>} : memref<200x64xf32, #tpu.memory_space<vmem>>, vector<1x16xf32>,
      %swap3A_474 = vector.shape_cast %swap3A_473 : vector<1x16xf32> to vector<16xf32>
      %swap3A_475 = vector.shape_cast %get3A_470 : vector<16xf32> to vector<1x16xf32>
      tpu.vector_store %arg8[%swap3A_471, %swap3A_472], %swap3A_475 {strides = array<i32>} : memref<200x64xf32, #tpu.memory_space<vmem>>, vector<1x16xf32>,
      %get3A_476 = arith.index_cast %add3A_448 : i32 to index
      %get3A_477 = arith.constant 48 : index
      %get3A_478 = tpu.vector_load %arg9[%get3A_476, %get3A_477] {strides = array<i32>} : memref<200x64xf32, #tpu.memory_space<vmem>>, vector<1x16xf32>,
      %get3A_479 = vector.shape_cast %get3A_478 : vector<1x16xf32> to vector<16xf32>
      %swap3A_480 = arith.index_cast %add3A_448 : i32 to index
      %swap3A_481 = arith.constant 48 : index
      %swap3A_482 = tpu.vector_load %arg8[%swap3A_480, %swap3A_481] {strides = array<i32>} : memref<200x64xf32, #tpu.memory_space<vmem>>, vector<1x16xf32>,
      %swap3A_483 = vector.shape_cast %swap3A_482 : vector<1x16xf32> to vector<16xf32>
      %swap3A_484 = vector.shape_cast %get3A_479 : vector<16xf32> to vector<1x16xf32>
      tpu.vector_store %arg8[%swap3A_480, %swap3A_481], %swap3A_484 {strides = array<i32>} : memref<200x64xf32, #tpu.memory_space<vmem>>, vector<1x16xf32>,
      %mul3A_485 = arith.constant 8 : i32
      %mul3A_486 = arith.muli %scan3A_246, %mul3A_485 : i32
      %add3A_487 = arith.constant 6 : i32
      %add3A_488 = arith.addi %mul3A_486, %add3A_487 : i32
      %get3A_489 = arith.index_cast %add3A_488 : i32 to index
      %get3A_490 = arith.constant 0 : index
      %get3A_491 = tpu.vector_load %arg9[%get3A_489, %get3A_490] {strides = array<i32>} : memref<200x64xf32, #tpu.memory_space<vmem>>, vector<1x16xf32>,
      %get3A_492 = vector.shape_cast %get3A_491 : vector<1x16xf32> to vector<16xf32>
      %swap3A_493 = arith.index_cast %add3A_488 : i32 to index
      %swap3A_494 = arith.constant 0 : index
      %swap3A_495 = tpu.vector_load %arg8[%swap3A_493, %swap3A_494] {strides = array<i32>} : memref<200x64xf32, #tpu.memory_space<vmem>>, vector<1x16xf32>,
      %swap3A_496 = vector.shape_cast %swap3A_495 : vector<1x16xf32> to vector<16xf32>
      %swap3A_497 = vector.shape_cast %get3A_492 : vector<16xf32> to vector<1x16xf32>
      tpu.vector_store %arg8[%swap3A_493, %swap3A_494], %swap3A_497 {strides = array<i32>} : memref<200x64xf32, #tpu.memory_space<vmem>>, vector<1x16xf32>,
      %get3A_498 = arith.index_cast %add3A_488 : i32 to index
      %get3A_499 = arith.constant 16 : index
      %get3A_500 = tpu.vector_load %arg9[%get3A_498, %get3A_499] {strides = array<i32>} : memref<200x64xf32, #tpu.memory_space<vmem>>, vector<1x16xf32>,
      %get3A_501 = vector.shape_cast %get3A_500 : vector<1x16xf32> to vector<16xf32>
      %swap3A_502 = arith.index_cast %add3A_488 : i32 to index
      %swap3A_503 = arith.constant 16 : index
      %swap3A_504 = tpu.vector_load %arg8[%swap3A_502, %swap3A_503] {strides = array<i32>} : memref<200x64xf32, #tpu.memory_space<vmem>>, vector<1x16xf32>,
      %swap3A_505 = vector.shape_cast %swap3A_504 : vector<1x16xf32> to vector<16xf32>
      %swap3A_506 = vector.shape_cast %get3A_501 : vector<16xf32> to vector<1x16xf32>
      tpu.vector_store %arg8[%swap3A_502, %swap3A_503], %swap3A_506 {strides = array<i32>} : memref<200x64xf32, #tpu.memory_space<vmem>>, vector<1x16xf32>,
      %get3A_507 = arith.index_cast %add3A_488 : i32 to index
      %get3A_508 = arith.constant 32 : index
      %get3A_509 = tpu.vector_load %arg9[%get3A_507, %get3A_508] {strides = array<i32>} : memref<200x64xf32, #tpu.memory_space<vmem>>, vector<1x16xf32>,
      %get3A_510 = vector.shape_cast %get3A_509 : vector<1x16xf32> to vector<16xf32>
      %swap3A_511 = arith.index_cast %add3A_488 : i32 to index
      %swap3A_512 = arith.constant 32 : index
      %swap3A_513 = tpu.vector_load %arg8[%swap3A_511, %swap3A_512] {strides = array<i32>} : memref<200x64xf32, #tpu.memory_space<vmem>>, vector<1x16xf32>,
      %swap3A_514 = vector.shape_cast %swap3A_513 : vector<1x16xf32> to vector<16xf32>
      %swap3A_515 = vector.shape_cast %get3A_510 : vector<16xf32> to vector<1x16xf32>
      tpu.vector_store %arg8[%swap3A_511, %swap3A_512], %swap3A_515 {strides = array<i32>} : memref<200x64xf32, #tpu.memory_space<vmem>>, vector<1x16xf32>,
      %get3A_516 = arith.index_cast %add3A_488 : i32 to index
      %get3A_517 = arith.constant 48 : index
      %get3A_518 = tpu.vector_load %arg9[%get3A_516, %get3A_517] {strides = array<i32>} : memref<200x64xf32, #tpu.memory_space<vmem>>, vector<1x16xf32>,
      %get3A_519 = vector.shape_cast %get3A_518 : vector<1x16xf32> to vector<16xf32>
      %swap3A_520 = arith.index_cast %add3A_488 : i32 to index
      %swap3A_521 = arith.constant 48 : index
      %swap3A_522 = tpu.vector_load %arg8[%swap3A_520, %swap3A_521] {strides = array<i32>} : memref<200x64xf32, #tpu.memory_space<vmem>>, vector<1x16xf32>,
      %swap3A_523 = vector.shape_cast %swap3A_522 : vector<1x16xf32> to vector<16xf32>
      %swap3A_524 = vector.shape_cast %get3A_519 : vector<16xf32> to vector<1x16xf32>
      tpu.vector_store %arg8[%swap3A_520, %swap3A_521], %swap3A_524 {strides = array<i32>} : memref<200x64xf32, #tpu.memory_space<vmem>>, vector<1x16xf32>,
      %mul3A_525 = arith.constant 8 : i32
      %mul3A_526 = arith.muli %scan3A_246, %mul3A_525 : i32
      %add3A_527 = arith.constant 7 : i32
      %add3A_528 = arith.addi %mul3A_526, %add3A_527 : i32
      %get3A_529 = arith.index_cast %add3A_528 : i32 to index
      %get3A_530 = arith.constant 0 : index
      %get3A_531 = tpu.vector_load %arg9[%get3A_529, %get3A_530] {strides = array<i32>} : memref<200x64xf32, #tpu.memory_space<vmem>>, vector<1x16xf32>,
      %get3A_532 = vector.shape_cast %get3A_531 : vector<1x16xf32> to vector<16xf32>
      %swap3A_533 = arith.index_cast %add3A_528 : i32 to index
      %swap3A_534 = arith.constant 0 : index
      %swap3A_535 = tpu.vector_load %arg8[%swap3A_533, %swap3A_534] {strides = array<i32>} : memref<200x64xf32, #tpu.memory_space<vmem>>, vector<1x16xf32>,
      %swap3A_536 = vector.shape_cast %swap3A_535 : vector<1x16xf32> to vector<16xf32>
      %swap3A_537 = vector.shape_cast %get3A_532 : vector<16xf32> to vector<1x16xf32>
      tpu.vector_store %arg8[%swap3A_533, %swap3A_534], %swap3A_537 {strides = array<i32>} : memref<200x64xf32, #tpu.memory_space<vmem>>, vector<1x16xf32>,
      %get3A_538 = arith.index_cast %add3A_528 : i32 to index
      %get3A_539 = arith.constant 16 : index
      %get3A_540 = tpu.vector_load %arg9[%get3A_538, %get3A_539] {strides = array<i32>} : memref<200x64xf32, #tpu.memory_space<vmem>>, vector<1x16xf32>,
      %get3A_541 = vector.shape_cast %get3A_540 : vector<1x16xf32> to vector<16xf32>
      %swap3A_542 = arith.index_cast %add3A_528 : i32 to index
      %swap3A_543 = arith.constant 16 : index
      %swap3A_544 = tpu.vector_load %arg8[%swap3A_542, %swap3A_543] {strides = array<i32>} : memref<200x64xf32, #tpu.memory_space<vmem>>, vector<1x16xf32>,
      %swap3A_545 = vector.shape_cast %swap3A_544 : vector<1x16xf32> to vector<16xf32>
      %swap3A_546 = vector.shape_cast %get3A_541 : vector<16xf32> to vector<1x16xf32>
      tpu.vector_store %arg8[%swap3A_542, %swap3A_543], %swap3A_546 {strides = array<i32>} : memref<200x64xf32, #tpu.memory_space<vmem>>, vector<1x16xf32>,
      %get3A_547 = arith.index_cast %add3A_528 : i32 to index
      %get3A_548 = arith.constant 32 : index
      %get3A_549 = tpu.vector_load %arg9[%get3A_547, %get3A_548] {strides = array<i32>} : memref<200x64xf32, #tpu.memory_space<vmem>>, vector<1x16xf32>,
      %get3A_550 = vector.shape_cast %get3A_549 : vector<1x16xf32> to vector<16xf32>
      %swap3A_551 = arith.index_cast %add3A_528 : i32 to index
      %swap3A_552 = arith.constant 32 : index
      %swap3A_553 = tpu.vector_load %arg8[%swap3A_551, %swap3A_552] {strides = array<i32>} : memref<200x64xf32, #tpu.memory_space<vmem>>, vector<1x16xf32>,
      %swap3A_554 = vector.shape_cast %swap3A_553 : vector<1x16xf32> to vector<16xf32>
      %swap3A_555 = vector.shape_cast %get3A_550 : vector<16xf32> to vector<1x16xf32>
      tpu.vector_store %arg8[%swap3A_551, %swap3A_552], %swap3A_555 {strides = array<i32>} : memref<200x64xf32, #tpu.memory_space<vmem>>, vector<1x16xf32>,
      %get3A_556 = arith.index_cast %add3A_528 : i32 to index
      %get3A_557 = arith.constant 48 : index
      %get3A_558 = tpu.vector_load %arg9[%get3A_556, %get3A_557] {strides = array<i32>} : memref<200x64xf32, #tpu.memory_space<vmem>>, vector<1x16xf32>,
      %get3A_559 = vector.shape_cast %get3A_558 : vector<1x16xf32> to vector<16xf32>
      %swap3A_560 = arith.index_cast %add3A_528 : i32 to index
      %swap3A_561 = arith.constant 48 : index
      %swap3A_562 = tpu.vector_load %arg8[%swap3A_560, %swap3A_561] {strides = array<i32>} : memref<200x64xf32, #tpu.memory_space<vmem>>, vector<1x16xf32>,
      %swap3A_563 = vector.shape_cast %swap3A_562 : vector<1x16xf32> to vector<16xf32>
      %swap3A_564 = vector.shape_cast %get3A_559 : vector<16xf32> to vector<1x16xf32>
      tpu.vector_store %arg8[%swap3A_560, %swap3A_561], %swap3A_564 {strides = array<i32>} : memref<200x64xf32, #tpu.memory_space<vmem>>, vector<1x16xf32>,
    }
    %scan3A_32 = arith.constant 25 : i32
    %dma_start3A_33 = arith.constant 1 : i32
    %dma_start3A_34 = arith.constant 0 : i32
    %dma_start3A_35 = arith.constant 0 : i32
    %dma_start3A_36 = tpu.memref_slice %arg8[%dma_start3A_34, %dma_start3A_35] : memref<200x64xf32, #tpu.memory_space<vmem>> -> memref<128x64xf32, #tpu.memory_space<vmem>>
    %dma_start3A_37 = arith.constant 0 : i32
    %dma_start3A_38 = tpu.memref_slice %arg6[%dma_start3A_33, %dma_start3A_37] : memref<128x200xi32, #tpu.memory_space<vmem>> -> memref<1x128xi32, #tpu.memory_space<vmem>>
    %dma_start3A_39 = tpu.memref_squeeze %dma_start3A_38 : memref<1x128xi32, #tpu.memory_space<vmem>> -> memref<128xi32, #tpu.memory_space<vmem>>
    %dma_start3A_40 = arith.constant 0 : i32
    %dma_start3A_41 = arith.constant 0 : i32
    %dma_start3A_42 = tpu.memref_slice %arg3[%dma_start3A_40, %dma_start3A_41] : memref<100000x64xf32, #tpu.memory_space<hbm>> -> memref<100000x64xf32, #tpu.memory_space<hbm>>
    tpu.enqueue_indirect_dma source(%dma_start3A_42 : memref<100000x64xf32, #tpu.memory_space<hbm>>) target(%dma_start3A_36 : memref<128x64xf32, #tpu.memory_space<vmem>>) offsets(%dma_start3A_39 : memref<128xi32, #tpu.memory_space<vmem>>) semaphore(%arg11 : memref<!tpu.dma_semaphore, #tpu.memory_space<semaphore_mem>>) {add = true}
    %dma_start3A_43 = arith.constant 1 : i32
    %dma_start3A_44 = arith.constant 128 : i32
    %dma_start3A_45 = arith.constant 0 : i32
    %dma_start3A_46 = tpu.memref_slice %arg8[%dma_start3A_44, %dma_start3A_45] : memref<200x64xf32, #tpu.memory_space<vmem>> -> memref<72x64xf32, #tpu.memory_space<vmem>>
    %dma_start3A_47 = arith.constant 128 : i32
    %dma_start3A_48 = tpu.memref_slice %arg6[%dma_start3A_43, %dma_start3A_47] : memref<128x200xi32, #tpu.memory_space<vmem>> -> memref<1x72xi32, #tpu.memory_space<vmem>>
    %dma_start3A_49 = tpu.memref_squeeze %dma_start3A_48 : memref<1x72xi32, #tpu.memory_space<vmem>> -> memref<72xi32, #tpu.memory_space<vmem>>
    %dma_start3A_50 = arith.constant 0 : i32
    %dma_start3A_51 = arith.constant 0 : i32
    %dma_start3A_52 = tpu.memref_slice %arg3[%dma_start3A_50, %dma_start3A_51] : memref<100000x64xf32, #tpu.memory_space<hbm>> -> memref<100000x64xf32, #tpu.memory_space<hbm>>
    tpu.enqueue_indirect_dma source(%dma_start3A_52 : memref<100000x64xf32, #tpu.memory_space<hbm>>) target(%dma_start3A_46 : memref<72x64xf32, #tpu.memory_space<vmem>>) offsets(%dma_start3A_49 : memref<72xi32, #tpu.memory_space<vmem>>) semaphore(%arg11 : memref<!tpu.dma_semaphore, #tpu.memory_space<semaphore_mem>>) {add = true}
    %dma_wait3A = arith.constant 0 : i32
    %dma_wait3A_53 = arith.constant 0 : i32
    %dma_wait3A_54 = arith.constant 0 : i32
    %dma_wait3A_55 = tpu.memref_slice %arg7[%dma_wait3A_53, %dma_wait3A_54] : memref<200x64xf32, #tpu.memory_space<vmem>> -> memref<128x64xf32, #tpu.memory_space<vmem>>
    %dma_wait3A_56 = arith.constant 0 : i32
    %dma_wait3A_57 = tpu.memref_slice %arg6[%dma_wait3A, %dma_wait3A_56] : memref<128x200xi32, #tpu.memory_space<vmem>> -> memref<1x128xi32, #tpu.memory_space<vmem>>
    %dma_wait3A_58 = tpu.memref_squeeze %dma_wait3A_57 : memref<1x128xi32, #tpu.memory_space<vmem>> -> memref<128xi32, #tpu.memory_space<vmem>>
    %dma_wait3A_59 = arith.constant 0 : i32
    %dma_wait3A_60 = arith.constant 0 : i32
    %dma_wait3A_61 = tpu.memref_slice %arg3[%dma_wait3A_59, %dma_wait3A_60] : memref<100000x64xf32, #tpu.memory_space<hbm>> -> memref<100000x64xf32, #tpu.memory_space<hbm>>
    tpu.wait_indirect_dma semaphore(%arg10 : memref<!tpu.dma_semaphore, #tpu.memory_space<semaphore_mem>>) src(%dma_wait3A_61 : memref<100000x64xf32, #tpu.memory_space<hbm>>) dst(%dma_wait3A_55 : memref<128x64xf32, #tpu.memory_space<vmem>>)
    %dma_wait3A_62 = arith.constant 0 : i32
    %dma_wait3A_63 = arith.constant 128 : i32
    %dma_wait3A_64 = arith.constant 0 : i32
    %dma_wait3A_65 = tpu.memref_slice %arg7[%dma_wait3A_63, %dma_wait3A_64] : memref<200x64xf32, #tpu.memory_space<vmem>> -> memref<72x64xf32, #tpu.memory_space<vmem>>
    %dma_wait3A_66 = arith.constant 128 : i32
    %dma_wait3A_67 = tpu.memref_slice %arg6[%dma_wait3A_62, %dma_wait3A_66] : memref<128x200xi32, #tpu.memory_space<vmem>> -> memref<1x72xi32, #tpu.memory_space<vmem>>
    %dma_wait3A_68 = tpu.memref_squeeze %dma_wait3A_67 : memref<1x72xi32, #tpu.memory_space<vmem>> -> memref<72xi32, #tpu.memory_space<vmem>>
    %dma_wait3A_69 = arith.constant 0 : i32
    %dma_wait3A_70 = arith.constant 0 : i32
    %dma_wait3A_71 = tpu.memref_slice %arg3[%dma_wait3A_69, %dma_wait3A_70] : memref<100000x64xf32, #tpu.memory_space<hbm>> -> memref<100000x64xf32, #tpu.memory_space<hbm>>
    tpu.wait_indirect_dma semaphore(%arg10 : memref<!tpu.dma_semaphore, #tpu.memory_space<semaphore_mem>>) src(%dma_wait3A_71 : memref<100000x64xf32, #tpu.memory_space<hbm>>) dst(%dma_wait3A_65 : memref<72x64xf32, #tpu.memory_space<vmem>>)
    %add3A_72 = arith.constant 0 : i32
    %add3A_73 = arith.addi %mul3A_2, %add3A_72 : i32
    %mul3A_74 = arith.constant 200 : i32
    %mul3A_75 = arith.muli %add3A_73, %mul3A_74 : i32
    %dma_start3A_76 = arith.constant 0 : i32
    %dma_start3A_77 = tpu.memref_slice %arg5[%mul3A_75, %dma_start3A_76] : memref<819200x64xf32, #tpu.memory_space<hbm>> -> memref<200x64xf32, #tpu.memory_space<hbm>>
    %dma_start3A_78 = arith.constant 0 : i32
    %dma_start3A_79 = tpu.memref_slice %arg5[%mul3A_75, %dma_start3A_78] : memref<819200x64xf32, #tpu.memory_space<hbm>> -> memref<200x64xf32, #tpu.memory_space<hbm>>
    tpu.enqueue_dma source(%arg7 : memref<200x64xf32, #tpu.memory_space<vmem>>) target(%dma_start3A_79 : memref<200x64xf32, #tpu.memory_space<hbm>>) target_semaphore(%arg12 : memref<!tpu.dma_semaphore, #tpu.memory_space<semaphore_mem>>)
    %scan3A_80 = arith.constant 0 : i32
    %scan3A_81 = arith.constant 0 : i32
    %scan3A_82 = arith.constant 62 : i32
    %scan3A_83 = arith.addi %scan3A_81, %scan3A_82 : i32
    %scan3A_84 = arith.constant 1 : i32
    scf.for %scan3A_246 = %scan3A_81 to %scan3A_83 step %scan3A_84  : i32 {
      %mul3A_247 = arith.constant 2 : i32
      %mul3A_248 = arith.muli %mul3A_247, %scan3A_246 : i32
      %add3A_249 = arith.constant 2 : i32
      %add3A_250 = arith.addi %mul3A_248, %add3A_249 : i32
      %add3A_251 = arith.constant 0 : i32
      %add3A_252 = arith.addi %add3A_250, %add3A_251 : i32
      %mul3A_253 = arith.constant 200 : i32
      %mul3A_254 = arith.muli %mul3A_2, %mul3A_253 : i32
      %dma_wait3A_255 = arith.constant 0 : i32
      %dma_wait3A_256 = tpu.memref_slice %arg5[%mul3A_254, %dma_wait3A_255] : memref<819200x64xf32, #tpu.memory_space<hbm>> -> memref<200x64xf32, #tpu.memory_space<hbm>>
      %dma_wait3A_257 = arith.constant 0 : i32
      %dma_wait3A_258 = tpu.memref_slice %arg5[%mul3A_254, %dma_wait3A_257] : memref<819200x64xf32, #tpu.memory_space<hbm>> -> memref<200x64xf32, #tpu.memory_space<hbm>>
      tpu.wait_dma2 semaphore(%arg12 : memref<!tpu.dma_semaphore, #tpu.memory_space<semaphore_mem>>) src(%arg7 : memref<200x64xf32, #tpu.memory_space<vmem>>) dst(%dma_wait3A_258 : memref<200x64xf32, #tpu.memory_space<hbm>>)
      %scan3A_259 = arith.constant 0 : i32
      %scan3A_260 = arith.constant 0 : i32
      %scan3A_261 = arith.constant 25 : i32
      %scan3A_262 = arith.addi %scan3A_260, %scan3A_261 : i32
      %scan3A_263 = arith.constant 1 : i32
      scf.for %scan3A_376 = %scan3A_260 to %scan3A_262 step %scan3A_263  : i32 {
        %mul3A_377 = arith.constant 8 : i32
        %mul3A_378 = arith.muli %scan3A_376, %mul3A_377 : i32
        %add3A_379 = arith.constant 0 : i32
        %add3A_380 = arith.addi %mul3A_378, %add3A_379 : i32
        %get3A = arith.index_cast %add3A_380 : i32 to index
        %get3A_381 = arith.constant 0 : index
        %get3A_382 = tpu.vector_load %arg9[%get3A, %get3A_381] {strides = array<i32>} : memref<200x64xf32, #tpu.memory_space<vmem>>, vector<1x16xf32>,
        %get3A_383 = vector.shape_cast %get3A_382 : vector<1x16xf32> to vector<16xf32>
        %swap3A = arith.index_cast %add3A_380 : i32 to index
        %swap3A_384 = arith.constant 0 : index
        %swap3A_385 = tpu.vector_load %arg7[%swap3A, %swap3A_384] {strides = array<i32>} : memref<200x64xf32, #tpu.memory_space<vmem>>, vector<1x16xf32>,
        %swap3A_386 = vector.shape_cast %swap3A_385 : vector<1x16xf32> to vector<16xf32>
        %swap3A_387 = vector.shape_cast %get3A_383 : vector<16xf32> to vector<1x16xf32>
        tpu.vector_store %arg7[%swap3A, %swap3A_384], %swap3A_387 {strides = array<i32>} : memref<200x64xf32, #tpu.memory_space<vmem>>, vector<1x16xf32>,
        %get3A_388 = arith.index_cast %add3A_380 : i32 to index
        %get3A_389 = arith.constant 16 : index
        %get3A_390 = tpu.vector_load %arg9[%get3A_388, %get3A_389] {strides = array<i32>} : memref<200x64xf32, #tpu.memory_space<vmem>>, vector<1x16xf32>,
        %get3A_391 = vector.shape_cast %get3A_390 : vector<1x16xf32> to vector<16xf32>
        %swap3A_392 = arith.index_cast %add3A_380 : i32 to index
        %swap3A_393 = arith.constant 16 : index
        %swap3A_394 = tpu.vector_load %arg7[%swap3A_392, %swap3A_393] {strides = array<i32>} : memref<200x64xf32, #tpu.memory_space<vmem>>, vector<1x16xf32>,
        %swap3A_395 = vector.shape_cast %swap3A_394 : vector<1x16xf32> to vector<16xf32>
        %swap3A_396 = vector.shape_cast %get3A_391 : vector<16xf32> to vector<1x16xf32>
        tpu.vector_store %arg7[%swap3A_392, %swap3A_393], %swap3A_396 {strides = array<i32>} : memref<200x64xf32, #tpu.memory_space<vmem>>, vector<1x16xf32>,
        %get3A_397 = arith.index_cast %add3A_380 : i32 to index
        %get3A_398 = arith.constant 32 : index
        %get3A_399 = tpu.vector_load %arg9[%get3A_397, %get3A_398] {strides = array<i32>} : memref<200x64xf32, #tpu.memory_space<vmem>>, vector<1x16xf32>,
        %get3A_400 = vector.shape_cast %get3A_399 : vector<1x16xf32> to vector<16xf32>
        %swap3A_401 = arith.index_cast %add3A_380 : i32 to index
        %swap3A_402 = arith.constant 32 : index
        %swap3A_403 = tpu.vector_load %arg7[%swap3A_401, %swap3A_402] {strides = array<i32>} : memref<200x64xf32, #tpu.memory_space<vmem>>, vector<1x16xf32>,
        %swap3A_404 = vector.shape_cast %swap3A_403 : vector<1x16xf32> to vector<16xf32>
        %swap3A_405 = vector.shape_cast %get3A_400 : vector<16xf32> to vector<1x16xf32>
        tpu.vector_store %arg7[%swap3A_401, %swap3A_402], %swap3A_405 {strides = array<i32>} : memref<200x64xf32, #tpu.memory_space<vmem>>, vector<1x16xf32>,
        %get3A_406 = arith.index_cast %add3A_380 : i32 to index
        %get3A_407 = arith.constant 48 : index
        %get3A_408 = tpu.vector_load %arg9[%get3A_406, %get3A_407] {strides = array<i32>} : memref<200x64xf32, #tpu.memory_space<vmem>>, vector<1x16xf32>,
        %get3A_409 = vector.shape_cast %get3A_408 : vector<1x16xf32> to vector<16xf32>
        %swap3A_410 = arith.index_cast %add3A_380 : i32 to index
        %swap3A_411 = arith.constant 48 : index
        %swap3A_412 = tpu.vector_load %arg7[%swap3A_410, %swap3A_411] {strides = array<i32>} : memref<200x64xf32, #tpu.memory_space<vmem>>, vector<1x16xf32>,
        %swap3A_413 = vector.shape_cast %swap3A_412 : vector<1x16xf32> to vector<16xf32>
        %swap3A_414 = vector.shape_cast %get3A_409 : vector<16xf32> to vector<1x16xf32>
        tpu.vector_store %arg7[%swap3A_410, %swap3A_411], %swap3A_414 {strides = array<i32>} : memref<200x64xf32, #tpu.memory_space<vmem>>, vector<1x16xf32>,
        %mul3A_415 = arith.constant 8 : i32
        %mul3A_416 = arith.muli %scan3A_376, %mul3A_415 : i32
        %add3A_417 = arith.constant 1 : i32
        %add3A_418 = arith.addi %mul3A_416, %add3A_417 : i32
        %get3A_419 = arith.index_cast %add3A_418 : i32 to index
        %get3A_420 = arith.constant 0 : index
        %get3A_421 = tpu.vector_load %arg9[%get3A_419, %get3A_420] {strides = array<i32>} : memref<200x64xf32, #tpu.memory_space<vmem>>, vector<1x16xf32>,
        %get3A_422 = vector.shape_cast %get3A_421 : vector<1x16xf32> to vector<16xf32>
        %swap3A_423 = arith.index_cast %add3A_418 : i32 to index
        %swap3A_424 = arith.constant 0 : index
        %swap3A_425 = tpu.vector_load %arg7[%swap3A_423, %swap3A_424] {strides = array<i32>} : memref<200x64xf32, #tpu.memory_space<vmem>>, vector<1x16xf32>,
        %swap3A_426 = vector.shape_cast %swap3A_425 : vector<1x16xf32> to vector<16xf32>
        %swap3A_427 = vector.shape_cast %get3A_422 : vector<16xf32> to vector<1x16xf32>
        tpu.vector_store %arg7[%swap3A_423, %swap3A_424], %swap3A_427 {strides = array<i32>} : memref<200x64xf32, #tpu.memory_space<vmem>>, vector<1x16xf32>,
        %get3A_428 = arith.index_cast %add3A_418 : i32 to index
        %get3A_429 = arith.constant 16 : index
        %get3A_430 = tpu.vector_load %arg9[%get3A_428, %get3A_429] {strides = array<i32>} : memref<200x64xf32, #tpu.memory_space<vmem>>, vector<1x16xf32>,
        %get3A_431 = vector.shape_cast %get3A_430 : vector<1x16xf32> to vector<16xf32>
        %swap3A_432 = arith.index_cast %add3A_418 : i32 to index
        %swap3A_433 = arith.constant 16 : index
        %swap3A_434 = tpu.vector_load %arg7[%swap3A_432, %swap3A_433] {strides = array<i32>} : memref<200x64xf32, #tpu.memory_space<vmem>>, vector<1x16xf32>,
        %swap3A_435 = vector.shape_cast %swap3A_434 : vector<1x16xf32> to vector<16xf32>
        %swap3A_436 = vector.shape_cast %get3A_431 : vector<16xf32> to vector<1x16xf32>
        tpu.vector_store %arg7[%swap3A_432, %swap3A_433], %swap3A_436 {strides = array<i32>} : memref<200x64xf32, #tpu.memory_space<vmem>>, vector<1x16xf32>,
        %get3A_437 = arith.index_cast %add3A_418 : i32 to index
        %get3A_438 = arith.constant 32 : index
        %get3A_439 = tpu.vector_load %arg9[%get3A_437, %get3A_438] {strides = array<i32>} : memref<200x64xf32, #tpu.memory_space<vmem>>, vector<1x16xf32>,
        %get3A_440 = vector.shape_cast %get3A_439 : vector<1x16xf32> to vector<16xf32>
        %swap3A_441 = arith.index_cast %add3A_418 : i32 to index
        %swap3A_442 = arith.constant 32 : index
        %swap3A_443 = tpu.vector_load %arg7[%swap3A_441, %swap3A_442] {strides = array<i32>} : memref<200x64xf32, #tpu.memory_space<vmem>>, vector<1x16xf32>,
        %swap3A_444 = vector.shape_cast %swap3A_443 : vector<1x16xf32> to vector<16xf32>
        %swap3A_445 = vector.shape_cast %get3A_440 : vector<16xf32> to vector<1x16xf32>
        tpu.vector_store %arg7[%swap3A_441, %swap3A_442], %swap3A_445 {strides = array<i32>} : memref<200x64xf32, #tpu.memory_space<vmem>>, vector<1x16xf32>,
        %get3A_446 = arith.index_cast %add3A_418 : i32 to index
        %get3A_447 = arith.constant 48 : index
        %get3A_448 = tpu.vector_load %arg9[%get3A_446, %get3A_447] {strides = array<i32>} : memref<200x64xf32, #tpu.memory_space<vmem>>, vector<1x16xf32>,
        %get3A_449 = vector.shape_cast %get3A_448 : vector<1x16xf32> to vector<16xf32>
        %swap3A_450 = arith.index_cast %add3A_418 : i32 to index
        %swap3A_451 = arith.constant 48 : index
        %swap3A_452 = tpu.vector_load %arg7[%swap3A_450, %swap3A_451] {strides = array<i32>} : memref<200x64xf32, #tpu.memory_space<vmem>>, vector<1x16xf32>,
        %swap3A_453 = vector.shape_cast %swap3A_452 : vector<1x16xf32> to vector<16xf32>
        %swap3A_454 = vector.shape_cast %get3A_449 : vector<16xf32> to vector<1x16xf32>
        tpu.vector_store %arg7[%swap3A_450, %swap3A_451], %swap3A_454 {strides = array<i32>} : memref<200x64xf32, #tpu.memory_space<vmem>>, vector<1x16xf32>,
        %mul3A_455 = arith.constant 8 : i32
        %mul3A_456 = arith.muli %scan3A_376, %mul3A_455 : i32
        %add3A_457 = arith.constant 2 : i32
        %add3A_458 = arith.addi %mul3A_456, %add3A_457 : i32
        %get3A_459 = arith.index_cast %add3A_458 : i32 to index
        %get3A_460 = arith.constant 0 : index
        %get3A_461 = tpu.vector_load %arg9[%get3A_459, %get3A_460] {strides = array<i32>} : memref<200x64xf32, #tpu.memory_space<vmem>>, vector<1x16xf32>,
        %get3A_462 = vector.shape_cast %get3A_461 : vector<1x16xf32> to vector<16xf32>
        %swap3A_463 = arith.index_cast %add3A_458 : i32 to index
        %swap3A_464 = arith.constant 0 : index
        %swap3A_465 = tpu.vector_load %arg7[%swap3A_463, %swap3A_464] {strides = array<i32>} : memref<200x64xf32, #tpu.memory_space<vmem>>, vector<1x16xf32>,
        %swap3A_466 = vector.shape_cast %swap3A_465 : vector<1x16xf32> to vector<16xf32>
        %swap3A_467 = vector.shape_cast %get3A_462 : vector<16xf32> to vector<1x16xf32>
        tpu.vector_store %arg7[%swap3A_463, %swap3A_464], %swap3A_467 {strides = array<i32>} : memref<200x64xf32, #tpu.memory_space<vmem>>, vector<1x16xf32>,
        %get3A_468 = arith.index_cast %add3A_458 : i32 to index
        %get3A_469 = arith.constant 16 : index
        %get3A_470 = tpu.vector_load %arg9[%get3A_468, %get3A_469] {strides = array<i32>} : memref<200x64xf32, #tpu.memory_space<vmem>>, vector<1x16xf32>,
        %get3A_471 = vector.shape_cast %get3A_470 : vector<1x16xf32> to vector<16xf32>
        %swap3A_472 = arith.index_cast %add3A_458 : i32 to index
        %swap3A_473 = arith.constant 16 : index
        %swap3A_474 = tpu.vector_load %arg7[%swap3A_472, %swap3A_473] {strides = array<i32>} : memref<200x64xf32, #tpu.memory_space<vmem>>, vector<1x16xf32>,
        %swap3A_475 = vector.shape_cast %swap3A_474 : vector<1x16xf32> to vector<16xf32>
        %swap3A_476 = vector.shape_cast %get3A_471 : vector<16xf32> to vector<1x16xf32>
        tpu.vector_store %arg7[%swap3A_472, %swap3A_473], %swap3A_476 {strides = array<i32>} : memref<200x64xf32, #tpu.memory_space<vmem>>, vector<1x16xf32>,
        %get3A_477 = arith.index_cast %add3A_458 : i32 to index
        %get3A_478 = arith.constant 32 : index
        %get3A_479 = tpu.vector_load %arg9[%get3A_477, %get3A_478] {strides = array<i32>} : memref<200x64xf32, #tpu.memory_space<vmem>>, vector<1x16xf32>,
        %get3A_480 = vector.shape_cast %get3A_479 : vector<1x16xf32> to vector<16xf32>
        %swap3A_481 = arith.index_cast %add3A_458 : i32 to index
        %swap3A_482 = arith.constant 32 : index
        %swap3A_483 = tpu.vector_load %arg7[%swap3A_481, %swap3A_482] {strides = array<i32>} : memref<200x64xf32, #tpu.memory_space<vmem>>, vector<1x16xf32>,
        %swap3A_484 = vector.shape_cast %swap3A_483 : vector<1x16xf32> to vector<16xf32>
        %swap3A_485 = vector.shape_cast %get3A_480 : vector<16xf32> to vector<1x16xf32>
        tpu.vector_store %arg7[%swap3A_481, %swap3A_482], %swap3A_485 {strides = array<i32>} : memref<200x64xf32, #tpu.memory_space<vmem>>, vector<1x16xf32>,
        %get3A_486 = arith.index_cast %add3A_458 : i32 to index
        %get3A_487 = arith.constant 48 : index
        %get3A_488 = tpu.vector_load %arg9[%get3A_486, %get3A_487] {strides = array<i32>} : memref<200x64xf32, #tpu.memory_space<vmem>>, vector<1x16xf32>,
        %get3A_489 = vector.shape_cast %get3A_488 : vector<1x16xf32> to vector<16xf32>
        %swap3A_490 = arith.index_cast %add3A_458 : i32 to index
        %swap3A_491 = arith.constant 48 : index
        %swap3A_492 = tpu.vector_load %arg7[%swap3A_490, %swap3A_491] {strides = array<i32>} : memref<200x64xf32, #tpu.memory_space<vmem>>, vector<1x16xf32>,
        %swap3A_493 = vector.shape_cast %swap3A_492 : vector<1x16xf32> to vector<16xf32>
        %swap3A_494 = vector.shape_cast %get3A_489 : vector<16xf32> to vector<1x16xf32>
        tpu.vector_store %arg7[%swap3A_490, %swap3A_491], %swap3A_494 {strides = array<i32>} : memref<200x64xf32, #tpu.memory_space<vmem>>, vector<1x16xf32>,
        %mul3A_495 = arith.constant 8 : i32
        %mul3A_496 = arith.muli %scan3A_376, %mul3A_495 : i32
        %add3A_497 = arith.constant 3 : i32
        %add3A_498 = arith.addi %mul3A_496, %add3A_497 : i32
        %get3A_499 = arith.index_cast %add3A_498 : i32 to index
        %get3A_500 = arith.constant 0 : index
        %get3A_501 = tpu.vector_load %arg9[%get3A_499, %get3A_500] {strides = array<i32>} : memref<200x64xf32, #tpu.memory_space<vmem>>, vector<1x16xf32>,
        %get3A_502 = vector.shape_cast %get3A_501 : vector<1x16xf32> to vector<16xf32>
        %swap3A_503 = arith.index_cast %add3A_498 : i32 to index
        %swap3A_504 = arith.constant 0 : index
        %swap3A_505 = tpu.vector_load %arg7[%swap3A_503, %swap3A_504] {strides = array<i32>} : memref<200x64xf32, #tpu.memory_space<vmem>>, vector<1x16xf32>,
        %swap3A_506 = vector.shape_cast %swap3A_505 : vector<1x16xf32> to vector<16xf32>
        %swap3A_507 = vector.shape_cast %get3A_502 : vector<16xf32> to vector<1x16xf32>
        tpu.vector_store %arg7[%swap3A_503, %swap3A_504], %swap3A_507 {strides = array<i32>} : memref<200x64xf32, #tpu.memory_space<vmem>>, vector<1x16xf32>,
        %get3A_508 = arith.index_cast %add3A_498 : i32 to index
        %get3A_509 = arith.constant 16 : index
        %get3A_510 = tpu.vector_load %arg9[%get3A_508, %get3A_509] {strides = array<i32>} : memref<200x64xf32, #tpu.memory_space<vmem>>, vector<1x16xf32>,
        %get3A_511 = vector.shape_cast %get3A_510 : vector<1x16xf32> to vector<16xf32>
        %swap3A_512 = arith.index_cast %add3A_498 : i32 to index
        %swap3A_513 = arith.constant 16 : index
        %swap3A_514 = tpu.vector_load %arg7[%swap3A_512, %swap3A_513] {strides = array<i32>} : memref<200x64xf32, #tpu.memory_space<vmem>>, vector<1x16xf32>,
        %swap3A_515 = vector.shape_cast %swap3A_514 : vector<1x16xf32> to vector<16xf32>
        %swap3A_516 = vector.shape_cast %get3A_511 : vector<16xf32> to vector<1x16xf32>
        tpu.vector_store %arg7[%swap3A_512, %swap3A_513], %swap3A_516 {strides = array<i32>} : memref<200x64xf32, #tpu.memory_space<vmem>>, vector<1x16xf32>,
        %get3A_517 = arith.index_cast %add3A_498 : i32 to index
        %get3A_518 = arith.constant 32 : index
        %get3A_519 = tpu.vector_load %arg9[%get3A_517, %get3A_518] {strides = array<i32>} : memref<200x64xf32, #tpu.memory_space<vmem>>, vector<1x16xf32>,
        %get3A_520 = vector.shape_cast %get3A_519 : vector<1x16xf32> to vector<16xf32>
        %swap3A_521 = arith.index_cast %add3A_498 : i32 to index
        %swap3A_522 = arith.constant 32 : index
        %swap3A_523 = tpu.vector_load %arg7[%swap3A_521, %swap3A_522] {strides = array<i32>} : memref<200x64xf32, #tpu.memory_space<vmem>>, vector<1x16xf32>,
        %swap3A_524 = vector.shape_cast %swap3A_523 : vector<1x16xf32> to vector<16xf32>
        %swap3A_525 = vector.shape_cast %get3A_520 : vector<16xf32> to vector<1x16xf32>
        tpu.vector_store %arg7[%swap3A_521, %swap3A_522], %swap3A_525 {strides = array<i32>} : memref<200x64xf32, #tpu.memory_space<vmem>>, vector<1x16xf32>,
        %get3A_526 = arith.index_cast %add3A_498 : i32 to index
        %get3A_527 = arith.constant 48 : index
        %get3A_528 = tpu.vector_load %arg9[%get3A_526, %get3A_527] {strides = array<i32>} : memref<200x64xf32, #tpu.memory_space<vmem>>, vector<1x16xf32>,
        %get3A_529 = vector.shape_cast %get3A_528 : vector<1x16xf32> to vector<16xf32>
        %swap3A_530 = arith.index_cast %add3A_498 : i32 to index
        %swap3A_531 = arith.constant 48 : index
        %swap3A_532 = tpu.vector_load %arg7[%swap3A_530, %swap3A_531] {strides = array<i32>} : memref<200x64xf32, #tpu.memory_space<vmem>>, vector<1x16xf32>,
        %swap3A_533 = vector.shape_cast %swap3A_532 : vector<1x16xf32> to vector<16xf32>
        %swap3A_534 = vector.shape_cast %get3A_529 : vector<16xf32> to vector<1x16xf32>
        tpu.vector_store %arg7[%swap3A_530, %swap3A_531], %swap3A_534 {strides = array<i32>} : memref<200x64xf32, #tpu.memory_space<vmem>>, vector<1x16xf32>,
        %mul3A_535 = arith.constant 8 : i32
        %mul3A_536 = arith.muli %scan3A_376, %mul3A_535 : i32
        %add3A_537 = arith.constant 4 : i32
        %add3A_538 = arith.addi %mul3A_536, %add3A_537 : i32
        %get3A_539 = arith.index_cast %add3A_538 : i32 to index
        %get3A_540 = arith.constant 0 : index
        %get3A_541 = tpu.vector_load %arg9[%get3A_539, %get3A_540] {strides = array<i32>} : memref<200x64xf32, #tpu.memory_space<vmem>>, vector<1x16xf32>,
        %get3A_542 = vector.shape_cast %get3A_541 : vector<1x16xf32> to vector<16xf32>
        %swap3A_543 = arith.index_cast %add3A_538 : i32 to index
        %swap3A_544 = arith.constant 0 : index
        %swap3A_545 = tpu.vector_load %arg7[%swap3A_543, %swap3A_544] {strides = array<i32>} : memref<200x64xf32, #tpu.memory_space<vmem>>, vector<1x16xf32>,
        %swap3A_546 = vector.shape_cast %swap3A_545 : vector<1x16xf32> to vector<16xf32>
        %swap3A_547 = vector.shape_cast %get3A_542 : vector<16xf32> to vector<1x16xf32>
        tpu.vector_store %arg7[%swap3A_543, %swap3A_544], %swap3A_547 {strides = array<i32>} : memref<200x64xf32, #tpu.memory_space<vmem>>, vector<1x16xf32>,
        %get3A_548 = arith.index_cast %add3A_538 : i32 to index
        %get3A_549 = arith.constant 16 : index
        %get3A_550 = tpu.vector_load %arg9[%get3A_548, %get3A_549] {strides = array<i32>} : memref<200x64xf32, #tpu.memory_space<vmem>>, vector<1x16xf32>,
        %get3A_551 = vector.shape_cast %get3A_550 : vector<1x16xf32> to vector<16xf32>
        %swap3A_552 = arith.index_cast %add3A_538 : i32 to index
        %swap3A_553 = arith.constant 16 : index
        %swap3A_554 = tpu.vector_load %arg7[%swap3A_552, %swap3A_553] {strides = array<i32>} : memref<200x64xf32, #tpu.memory_space<vmem>>, vector<1x16xf32>,
        %swap3A_555 = vector.shape_cast %swap3A_554 : vector<1x16xf32> to vector<16xf32>
        %swap3A_556 = vector.shape_cast %get3A_551 : vector<16xf32> to vector<1x16xf32>
        tpu.vector_store %arg7[%swap3A_552, %swap3A_553], %swap3A_556 {strides = array<i32>} : memref<200x64xf32, #tpu.memory_space<vmem>>, vector<1x16xf32>,
        %get3A_557 = arith.index_cast %add3A_538 : i32 to index
        %get3A_558 = arith.constant 32 : index
        %get3A_559 = tpu.vector_load %arg9[%get3A_557, %get3A_558] {strides = array<i32>} : memref<200x64xf32, #tpu.memory_space<vmem>>, vector<1x16xf32>,
        %get3A_560 = vector.shape_cast %get3A_559 : vector<1x16xf32> to vector<16xf32>
        %swap3A_561 = arith.index_cast %add3A_538 : i32 to index
        %swap3A_562 = arith.constant 32 : index
        %swap3A_563 = tpu.vector_load %arg7[%swap3A_561, %swap3A_562] {strides = array<i32>} : memref<200x64xf32, #tpu.memory_space<vmem>>, vector<1x16xf32>,
        %swap3A_564 = vector.shape_cast %swap3A_563 : vector<1x16xf32> to vector<16xf32>
        %swap3A_565 = vector.shape_cast %get3A_560 : vector<16xf32> to vector<1x16xf32>
        tpu.vector_store %arg7[%swap3A_561, %swap3A_562], %swap3A_565 {strides = array<i32>} : memref<200x64xf32, #tpu.memory_space<vmem>>, vector<1x16xf32>,
        %get3A_566 = arith.index_cast %add3A_538 : i32 to index
        %get3A_567 = arith.constant 48 : index
        %get3A_568 = tpu.vector_load %arg9[%get3A_566, %get3A_567] {strides = array<i32>} : memref<200x64xf32, #tpu.memory_space<vmem>>, vector<1x16xf32>,
        %get3A_569 = vector.shape_cast %get3A_568 : vector<1x16xf32> to vector<16xf32>
        %swap3A_570 = arith.index_cast %add3A_538 : i32 to index
        %swap3A_571 = arith.constant 48 : index
        %swap3A_572 = tpu.vector_load %arg7[%swap3A_570, %swap3A_571] {strides = array<i32>} : memref<200x64xf32, #tpu.memory_space<vmem>>, vector<1x16xf32>,
        %swap3A_573 = vector.shape_cast %swap3A_572 : vector<1x16xf32> to vector<16xf32>
        %swap3A_574 = vector.shape_cast %get3A_569 : vector<16xf32> to vector<1x16xf32>
        tpu.vector_store %arg7[%swap3A_570, %swap3A_571], %swap3A_574 {strides = array<i32>} : memref<200x64xf32, #tpu.memory_space<vmem>>, vector<1x16xf32>,
        %mul3A_575 = arith.constant 8 : i32
        %mul3A_576 = arith.muli %scan3A_376, %mul3A_575 : i32
        %add3A_577 = arith.constant 5 : i32
        %add3A_578 = arith.addi %mul3A_576, %add3A_577 : i32
        %get3A_579 = arith.index_cast %add3A_578 : i32 to index
        %get3A_580 = arith.constant 0 : index
        %get3A_581 = tpu.vector_load %arg9[%get3A_579, %get3A_580] {strides = array<i32>} : memref<200x64xf32, #tpu.memory_space<vmem>>, vector<1x16xf32>,
        %get3A_582 = vector.shape_cast %get3A_581 : vector<1x16xf32> to vector<16xf32>
        %swap3A_583 = arith.index_cast %add3A_578 : i32 to index
        %swap3A_584 = arith.constant 0 : index
        %swap3A_585 = tpu.vector_load %arg7[%swap3A_583, %swap3A_584] {strides = array<i32>} : memref<200x64xf32, #tpu.memory_space<vmem>>, vector<1x16xf32>,
        %swap3A_586 = vector.shape_cast %swap3A_585 : vector<1x16xf32> to vector<16xf32>
        %swap3A_587 = vector.shape_cast %get3A_582 : vector<16xf32> to vector<1x16xf32>
        tpu.vector_store %arg7[%swap3A_583, %swap3A_584], %swap3A_587 {strides = array<i32>} : memref<200x64xf32, #tpu.memory_space<vmem>>, vector<1x16xf32>,
        %get3A_588 = arith.index_cast %add3A_578 : i32 to index
        %get3A_589 = arith.constant 16 : index
        %get3A_590 = tpu.vector_load %arg9[%get3A_588, %get3A_589] {strides = array<i32>} : memref<200x64xf32, #tpu.memory_space<vmem>>, vector<1x16xf32>,
        %get3A_591 = vector.shape_cast %get3A_590 : vector<1x16xf32> to vector<16xf32>
        %swap3A_592 = arith.index_cast %add3A_578 : i32 to index
        %swap3A_593 = arith.constant 16 : index
        %swap3A_594 = tpu.vector_load %arg7[%swap3A_592, %swap3A_593] {strides = array<i32>} : memref<200x64xf32, #tpu.memory_space<vmem>>, vector<1x16xf32>,
        %swap3A_595 = vector.shape_cast %swap3A_594 : vector<1x16xf32> to vector<16xf32>
        %swap3A_596 = vector.shape_cast %get3A_591 : vector<16xf32> to vector<1x16xf32>
        tpu.vector_store %arg7[%swap3A_592, %swap3A_593], %swap3A_596 {strides = array<i32>} : memref<200x64xf32, #tpu.memory_space<vmem>>, vector<1x16xf32>,
        %get3A_597 = arith.index_cast %add3A_578 : i32 to index
        %get3A_598 = arith.constant 32 : index
        %get3A_599 = tpu.vector_load %arg9[%get3A_597, %get3A_598] {strides = array<i32>} : memref<200x64xf32, #tpu.memory_space<vmem>>, vector<1x16xf32>,
        %get3A_600 = vector.shape_cast %get3A_599 : vector<1x16xf32> to vector<16xf32>
        %swap3A_601 = arith.index_cast %add3A_578 : i32 to index
        %swap3A_602 = arith.constant 32 : index
        %swap3A_603 = tpu.vector_load %arg7[%swap3A_601, %swap3A_602] {strides = array<i32>} : memref<200x64xf32, #tpu.memory_space<vmem>>, vector<1x16xf32>,
        %swap3A_604 = vector.shape_cast %swap3A_603 : vector<1x16xf32> to vector<16xf32>
        %swap3A_605 = vector.shape_cast %get3A_600 : vector<16xf32> to vector<1x16xf32>
        tpu.vector_store %arg7[%swap3A_601, %swap3A_602], %swap3A_605 {strides = array<i32>} : memref<200x64xf32, #tpu.memory_space<vmem>>, vector<1x16xf32>,
        %get3A_606 = arith.index_cast %add3A_578 : i32 to index
        %get3A_607 = arith.constant 48 : index
        %get3A_608 = tpu.vector_load %arg9[%get3A_606, %get3A_607] {strides = array<i32>} : memref<200x64xf32, #tpu.memory_space<vmem>>, vector<1x16xf32>,
        %get3A_609 = vector.shape_cast %get3A_608 : vector<1x16xf32> to vector<16xf32>
        %swap3A_610 = arith.index_cast %add3A_578 : i32 to index
        %swap3A_611 = arith.constant 48 : index
        %swap3A_612 = tpu.vector_load %arg7[%swap3A_610, %swap3A_611] {strides = array<i32>} : memref<200x64xf32, #tpu.memory_space<vmem>>, vector<1x16xf32>,
        %swap3A_613 = vector.shape_cast %swap3A_612 : vector<1x16xf32> to vector<16xf32>
        %swap3A_614 = vector.shape_cast %get3A_609 : vector<16xf32> to vector<1x16xf32>
        tpu.vector_store %arg7[%swap3A_610, %swap3A_611], %swap3A_614 {strides = array<i32>} : memref<200x64xf32, #tpu.memory_space<vmem>>, vector<1x16xf32>,
        %mul3A_615 = arith.constant 8 : i32
        %mul3A_616 = arith.muli %scan3A_376, %mul3A_615 : i32
        %add3A_617 = arith.constant 6 : i32
        %add3A_618 = arith.addi %mul3A_616, %add3A_617 : i32
        %get3A_619 = arith.index_cast %add3A_618 : i32 to index
        %get3A_620 = arith.constant 0 : index
        %get3A_621 = tpu.vector_load %arg9[%get3A_619, %get3A_620] {strides = array<i32>} : memref<200x64xf32, #tpu.memory_space<vmem>>, vector<1x16xf32>,
        %get3A_622 = vector.shape_cast %get3A_621 : vector<1x16xf32> to vector<16xf32>
        %swap3A_623 = arith.index_cast %add3A_618 : i32 to index
        %swap3A_624 = arith.constant 0 : index
        %swap3A_625 = tpu.vector_load %arg7[%swap3A_623, %swap3A_624] {strides = array<i32>} : memref<200x64xf32, #tpu.memory_space<vmem>>, vector<1x16xf32>,
        %swap3A_626 = vector.shape_cast %swap3A_625 : vector<1x16xf32> to vector<16xf32>
        %swap3A_627 = vector.shape_cast %get3A_622 : vector<16xf32> to vector<1x16xf32>
        tpu.vector_store %arg7[%swap3A_623, %swap3A_624], %swap3A_627 {strides = array<i32>} : memref<200x64xf32, #tpu.memory_space<vmem>>, vector<1x16xf32>,
        %get3A_628 = arith.index_cast %add3A_618 : i32 to index
        %get3A_629 = arith.constant 16 : index
        %get3A_630 = tpu.vector_load %arg9[%get3A_628, %get3A_629] {strides = array<i32>} : memref<200x64xf32, #tpu.memory_space<vmem>>, vector<1x16xf32>,
        %get3A_631 = vector.shape_cast %get3A_630 : vector<1x16xf32> to vector<16xf32>
        %swap3A_632 = arith.index_cast %add3A_618 : i32 to index
        %swap3A_633 = arith.constant 16 : index
        %swap3A_634 = tpu.vector_load %arg7[%swap3A_632, %swap3A_633] {strides = array<i32>} : memref<200x64xf32, #tpu.memory_space<vmem>>, vector<1x16xf32>,
        %swap3A_635 = vector.shape_cast %swap3A_634 : vector<1x16xf32> to vector<16xf32>
        %swap3A_636 = vector.shape_cast %get3A_631 : vector<16xf32> to vector<1x16xf32>
        tpu.vector_store %arg7[%swap3A_632, %swap3A_633], %swap3A_636 {strides = array<i32>} : memref<200x64xf32, #tpu.memory_space<vmem>>, vector<1x16xf32>,
        %get3A_637 = arith.index_cast %add3A_618 : i32 to index
        %get3A_638 = arith.constant 32 : index
        %get3A_639 = tpu.vector_load %arg9[%get3A_637, %get3A_638] {strides = array<i32>} : memref<200x64xf32, #tpu.memory_space<vmem>>, vector<1x16xf32>,
        %get3A_640 = vector.shape_cast %get3A_639 : vector<1x16xf32> to vector<16xf32>
        %swap3A_641 = arith.index_cast %add3A_618 : i32 to index
        %swap3A_642 = arith.constant 32 : index
        %swap3A_643 = tpu.vector_load %arg7[%swap3A_641, %swap3A_642] {strides = array<i32>} : memref<200x64xf32, #tpu.memory_space<vmem>>, vector<1x16xf32>,
        %swap3A_644 = vector.shape_cast %swap3A_643 : vector<1x16xf32> to vector<16xf32>
        %swap3A_645 = vector.shape_cast %get3A_640 : vector<16xf32> to vector<1x16xf32>
        tpu.vector_store %arg7[%swap3A_641, %swap3A_642], %swap3A_645 {strides = array<i32>} : memref<200x64xf32, #tpu.memory_space<vmem>>, vector<1x16xf32>,
        %get3A_646 = arith.index_cast %add3A_618 : i32 to index
        %get3A_647 = arith.constant 48 : index
        %get3A_648 = tpu.vector_load %arg9[%get3A_646, %get3A_647] {strides = array<i32>} : memref<200x64xf32, #tpu.memory_space<vmem>>, vector<1x16xf32>,
        %get3A_649 = vector.shape_cast %get3A_648 : vector<1x16xf32> to vector<16xf32>
        %swap3A_650 = arith.index_cast %add3A_618 : i32 to index
        %swap3A_651 = arith.constant 48 : index
        %swap3A_652 = tpu.vector_load %arg7[%swap3A_650, %swap3A_651] {strides = array<i32>} : memref<200x64xf32, #tpu.memory_space<vmem>>, vector<1x16xf32>,
        %swap3A_653 = vector.shape_cast %swap3A_652 : vector<1x16xf32> to vector<16xf32>
        %swap3A_654 = vector.shape_cast %get3A_649 : vector<16xf32> to vector<1x16xf32>
        tpu.vector_store %arg7[%swap3A_650, %swap3A_651], %swap3A_654 {strides = array<i32>} : memref<200x64xf32, #tpu.memory_space<vmem>>, vector<1x16xf32>,
        %mul3A_655 = arith.constant 8 : i32
        %mul3A_656 = arith.muli %scan3A_376, %mul3A_655 : i32
        %add3A_657 = arith.constant 7 : i32
        %add3A_658 = arith.addi %mul3A_656, %add3A_657 : i32
        %get3A_659 = arith.index_cast %add3A_658 : i32 to index
        %get3A_660 = arith.constant 0 : index
        %get3A_661 = tpu.vector_load %arg9[%get3A_659, %get3A_660] {strides = array<i32>} : memref<200x64xf32, #tpu.memory_space<vmem>>, vector<1x16xf32>,
        %get3A_662 = vector.shape_cast %get3A_661 : vector<1x16xf32> to vector<16xf32>
        %swap3A_663 = arith.index_cast %add3A_658 : i32 to index
        %swap3A_664 = arith.constant 0 : index
        %swap3A_665 = tpu.vector_load %arg7[%swap3A_663, %swap3A_664] {strides = array<i32>} : memref<200x64xf32, #tpu.memory_space<vmem>>, vector<1x16xf32>,
        %swap3A_666 = vector.shape_cast %swap3A_665 : vector<1x16xf32> to vector<16xf32>
        %swap3A_667 = vector.shape_cast %get3A_662 : vector<16xf32> to vector<1x16xf32>
        tpu.vector_store %arg7[%swap3A_663, %swap3A_664], %swap3A_667 {strides = array<i32>} : memref<200x64xf32, #tpu.memory_space<vmem>>, vector<1x16xf32>,
        %get3A_668 = arith.index_cast %add3A_658 : i32 to index
        %get3A_669 = arith.constant 16 : index
        %get3A_670 = tpu.vector_load %arg9[%get3A_668, %get3A_669] {strides = array<i32>} : memref<200x64xf32, #tpu.memory_space<vmem>>, vector<1x16xf32>,
        %get3A_671 = vector.shape_cast %get3A_670 : vector<1x16xf32> to vector<16xf32>
        %swap3A_672 = arith.index_cast %add3A_658 : i32 to index
        %swap3A_673 = arith.constant 16 : index
        %swap3A_674 = tpu.vector_load %arg7[%swap3A_672, %swap3A_673] {strides = array<i32>} : memref<200x64xf32, #tpu.memory_space<vmem>>, vector<1x16xf32>,
        %swap3A_675 = vector.shape_cast %swap3A_674 : vector<1x16xf32> to vector<16xf32>
        %swap3A_676 = vector.shape_cast %get3A_671 : vector<16xf32> to vector<1x16xf32>
        tpu.vector_store %arg7[%swap3A_672, %swap3A_673], %swap3A_676 {strides = array<i32>} : memref<200x64xf32, #tpu.memory_space<vmem>>, vector<1x16xf32>,
        %get3A_677 = arith.index_cast %add3A_658 : i32 to index
        %get3A_678 = arith.constant 32 : index
        %get3A_679 = tpu.vector_load %arg9[%get3A_677, %get3A_678] {strides = array<i32>} : memref<200x64xf32, #tpu.memory_space<vmem>>, vector<1x16xf32>,
        %get3A_680 = vector.shape_cast %get3A_679 : vector<1x16xf32> to vector<16xf32>
        %swap3A_681 = arith.index_cast %add3A_658 : i32 to index
        %swap3A_682 = arith.constant 32 : index
        %swap3A_683 = tpu.vector_load %arg7[%swap3A_681, %swap3A_682] {strides = array<i32>} : memref<200x64xf32, #tpu.memory_space<vmem>>, vector<1x16xf32>,
        %swap3A_684 = vector.shape_cast %swap3A_683 : vector<1x16xf32> to vector<16xf32>
        %swap3A_685 = vector.shape_cast %get3A_680 : vector<16xf32> to vector<1x16xf32>
        tpu.vector_store %arg7[%swap3A_681, %swap3A_682], %swap3A_685 {strides = array<i32>} : memref<200x64xf32, #tpu.memory_space<vmem>>, vector<1x16xf32>,
        %get3A_686 = arith.index_cast %add3A_658 : i32 to index
        %get3A_687 = arith.constant 48 : index
        %get3A_688 = tpu.vector_load %arg9[%get3A_686, %get3A_687] {strides = array<i32>} : memref<200x64xf32, #tpu.memory_space<vmem>>, vector<1x16xf32>,
        %get3A_689 = vector.shape_cast %get3A_688 : vector<1x16xf32> to vector<16xf32>
        %swap3A_690 = arith.index_cast %add3A_658 : i32 to index
        %swap3A_691 = arith.constant 48 : index
        %swap3A_692 = tpu.vector_load %arg7[%swap3A_690, %swap3A_691] {strides = array<i32>} : memref<200x64xf32, #tpu.memory_space<vmem>>, vector<1x16xf32>,
        %swap3A_693 = vector.shape_cast %swap3A_692 : vector<1x16xf32> to vector<16xf32>
        %swap3A_694 = vector.shape_cast %get3A_689 : vector<16xf32> to vector<1x16xf32>
        tpu.vector_store %arg7[%swap3A_690, %swap3A_691], %swap3A_694 {strides = array<i32>} : memref<200x64xf32, #tpu.memory_space<vmem>>, vector<1x16xf32>,
      }
      %scan3A_264 = arith.constant 25 : i32
      %dma_start3A_265 = arith.constant 0 : i32
      %dma_start3A_266 = arith.constant 0 : i32
      %dma_start3A_267 = tpu.memref_slice %arg7[%dma_start3A_265, %dma_start3A_266] : memref<200x64xf32, #tpu.memory_space<vmem>> -> memref<128x64xf32, #tpu.memory_space<vmem>>
      %dma_start3A_268 = arith.constant 0 : i32
      %dma_start3A_269 = tpu.memref_slice %arg6[%add3A_252, %dma_start3A_268] : memref<128x200xi32, #tpu.memory_space<vmem>> -> memref<1x128xi32, #tpu.memory_space<vmem>>
      %dma_start3A_270 = tpu.memref_squeeze %dma_start3A_269 : memref<1x128xi32, #tpu.memory_space<vmem>> -> memref<128xi32, #tpu.memory_space<vmem>>
      %dma_start3A_271 = arith.constant 0 : i32
      %dma_start3A_272 = arith.constant 0 : i32
      %dma_start3A_273 = tpu.memref_slice %arg3[%dma_start3A_271, %dma_start3A_272] : memref<100000x64xf32, #tpu.memory_space<hbm>> -> memref<100000x64xf32, #tpu.memory_space<hbm>>
      tpu.enqueue_indirect_dma source(%dma_start3A_273 : memref<100000x64xf32, #tpu.memory_space<hbm>>) target(%dma_start3A_267 : memref<128x64xf32, #tpu.memory_space<vmem>>) offsets(%dma_start3A_270 : memref<128xi32, #tpu.memory_space<vmem>>) semaphore(%arg10 : memref<!tpu.dma_semaphore, #tpu.memory_space<semaphore_mem>>) {add = true}
      %dma_start3A_274 = arith.constant 128 : i32
      %dma_start3A_275 = arith.constant 0 : i32
      %dma_start3A_276 = tpu.memref_slice %arg7[%dma_start3A_274, %dma_start3A_275] : memref<200x64xf32, #tpu.memory_space<vmem>> -> memref<72x64xf32, #tpu.memory_space<vmem>>
      %dma_start3A_277 = arith.constant 128 : i32
      %dma_start3A_278 = tpu.memref_slice %arg6[%add3A_252, %dma_start3A_277] : memref<128x200xi32, #tpu.memory_space<vmem>> -> memref<1x72xi32, #tpu.memory_space<vmem>>
      %dma_start3A_279 = tpu.memref_squeeze %dma_start3A_278 : memref<1x72xi32, #tpu.memory_space<vmem>> -> memref<72xi32, #tpu.memory_space<vmem>>
      %dma_start3A_280 = arith.constant 0 : i32
      %dma_start3A_281 = arith.constant 0 : i32
      %dma_start3A_282 = tpu.memref_slice %arg3[%dma_start3A_280, %dma_start3A_281] : memref<100000x64xf32, #tpu.memory_space<hbm>> -> memref<100000x64xf32, #tpu.memory_space<hbm>>
      tpu.enqueue_indirect_dma source(%dma_start3A_282 : memref<100000x64xf32, #tpu.memory_space<hbm>>) target(%dma_start3A_276 : memref<72x64xf32, #tpu.memory_space<vmem>>) offsets(%dma_start3A_279 : memref<72xi32, #tpu.memory_space<vmem>>) semaphore(%arg10 : memref<!tpu.dma_semaphore, #tpu.memory_space<semaphore_mem>>) {add = true}
      %sub3A = arith.constant 1 : i32
      %sub3A_283 = arith.subi %add3A_252, %sub3A : i32
      %dma_wait3A_284 = arith.constant 0 : i32
      %dma_wait3A_285 = arith.constant 0 : i32
      %dma_wait3A_286 = tpu.memref_slice %arg8[%dma_wait3A_284, %dma_wait3A_285] : memref<200x64xf32, #tpu.memory_space<vmem>> -> memref<128x64xf32, #tpu.memory_space<vmem>>
      %dma_wait3A_287 = arith.constant 0 : i32
      %dma_wait3A_288 = tpu.memref_slice %arg6[%sub3A_283, %dma_wait3A_287] : memref<128x200xi32, #tpu.memory_space<vmem>> -> memref<1x128xi32, #tpu.memory_space<vmem>>
      %dma_wait3A_289 = tpu.memref_squeeze %dma_wait3A_288 : memref<1x128xi32, #tpu.memory_space<vmem>> -> memref<128xi32, #tpu.memory_space<vmem>>
      %dma_wait3A_290 = arith.constant 0 : i32
      %dma_wait3A_291 = arith.constant 0 : i32
      %dma_wait3A_292 = tpu.memref_slice %arg3[%dma_wait3A_290, %dma_wait3A_291] : memref<100000x64xf32, #tpu.memory_space<hbm>> -> memref<100000x64xf32, #tpu.memory_space<hbm>>
      tpu.wait_indirect_dma semaphore(%arg11 : memref<!tpu.dma_semaphore, #tpu.memory_space<semaphore_mem>>) src(%dma_wait3A_292 : memref<100000x64xf32, #tpu.memory_space<hbm>>) dst(%dma_wait3A_286 : memref<128x64xf32, #tpu.memory_space<vmem>>)
      %dma_wait3A_293 = arith.constant 128 : i32
      %dma_wait3A_294 = arith.constant 0 : i32
      %dma_wait3A_295 = tpu.memref_slice %arg8[%dma_wait3A_293, %dma_wait3A_294] : memref<200x64xf32, #tpu.memory_space<vmem>> -> memref<72x64xf32, #tpu.memory_space<vmem>>
      %dma_wait3A_296 = arith.constant 128 : i32
      %dma_wait3A_297 = tpu.memref_slice %arg6[%sub3A_283, %dma_wait3A_296] : memref<128x200xi32, #tpu.memory_space<vmem>> -> memref<1x72xi32, #tpu.memory_space<vmem>>
      %dma_wait3A_298 = tpu.memref_squeeze %dma_wait3A_297 : memref<1x72xi32, #tpu.memory_space<vmem>> -> memref<72xi32, #tpu.memory_space<vmem>>
      %dma_wait3A_299 = arith.constant 0 : i32
      %dma_wait3A_300 = arith.constant 0 : i32
      %dma_wait3A_301 = tpu.memref_slice %arg3[%dma_wait3A_299, %dma_wait3A_300] : memref<100000x64xf32, #tpu.memory_space<hbm>> -> memref<100000x64xf32, #tpu.memory_space<hbm>>
      tpu.wait_indirect_dma semaphore(%arg11 : memref<!tpu.dma_semaphore, #tpu.memory_space<semaphore_mem>>) src(%dma_wait3A_301 : memref<100000x64xf32, #tpu.memory_space<hbm>>) dst(%dma_wait3A_295 : memref<72x64xf32, #tpu.memory_space<vmem>>)
      %sub3A_302 = arith.constant 1 : i32
      %sub3A_303 = arith.subi %add3A_252, %sub3A_302 : i32
      %add3A_304 = arith.addi %mul3A_2, %sub3A_303 : i32
      %mul3A_305 = arith.constant 200 : i32
      %mul3A_306 = arith.muli %add3A_304, %mul3A_305 : i32
      %dma_start3A_307 = arith.constant 0 : i32
      %dma_start3A_308 = tpu.memref_slice %arg5[%mul3A_306, %dma_start3A_307] : memref<819200x64xf32, #tpu.memory_space<hbm>> -> memref<200x64xf32, #tpu.memory_space<hbm>>
      %dma_start3A_309 = arith.constant 0 : i32
      %dma_start3A_310 = tpu.memref_slice %arg5[%mul3A_306, %dma_start3A_309] : memref<819200x64xf32, #tpu.memory_space<hbm>> -> memref<200x64xf32, #tpu.memory_space<hbm>>
      tpu.enqueue_dma source(%arg8 : memref<200x64xf32, #tpu.memory_space<vmem>>) target(%dma_start3A_310 : memref<200x64xf32, #tpu.memory_space<hbm>>) target_semaphore(%arg13 : memref<!tpu.dma_semaphore, #tpu.memory_space<semaphore_mem>>)
      %mul3A_311 = arith.constant 2 : i32
      %mul3A_312 = arith.muli %mul3A_311, %scan3A_246 : i32
      %add3A_313 = arith.constant 2 : i32
      %add3A_314 = arith.addi %mul3A_312, %add3A_313 : i32
      %add3A_315 = arith.constant 1 : i32
      %add3A_316 = arith.addi %add3A_314, %add3A_315 : i32
      %mul3A_317 = arith.constant 200 : i32
      %mul3A_318 = arith.muli %mul3A_2, %mul3A_317 : i32
      %dma_wait3A_319 = arith.constant 0 : i32
      %dma_wait3A_320 = tpu.memref_slice %arg5[%mul3A_318, %dma_wait3A_319] : memref<819200x64xf32, #tpu.memory_space<hbm>> -> memref<200x64xf32, #tpu.memory_space<hbm>>
      %dma_wait3A_321 = arith.constant 0 : i32
      %dma_wait3A_322 = tpu.memref_slice %arg5[%mul3A_318, %dma_wait3A_321] : memref<819200x64xf32, #tpu.memory_space<hbm>> -> memref<200x64xf32, #tpu.memory_space<hbm>>
      tpu.wait_dma2 semaphore(%arg13 : memref<!tpu.dma_semaphore, #tpu.memory_space<semaphore_mem>>) src(%arg8 : memref<200x64xf32, #tpu.memory_space<vmem>>) dst(%dma_wait3A_322 : memref<200x64xf32, #tpu.memory_space<hbm>>)
      %scan3A_323 = arith.constant 0 : i32
      %scan3A_324 = arith.constant 0 : i32
      %scan3A_325 = arith.constant 25 : i32
      %scan3A_326 = arith.addi %scan3A_324, %scan3A_325 : i32
      %scan3A_327 = arith.constant 1 : i32
      scf.for %scan3A_376 = %scan3A_324 to %scan3A_326 step %scan3A_327  : i32 {
        %mul3A_377 = arith.constant 8 : i32
        %mul3A_378 = arith.muli %scan3A_376, %mul3A_377 : i32
        %add3A_379 = arith.constant 0 : i32
        %add3A_380 = arith.addi %mul3A_378, %add3A_379 : i32
        %get3A = arith.index_cast %add3A_380 : i32 to index
        %get3A_381 = arith.constant 0 : index
        %get3A_382 = tpu.vector_load %arg9[%get3A, %get3A_381] {strides = array<i32>} : memref<200x64xf32, #tpu.memory_space<vmem>>, vector<1x16xf32>,
        %get3A_383 = vector.shape_cast %get3A_382 : vector<1x16xf32> to vector<16xf32>
        %swap3A = arith.index_cast %add3A_380 : i32 to index
        %swap3A_384 = arith.constant 0 : index
        %swap3A_385 = tpu.vector_load %arg8[%swap3A, %swap3A_384] {strides = array<i32>} : memref<200x64xf32, #tpu.memory_space<vmem>>, vector<1x16xf32>,
        %swap3A_386 = vector.shape_cast %swap3A_385 : vector<1x16xf32> to vector<16xf32>
        %swap3A_387 = vector.shape_cast %get3A_383 : vector<16xf32> to vector<1x16xf32>
        tpu.vector_store %arg8[%swap3A, %swap3A_384], %swap3A_387 {strides = array<i32>} : memref<200x64xf32, #tpu.memory_space<vmem>>, vector<1x16xf32>,
        %get3A_388 = arith.index_cast %add3A_380 : i32 to index
        %get3A_389 = arith.constant 16 : index
        %get3A_390 = tpu.vector_load %arg9[%get3A_388, %get3A_389] {strides = array<i32>} : memref<200x64xf32, #tpu.memory_space<vmem>>, vector<1x16xf32>,
        %get3A_391 = vector.shape_cast %get3A_390 : vector<1x16xf32> to vector<16xf32>
        %swap3A_392 = arith.index_cast %add3A_380 : i32 to index
        %swap3A_393 = arith.constant 16 : index
        %swap3A_394 = tpu.vector_load %arg8[%swap3A_392, %swap3A_393] {strides = array<i32>} : memref<200x64xf32, #tpu.memory_space<vmem>>, vector<1x16xf32>,
        %swap3A_395 = vector.shape_cast %swap3A_394 : vector<1x16xf32> to vector<16xf32>
        %swap3A_396 = vector.shape_cast %get3A_391 : vector<16xf32> to vector<1x16xf32>
        tpu.vector_store %arg8[%swap3A_392, %swap3A_393], %swap3A_396 {strides = array<i32>} : memref<200x64xf32, #tpu.memory_space<vmem>>, vector<1x16xf32>,
        %get3A_397 = arith.index_cast %add3A_380 : i32 to index
        %get3A_398 = arith.constant 32 : index
        %get3A_399 = tpu.vector_load %arg9[%get3A_397, %get3A_398] {strides = array<i32>} : memref<200x64xf32, #tpu.memory_space<vmem>>, vector<1x16xf32>,
        %get3A_400 = vector.shape_cast %get3A_399 : vector<1x16xf32> to vector<16xf32>
        %swap3A_401 = arith.index_cast %add3A_380 : i32 to index
        %swap3A_402 = arith.constant 32 : index
        %swap3A_403 = tpu.vector_load %arg8[%swap3A_401, %swap3A_402] {strides = array<i32>} : memref<200x64xf32, #tpu.memory_space<vmem>>, vector<1x16xf32>,
        %swap3A_404 = vector.shape_cast %swap3A_403 : vector<1x16xf32> to vector<16xf32>
        %swap3A_405 = vector.shape_cast %get3A_400 : vector<16xf32> to vector<1x16xf32>
        tpu.vector_store %arg8[%swap3A_401, %swap3A_402], %swap3A_405 {strides = array<i32>} : memref<200x64xf32, #tpu.memory_space<vmem>>, vector<1x16xf32>,
        %get3A_406 = arith.index_cast %add3A_380 : i32 to index
        %get3A_407 = arith.constant 48 : index
        %get3A_408 = tpu.vector_load %arg9[%get3A_406, %get3A_407] {strides = array<i32>} : memref<200x64xf32, #tpu.memory_space<vmem>>, vector<1x16xf32>,
        %get3A_409 = vector.shape_cast %get3A_408 : vector<1x16xf32> to vector<16xf32>
        %swap3A_410 = arith.index_cast %add3A_380 : i32 to index
        %swap3A_411 = arith.constant 48 : index
        %swap3A_412 = tpu.vector_load %arg8[%swap3A_410, %swap3A_411] {strides = array<i32>} : memref<200x64xf32, #tpu.memory_space<vmem>>, vector<1x16xf32>,
        %swap3A_413 = vector.shape_cast %swap3A_412 : vector<1x16xf32> to vector<16xf32>
        %swap3A_414 = vector.shape_cast %get3A_409 : vector<16xf32> to vector<1x16xf32>
        tpu.vector_store %arg8[%swap3A_410, %swap3A_411], %swap3A_414 {strides = array<i32>} : memref<200x64xf32, #tpu.memory_space<vmem>>, vector<1x16xf32>,
        %mul3A_415 = arith.constant 8 : i32
        %mul3A_416 = arith.muli %scan3A_376, %mul3A_415 : i32
        %add3A_417 = arith.constant 1 : i32
        %add3A_418 = arith.addi %mul3A_416, %add3A_417 : i32
        %get3A_419 = arith.index_cast %add3A_418 : i32 to index
        %get3A_420 = arith.constant 0 : index
        %get3A_421 = tpu.vector_load %arg9[%get3A_419, %get3A_420] {strides = array<i32>} : memref<200x64xf32, #tpu.memory_space<vmem>>, vector<1x16xf32>,
        %get3A_422 = vector.shape_cast %get3A_421 : vector<1x16xf32> to vector<16xf32>
        %swap3A_423 = arith.index_cast %add3A_418 : i32 to index
        %swap3A_424 = arith.constant 0 : index
        %swap3A_425 = tpu.vector_load %arg8[%swap3A_423, %swap3A_424] {strides = array<i32>} : memref<200x64xf32, #tpu.memory_space<vmem>>, vector<1x16xf32>,
        %swap3A_426 = vector.shape_cast %swap3A_425 : vector<1x16xf32> to vector<16xf32>
        %swap3A_427 = vector.shape_cast %get3A_422 : vector<16xf32> to vector<1x16xf32>
        tpu.vector_store %arg8[%swap3A_423, %swap3A_424], %swap3A_427 {strides = array<i32>} : memref<200x64xf32, #tpu.memory_space<vmem>>, vector<1x16xf32>,
        %get3A_428 = arith.index_cast %add3A_418 : i32 to index
        %get3A_429 = arith.constant 16 : index
        %get3A_430 = tpu.vector_load %arg9[%get3A_428, %get3A_429] {strides = array<i32>} : memref<200x64xf32, #tpu.memory_space<vmem>>, vector<1x16xf32>,
        %get3A_431 = vector.shape_cast %get3A_430 : vector<1x16xf32> to vector<16xf32>
        %swap3A_432 = arith.index_cast %add3A_418 : i32 to index
        %swap3A_433 = arith.constant 16 : index
        %swap3A_434 = tpu.vector_load %arg8[%swap3A_432, %swap3A_433] {strides = array<i32>} : memref<200x64xf32, #tpu.memory_space<vmem>>, vector<1x16xf32>,
        %swap3A_435 = vector.shape_cast %swap3A_434 : vector<1x16xf32> to vector<16xf32>
        %swap3A_436 = vector.shape_cast %get3A_431 : vector<16xf32> to vector<1x16xf32>
        tpu.vector_store %arg8[%swap3A_432, %swap3A_433], %swap3A_436 {strides = array<i32>} : memref<200x64xf32, #tpu.memory_space<vmem>>, vector<1x16xf32>,
        %get3A_437 = arith.index_cast %add3A_418 : i32 to index
        %get3A_438 = arith.constant 32 : index
        %get3A_439 = tpu.vector_load %arg9[%get3A_437, %get3A_438] {strides = array<i32>} : memref<200x64xf32, #tpu.memory_space<vmem>>, vector<1x16xf32>,
        %get3A_440 = vector.shape_cast %get3A_439 : vector<1x16xf32> to vector<16xf32>
        %swap3A_441 = arith.index_cast %add3A_418 : i32 to index
        %swap3A_442 = arith.constant 32 : index
        %swap3A_443 = tpu.vector_load %arg8[%swap3A_441, %swap3A_442] {strides = array<i32>} : memref<200x64xf32, #tpu.memory_space<vmem>>, vector<1x16xf32>,
        %swap3A_444 = vector.shape_cast %swap3A_443 : vector<1x16xf32> to vector<16xf32>
        %swap3A_445 = vector.shape_cast %get3A_440 : vector<16xf32> to vector<1x16xf32>
        tpu.vector_store %arg8[%swap3A_441, %swap3A_442], %swap3A_445 {strides = array<i32>} : memref<200x64xf32, #tpu.memory_space<vmem>>, vector<1x16xf32>,
        %get3A_446 = arith.index_cast %add3A_418 : i32 to index
        %get3A_447 = arith.constant 48 : index
        %get3A_448 = tpu.vector_load %arg9[%get3A_446, %get3A_447] {strides = array<i32>} : memref<200x64xf32, #tpu.memory_space<vmem>>, vector<1x16xf32>,
        %get3A_449 = vector.shape_cast %get3A_448 : vector<1x16xf32> to vector<16xf32>
        %swap3A_450 = arith.index_cast %add3A_418 : i32 to index
        %swap3A_451 = arith.constant 48 : index
        %swap3A_452 = tpu.vector_load %arg8[%swap3A_450, %swap3A_451] {strides = array<i32>} : memref<200x64xf32, #tpu.memory_space<vmem>>, vector<1x16xf32>,
        %swap3A_453 = vector.shape_cast %swap3A_452 : vector<1x16xf32> to vector<16xf32>
        %swap3A_454 = vector.shape_cast %get3A_449 : vector<16xf32> to vector<1x16xf32>
        tpu.vector_store %arg8[%swap3A_450, %swap3A_451], %swap3A_454 {strides = array<i32>} : memref<200x64xf32, #tpu.memory_space<vmem>>, vector<1x16xf32>,
        %mul3A_455 = arith.constant 8 : i32
        %mul3A_456 = arith.muli %scan3A_376, %mul3A_455 : i32
        %add3A_457 = arith.constant 2 : i32
        %add3A_458 = arith.addi %mul3A_456, %add3A_457 : i32
        %get3A_459 = arith.index_cast %add3A_458 : i32 to index
        %get3A_460 = arith.constant 0 : index
        %get3A_461 = tpu.vector_load %arg9[%get3A_459, %get3A_460] {strides = array<i32>} : memref<200x64xf32, #tpu.memory_space<vmem>>, vector<1x16xf32>,
        %get3A_462 = vector.shape_cast %get3A_461 : vector<1x16xf32> to vector<16xf32>
        %swap3A_463 = arith.index_cast %add3A_458 : i32 to index
        %swap3A_464 = arith.constant 0 : index
        %swap3A_465 = tpu.vector_load %arg8[%swap3A_463, %swap3A_464] {strides = array<i32>} : memref<200x64xf32, #tpu.memory_space<vmem>>, vector<1x16xf32>,
        %swap3A_466 = vector.shape_cast %swap3A_465 : vector<1x16xf32> to vector<16xf32>
        %swap3A_467 = vector.shape_cast %get3A_462 : vector<16xf32> to vector<1x16xf32>
        tpu.vector_store %arg8[%swap3A_463, %swap3A_464], %swap3A_467 {strides = array<i32>} : memref<200x64xf32, #tpu.memory_space<vmem>>, vector<1x16xf32>,
        %get3A_468 = arith.index_cast %add3A_458 : i32 to index
        %get3A_469 = arith.constant 16 : index
        %get3A_470 = tpu.vector_load %arg9[%get3A_468, %get3A_469] {strides = array<i32>} : memref<200x64xf32, #tpu.memory_space<vmem>>, vector<1x16xf32>,
        %get3A_471 = vector.shape_cast %get3A_470 : vector<1x16xf32> to vector<16xf32>
        %swap3A_472 = arith.index_cast %add3A_458 : i32 to index
        %swap3A_473 = arith.constant 16 : index
        %swap3A_474 = tpu.vector_load %arg8[%swap3A_472, %swap3A_473] {strides = array<i32>} : memref<200x64xf32, #tpu.memory_space<vmem>>, vector<1x16xf32>,
        %swap3A_475 = vector.shape_cast %swap3A_474 : vector<1x16xf32> to vector<16xf32>
        %swap3A_476 = vector.shape_cast %get3A_471 : vector<16xf32> to vector<1x16xf32>
        tpu.vector_store %arg8[%swap3A_472, %swap3A_473], %swap3A_476 {strides = array<i32>} : memref<200x64xf32, #tpu.memory_space<vmem>>, vector<1x16xf32>,
        %get3A_477 = arith.index_cast %add3A_458 : i32 to index
        %get3A_478 = arith.constant 32 : index
        %get3A_479 = tpu.vector_load %arg9[%get3A_477, %get3A_478] {strides = array<i32>} : memref<200x64xf32, #tpu.memory_space<vmem>>, vector<1x16xf32>,
        %get3A_480 = vector.shape_cast %get3A_479 : vector<1x16xf32> to vector<16xf32>
        %swap3A_481 = arith.index_cast %add3A_458 : i32 to index
        %swap3A_482 = arith.constant 32 : index
        %swap3A_483 = tpu.vector_load %arg8[%swap3A_481, %swap3A_482] {strides = array<i32>} : memref<200x64xf32, #tpu.memory_space<vmem>>, vector<1x16xf32>,
        %swap3A_484 = vector.shape_cast %swap3A_483 : vector<1x16xf32> to vector<16xf32>
        %swap3A_485 = vector.shape_cast %get3A_480 : vector<16xf32> to vector<1x16xf32>
        tpu.vector_store %arg8[%swap3A_481, %swap3A_482], %swap3A_485 {strides = array<i32>} : memref<200x64xf32, #tpu.memory_space<vmem>>, vector<1x16xf32>,
        %get3A_486 = arith.index_cast %add3A_458 : i32 to index
        %get3A_487 = arith.constant 48 : index
        %get3A_488 = tpu.vector_load %arg9[%get3A_486, %get3A_487] {strides = array<i32>} : memref<200x64xf32, #tpu.memory_space<vmem>>, vector<1x16xf32>,
        %get3A_489 = vector.shape_cast %get3A_488 : vector<1x16xf32> to vector<16xf32>
        %swap3A_490 = arith.index_cast %add3A_458 : i32 to index
        %swap3A_491 = arith.constant 48 : index
        %swap3A_492 = tpu.vector_load %arg8[%swap3A_490, %swap3A_491] {strides = array<i32>} : memref<200x64xf32, #tpu.memory_space<vmem>>, vector<1x16xf32>,
        %swap3A_493 = vector.shape_cast %swap3A_492 : vector<1x16xf32> to vector<16xf32>
        %swap3A_494 = vector.shape_cast %get3A_489 : vector<16xf32> to vector<1x16xf32>
        tpu.vector_store %arg8[%swap3A_490, %swap3A_491], %swap3A_494 {strides = array<i32>} : memref<200x64xf32, #tpu.memory_space<vmem>>, vector<1x16xf32>,
        %mul3A_495 = arith.constant 8 : i32
        %mul3A_496 = arith.muli %scan3A_376, %mul3A_495 : i32
        %add3A_497 = arith.constant 3 : i32
        %add3A_498 = arith.addi %mul3A_496, %add3A_497 : i32
        %get3A_499 = arith.index_cast %add3A_498 : i32 to index
        %get3A_500 = arith.constant 0 : index
        %get3A_501 = tpu.vector_load %arg9[%get3A_499, %get3A_500] {strides = array<i32>} : memref<200x64xf32, #tpu.memory_space<vmem>>, vector<1x16xf32>,
        %get3A_502 = vector.shape_cast %get3A_501 : vector<1x16xf32> to vector<16xf32>
        %swap3A_503 = arith.index_cast %add3A_498 : i32 to index
        %swap3A_504 = arith.constant 0 : index
        %swap3A_505 = tpu.vector_load %arg8[%swap3A_503, %swap3A_504] {strides = array<i32>} : memref<200x64xf32, #tpu.memory_space<vmem>>, vector<1x16xf32>,
        %swap3A_506 = vector.shape_cast %swap3A_505 : vector<1x16xf32> to vector<16xf32>
        %swap3A_507 = vector.shape_cast %get3A_502 : vector<16xf32> to vector<1x16xf32>
        tpu.vector_store %arg8[%swap3A_503, %swap3A_504], %swap3A_507 {strides = array<i32>} : memref<200x64xf32, #tpu.memory_space<vmem>>, vector<1x16xf32>,
        %get3A_508 = arith.index_cast %add3A_498 : i32 to index
        %get3A_509 = arith.constant 16 : index
        %get3A_510 = tpu.vector_load %arg9[%get3A_508, %get3A_509] {strides = array<i32>} : memref<200x64xf32, #tpu.memory_space<vmem>>, vector<1x16xf32>,
        %get3A_511 = vector.shape_cast %get3A_510 : vector<1x16xf32> to vector<16xf32>
        %swap3A_512 = arith.index_cast %add3A_498 : i32 to index
        %swap3A_513 = arith.constant 16 : index
        %swap3A_514 = tpu.vector_load %arg8[%swap3A_512, %swap3A_513] {strides = array<i32>} : memref<200x64xf32, #tpu.memory_space<vmem>>, vector<1x16xf32>,
        %swap3A_515 = vector.shape_cast %swap3A_514 : vector<1x16xf32> to vector<16xf32>
        %swap3A_516 = vector.shape_cast %get3A_511 : vector<16xf32> to vector<1x16xf32>
        tpu.vector_store %arg8[%swap3A_512, %swap3A_513], %swap3A_516 {strides = array<i32>} : memref<200x64xf32, #tpu.memory_space<vmem>>, vector<1x16xf32>,
        %get3A_517 = arith.index_cast %add3A_498 : i32 to index
        %get3A_518 = arith.constant 32 : index
        %get3A_519 = tpu.vector_load %arg9[%get3A_517, %get3A_518] {strides = array<i32>} : memref<200x64xf32, #tpu.memory_space<vmem>>, vector<1x16xf32>,
        %get3A_520 = vector.shape_cast %get3A_519 : vector<1x16xf32> to vector<16xf32>
        %swap3A_521 = arith.index_cast %add3A_498 : i32 to index
        %swap3A_522 = arith.constant 32 : index
        %swap3A_523 = tpu.vector_load %arg8[%swap3A_521, %swap3A_522] {strides = array<i32>} : memref<200x64xf32, #tpu.memory_space<vmem>>, vector<1x16xf32>,
        %swap3A_524 = vector.shape_cast %swap3A_523 : vector<1x16xf32> to vector<16xf32>
        %swap3A_525 = vector.shape_cast %get3A_520 : vector<16xf32> to vector<1x16xf32>
        tpu.vector_store %arg8[%swap3A_521, %swap3A_522], %swap3A_525 {strides = array<i32>} : memref<200x64xf32, #tpu.memory_space<vmem>>, vector<1x16xf32>,
        %get3A_526 = arith.index_cast %add3A_498 : i32 to index
        %get3A_527 = arith.constant 48 : index
        %get3A_528 = tpu.vector_load %arg9[%get3A_526, %get3A_527] {strides = array<i32>} : memref<200x64xf32, #tpu.memory_space<vmem>>, vector<1x16xf32>,
        %get3A_529 = vector.shape_cast %get3A_528 : vector<1x16xf32> to vector<16xf32>
        %swap3A_530 = arith.index_cast %add3A_498 : i32 to index
        %swap3A_531 = arith.constant 48 : index
        %swap3A_532 = tpu.vector_load %arg8[%swap3A_530, %swap3A_531] {strides = array<i32>} : memref<200x64xf32, #tpu.memory_space<vmem>>, vector<1x16xf32>,
        %swap3A_533 = vector.shape_cast %swap3A_532 : vector<1x16xf32> to vector<16xf32>
        %swap3A_534 = vector.shape_cast %get3A_529 : vector<16xf32> to vector<1x16xf32>
        tpu.vector_store %arg8[%swap3A_530, %swap3A_531], %swap3A_534 {strides = array<i32>} : memref<200x64xf32, #tpu.memory_space<vmem>>, vector<1x16xf32>,
        %mul3A_535 = arith.constant 8 : i32
        %mul3A_536 = arith.muli %scan3A_376, %mul3A_535 : i32
        %add3A_537 = arith.constant 4 : i32
        %add3A_538 = arith.addi %mul3A_536, %add3A_537 : i32
        %get3A_539 = arith.index_cast %add3A_538 : i32 to index
        %get3A_540 = arith.constant 0 : index
        %get3A_541 = tpu.vector_load %arg9[%get3A_539, %get3A_540] {strides = array<i32>} : memref<200x64xf32, #tpu.memory_space<vmem>>, vector<1x16xf32>,
        %get3A_542 = vector.shape_cast %get3A_541 : vector<1x16xf32> to vector<16xf32>
        %swap3A_543 = arith.index_cast %add3A_538 : i32 to index
        %swap3A_544 = arith.constant 0 : index
        %swap3A_545 = tpu.vector_load %arg8[%swap3A_543, %swap3A_544] {strides = array<i32>} : memref<200x64xf32, #tpu.memory_space<vmem>>, vector<1x16xf32>,
        %swap3A_546 = vector.shape_cast %swap3A_545 : vector<1x16xf32> to vector<16xf32>
        %swap3A_547 = vector.shape_cast %get3A_542 : vector<16xf32> to vector<1x16xf32>
        tpu.vector_store %arg8[%swap3A_543, %swap3A_544], %swap3A_547 {strides = array<i32>} : memref<200x64xf32, #tpu.memory_space<vmem>>, vector<1x16xf32>,
        %get3A_548 = arith.index_cast %add3A_538 : i32 to index
        %get3A_549 = arith.constant 16 : index
        %get3A_550 = tpu.vector_load %arg9[%get3A_548, %get3A_549] {strides = array<i32>} : memref<200x64xf32, #tpu.memory_space<vmem>>, vector<1x16xf32>,
        %get3A_551 = vector.shape_cast %get3A_550 : vector<1x16xf32> to vector<16xf32>
        %swap3A_552 = arith.index_cast %add3A_538 : i32 to index
        %swap3A_553 = arith.constant 16 : index
        %swap3A_554 = tpu.vector_load %arg8[%swap3A_552, %swap3A_553] {strides = array<i32>} : memref<200x64xf32, #tpu.memory_space<vmem>>, vector<1x16xf32>,
        %swap3A_555 = vector.shape_cast %swap3A_554 : vector<1x16xf32> to vector<16xf32>
        %swap3A_556 = vector.shape_cast %get3A_551 : vector<16xf32> to vector<1x16xf32>
        tpu.vector_store %arg8[%swap3A_552, %swap3A_553], %swap3A_556 {strides = array<i32>} : memref<200x64xf32, #tpu.memory_space<vmem>>, vector<1x16xf32>,
        %get3A_557 = arith.index_cast %add3A_538 : i32 to index
        %get3A_558 = arith.constant 32 : index
        %get3A_559 = tpu.vector_load %arg9[%get3A_557, %get3A_558] {strides = array<i32>} : memref<200x64xf32, #tpu.memory_space<vmem>>, vector<1x16xf32>,
        %get3A_560 = vector.shape_cast %get3A_559 : vector<1x16xf32> to vector<16xf32>
        %swap3A_561 = arith.index_cast %add3A_538 : i32 to index
        %swap3A_562 = arith.constant 32 : index
        %swap3A_563 = tpu.vector_load %arg8[%swap3A_561, %swap3A_562] {strides = array<i32>} : memref<200x64xf32, #tpu.memory_space<vmem>>, vector<1x16xf32>,
        %swap3A_564 = vector.shape_cast %swap3A_563 : vector<1x16xf32> to vector<16xf32>
        %swap3A_565 = vector.shape_cast %get3A_560 : vector<16xf32> to vector<1x16xf32>
        tpu.vector_store %arg8[%swap3A_561, %swap3A_562], %swap3A_565 {strides = array<i32>} : memref<200x64xf32, #tpu.memory_space<vmem>>, vector<1x16xf32>,
        %get3A_566 = arith.index_cast %add3A_538 : i32 to index
        %get3A_567 = arith.constant 48 : index
        %get3A_568 = tpu.vector_load %arg9[%get3A_566, %get3A_567] {strides = array<i32>} : memref<200x64xf32, #tpu.memory_space<vmem>>, vector<1x16xf32>,
        %get3A_569 = vector.shape_cast %get3A_568 : vector<1x16xf32> to vector<16xf32>
        %swap3A_570 = arith.index_cast %add3A_538 : i32 to index
        %swap3A_571 = arith.constant 48 : index
        %swap3A_572 = tpu.vector_load %arg8[%swap3A_570, %swap3A_571] {strides = array<i32>} : memref<200x64xf32, #tpu.memory_space<vmem>>, vector<1x16xf32>,
        %swap3A_573 = vector.shape_cast %swap3A_572 : vector<1x16xf32> to vector<16xf32>
        %swap3A_574 = vector.shape_cast %get3A_569 : vector<16xf32> to vector<1x16xf32>
        tpu.vector_store %arg8[%swap3A_570, %swap3A_571], %swap3A_574 {strides = array<i32>} : memref<200x64xf32, #tpu.memory_space<vmem>>, vector<1x16xf32>,
        %mul3A_575 = arith.constant 8 : i32
        %mul3A_576 = arith.muli %scan3A_376, %mul3A_575 : i32
        %add3A_577 = arith.constant 5 : i32
        %add3A_578 = arith.addi %mul3A_576, %add3A_577 : i32
        %get3A_579 = arith.index_cast %add3A_578 : i32 to index
        %get3A_580 = arith.constant 0 : index
        %get3A_581 = tpu.vector_load %arg9[%get3A_579, %get3A_580] {strides = array<i32>} : memref<200x64xf32, #tpu.memory_space<vmem>>, vector<1x16xf32>,
        %get3A_582 = vector.shape_cast %get3A_581 : vector<1x16xf32> to vector<16xf32>
        %swap3A_583 = arith.index_cast %add3A_578 : i32 to index
        %swap3A_584 = arith.constant 0 : index
        %swap3A_585 = tpu.vector_load %arg8[%swap3A_583, %swap3A_584] {strides = array<i32>} : memref<200x64xf32, #tpu.memory_space<vmem>>, vector<1x16xf32>,
        %swap3A_586 = vector.shape_cast %swap3A_585 : vector<1x16xf32> to vector<16xf32>
        %swap3A_587 = vector.shape_cast %get3A_582 : vector<16xf32> to vector<1x16xf32>
        tpu.vector_store %arg8[%swap3A_583, %swap3A_584], %swap3A_587 {strides = array<i32>} : memref<200x64xf32, #tpu.memory_space<vmem>>, vector<1x16xf32>,
        %get3A_588 = arith.index_cast %add3A_578 : i32 to index
        %get3A_589 = arith.constant 16 : index
        %get3A_590 = tpu.vector_load %arg9[%get3A_588, %get3A_589] {strides = array<i32>} : memref<200x64xf32, #tpu.memory_space<vmem>>, vector<1x16xf32>,
        %get3A_591 = vector.shape_cast %get3A_590 : vector<1x16xf32> to vector<16xf32>
        %swap3A_592 = arith.index_cast %add3A_578 : i32 to index
        %swap3A_593 = arith.constant 16 : index
        %swap3A_594 = tpu.vector_load %arg8[%swap3A_592, %swap3A_593] {strides = array<i32>} : memref<200x64xf32, #tpu.memory_space<vmem>>, vector<1x16xf32>,
        %swap3A_595 = vector.shape_cast %swap3A_594 : vector<1x16xf32> to vector<16xf32>
        %swap3A_596 = vector.shape_cast %get3A_591 : vector<16xf32> to vector<1x16xf32>
        tpu.vector_store %arg8[%swap3A_592, %swap3A_593], %swap3A_596 {strides = array<i32>} : memref<200x64xf32, #tpu.memory_space<vmem>>, vector<1x16xf32>,
        %get3A_597 = arith.index_cast %add3A_578 : i32 to index
        %get3A_598 = arith.constant 32 : index
        %get3A_599 = tpu.vector_load %arg9[%get3A_597, %get3A_598] {strides = array<i32>} : memref<200x64xf32, #tpu.memory_space<vmem>>, vector<1x16xf32>,
        %get3A_600 = vector.shape_cast %get3A_599 : vector<1x16xf32> to vector<16xf32>
        %swap3A_601 = arith.index_cast %add3A_578 : i32 to index
        %swap3A_602 = arith.constant 32 : index
        %swap3A_603 = tpu.vector_load %arg8[%swap3A_601, %swap3A_602] {strides = array<i32>} : memref<200x64xf32, #tpu.memory_space<vmem>>, vector<1x16xf32>,
        %swap3A_604 = vector.shape_cast %swap3A_603 : vector<1x16xf32> to vector<16xf32>
        %swap3A_605 = vector.shape_cast %get3A_600 : vector<16xf32> to vector<1x16xf32>
        tpu.vector_store %arg8[%swap3A_601, %swap3A_602], %swap3A_605 {strides = array<i32>} : memref<200x64xf32, #tpu.memory_space<vmem>>, vector<1x16xf32>,
        %get3A_606 = arith.index_cast %add3A_578 : i32 to index
        %get3A_607 = arith.constant 48 : index
        %get3A_608 = tpu.vector_load %arg9[%get3A_606, %get3A_607] {strides = array<i32>} : memref<200x64xf32, #tpu.memory_space<vmem>>, vector<1x16xf32>,
        %get3A_609 = vector.shape_cast %get3A_608 : vector<1x16xf32> to vector<16xf32>
        %swap3A_610 = arith.index_cast %add3A_578 : i32 to index
        %swap3A_611 = arith.constant 48 : index
        %swap3A_612 = tpu.vector_load %arg8[%swap3A_610, %swap3A_611] {strides = array<i32>} : memref<200x64xf32, #tpu.memory_space<vmem>>, vector<1x16xf32>,
        %swap3A_613 = vector.shape_cast %swap3A_612 : vector<1x16xf32> to vector<16xf32>
        %swap3A_614 = vector.shape_cast %get3A_609 : vector<16xf32> to vector<1x16xf32>
        tpu.vector_store %arg8[%swap3A_610, %swap3A_611], %swap3A_614 {strides = array<i32>} : memref<200x64xf32, #tpu.memory_space<vmem>>, vector<1x16xf32>,
        %mul3A_615 = arith.constant 8 : i32
        %mul3A_616 = arith.muli %scan3A_376, %mul3A_615 : i32
        %add3A_617 = arith.constant 6 : i32
        %add3A_618 = arith.addi %mul3A_616, %add3A_617 : i32
        %get3A_619 = arith.index_cast %add3A_618 : i32 to index
        %get3A_620 = arith.constant 0 : index
        %get3A_621 = tpu.vector_load %arg9[%get3A_619, %get3A_620] {strides = array<i32>} : memref<200x64xf32, #tpu.memory_space<vmem>>, vector<1x16xf32>,
        %get3A_622 = vector.shape_cast %get3A_621 : vector<1x16xf32> to vector<16xf32>
        %swap3A_623 = arith.index_cast %add3A_618 : i32 to index
        %swap3A_624 = arith.constant 0 : index
        %swap3A_625 = tpu.vector_load %arg8[%swap3A_623, %swap3A_624] {strides = array<i32>} : memref<200x64xf32, #tpu.memory_space<vmem>>, vector<1x16xf32>,
        %swap3A_626 = vector.shape_cast %swap3A_625 : vector<1x16xf32> to vector<16xf32>
        %swap3A_627 = vector.shape_cast %get3A_622 : vector<16xf32> to vector<1x16xf32>
        tpu.vector_store %arg8[%swap3A_623, %swap3A_624], %swap3A_627 {strides = array<i32>} : memref<200x64xf32, #tpu.memory_space<vmem>>, vector<1x16xf32>,
        %get3A_628 = arith.index_cast %add3A_618 : i32 to index
        %get3A_629 = arith.constant 16 : index
        %get3A_630 = tpu.vector_load %arg9[%get3A_628, %get3A_629] {strides = array<i32>} : memref<200x64xf32, #tpu.memory_space<vmem>>, vector<1x16xf32>,
        %get3A_631 = vector.shape_cast %get3A_630 : vector<1x16xf32> to vector<16xf32>
        %swap3A_632 = arith.index_cast %add3A_618 : i32 to index
        %swap3A_633 = arith.constant 16 : index
        %swap3A_634 = tpu.vector_load %arg8[%swap3A_632, %swap3A_633] {strides = array<i32>} : memref<200x64xf32, #tpu.memory_space<vmem>>, vector<1x16xf32>,
        %swap3A_635 = vector.shape_cast %swap3A_634 : vector<1x16xf32> to vector<16xf32>
        %swap3A_636 = vector.shape_cast %get3A_631 : vector<16xf32> to vector<1x16xf32>
        tpu.vector_store %arg8[%swap3A_632, %swap3A_633], %swap3A_636 {strides = array<i32>} : memref<200x64xf32, #tpu.memory_space<vmem>>, vector<1x16xf32>,
        %get3A_637 = arith.index_cast %add3A_618 : i32 to index
        %get3A_638 = arith.constant 32 : index
        %get3A_639 = tpu.vector_load %arg9[%get3A_637, %get3A_638] {strides = array<i32>} : memref<200x64xf32, #tpu.memory_space<vmem>>, vector<1x16xf32>,
        %get3A_640 = vector.shape_cast %get3A_639 : vector<1x16xf32> to vector<16xf32>
        %swap3A_641 = arith.index_cast %add3A_618 : i32 to index
        %swap3A_642 = arith.constant 32 : index
        %swap3A_643 = tpu.vector_load %arg8[%swap3A_641, %swap3A_642] {strides = array<i32>} : memref<200x64xf32, #tpu.memory_space<vmem>>, vector<1x16xf32>,
        %swap3A_644 = vector.shape_cast %swap3A_643 : vector<1x16xf32> to vector<16xf32>
        %swap3A_645 = vector.shape_cast %get3A_640 : vector<16xf32> to vector<1x16xf32>
        tpu.vector_store %arg8[%swap3A_641, %swap3A_642], %swap3A_645 {strides = array<i32>} : memref<200x64xf32, #tpu.memory_space<vmem>>, vector<1x16xf32>,
        %get3A_646 = arith.index_cast %add3A_618 : i32 to index
        %get3A_647 = arith.constant 48 : index
        %get3A_648 = tpu.vector_load %arg9[%get3A_646, %get3A_647] {strides = array<i32>} : memref<200x64xf32, #tpu.memory_space<vmem>>, vector<1x16xf32>,
        %get3A_649 = vector.shape_cast %get3A_648 : vector<1x16xf32> to vector<16xf32>
        %swap3A_650 = arith.index_cast %add3A_618 : i32 to index
        %swap3A_651 = arith.constant 48 : index
        %swap3A_652 = tpu.vector_load %arg8[%swap3A_650, %swap3A_651] {strides = array<i32>} : memref<200x64xf32, #tpu.memory_space<vmem>>, vector<1x16xf32>,
        %swap3A_653 = vector.shape_cast %swap3A_652 : vector<1x16xf32> to vector<16xf32>
        %swap3A_654 = vector.shape_cast %get3A_649 : vector<16xf32> to vector<1x16xf32>
        tpu.vector_store %arg8[%swap3A_650, %swap3A_651], %swap3A_654 {strides = array<i32>} : memref<200x64xf32, #tpu.memory_space<vmem>>, vector<1x16xf32>,
        %mul3A_655 = arith.constant 8 : i32
        %mul3A_656 = arith.muli %scan3A_376, %mul3A_655 : i32
        %add3A_657 = arith.constant 7 : i32
        %add3A_658 = arith.addi %mul3A_656, %add3A_657 : i32
        %get3A_659 = arith.index_cast %add3A_658 : i32 to index
        %get3A_660 = arith.constant 0 : index
        %get3A_661 = tpu.vector_load %arg9[%get3A_659, %get3A_660] {strides = array<i32>} : memref<200x64xf32, #tpu.memory_space<vmem>>, vector<1x16xf32>,
        %get3A_662 = vector.shape_cast %get3A_661 : vector<1x16xf32> to vector<16xf32>
        %swap3A_663 = arith.index_cast %add3A_658 : i32 to index
        %swap3A_664 = arith.constant 0 : index
        %swap3A_665 = tpu.vector_load %arg8[%swap3A_663, %swap3A_664] {strides = array<i32>} : memref<200x64xf32, #tpu.memory_space<vmem>>, vector<1x16xf32>,
        %swap3A_666 = vector.shape_cast %swap3A_665 : vector<1x16xf32> to vector<16xf32>
        %swap3A_667 = vector.shape_cast %get3A_662 : vector<16xf32> to vector<1x16xf32>
        tpu.vector_store %arg8[%swap3A_663, %swap3A_664], %swap3A_667 {strides = array<i32>} : memref<200x64xf32, #tpu.memory_space<vmem>>, vector<1x16xf32>,
        %get3A_668 = arith.index_cast %add3A_658 : i32 to index
        %get3A_669 = arith.constant 16 : index
        %get3A_670 = tpu.vector_load %arg9[%get3A_668, %get3A_669] {strides = array<i32>} : memref<200x64xf32, #tpu.memory_space<vmem>>, vector<1x16xf32>,
        %get3A_671 = vector.shape_cast %get3A_670 : vector<1x16xf32> to vector<16xf32>
        %swap3A_672 = arith.index_cast %add3A_658 : i32 to index
        %swap3A_673 = arith.constant 16 : index
        %swap3A_674 = tpu.vector_load %arg8[%swap3A_672, %swap3A_673] {strides = array<i32>} : memref<200x64xf32, #tpu.memory_space<vmem>>, vector<1x16xf32>,
        %swap3A_675 = vector.shape_cast %swap3A_674 : vector<1x16xf32> to vector<16xf32>
        %swap3A_676 = vector.shape_cast %get3A_671 : vector<16xf32> to vector<1x16xf32>
        tpu.vector_store %arg8[%swap3A_672, %swap3A_673], %swap3A_676 {strides = array<i32>} : memref<200x64xf32, #tpu.memory_space<vmem>>, vector<1x16xf32>,
        %get3A_677 = arith.index_cast %add3A_658 : i32 to index
        %get3A_678 = arith.constant 32 : index
        %get3A_679 = tpu.vector_load %arg9[%get3A_677, %get3A_678] {strides = array<i32>} : memref<200x64xf32, #tpu.memory_space<vmem>>, vector<1x16xf32>,
        %get3A_680 = vector.shape_cast %get3A_679 : vector<1x16xf32> to vector<16xf32>
        %swap3A_681 = arith.index_cast %add3A_658 : i32 to index
        %swap3A_682 = arith.constant 32 : index
        %swap3A_683 = tpu.vector_load %arg8[%swap3A_681, %swap3A_682] {strides = array<i32>} : memref<200x64xf32, #tpu.memory_space<vmem>>, vector<1x16xf32>,
        %swap3A_684 = vector.shape_cast %swap3A_683 : vector<1x16xf32> to vector<16xf32>
        %swap3A_685 = vector.shape_cast %get3A_680 : vector<16xf32> to vector<1x16xf32>
        tpu.vector_store %arg8[%swap3A_681, %swap3A_682], %swap3A_685 {strides = array<i32>} : memref<200x64xf32, #tpu.memory_space<vmem>>, vector<1x16xf32>,
        %get3A_686 = arith.index_cast %add3A_658 : i32 to index
        %get3A_687 = arith.constant 48 : index
        %get3A_688 = tpu.vector_load %arg9[%get3A_686, %get3A_687] {strides = array<i32>} : memref<200x64xf32, #tpu.memory_space<vmem>>, vector<1x16xf32>,
        %get3A_689 = vector.shape_cast %get3A_688 : vector<1x16xf32> to vector<16xf32>
        %swap3A_690 = arith.index_cast %add3A_658 : i32 to index
        %swap3A_691 = arith.constant 48 : index
        %swap3A_692 = tpu.vector_load %arg8[%swap3A_690, %swap3A_691] {strides = array<i32>} : memref<200x64xf32, #tpu.memory_space<vmem>>, vector<1x16xf32>,
        %swap3A_693 = vector.shape_cast %swap3A_692 : vector<1x16xf32> to vector<16xf32>
        %swap3A_694 = vector.shape_cast %get3A_689 : vector<16xf32> to vector<1x16xf32>
        tpu.vector_store %arg8[%swap3A_690, %swap3A_691], %swap3A_694 {strides = array<i32>} : memref<200x64xf32, #tpu.memory_space<vmem>>, vector<1x16xf32>,
      }
      %scan3A_328 = arith.constant 25 : i32
      %dma_start3A_329 = arith.constant 0 : i32
      %dma_start3A_330 = arith.constant 0 : i32
      %dma_start3A_331 = tpu.memref_slice %arg8[%dma_start3A_329, %dma_start3A_330] : memref<200x64xf32, #tpu.memory_space<vmem>> -> memref<128x64xf32, #tpu.memory_space<vmem>>
      %dma_start3A_332 = arith.constant 0 : i32
      %dma_start3A_333 = tpu.memref_slice %arg6[%add3A_316, %dma_start3A_332] : memref<128x200xi32, #tpu.memory_space<vmem>> -> memref<1x128xi32, #tpu.memory_space<vmem>>
      %dma_start3A_334 = tpu.memref_squeeze %dma_start3A_333 : memref<1x128xi32, #tpu.memory_space<vmem>> -> memref<128xi32, #tpu.memory_space<vmem>>
      %dma_start3A_335 = arith.constant 0 : i32
      %dma_start3A_336 = arith.constant 0 : i32
      %dma_start3A_337 = tpu.memref_slice %arg3[%dma_start3A_335, %dma_start3A_336] : memref<100000x64xf32, #tpu.memory_space<hbm>> -> memref<100000x64xf32, #tpu.memory_space<hbm>>
      tpu.enqueue_indirect_dma source(%dma_start3A_337 : memref<100000x64xf32, #tpu.memory_space<hbm>>) target(%dma_start3A_331 : memref<128x64xf32, #tpu.memory_space<vmem>>) offsets(%dma_start3A_334 : memref<128xi32, #tpu.memory_space<vmem>>) semaphore(%arg11 : memref<!tpu.dma_semaphore, #tpu.memory_space<semaphore_mem>>) {add = true}
      %dma_start3A_338 = arith.constant 128 : i32
      %dma_start3A_339 = arith.constant 0 : i32
      %dma_start3A_340 = tpu.memref_slice %arg8[%dma_start3A_338, %dma_start3A_339] : memref<200x64xf32, #tpu.memory_space<vmem>> -> memref<72x64xf32, #tpu.memory_space<vmem>>
      %dma_start3A_341 = arith.constant 128 : i32
      %dma_start3A_342 = tpu.memref_slice %arg6[%add3A_316, %dma_start3A_341] : memref<128x200xi32, #tpu.memory_space<vmem>> -> memref<1x72xi32, #tpu.memory_space<vmem>>
      %dma_start3A_343 = tpu.memref_squeeze %dma_start3A_342 : memref<1x72xi32, #tpu.memory_space<vmem>> -> memref<72xi32, #tpu.memory_space<vmem>>
      %dma_start3A_344 = arith.constant 0 : i32
      %dma_start3A_345 = arith.constant 0 : i32
      %dma_start3A_346 = tpu.memref_slice %arg3[%dma_start3A_344, %dma_start3A_345] : memref<100000x64xf32, #tpu.memory_space<hbm>> -> memref<100000x64xf32, #tpu.memory_space<hbm>>
      tpu.enqueue_indirect_dma source(%dma_start3A_346 : memref<100000x64xf32, #tpu.memory_space<hbm>>) target(%dma_start3A_340 : memref<72x64xf32, #tpu.memory_space<vmem>>) offsets(%dma_start3A_343 : memref<72xi32, #tpu.memory_space<vmem>>) semaphore(%arg11 : memref<!tpu.dma_semaphore, #tpu.memory_space<semaphore_mem>>) {add = true}
      %sub3A_347 = arith.constant 1 : i32
      %sub3A_348 = arith.subi %add3A_316, %sub3A_347 : i32
      %dma_wait3A_349 = arith.constant 0 : i32
      %dma_wait3A_350 = arith.constant 0 : i32
      %dma_wait3A_351 = tpu.memref_slice %arg7[%dma_wait3A_349, %dma_wait3A_350] : memref<200x64xf32, #tpu.memory_space<vmem>> -> memref<128x64xf32, #tpu.memory_space<vmem>>
      %dma_wait3A_352 = arith.constant 0 : i32
      %dma_wait3A_353 = tpu.memref_slice %arg6[%sub3A_348, %dma_wait3A_352] : memref<128x200xi32, #tpu.memory_space<vmem>> -> memref<1x128xi32, #tpu.memory_space<vmem>>
      %dma_wait3A_354 = tpu.memref_squeeze %dma_wait3A_353 : memref<1x128xi32, #tpu.memory_space<vmem>> -> memref<128xi32, #tpu.memory_space<vmem>>
      %dma_wait3A_355 = arith.constant 0 : i32
      %dma_wait3A_356 = arith.constant 0 : i32
      %dma_wait3A_357 = tpu.memref_slice %arg3[%dma_wait3A_355, %dma_wait3A_356] : memref<100000x64xf32, #tpu.memory_space<hbm>> -> memref<100000x64xf32, #tpu.memory_space<hbm>>
      tpu.wait_indirect_dma semaphore(%arg10 : memref<!tpu.dma_semaphore, #tpu.memory_space<semaphore_mem>>) src(%dma_wait3A_357 : memref<100000x64xf32, #tpu.memory_space<hbm>>) dst(%dma_wait3A_351 : memref<128x64xf32, #tpu.memory_space<vmem>>)
      %dma_wait3A_358 = arith.constant 128 : i32
      %dma_wait3A_359 = arith.constant 0 : i32
      %dma_wait3A_360 = tpu.memref_slice %arg7[%dma_wait3A_358, %dma_wait3A_359] : memref<200x64xf32, #tpu.memory_space<vmem>> -> memref<72x64xf32, #tpu.memory_space<vmem>>
      %dma_wait3A_361 = arith.constant 128 : i32
      %dma_wait3A_362 = tpu.memref_slice %arg6[%sub3A_348, %dma_wait3A_361] : memref<128x200xi32, #tpu.memory_space<vmem>> -> memref<1x72xi32, #tpu.memory_space<vmem>>
      %dma_wait3A_363 = tpu.memref_squeeze %dma_wait3A_362 : memref<1x72xi32, #tpu.memory_space<vmem>> -> memref<72xi32, #tpu.memory_space<vmem>>
      %dma_wait3A_364 = arith.constant 0 : i32
      %dma_wait3A_365 = arith.constant 0 : i32
      %dma_wait3A_366 = tpu.memref_slice %arg3[%dma_wait3A_364, %dma_wait3A_365] : memref<100000x64xf32, #tpu.memory_space<hbm>> -> memref<100000x64xf32, #tpu.memory_space<hbm>>
      tpu.wait_indirect_dma semaphore(%arg10 : memref<!tpu.dma_semaphore, #tpu.memory_space<semaphore_mem>>) src(%dma_wait3A_366 : memref<100000x64xf32, #tpu.memory_space<hbm>>) dst(%dma_wait3A_360 : memref<72x64xf32, #tpu.memory_space<vmem>>)
      %sub3A_367 = arith.constant 1 : i32
      %sub3A_368 = arith.subi %add3A_316, %sub3A_367 : i32
      %add3A_369 = arith.addi %mul3A_2, %sub3A_368 : i32
      %mul3A_370 = arith.constant 200 : i32
      %mul3A_371 = arith.muli %add3A_369, %mul3A_370 : i32
      %dma_start3A_372 = arith.constant 0 : i32
      %dma_start3A_373 = tpu.memref_slice %arg5[%mul3A_371, %dma_start3A_372] : memref<819200x64xf32, #tpu.memory_space<hbm>> -> memref<200x64xf32, #tpu.memory_space<hbm>>
      %dma_start3A_374 = arith.constant 0 : i32
      %dma_start3A_375 = tpu.memref_slice %arg5[%mul3A_371, %dma_start3A_374] : memref<819200x64xf32, #tpu.memory_space<hbm>> -> memref<200x64xf32, #tpu.memory_space<hbm>>
      tpu.enqueue_dma source(%arg7 : memref<200x64xf32, #tpu.memory_space<vmem>>) target(%dma_start3A_375 : memref<200x64xf32, #tpu.memory_space<hbm>>) target_semaphore(%arg12 : memref<!tpu.dma_semaphore, #tpu.memory_space<semaphore_mem>>)
    }
    %scan3A_85 = arith.constant 62 : i32
    %mul3A_86 = arith.constant 200 : i32
    %mul3A_87 = arith.muli %mul3A_2, %mul3A_86 : i32
    %dma_wait3A_88 = arith.constant 0 : i32
    %dma_wait3A_89 = tpu.memref_slice %arg5[%mul3A_87, %dma_wait3A_88] : memref<819200x64xf32, #tpu.memory_space<hbm>> -> memref<200x64xf32, #tpu.memory_space<hbm>>
    %dma_wait3A_90 = arith.constant 0 : i32
    %dma_wait3A_91 = tpu.memref_slice %arg5[%mul3A_87, %dma_wait3A_90] : memref<819200x64xf32, #tpu.memory_space<hbm>> -> memref<200x64xf32, #tpu.memory_space<hbm>>
    tpu.wait_dma2 semaphore(%arg12 : memref<!tpu.dma_semaphore, #tpu.memory_space<semaphore_mem>>) src(%arg7 : memref<200x64xf32, #tpu.memory_space<vmem>>) dst(%dma_wait3A_91 : memref<200x64xf32, #tpu.memory_space<hbm>>)
    %scan3A_92 = arith.constant 0 : i32
    %scan3A_93 = arith.constant 0 : i32
    %scan3A_94 = arith.constant 25 : i32
    %scan3A_95 = arith.addi %scan3A_93, %scan3A_94 : i32
    %scan3A_96 = arith.constant 1 : i32
    scf.for %scan3A_246 = %scan3A_93 to %scan3A_95 step %scan3A_96  : i32 {
      %mul3A_247 = arith.constant 8 : i32
      %mul3A_248 = arith.muli %scan3A_246, %mul3A_247 : i32
      %add3A_249 = arith.constant 0 : i32
      %add3A_250 = arith.addi %mul3A_248, %add3A_249 : i32
      %get3A = arith.index_cast %add3A_250 : i32 to index
      %get3A_251 = arith.constant 0 : index
      %get3A_252 = tpu.vector_load %arg9[%get3A, %get3A_251] {strides = array<i32>} : memref<200x64xf32, #tpu.memory_space<vmem>>, vector<1x16xf32>,
      %get3A_253 = vector.shape_cast %get3A_252 : vector<1x16xf32> to vector<16xf32>
      %swap3A = arith.index_cast %add3A_250 : i32 to index
      %swap3A_254 = arith.constant 0 : index
      %swap3A_255 = tpu.vector_load %arg7[%swap3A, %swap3A_254] {strides = array<i32>} : memref<200x64xf32, #tpu.memory_space<vmem>>, vector<1x16xf32>,
      %swap3A_256 = vector.shape_cast %swap3A_255 : vector<1x16xf32> to vector<16xf32>
      %swap3A_257 = vector.shape_cast %get3A_253 : vector<16xf32> to vector<1x16xf32>
      tpu.vector_store %arg7[%swap3A, %swap3A_254], %swap3A_257 {strides = array<i32>} : memref<200x64xf32, #tpu.memory_space<vmem>>, vector<1x16xf32>,
      %get3A_258 = arith.index_cast %add3A_250 : i32 to index
      %get3A_259 = arith.constant 16 : index
      %get3A_260 = tpu.vector_load %arg9[%get3A_258, %get3A_259] {strides = array<i32>} : memref<200x64xf32, #tpu.memory_space<vmem>>, vector<1x16xf32>,
      %get3A_261 = vector.shape_cast %get3A_260 : vector<1x16xf32> to vector<16xf32>
      %swap3A_262 = arith.index_cast %add3A_250 : i32 to index
      %swap3A_263 = arith.constant 16 : index
      %swap3A_264 = tpu.vector_load %arg7[%swap3A_262, %swap3A_263] {strides = array<i32>} : memref<200x64xf32, #tpu.memory_space<vmem>>, vector<1x16xf32>,
      %swap3A_265 = vector.shape_cast %swap3A_264 : vector<1x16xf32> to vector<16xf32>
      %swap3A_266 = vector.shape_cast %get3A_261 : vector<16xf32> to vector<1x16xf32>
      tpu.vector_store %arg7[%swap3A_262, %swap3A_263], %swap3A_266 {strides = array<i32>} : memref<200x64xf32, #tpu.memory_space<vmem>>, vector<1x16xf32>,
      %get3A_267 = arith.index_cast %add3A_250 : i32 to index
      %get3A_268 = arith.constant 32 : index
      %get3A_269 = tpu.vector_load %arg9[%get3A_267, %get3A_268] {strides = array<i32>} : memref<200x64xf32, #tpu.memory_space<vmem>>, vector<1x16xf32>,
      %get3A_270 = vector.shape_cast %get3A_269 : vector<1x16xf32> to vector<16xf32>
      %swap3A_271 = arith.index_cast %add3A_250 : i32 to index
      %swap3A_272 = arith.constant 32 : index
      %swap3A_273 = tpu.vector_load %arg7[%swap3A_271, %swap3A_272] {strides = array<i32>} : memref<200x64xf32, #tpu.memory_space<vmem>>, vector<1x16xf32>,
      %swap3A_274 = vector.shape_cast %swap3A_273 : vector<1x16xf32> to vector<16xf32>
      %swap3A_275 = vector.shape_cast %get3A_270 : vector<16xf32> to vector<1x16xf32>
      tpu.vector_store %arg7[%swap3A_271, %swap3A_272], %swap3A_275 {strides = array<i32>} : memref<200x64xf32, #tpu.memory_space<vmem>>, vector<1x16xf32>,
      %get3A_276 = arith.index_cast %add3A_250 : i32 to index
      %get3A_277 = arith.constant 48 : index
      %get3A_278 = tpu.vector_load %arg9[%get3A_276, %get3A_277] {strides = array<i32>} : memref<200x64xf32, #tpu.memory_space<vmem>>, vector<1x16xf32>,
      %get3A_279 = vector.shape_cast %get3A_278 : vector<1x16xf32> to vector<16xf32>
      %swap3A_280 = arith.index_cast %add3A_250 : i32 to index
      %swap3A_281 = arith.constant 48 : index
      %swap3A_282 = tpu.vector_load %arg7[%swap3A_280, %swap3A_281] {strides = array<i32>} : memref<200x64xf32, #tpu.memory_space<vmem>>, vector<1x16xf32>,
      %swap3A_283 = vector.shape_cast %swap3A_282 : vector<1x16xf32> to vector<16xf32>
      %swap3A_284 = vector.shape_cast %get3A_279 : vector<16xf32> to vector<1x16xf32>
      tpu.vector_store %arg7[%swap3A_280, %swap3A_281], %swap3A_284 {strides = array<i32>} : memref<200x64xf32, #tpu.memory_space<vmem>>, vector<1x16xf32>,
      %mul3A_285 = arith.constant 8 : i32
      %mul3A_286 = arith.muli %scan3A_246, %mul3A_285 : i32
      %add3A_287 = arith.constant 1 : i32
      %add3A_288 = arith.addi %mul3A_286, %add3A_287 : i32
      %get3A_289 = arith.index_cast %add3A_288 : i32 to index
      %get3A_290 = arith.constant 0 : index
      %get3A_291 = tpu.vector_load %arg9[%get3A_289, %get3A_290] {strides = array<i32>} : memref<200x64xf32, #tpu.memory_space<vmem>>, vector<1x16xf32>,
      %get3A_292 = vector.shape_cast %get3A_291 : vector<1x16xf32> to vector<16xf32>
      %swap3A_293 = arith.index_cast %add3A_288 : i32 to index
      %swap3A_294 = arith.constant 0 : index
      %swap3A_295 = tpu.vector_load %arg7[%swap3A_293, %swap3A_294] {strides = array<i32>} : memref<200x64xf32, #tpu.memory_space<vmem>>, vector<1x16xf32>,
      %swap3A_296 = vector.shape_cast %swap3A_295 : vector<1x16xf32> to vector<16xf32>
      %swap3A_297 = vector.shape_cast %get3A_292 : vector<16xf32> to vector<1x16xf32>
      tpu.vector_store %arg7[%swap3A_293, %swap3A_294], %swap3A_297 {strides = array<i32>} : memref<200x64xf32, #tpu.memory_space<vmem>>, vector<1x16xf32>,
      %get3A_298 = arith.index_cast %add3A_288 : i32 to index
      %get3A_299 = arith.constant 16 : index
      %get3A_300 = tpu.vector_load %arg9[%get3A_298, %get3A_299] {strides = array<i32>} : memref<200x64xf32, #tpu.memory_space<vmem>>, vector<1x16xf32>,
      %get3A_301 = vector.shape_cast %get3A_300 : vector<1x16xf32> to vector<16xf32>
      %swap3A_302 = arith.index_cast %add3A_288 : i32 to index
      %swap3A_303 = arith.constant 16 : index
      %swap3A_304 = tpu.vector_load %arg7[%swap3A_302, %swap3A_303] {strides = array<i32>} : memref<200x64xf32, #tpu.memory_space<vmem>>, vector<1x16xf32>,
      %swap3A_305 = vector.shape_cast %swap3A_304 : vector<1x16xf32> to vector<16xf32>
      %swap3A_306 = vector.shape_cast %get3A_301 : vector<16xf32> to vector<1x16xf32>
      tpu.vector_store %arg7[%swap3A_302, %swap3A_303], %swap3A_306 {strides = array<i32>} : memref<200x64xf32, #tpu.memory_space<vmem>>, vector<1x16xf32>,
      %get3A_307 = arith.index_cast %add3A_288 : i32 to index
      %get3A_308 = arith.constant 32 : index
      %get3A_309 = tpu.vector_load %arg9[%get3A_307, %get3A_308] {strides = array<i32>} : memref<200x64xf32, #tpu.memory_space<vmem>>, vector<1x16xf32>,
      %get3A_310 = vector.shape_cast %get3A_309 : vector<1x16xf32> to vector<16xf32>
      %swap3A_311 = arith.index_cast %add3A_288 : i32 to index
      %swap3A_312 = arith.constant 32 : index
      %swap3A_313 = tpu.vector_load %arg7[%swap3A_311, %swap3A_312] {strides = array<i32>} : memref<200x64xf32, #tpu.memory_space<vmem>>, vector<1x16xf32>,
      %swap3A_314 = vector.shape_cast %swap3A_313 : vector<1x16xf32> to vector<16xf32>
      %swap3A_315 = vector.shape_cast %get3A_310 : vector<16xf32> to vector<1x16xf32>
      tpu.vector_store %arg7[%swap3A_311, %swap3A_312], %swap3A_315 {strides = array<i32>} : memref<200x64xf32, #tpu.memory_space<vmem>>, vector<1x16xf32>,
      %get3A_316 = arith.index_cast %add3A_288 : i32 to index
      %get3A_317 = arith.constant 48 : index
      %get3A_318 = tpu.vector_load %arg9[%get3A_316, %get3A_317] {strides = array<i32>} : memref<200x64xf32, #tpu.memory_space<vmem>>, vector<1x16xf32>,
      %get3A_319 = vector.shape_cast %get3A_318 : vector<1x16xf32> to vector<16xf32>
      %swap3A_320 = arith.index_cast %add3A_288 : i32 to index
      %swap3A_321 = arith.constant 48 : index
      %swap3A_322 = tpu.vector_load %arg7[%swap3A_320, %swap3A_321] {strides = array<i32>} : memref<200x64xf32, #tpu.memory_space<vmem>>, vector<1x16xf32>,
      %swap3A_323 = vector.shape_cast %swap3A_322 : vector<1x16xf32> to vector<16xf32>
      %swap3A_324 = vector.shape_cast %get3A_319 : vector<16xf32> to vector<1x16xf32>
      tpu.vector_store %arg7[%swap3A_320, %swap3A_321], %swap3A_324 {strides = array<i32>} : memref<200x64xf32, #tpu.memory_space<vmem>>, vector<1x16xf32>,
      %mul3A_325 = arith.constant 8 : i32
      %mul3A_326 = arith.muli %scan3A_246, %mul3A_325 : i32
      %add3A_327 = arith.constant 2 : i32
      %add3A_328 = arith.addi %mul3A_326, %add3A_327 : i32
      %get3A_329 = arith.index_cast %add3A_328 : i32 to index
      %get3A_330 = arith.constant 0 : index
      %get3A_331 = tpu.vector_load %arg9[%get3A_329, %get3A_330] {strides = array<i32>} : memref<200x64xf32, #tpu.memory_space<vmem>>, vector<1x16xf32>,
      %get3A_332 = vector.shape_cast %get3A_331 : vector<1x16xf32> to vector<16xf32>
      %swap3A_333 = arith.index_cast %add3A_328 : i32 to index
      %swap3A_334 = arith.constant 0 : index
      %swap3A_335 = tpu.vector_load %arg7[%swap3A_333, %swap3A_334] {strides = array<i32>} : memref<200x64xf32, #tpu.memory_space<vmem>>, vector<1x16xf32>,
      %swap3A_336 = vector.shape_cast %swap3A_335 : vector<1x16xf32> to vector<16xf32>
      %swap3A_337 = vector.shape_cast %get3A_332 : vector<16xf32> to vector<1x16xf32>
      tpu.vector_store %arg7[%swap3A_333, %swap3A_334], %swap3A_337 {strides = array<i32>} : memref<200x64xf32, #tpu.memory_space<vmem>>, vector<1x16xf32>,
      %get3A_338 = arith.index_cast %add3A_328 : i32 to index
      %get3A_339 = arith.constant 16 : index
      %get3A_340 = tpu.vector_load %arg9[%get3A_338, %get3A_339] {strides = array<i32>} : memref<200x64xf32, #tpu.memory_space<vmem>>, vector<1x16xf32>,
      %get3A_341 = vector.shape_cast %get3A_340 : vector<1x16xf32> to vector<16xf32>
      %swap3A_342 = arith.index_cast %add3A_328 : i32 to index
      %swap3A_343 = arith.constant 16 : index
      %swap3A_344 = tpu.vector_load %arg7[%swap3A_342, %swap3A_343] {strides = array<i32>} : memref<200x64xf32, #tpu.memory_space<vmem>>, vector<1x16xf32>,
      %swap3A_345 = vector.shape_cast %swap3A_344 : vector<1x16xf32> to vector<16xf32>
      %swap3A_346 = vector.shape_cast %get3A_341 : vector<16xf32> to vector<1x16xf32>
      tpu.vector_store %arg7[%swap3A_342, %swap3A_343], %swap3A_346 {strides = array<i32>} : memref<200x64xf32, #tpu.memory_space<vmem>>, vector<1x16xf32>,
      %get3A_347 = arith.index_cast %add3A_328 : i32 to index
      %get3A_348 = arith.constant 32 : index
      %get3A_349 = tpu.vector_load %arg9[%get3A_347, %get3A_348] {strides = array<i32>} : memref<200x64xf32, #tpu.memory_space<vmem>>, vector<1x16xf32>,
      %get3A_350 = vector.shape_cast %get3A_349 : vector<1x16xf32> to vector<16xf32>
      %swap3A_351 = arith.index_cast %add3A_328 : i32 to index
      %swap3A_352 = arith.constant 32 : index
      %swap3A_353 = tpu.vector_load %arg7[%swap3A_351, %swap3A_352] {strides = array<i32>} : memref<200x64xf32, #tpu.memory_space<vmem>>, vector<1x16xf32>,
      %swap3A_354 = vector.shape_cast %swap3A_353 : vector<1x16xf32> to vector<16xf32>
      %swap3A_355 = vector.shape_cast %get3A_350 : vector<16xf32> to vector<1x16xf32>
      tpu.vector_store %arg7[%swap3A_351, %swap3A_352], %swap3A_355 {strides = array<i32>} : memref<200x64xf32, #tpu.memory_space<vmem>>, vector<1x16xf32>,
      %get3A_356 = arith.index_cast %add3A_328 : i32 to index
      %get3A_357 = arith.constant 48 : index
      %get3A_358 = tpu.vector_load %arg9[%get3A_356, %get3A_357] {strides = array<i32>} : memref<200x64xf32, #tpu.memory_space<vmem>>, vector<1x16xf32>,
      %get3A_359 = vector.shape_cast %get3A_358 : vector<1x16xf32> to vector<16xf32>
      %swap3A_360 = arith.index_cast %add3A_328 : i32 to index
      %swap3A_361 = arith.constant 48 : index
      %swap3A_362 = tpu.vector_load %arg7[%swap3A_360, %swap3A_361] {strides = array<i32>} : memref<200x64xf32, #tpu.memory_space<vmem>>, vector<1x16xf32>,
      %swap3A_363 = vector.shape_cast %swap3A_362 : vector<1x16xf32> to vector<16xf32>
      %swap3A_364 = vector.shape_cast %get3A_359 : vector<16xf32> to vector<1x16xf32>
      tpu.vector_store %arg7[%swap3A_360, %swap3A_361], %swap3A_364 {strides = array<i32>} : memref<200x64xf32, #tpu.memory_space<vmem>>, vector<1x16xf32>,
      %mul3A_365 = arith.constant 8 : i32
      %mul3A_366 = arith.muli %scan3A_246, %mul3A_365 : i32
      %add3A_367 = arith.constant 3 : i32
      %add3A_368 = arith.addi %mul3A_366, %add3A_367 : i32
      %get3A_369 = arith.index_cast %add3A_368 : i32 to index
      %get3A_370 = arith.constant 0 : index
      %get3A_371 = tpu.vector_load %arg9[%get3A_369, %get3A_370] {strides = array<i32>} : memref<200x64xf32, #tpu.memory_space<vmem>>, vector<1x16xf32>,
      %get3A_372 = vector.shape_cast %get3A_371 : vector<1x16xf32> to vector<16xf32>
      %swap3A_373 = arith.index_cast %add3A_368 : i32 to index
      %swap3A_374 = arith.constant 0 : index
      %swap3A_375 = tpu.vector_load %arg7[%swap3A_373, %swap3A_374] {strides = array<i32>} : memref<200x64xf32, #tpu.memory_space<vmem>>, vector<1x16xf32>,
      %swap3A_376 = vector.shape_cast %swap3A_375 : vector<1x16xf32> to vector<16xf32>
      %swap3A_377 = vector.shape_cast %get3A_372 : vector<16xf32> to vector<1x16xf32>
      tpu.vector_store %arg7[%swap3A_373, %swap3A_374], %swap3A_377 {strides = array<i32>} : memref<200x64xf32, #tpu.memory_space<vmem>>, vector<1x16xf32>,
      %get3A_378 = arith.index_cast %add3A_368 : i32 to index
      %get3A_379 = arith.constant 16 : index
      %get3A_380 = tpu.vector_load %arg9[%get3A_378, %get3A_379] {strides = array<i32>} : memref<200x64xf32, #tpu.memory_space<vmem>>, vector<1x16xf32>,
      %get3A_381 = vector.shape_cast %get3A_380 : vector<1x16xf32> to vector<16xf32>
      %swap3A_382 = arith.index_cast %add3A_368 : i32 to index
      %swap3A_383 = arith.constant 16 : index
      %swap3A_384 = tpu.vector_load %arg7[%swap3A_382, %swap3A_383] {strides = array<i32>} : memref<200x64xf32, #tpu.memory_space<vmem>>, vector<1x16xf32>,
      %swap3A_385 = vector.shape_cast %swap3A_384 : vector<1x16xf32> to vector<16xf32>
      %swap3A_386 = vector.shape_cast %get3A_381 : vector<16xf32> to vector<1x16xf32>
      tpu.vector_store %arg7[%swap3A_382, %swap3A_383], %swap3A_386 {strides = array<i32>} : memref<200x64xf32, #tpu.memory_space<vmem>>, vector<1x16xf32>,
      %get3A_387 = arith.index_cast %add3A_368 : i32 to index
      %get3A_388 = arith.constant 32 : index
      %get3A_389 = tpu.vector_load %arg9[%get3A_387, %get3A_388] {strides = array<i32>} : memref<200x64xf32, #tpu.memory_space<vmem>>, vector<1x16xf32>,
      %get3A_390 = vector.shape_cast %get3A_389 : vector<1x16xf32> to vector<16xf32>
      %swap3A_391 = arith.index_cast %add3A_368 : i32 to index
      %swap3A_392 = arith.constant 32 : index
      %swap3A_393 = tpu.vector_load %arg7[%swap3A_391, %swap3A_392] {strides = array<i32>} : memref<200x64xf32, #tpu.memory_space<vmem>>, vector<1x16xf32>,
      %swap3A_394 = vector.shape_cast %swap3A_393 : vector<1x16xf32> to vector<16xf32>
      %swap3A_395 = vector.shape_cast %get3A_390 : vector<16xf32> to vector<1x16xf32>
      tpu.vector_store %arg7[%swap3A_391, %swap3A_392], %swap3A_395 {strides = array<i32>} : memref<200x64xf32, #tpu.memory_space<vmem>>, vector<1x16xf32>,
      %get3A_396 = arith.index_cast %add3A_368 : i32 to index
      %get3A_397 = arith.constant 48 : index
      %get3A_398 = tpu.vector_load %arg9[%get3A_396, %get3A_397] {strides = array<i32>} : memref<200x64xf32, #tpu.memory_space<vmem>>, vector<1x16xf32>,
      %get3A_399 = vector.shape_cast %get3A_398 : vector<1x16xf32> to vector<16xf32>
      %swap3A_400 = arith.index_cast %add3A_368 : i32 to index
      %swap3A_401 = arith.constant 48 : index
      %swap3A_402 = tpu.vector_load %arg7[%swap3A_400, %swap3A_401] {strides = array<i32>} : memref<200x64xf32, #tpu.memory_space<vmem>>, vector<1x16xf32>,
      %swap3A_403 = vector.shape_cast %swap3A_402 : vector<1x16xf32> to vector<16xf32>
      %swap3A_404 = vector.shape_cast %get3A_399 : vector<16xf32> to vector<1x16xf32>
      tpu.vector_store %arg7[%swap3A_400, %swap3A_401], %swap3A_404 {strides = array<i32>} : memref<200x64xf32, #tpu.memory_space<vmem>>, vector<1x16xf32>,
      %mul3A_405 = arith.constant 8 : i32
      %mul3A_406 = arith.muli %scan3A_246, %mul3A_405 : i32
      %add3A_407 = arith.constant 4 : i32
      %add3A_408 = arith.addi %mul3A_406, %add3A_407 : i32
      %get3A_409 = arith.index_cast %add3A_408 : i32 to index
      %get3A_410 = arith.constant 0 : index
      %get3A_411 = tpu.vector_load %arg9[%get3A_409, %get3A_410] {strides = array<i32>} : memref<200x64xf32, #tpu.memory_space<vmem>>, vector<1x16xf32>,
      %get3A_412 = vector.shape_cast %get3A_411 : vector<1x16xf32> to vector<16xf32>
      %swap3A_413 = arith.index_cast %add3A_408 : i32 to index
      %swap3A_414 = arith.constant 0 : index
      %swap3A_415 = tpu.vector_load %arg7[%swap3A_413, %swap3A_414] {strides = array<i32>} : memref<200x64xf32, #tpu.memory_space<vmem>>, vector<1x16xf32>,
      %swap3A_416 = vector.shape_cast %swap3A_415 : vector<1x16xf32> to vector<16xf32>
      %swap3A_417 = vector.shape_cast %get3A_412 : vector<16xf32> to vector<1x16xf32>
      tpu.vector_store %arg7[%swap3A_413, %swap3A_414], %swap3A_417 {strides = array<i32>} : memref<200x64xf32, #tpu.memory_space<vmem>>, vector<1x16xf32>,
      %get3A_418 = arith.index_cast %add3A_408 : i32 to index
      %get3A_419 = arith.constant 16 : index
      %get3A_420 = tpu.vector_load %arg9[%get3A_418, %get3A_419] {strides = array<i32>} : memref<200x64xf32, #tpu.memory_space<vmem>>, vector<1x16xf32>,
      %get3A_421 = vector.shape_cast %get3A_420 : vector<1x16xf32> to vector<16xf32>
      %swap3A_422 = arith.index_cast %add3A_408 : i32 to index
      %swap3A_423 = arith.constant 16 : index
      %swap3A_424 = tpu.vector_load %arg7[%swap3A_422, %swap3A_423] {strides = array<i32>} : memref<200x64xf32, #tpu.memory_space<vmem>>, vector<1x16xf32>,
      %swap3A_425 = vector.shape_cast %swap3A_424 : vector<1x16xf32> to vector<16xf32>
      %swap3A_426 = vector.shape_cast %get3A_421 : vector<16xf32> to vector<1x16xf32>
      tpu.vector_store %arg7[%swap3A_422, %swap3A_423], %swap3A_426 {strides = array<i32>} : memref<200x64xf32, #tpu.memory_space<vmem>>, vector<1x16xf32>,
      %get3A_427 = arith.index_cast %add3A_408 : i32 to index
      %get3A_428 = arith.constant 32 : index
      %get3A_429 = tpu.vector_load %arg9[%get3A_427, %get3A_428] {strides = array<i32>} : memref<200x64xf32, #tpu.memory_space<vmem>>, vector<1x16xf32>,
      %get3A_430 = vector.shape_cast %get3A_429 : vector<1x16xf32> to vector<16xf32>
      %swap3A_431 = arith.index_cast %add3A_408 : i32 to index
      %swap3A_432 = arith.constant 32 : index
      %swap3A_433 = tpu.vector_load %arg7[%swap3A_431, %swap3A_432] {strides = array<i32>} : memref<200x64xf32, #tpu.memory_space<vmem>>, vector<1x16xf32>,
      %swap3A_434 = vector.shape_cast %swap3A_433 : vector<1x16xf32> to vector<16xf32>
      %swap3A_435 = vector.shape_cast %get3A_430 : vector<16xf32> to vector<1x16xf32>
      tpu.vector_store %arg7[%swap3A_431, %swap3A_432], %swap3A_435 {strides = array<i32>} : memref<200x64xf32, #tpu.memory_space<vmem>>, vector<1x16xf32>,
      %get3A_436 = arith.index_cast %add3A_408 : i32 to index
      %get3A_437 = arith.constant 48 : index
      %get3A_438 = tpu.vector_load %arg9[%get3A_436, %get3A_437] {strides = array<i32>} : memref<200x64xf32, #tpu.memory_space<vmem>>, vector<1x16xf32>,
      %get3A_439 = vector.shape_cast %get3A_438 : vector<1x16xf32> to vector<16xf32>
      %swap3A_440 = arith.index_cast %add3A_408 : i32 to index
      %swap3A_441 = arith.constant 48 : index
      %swap3A_442 = tpu.vector_load %arg7[%swap3A_440, %swap3A_441] {strides = array<i32>} : memref<200x64xf32, #tpu.memory_space<vmem>>, vector<1x16xf32>,
      %swap3A_443 = vector.shape_cast %swap3A_442 : vector<1x16xf32> to vector<16xf32>
      %swap3A_444 = vector.shape_cast %get3A_439 : vector<16xf32> to vector<1x16xf32>
      tpu.vector_store %arg7[%swap3A_440, %swap3A_441], %swap3A_444 {strides = array<i32>} : memref<200x64xf32, #tpu.memory_space<vmem>>, vector<1x16xf32>,
      %mul3A_445 = arith.constant 8 : i32
      %mul3A_446 = arith.muli %scan3A_246, %mul3A_445 : i32
      %add3A_447 = arith.constant 5 : i32
      %add3A_448 = arith.addi %mul3A_446, %add3A_447 : i32
      %get3A_449 = arith.index_cast %add3A_448 : i32 to index
      %get3A_450 = arith.constant 0 : index
      %get3A_451 = tpu.vector_load %arg9[%get3A_449, %get3A_450] {strides = array<i32>} : memref<200x64xf32, #tpu.memory_space<vmem>>, vector<1x16xf32>,
      %get3A_452 = vector.shape_cast %get3A_451 : vector<1x16xf32> to vector<16xf32>
      %swap3A_453 = arith.index_cast %add3A_448 : i32 to index
      %swap3A_454 = arith.constant 0 : index
      %swap3A_455 = tpu.vector_load %arg7[%swap3A_453, %swap3A_454] {strides = array<i32>} : memref<200x64xf32, #tpu.memory_space<vmem>>, vector<1x16xf32>,
      %swap3A_456 = vector.shape_cast %swap3A_455 : vector<1x16xf32> to vector<16xf32>
      %swap3A_457 = vector.shape_cast %get3A_452 : vector<16xf32> to vector<1x16xf32>
      tpu.vector_store %arg7[%swap3A_453, %swap3A_454], %swap3A_457 {strides = array<i32>} : memref<200x64xf32, #tpu.memory_space<vmem>>, vector<1x16xf32>,
      %get3A_458 = arith.index_cast %add3A_448 : i32 to index
      %get3A_459 = arith.constant 16 : index
      %get3A_460 = tpu.vector_load %arg9[%get3A_458, %get3A_459] {strides = array<i32>} : memref<200x64xf32, #tpu.memory_space<vmem>>, vector<1x16xf32>,
      %get3A_461 = vector.shape_cast %get3A_460 : vector<1x16xf32> to vector<16xf32>
      %swap3A_462 = arith.index_cast %add3A_448 : i32 to index
      %swap3A_463 = arith.constant 16 : index
      %swap3A_464 = tpu.vector_load %arg7[%swap3A_462, %swap3A_463] {strides = array<i32>} : memref<200x64xf32, #tpu.memory_space<vmem>>, vector<1x16xf32>,
      %swap3A_465 = vector.shape_cast %swap3A_464 : vector<1x16xf32> to vector<16xf32>
      %swap3A_466 = vector.shape_cast %get3A_461 : vector<16xf32> to vector<1x16xf32>
      tpu.vector_store %arg7[%swap3A_462, %swap3A_463], %swap3A_466 {strides = array<i32>} : memref<200x64xf32, #tpu.memory_space<vmem>>, vector<1x16xf32>,
      %get3A_467 = arith.index_cast %add3A_448 : i32 to index
      %get3A_468 = arith.constant 32 : index
      %get3A_469 = tpu.vector_load %arg9[%get3A_467, %get3A_468] {strides = array<i32>} : memref<200x64xf32, #tpu.memory_space<vmem>>, vector<1x16xf32>,
      %get3A_470 = vector.shape_cast %get3A_469 : vector<1x16xf32> to vector<16xf32>
      %swap3A_471 = arith.index_cast %add3A_448 : i32 to index
      %swap3A_472 = arith.constant 32 : index
      %swap3A_473 = tpu.vector_load %arg7[%swap3A_471, %swap3A_472] {strides = array<i32>} : memref<200x64xf32, #tpu.memory_space<vmem>>, vector<1x16xf32>,
      %swap3A_474 = vector.shape_cast %swap3A_473 : vector<1x16xf32> to vector<16xf32>
      %swap3A_475 = vector.shape_cast %get3A_470 : vector<16xf32> to vector<1x16xf32>
      tpu.vector_store %arg7[%swap3A_471, %swap3A_472], %swap3A_475 {strides = array<i32>} : memref<200x64xf32, #tpu.memory_space<vmem>>, vector<1x16xf32>,
      %get3A_476 = arith.index_cast %add3A_448 : i32 to index
      %get3A_477 = arith.constant 48 : index
      %get3A_478 = tpu.vector_load %arg9[%get3A_476, %get3A_477] {strides = array<i32>} : memref<200x64xf32, #tpu.memory_space<vmem>>, vector<1x16xf32>,
      %get3A_479 = vector.shape_cast %get3A_478 : vector<1x16xf32> to vector<16xf32>
      %swap3A_480 = arith.index_cast %add3A_448 : i32 to index
      %swap3A_481 = arith.constant 48 : index
      %swap3A_482 = tpu.vector_load %arg7[%swap3A_480, %swap3A_481] {strides = array<i32>} : memref<200x64xf32, #tpu.memory_space<vmem>>, vector<1x16xf32>,
      %swap3A_483 = vector.shape_cast %swap3A_482 : vector<1x16xf32> to vector<16xf32>
      %swap3A_484 = vector.shape_cast %get3A_479 : vector<16xf32> to vector<1x16xf32>
      tpu.vector_store %arg7[%swap3A_480, %swap3A_481], %swap3A_484 {strides = array<i32>} : memref<200x64xf32, #tpu.memory_space<vmem>>, vector<1x16xf32>,
      %mul3A_485 = arith.constant 8 : i32
      %mul3A_486 = arith.muli %scan3A_246, %mul3A_485 : i32
      %add3A_487 = arith.constant 6 : i32
      %add3A_488 = arith.addi %mul3A_486, %add3A_487 : i32
      %get3A_489 = arith.index_cast %add3A_488 : i32 to index
      %get3A_490 = arith.constant 0 : index
      %get3A_491 = tpu.vector_load %arg9[%get3A_489, %get3A_490] {strides = array<i32>} : memref<200x64xf32, #tpu.memory_space<vmem>>, vector<1x16xf32>,
      %get3A_492 = vector.shape_cast %get3A_491 : vector<1x16xf32> to vector<16xf32>
      %swap3A_493 = arith.index_cast %add3A_488 : i32 to index
      %swap3A_494 = arith.constant 0 : index
      %swap3A_495 = tpu.vector_load %arg7[%swap3A_493, %swap3A_494] {strides = array<i32>} : memref<200x64xf32, #tpu.memory_space<vmem>>, vector<1x16xf32>,
      %swap3A_496 = vector.shape_cast %swap3A_495 : vector<1x16xf32> to vector<16xf32>
      %swap3A_497 = vector.shape_cast %get3A_492 : vector<16xf32> to vector<1x16xf32>
      tpu.vector_store %arg7[%swap3A_493, %swap3A_494], %swap3A_497 {strides = array<i32>} : memref<200x64xf32, #tpu.memory_space<vmem>>, vector<1x16xf32>,
      %get3A_498 = arith.index_cast %add3A_488 : i32 to index
      %get3A_499 = arith.constant 16 : index
      %get3A_500 = tpu.vector_load %arg9[%get3A_498, %get3A_499] {strides = array<i32>} : memref<200x64xf32, #tpu.memory_space<vmem>>, vector<1x16xf32>,
      %get3A_501 = vector.shape_cast %get3A_500 : vector<1x16xf32> to vector<16xf32>
      %swap3A_502 = arith.index_cast %add3A_488 : i32 to index
      %swap3A_503 = arith.constant 16 : index
      %swap3A_504 = tpu.vector_load %arg7[%swap3A_502, %swap3A_503] {strides = array<i32>} : memref<200x64xf32, #tpu.memory_space<vmem>>, vector<1x16xf32>,
      %swap3A_505 = vector.shape_cast %swap3A_504 : vector<1x16xf32> to vector<16xf32>
      %swap3A_506 = vector.shape_cast %get3A_501 : vector<16xf32> to vector<1x16xf32>
      tpu.vector_store %arg7[%swap3A_502, %swap3A_503], %swap3A_506 {strides = array<i32>} : memref<200x64xf32, #tpu.memory_space<vmem>>, vector<1x16xf32>,
      %get3A_507 = arith.index_cast %add3A_488 : i32 to index
      %get3A_508 = arith.constant 32 : index
      %get3A_509 = tpu.vector_load %arg9[%get3A_507, %get3A_508] {strides = array<i32>} : memref<200x64xf32, #tpu.memory_space<vmem>>, vector<1x16xf32>,
      %get3A_510 = vector.shape_cast %get3A_509 : vector<1x16xf32> to vector<16xf32>
      %swap3A_511 = arith.index_cast %add3A_488 : i32 to index
      %swap3A_512 = arith.constant 32 : index
      %swap3A_513 = tpu.vector_load %arg7[%swap3A_511, %swap3A_512] {strides = array<i32>} : memref<200x64xf32, #tpu.memory_space<vmem>>, vector<1x16xf32>,
      %swap3A_514 = vector.shape_cast %swap3A_513 : vector<1x16xf32> to vector<16xf32>
      %swap3A_515 = vector.shape_cast %get3A_510 : vector<16xf32> to vector<1x16xf32>
      tpu.vector_store %arg7[%swap3A_511, %swap3A_512], %swap3A_515 {strides = array<i32>} : memref<200x64xf32, #tpu.memory_space<vmem>>, vector<1x16xf32>,
      %get3A_516 = arith.index_cast %add3A_488 : i32 to index
      %get3A_517 = arith.constant 48 : index
      %get3A_518 = tpu.vector_load %arg9[%get3A_516, %get3A_517] {strides = array<i32>} : memref<200x64xf32, #tpu.memory_space<vmem>>, vector<1x16xf32>,
      %get3A_519 = vector.shape_cast %get3A_518 : vector<1x16xf32> to vector<16xf32>
      %swap3A_520 = arith.index_cast %add3A_488 : i32 to index
      %swap3A_521 = arith.constant 48 : index
      %swap3A_522 = tpu.vector_load %arg7[%swap3A_520, %swap3A_521] {strides = array<i32>} : memref<200x64xf32, #tpu.memory_space<vmem>>, vector<1x16xf32>,
      %swap3A_523 = vector.shape_cast %swap3A_522 : vector<1x16xf32> to vector<16xf32>
      %swap3A_524 = vector.shape_cast %get3A_519 : vector<16xf32> to vector<1x16xf32>
      tpu.vector_store %arg7[%swap3A_520, %swap3A_521], %swap3A_524 {strides = array<i32>} : memref<200x64xf32, #tpu.memory_space<vmem>>, vector<1x16xf32>,
      %mul3A_525 = arith.constant 8 : i32
      %mul3A_526 = arith.muli %scan3A_246, %mul3A_525 : i32
      %add3A_527 = arith.constant 7 : i32
      %add3A_528 = arith.addi %mul3A_526, %add3A_527 : i32
      %get3A_529 = arith.index_cast %add3A_528 : i32 to index
      %get3A_530 = arith.constant 0 : index
      %get3A_531 = tpu.vector_load %arg9[%get3A_529, %get3A_530] {strides = array<i32>} : memref<200x64xf32, #tpu.memory_space<vmem>>, vector<1x16xf32>,
      %get3A_532 = vector.shape_cast %get3A_531 : vector<1x16xf32> to vector<16xf32>
      %swap3A_533 = arith.index_cast %add3A_528 : i32 to index
      %swap3A_534 = arith.constant 0 : index
      %swap3A_535 = tpu.vector_load %arg7[%swap3A_533, %swap3A_534] {strides = array<i32>} : memref<200x64xf32, #tpu.memory_space<vmem>>, vector<1x16xf32>,
      %swap3A_536 = vector.shape_cast %swap3A_535 : vector<1x16xf32> to vector<16xf32>
      %swap3A_537 = vector.shape_cast %get3A_532 : vector<16xf32> to vector<1x16xf32>
      tpu.vector_store %arg7[%swap3A_533, %swap3A_534], %swap3A_537 {strides = array<i32>} : memref<200x64xf32, #tpu.memory_space<vmem>>, vector<1x16xf32>,
      %get3A_538 = arith.index_cast %add3A_528 : i32 to index
      %get3A_539 = arith.constant 16 : index
      %get3A_540 = tpu.vector_load %arg9[%get3A_538, %get3A_539] {strides = array<i32>} : memref<200x64xf32, #tpu.memory_space<vmem>>, vector<1x16xf32>,
      %get3A_541 = vector.shape_cast %get3A_540 : vector<1x16xf32> to vector<16xf32>
      %swap3A_542 = arith.index_cast %add3A_528 : i32 to index
      %swap3A_543 = arith.constant 16 : index
      %swap3A_544 = tpu.vector_load %arg7[%swap3A_542, %swap3A_543] {strides = array<i32>} : memref<200x64xf32, #tpu.memory_space<vmem>>, vector<1x16xf32>,
      %swap3A_545 = vector.shape_cast %swap3A_544 : vector<1x16xf32> to vector<16xf32>
      %swap3A_546 = vector.shape_cast %get3A_541 : vector<16xf32> to vector<1x16xf32>
      tpu.vector_store %arg7[%swap3A_542, %swap3A_543], %swap3A_546 {strides = array<i32>} : memref<200x64xf32, #tpu.memory_space<vmem>>, vector<1x16xf32>,
      %get3A_547 = arith.index_cast %add3A_528 : i32 to index
      %get3A_548 = arith.constant 32 : index
      %get3A_549 = tpu.vector_load %arg9[%get3A_547, %get3A_548] {strides = array<i32>} : memref<200x64xf32, #tpu.memory_space<vmem>>, vector<1x16xf32>,
      %get3A_550 = vector.shape_cast %get3A_549 : vector<1x16xf32> to vector<16xf32>
      %swap3A_551 = arith.index_cast %add3A_528 : i32 to index
      %swap3A_552 = arith.constant 32 : index
      %swap3A_553 = tpu.vector_load %arg7[%swap3A_551, %swap3A_552] {strides = array<i32>} : memref<200x64xf32, #tpu.memory_space<vmem>>, vector<1x16xf32>,
      %swap3A_554 = vector.shape_cast %swap3A_553 : vector<1x16xf32> to vector<16xf32>
      %swap3A_555 = vector.shape_cast %get3A_550 : vector<16xf32> to vector<1x16xf32>
      tpu.vector_store %arg7[%swap3A_551, %swap3A_552], %swap3A_555 {strides = array<i32>} : memref<200x64xf32, #tpu.memory_space<vmem>>, vector<1x16xf32>,
      %get3A_556 = arith.index_cast %add3A_528 : i32 to index
      %get3A_557 = arith.constant 48 : index
      %get3A_558 = tpu.vector_load %arg9[%get3A_556, %get3A_557] {strides = array<i32>} : memref<200x64xf32, #tpu.memory_space<vmem>>, vector<1x16xf32>,
      %get3A_559 = vector.shape_cast %get3A_558 : vector<1x16xf32> to vector<16xf32>
      %swap3A_560 = arith.index_cast %add3A_528 : i32 to index
      %swap3A_561 = arith.constant 48 : index
      %swap3A_562 = tpu.vector_load %arg7[%swap3A_560, %swap3A_561] {strides = array<i32>} : memref<200x64xf32, #tpu.memory_space<vmem>>, vector<1x16xf32>,
      %swap3A_563 = vector.shape_cast %swap3A_562 : vector<1x16xf32> to vector<16xf32>
      %swap3A_564 = vector.shape_cast %get3A_559 : vector<16xf32> to vector<1x16xf32>
      tpu.vector_store %arg7[%swap3A_560, %swap3A_561], %swap3A_564 {strides = array<i32>} : memref<200x64xf32, #tpu.memory_space<vmem>>, vector<1x16xf32>,
    }
    %scan3A_97 = arith.constant 25 : i32
    %dma_start3A_98 = arith.constant 126 : i32
    %dma_start3A_99 = arith.constant 0 : i32
    %dma_start3A_100 = arith.constant 0 : i32
    %dma_start3A_101 = tpu.memref_slice %arg7[%dma_start3A_99, %dma_start3A_100] : memref<200x64xf32, #tpu.memory_space<vmem>> -> memref<128x64xf32, #tpu.memory_space<vmem>>
    %dma_start3A_102 = arith.constant 0 : i32
    %dma_start3A_103 = tpu.memref_slice %arg6[%dma_start3A_98, %dma_start3A_102] : memref<128x200xi32, #tpu.memory_space<vmem>> -> memref<1x128xi32, #tpu.memory_space<vmem>>
    %dma_start3A_104 = tpu.memref_squeeze %dma_start3A_103 : memref<1x128xi32, #tpu.memory_space<vmem>> -> memref<128xi32, #tpu.memory_space<vmem>>
    %dma_start3A_105 = arith.constant 0 : i32
    %dma_start3A_106 = arith.constant 0 : i32
    %dma_start3A_107 = tpu.memref_slice %arg3[%dma_start3A_105, %dma_start3A_106] : memref<100000x64xf32, #tpu.memory_space<hbm>> -> memref<100000x64xf32, #tpu.memory_space<hbm>>
    tpu.enqueue_indirect_dma source(%dma_start3A_107 : memref<100000x64xf32, #tpu.memory_space<hbm>>) target(%dma_start3A_101 : memref<128x64xf32, #tpu.memory_space<vmem>>) offsets(%dma_start3A_104 : memref<128xi32, #tpu.memory_space<vmem>>) semaphore(%arg10 : memref<!tpu.dma_semaphore, #tpu.memory_space<semaphore_mem>>) {add = true}
    %dma_start3A_108 = arith.constant 126 : i32
    %dma_start3A_109 = arith.constant 128 : i32
    %dma_start3A_110 = arith.constant 0 : i32
    %dma_start3A_111 = tpu.memref_slice %arg7[%dma_start3A_109, %dma_start3A_110] : memref<200x64xf32, #tpu.memory_space<vmem>> -> memref<72x64xf32, #tpu.memory_space<vmem>>
    %dma_start3A_112 = arith.constant 128 : i32
    %dma_start3A_113 = tpu.memref_slice %arg6[%dma_start3A_108, %dma_start3A_112] : memref<128x200xi32, #tpu.memory_space<vmem>> -> memref<1x72xi32, #tpu.memory_space<vmem>>
    %dma_start3A_114 = tpu.memref_squeeze %dma_start3A_113 : memref<1x72xi32, #tpu.memory_space<vmem>> -> memref<72xi32, #tpu.memory_space<vmem>>
    %dma_start3A_115 = arith.constant 0 : i32
    %dma_start3A_116 = arith.constant 0 : i32
    %dma_start3A_117 = tpu.memref_slice %arg3[%dma_start3A_115, %dma_start3A_116] : memref<100000x64xf32, #tpu.memory_space<hbm>> -> memref<100000x64xf32, #tpu.memory_space<hbm>>
    tpu.enqueue_indirect_dma source(%dma_start3A_117 : memref<100000x64xf32, #tpu.memory_space<hbm>>) target(%dma_start3A_111 : memref<72x64xf32, #tpu.memory_space<vmem>>) offsets(%dma_start3A_114 : memref<72xi32, #tpu.memory_space<vmem>>) semaphore(%arg10 : memref<!tpu.dma_semaphore, #tpu.memory_space<semaphore_mem>>) {add = true}
    %dma_wait3A_118 = arith.constant 125 : i32
    %dma_wait3A_119 = arith.constant 0 : i32
    %dma_wait3A_120 = arith.constant 0 : i32
    %dma_wait3A_121 = tpu.memref_slice %arg8[%dma_wait3A_119, %dma_wait3A_120] : memref<200x64xf32, #tpu.memory_space<vmem>> -> memref<128x64xf32, #tpu.memory_space<vmem>>
    %dma_wait3A_122 = arith.constant 0 : i32
    %dma_wait3A_123 = tpu.memref_slice %arg6[%dma_wait3A_118, %dma_wait3A_122] : memref<128x200xi32, #tpu.memory_space<vmem>> -> memref<1x128xi32, #tpu.memory_space<vmem>>
    %dma_wait3A_124 = tpu.memref_squeeze %dma_wait3A_123 : memref<1x128xi32, #tpu.memory_space<vmem>> -> memref<128xi32, #tpu.memory_space<vmem>>
    %dma_wait3A_125 = arith.constant 0 : i32
    %dma_wait3A_126 = arith.constant 0 : i32
    %dma_wait3A_127 = tpu.memref_slice %arg3[%dma_wait3A_125, %dma_wait3A_126] : memref<100000x64xf32, #tpu.memory_space<hbm>> -> memref<100000x64xf32, #tpu.memory_space<hbm>>
    tpu.wait_indirect_dma semaphore(%arg11 : memref<!tpu.dma_semaphore, #tpu.memory_space<semaphore_mem>>) src(%dma_wait3A_127 : memref<100000x64xf32, #tpu.memory_space<hbm>>) dst(%dma_wait3A_121 : memref<128x64xf32, #tpu.memory_space<vmem>>)
    %dma_wait3A_128 = arith.constant 125 : i32
    %dma_wait3A_129 = arith.constant 128 : i32
    %dma_wait3A_130 = arith.constant 0 : i32
    %dma_wait3A_131 = tpu.memref_slice %arg8[%dma_wait3A_129, %dma_wait3A_130] : memref<200x64xf32, #tpu.memory_space<vmem>> -> memref<72x64xf32, #tpu.memory_space<vmem>>
    %dma_wait3A_132 = arith.constant 128 : i32
    %dma_wait3A_133 = tpu.memref_slice %arg6[%dma_wait3A_128, %dma_wait3A_132] : memref<128x200xi32, #tpu.memory_space<vmem>> -> memref<1x72xi32, #tpu.memory_space<vmem>>
    %dma_wait3A_134 = tpu.memref_squeeze %dma_wait3A_133 : memref<1x72xi32, #tpu.memory_space<vmem>> -> memref<72xi32, #tpu.memory_space<vmem>>
    %dma_wait3A_135 = arith.constant 0 : i32
    %dma_wait3A_136 = arith.constant 0 : i32
    %dma_wait3A_137 = tpu.memref_slice %arg3[%dma_wait3A_135, %dma_wait3A_136] : memref<100000x64xf32, #tpu.memory_space<hbm>> -> memref<100000x64xf32, #tpu.memory_space<hbm>>
    tpu.wait_indirect_dma semaphore(%arg11 : memref<!tpu.dma_semaphore, #tpu.memory_space<semaphore_mem>>) src(%dma_wait3A_137 : memref<100000x64xf32, #tpu.memory_space<hbm>>) dst(%dma_wait3A_131 : memref<72x64xf32, #tpu.memory_space<vmem>>)
    %add3A_138 = arith.constant 125 : i32
    %add3A_139 = arith.addi %mul3A_2, %add3A_138 : i32
    %mul3A_140 = arith.constant 200 : i32
    %mul3A_141 = arith.muli %add3A_139, %mul3A_140 : i32
    %dma_start3A_142 = arith.constant 0 : i32
    %dma_start3A_143 = tpu.memref_slice %arg5[%mul3A_141, %dma_start3A_142] : memref<819200x64xf32, #tpu.memory_space<hbm>> -> memref<200x64xf32, #tpu.memory_space<hbm>>
    %dma_start3A_144 = arith.constant 0 : i32
    %dma_start3A_145 = tpu.memref_slice %arg5[%mul3A_141, %dma_start3A_144] : memref<819200x64xf32, #tpu.memory_space<hbm>> -> memref<200x64xf32, #tpu.memory_space<hbm>>
    tpu.enqueue_dma source(%arg8 : memref<200x64xf32, #tpu.memory_space<vmem>>) target(%dma_start3A_145 : memref<200x64xf32, #tpu.memory_space<hbm>>) target_semaphore(%arg13 : memref<!tpu.dma_semaphore, #tpu.memory_space<semaphore_mem>>)
    %mul3A_146 = arith.constant 200 : i32
    %mul3A_147 = arith.muli %mul3A_2, %mul3A_146 : i32
    %dma_wait3A_148 = arith.constant 0 : i32
    %dma_wait3A_149 = tpu.memref_slice %arg5[%mul3A_147, %dma_wait3A_148] : memref<819200x64xf32, #tpu.memory_space<hbm>> -> memref<200x64xf32, #tpu.memory_space<hbm>>
    %dma_wait3A_150 = arith.constant 0 : i32
    %dma_wait3A_151 = tpu.memref_slice %arg5[%mul3A_147, %dma_wait3A_150] : memref<819200x64xf32, #tpu.memory_space<hbm>> -> memref<200x64xf32, #tpu.memory_space<hbm>>
    tpu.wait_dma2 semaphore(%arg13 : memref<!tpu.dma_semaphore, #tpu.memory_space<semaphore_mem>>) src(%arg8 : memref<200x64xf32, #tpu.memory_space<vmem>>) dst(%dma_wait3A_151 : memref<200x64xf32, #tpu.memory_space<hbm>>)
    %scan3A_152 = arith.constant 0 : i32
    %scan3A_153 = arith.constant 0 : i32
    %scan3A_154 = arith.constant 25 : i32
    %scan3A_155 = arith.addi %scan3A_153, %scan3A_154 : i32
    %scan3A_156 = arith.constant 1 : i32
    scf.for %scan3A_246 = %scan3A_153 to %scan3A_155 step %scan3A_156  : i32 {
      %mul3A_247 = arith.constant 8 : i32
      %mul3A_248 = arith.muli %scan3A_246, %mul3A_247 : i32
      %add3A_249 = arith.constant 0 : i32
      %add3A_250 = arith.addi %mul3A_248, %add3A_249 : i32
      %get3A = arith.index_cast %add3A_250 : i32 to index
      %get3A_251 = arith.constant 0 : index
      %get3A_252 = tpu.vector_load %arg9[%get3A, %get3A_251] {strides = array<i32>} : memref<200x64xf32, #tpu.memory_space<vmem>>, vector<1x16xf32>,
      %get3A_253 = vector.shape_cast %get3A_252 : vector<1x16xf32> to vector<16xf32>
      %swap3A = arith.index_cast %add3A_250 : i32 to index
      %swap3A_254 = arith.constant 0 : index
      %swap3A_255 = tpu.vector_load %arg8[%swap3A, %swap3A_254] {strides = array<i32>} : memref<200x64xf32, #tpu.memory_space<vmem>>, vector<1x16xf32>,
      %swap3A_256 = vector.shape_cast %swap3A_255 : vector<1x16xf32> to vector<16xf32>
      %swap3A_257 = vector.shape_cast %get3A_253 : vector<16xf32> to vector<1x16xf32>
      tpu.vector_store %arg8[%swap3A, %swap3A_254], %swap3A_257 {strides = array<i32>} : memref<200x64xf32, #tpu.memory_space<vmem>>, vector<1x16xf32>,
      %get3A_258 = arith.index_cast %add3A_250 : i32 to index
      %get3A_259 = arith.constant 16 : index
      %get3A_260 = tpu.vector_load %arg9[%get3A_258, %get3A_259] {strides = array<i32>} : memref<200x64xf32, #tpu.memory_space<vmem>>, vector<1x16xf32>,
      %get3A_261 = vector.shape_cast %get3A_260 : vector<1x16xf32> to vector<16xf32>
      %swap3A_262 = arith.index_cast %add3A_250 : i32 to index
      %swap3A_263 = arith.constant 16 : index
      %swap3A_264 = tpu.vector_load %arg8[%swap3A_262, %swap3A_263] {strides = array<i32>} : memref<200x64xf32, #tpu.memory_space<vmem>>, vector<1x16xf32>,
      %swap3A_265 = vector.shape_cast %swap3A_264 : vector<1x16xf32> to vector<16xf32>
      %swap3A_266 = vector.shape_cast %get3A_261 : vector<16xf32> to vector<1x16xf32>
      tpu.vector_store %arg8[%swap3A_262, %swap3A_263], %swap3A_266 {strides = array<i32>} : memref<200x64xf32, #tpu.memory_space<vmem>>, vector<1x16xf32>,
      %get3A_267 = arith.index_cast %add3A_250 : i32 to index
      %get3A_268 = arith.constant 32 : index
      %get3A_269 = tpu.vector_load %arg9[%get3A_267, %get3A_268] {strides = array<i32>} : memref<200x64xf32, #tpu.memory_space<vmem>>, vector<1x16xf32>,
      %get3A_270 = vector.shape_cast %get3A_269 : vector<1x16xf32> to vector<16xf32>
      %swap3A_271 = arith.index_cast %add3A_250 : i32 to index
      %swap3A_272 = arith.constant 32 : index
      %swap3A_273 = tpu.vector_load %arg8[%swap3A_271, %swap3A_272] {strides = array<i32>} : memref<200x64xf32, #tpu.memory_space<vmem>>, vector<1x16xf32>,
      %swap3A_274 = vector.shape_cast %swap3A_273 : vector<1x16xf32> to vector<16xf32>
      %swap3A_275 = vector.shape_cast %get3A_270 : vector<16xf32> to vector<1x16xf32>
      tpu.vector_store %arg8[%swap3A_271, %swap3A_272], %swap3A_275 {strides = array<i32>} : memref<200x64xf32, #tpu.memory_space<vmem>>, vector<1x16xf32>,
      %get3A_276 = arith.index_cast %add3A_250 : i32 to index
      %get3A_277 = arith.constant 48 : index
      %get3A_278 = tpu.vector_load %arg9[%get3A_276, %get3A_277] {strides = array<i32>} : memref<200x64xf32, #tpu.memory_space<vmem>>, vector<1x16xf32>,
      %get3A_279 = vector.shape_cast %get3A_278 : vector<1x16xf32> to vector<16xf32>
      %swap3A_280 = arith.index_cast %add3A_250 : i32 to index
      %swap3A_281 = arith.constant 48 : index
      %swap3A_282 = tpu.vector_load %arg8[%swap3A_280, %swap3A_281] {strides = array<i32>} : memref<200x64xf32, #tpu.memory_space<vmem>>, vector<1x16xf32>,
      %swap3A_283 = vector.shape_cast %swap3A_282 : vector<1x16xf32> to vector<16xf32>
      %swap3A_284 = vector.shape_cast %get3A_279 : vector<16xf32> to vector<1x16xf32>
      tpu.vector_store %arg8[%swap3A_280, %swap3A_281], %swap3A_284 {strides = array<i32>} : memref<200x64xf32, #tpu.memory_space<vmem>>, vector<1x16xf32>,
      %mul3A_285 = arith.constant 8 : i32
      %mul3A_286 = arith.muli %scan3A_246, %mul3A_285 : i32
      %add3A_287 = arith.constant 1 : i32
      %add3A_288 = arith.addi %mul3A_286, %add3A_287 : i32
      %get3A_289 = arith.index_cast %add3A_288 : i32 to index
      %get3A_290 = arith.constant 0 : index
      %get3A_291 = tpu.vector_load %arg9[%get3A_289, %get3A_290] {strides = array<i32>} : memref<200x64xf32, #tpu.memory_space<vmem>>, vector<1x16xf32>,
      %get3A_292 = vector.shape_cast %get3A_291 : vector<1x16xf32> to vector<16xf32>
      %swap3A_293 = arith.index_cast %add3A_288 : i32 to index
      %swap3A_294 = arith.constant 0 : index
      %swap3A_295 = tpu.vector_load %arg8[%swap3A_293, %swap3A_294] {strides = array<i32>} : memref<200x64xf32, #tpu.memory_space<vmem>>, vector<1x16xf32>,
      %swap3A_296 = vector.shape_cast %swap3A_295 : vector<1x16xf32> to vector<16xf32>
      %swap3A_297 = vector.shape_cast %get3A_292 : vector<16xf32> to vector<1x16xf32>
      tpu.vector_store %arg8[%swap3A_293, %swap3A_294], %swap3A_297 {strides = array<i32>} : memref<200x64xf32, #tpu.memory_space<vmem>>, vector<1x16xf32>,
      %get3A_298 = arith.index_cast %add3A_288 : i32 to index
      %get3A_299 = arith.constant 16 : index
      %get3A_300 = tpu.vector_load %arg9[%get3A_298, %get3A_299] {strides = array<i32>} : memref<200x64xf32, #tpu.memory_space<vmem>>, vector<1x16xf32>,
      %get3A_301 = vector.shape_cast %get3A_300 : vector<1x16xf32> to vector<16xf32>
      %swap3A_302 = arith.index_cast %add3A_288 : i32 to index
      %swap3A_303 = arith.constant 16 : index
      %swap3A_304 = tpu.vector_load %arg8[%swap3A_302, %swap3A_303] {strides = array<i32>} : memref<200x64xf32, #tpu.memory_space<vmem>>, vector<1x16xf32>,
      %swap3A_305 = vector.shape_cast %swap3A_304 : vector<1x16xf32> to vector<16xf32>
      %swap3A_306 = vector.shape_cast %get3A_301 : vector<16xf32> to vector<1x16xf32>
      tpu.vector_store %arg8[%swap3A_302, %swap3A_303], %swap3A_306 {strides = array<i32>} : memref<200x64xf32, #tpu.memory_space<vmem>>, vector<1x16xf32>,
      %get3A_307 = arith.index_cast %add3A_288 : i32 to index
      %get3A_308 = arith.constant 32 : index
      %get3A_309 = tpu.vector_load %arg9[%get3A_307, %get3A_308] {strides = array<i32>} : memref<200x64xf32, #tpu.memory_space<vmem>>, vector<1x16xf32>,
      %get3A_310 = vector.shape_cast %get3A_309 : vector<1x16xf32> to vector<16xf32>
      %swap3A_311 = arith.index_cast %add3A_288 : i32 to index
      %swap3A_312 = arith.constant 32 : index
      %swap3A_313 = tpu.vector_load %arg8[%swap3A_311, %swap3A_312] {strides = array<i32>} : memref<200x64xf32, #tpu.memory_space<vmem>>, vector<1x16xf32>,
      %swap3A_314 = vector.shape_cast %swap3A_313 : vector<1x16xf32> to vector<16xf32>
      %swap3A_315 = vector.shape_cast %get3A_310 : vector<16xf32> to vector<1x16xf32>
      tpu.vector_store %arg8[%swap3A_311, %swap3A_312], %swap3A_315 {strides = array<i32>} : memref<200x64xf32, #tpu.memory_space<vmem>>, vector<1x16xf32>,
      %get3A_316 = arith.index_cast %add3A_288 : i32 to index
      %get3A_317 = arith.constant 48 : index
      %get3A_318 = tpu.vector_load %arg9[%get3A_316, %get3A_317] {strides = array<i32>} : memref<200x64xf32, #tpu.memory_space<vmem>>, vector<1x16xf32>,
      %get3A_319 = vector.shape_cast %get3A_318 : vector<1x16xf32> to vector<16xf32>
      %swap3A_320 = arith.index_cast %add3A_288 : i32 to index
      %swap3A_321 = arith.constant 48 : index
      %swap3A_322 = tpu.vector_load %arg8[%swap3A_320, %swap3A_321] {strides = array<i32>} : memref<200x64xf32, #tpu.memory_space<vmem>>, vector<1x16xf32>,
      %swap3A_323 = vector.shape_cast %swap3A_322 : vector<1x16xf32> to vector<16xf32>
      %swap3A_324 = vector.shape_cast %get3A_319 : vector<16xf32> to vector<1x16xf32>
      tpu.vector_store %arg8[%swap3A_320, %swap3A_321], %swap3A_324 {strides = array<i32>} : memref<200x64xf32, #tpu.memory_space<vmem>>, vector<1x16xf32>,
      %mul3A_325 = arith.constant 8 : i32
      %mul3A_326 = arith.muli %scan3A_246, %mul3A_325 : i32
      %add3A_327 = arith.constant 2 : i32
      %add3A_328 = arith.addi %mul3A_326, %add3A_327 : i32
      %get3A_329 = arith.index_cast %add3A_328 : i32 to index
      %get3A_330 = arith.constant 0 : index
      %get3A_331 = tpu.vector_load %arg9[%get3A_329, %get3A_330] {strides = array<i32>} : memref<200x64xf32, #tpu.memory_space<vmem>>, vector<1x16xf32>,
      %get3A_332 = vector.shape_cast %get3A_331 : vector<1x16xf32> to vector<16xf32>
      %swap3A_333 = arith.index_cast %add3A_328 : i32 to index
      %swap3A_334 = arith.constant 0 : index
      %swap3A_335 = tpu.vector_load %arg8[%swap3A_333, %swap3A_334] {strides = array<i32>} : memref<200x64xf32, #tpu.memory_space<vmem>>, vector<1x16xf32>,
      %swap3A_336 = vector.shape_cast %swap3A_335 : vector<1x16xf32> to vector<16xf32>
      %swap3A_337 = vector.shape_cast %get3A_332 : vector<16xf32> to vector<1x16xf32>
      tpu.vector_store %arg8[%swap3A_333, %swap3A_334], %swap3A_337 {strides = array<i32>} : memref<200x64xf32, #tpu.memory_space<vmem>>, vector<1x16xf32>,
      %get3A_338 = arith.index_cast %add3A_328 : i32 to index
      %get3A_339 = arith.constant 16 : index
      %get3A_340 = tpu.vector_load %arg9[%get3A_338, %get3A_339] {strides = array<i32>} : memref<200x64xf32, #tpu.memory_space<vmem>>, vector<1x16xf32>,
      %get3A_341 = vector.shape_cast %get3A_340 : vector<1x16xf32> to vector<16xf32>
      %swap3A_342 = arith.index_cast %add3A_328 : i32 to index
      %swap3A_343 = arith.constant 16 : index
      %swap3A_344 = tpu.vector_load %arg8[%swap3A_342, %swap3A_343] {strides = array<i32>} : memref<200x64xf32, #tpu.memory_space<vmem>>, vector<1x16xf32>,
      %swap3A_345 = vector.shape_cast %swap3A_344 : vector<1x16xf32> to vector<16xf32>
      %swap3A_346 = vector.shape_cast %get3A_341 : vector<16xf32> to vector<1x16xf32>
      tpu.vector_store %arg8[%swap3A_342, %swap3A_343], %swap3A_346 {strides = array<i32>} : memref<200x64xf32, #tpu.memory_space<vmem>>, vector<1x16xf32>,
      %get3A_347 = arith.index_cast %add3A_328 : i32 to index
      %get3A_348 = arith.constant 32 : index
      %get3A_349 = tpu.vector_load %arg9[%get3A_347, %get3A_348] {strides = array<i32>} : memref<200x64xf32, #tpu.memory_space<vmem>>, vector<1x16xf32>,
      %get3A_350 = vector.shape_cast %get3A_349 : vector<1x16xf32> to vector<16xf32>
      %swap3A_351 = arith.index_cast %add3A_328 : i32 to index
      %swap3A_352 = arith.constant 32 : index
      %swap3A_353 = tpu.vector_load %arg8[%swap3A_351, %swap3A_352] {strides = array<i32>} : memref<200x64xf32, #tpu.memory_space<vmem>>, vector<1x16xf32>,
      %swap3A_354 = vector.shape_cast %swap3A_353 : vector<1x16xf32> to vector<16xf32>
      %swap3A_355 = vector.shape_cast %get3A_350 : vector<16xf32> to vector<1x16xf32>
      tpu.vector_store %arg8[%swap3A_351, %swap3A_352], %swap3A_355 {strides = array<i32>} : memref<200x64xf32, #tpu.memory_space<vmem>>, vector<1x16xf32>,
      %get3A_356 = arith.index_cast %add3A_328 : i32 to index
      %get3A_357 = arith.constant 48 : index
      %get3A_358 = tpu.vector_load %arg9[%get3A_356, %get3A_357] {strides = array<i32>} : memref<200x64xf32, #tpu.memory_space<vmem>>, vector<1x16xf32>,
      %get3A_359 = vector.shape_cast %get3A_358 : vector<1x16xf32> to vector<16xf32>
      %swap3A_360 = arith.index_cast %add3A_328 : i32 to index
      %swap3A_361 = arith.constant 48 : index
      %swap3A_362 = tpu.vector_load %arg8[%swap3A_360, %swap3A_361] {strides = array<i32>} : memref<200x64xf32, #tpu.memory_space<vmem>>, vector<1x16xf32>,
      %swap3A_363 = vector.shape_cast %swap3A_362 : vector<1x16xf32> to vector<16xf32>
      %swap3A_364 = vector.shape_cast %get3A_359 : vector<16xf32> to vector<1x16xf32>
      tpu.vector_store %arg8[%swap3A_360, %swap3A_361], %swap3A_364 {strides = array<i32>} : memref<200x64xf32, #tpu.memory_space<vmem>>, vector<1x16xf32>,
      %mul3A_365 = arith.constant 8 : i32
      %mul3A_366 = arith.muli %scan3A_246, %mul3A_365 : i32
      %add3A_367 = arith.constant 3 : i32
      %add3A_368 = arith.addi %mul3A_366, %add3A_367 : i32
      %get3A_369 = arith.index_cast %add3A_368 : i32 to index
      %get3A_370 = arith.constant 0 : index
      %get3A_371 = tpu.vector_load %arg9[%get3A_369, %get3A_370] {strides = array<i32>} : memref<200x64xf32, #tpu.memory_space<vmem>>, vector<1x16xf32>,
      %get3A_372 = vector.shape_cast %get3A_371 : vector<1x16xf32> to vector<16xf32>
      %swap3A_373 = arith.index_cast %add3A_368 : i32 to index
      %swap3A_374 = arith.constant 0 : index
      %swap3A_375 = tpu.vector_load %arg8[%swap3A_373, %swap3A_374] {strides = array<i32>} : memref<200x64xf32, #tpu.memory_space<vmem>>, vector<1x16xf32>,
      %swap3A_376 = vector.shape_cast %swap3A_375 : vector<1x16xf32> to vector<16xf32>
      %swap3A_377 = vector.shape_cast %get3A_372 : vector<16xf32> to vector<1x16xf32>
      tpu.vector_store %arg8[%swap3A_373, %swap3A_374], %swap3A_377 {strides = array<i32>} : memref<200x64xf32, #tpu.memory_space<vmem>>, vector<1x16xf32>,
      %get3A_378 = arith.index_cast %add3A_368 : i32 to index
      %get3A_379 = arith.constant 16 : index
      %get3A_380 = tpu.vector_load %arg9[%get3A_378, %get3A_379] {strides = array<i32>} : memref<200x64xf32, #tpu.memory_space<vmem>>, vector<1x16xf32>,
      %get3A_381 = vector.shape_cast %get3A_380 : vector<1x16xf32> to vector<16xf32>
      %swap3A_382 = arith.index_cast %add3A_368 : i32 to index
      %swap3A_383 = arith.constant 16 : index
      %swap3A_384 = tpu.vector_load %arg8[%swap3A_382, %swap3A_383] {strides = array<i32>} : memref<200x64xf32, #tpu.memory_space<vmem>>, vector<1x16xf32>,
      %swap3A_385 = vector.shape_cast %swap3A_384 : vector<1x16xf32> to vector<16xf32>
      %swap3A_386 = vector.shape_cast %get3A_381 : vector<16xf32> to vector<1x16xf32>
      tpu.vector_store %arg8[%swap3A_382, %swap3A_383], %swap3A_386 {strides = array<i32>} : memref<200x64xf32, #tpu.memory_space<vmem>>, vector<1x16xf32>,
      %get3A_387 = arith.index_cast %add3A_368 : i32 to index
      %get3A_388 = arith.constant 32 : index
      %get3A_389 = tpu.vector_load %arg9[%get3A_387, %get3A_388] {strides = array<i32>} : memref<200x64xf32, #tpu.memory_space<vmem>>, vector<1x16xf32>,
      %get3A_390 = vector.shape_cast %get3A_389 : vector<1x16xf32> to vector<16xf32>
      %swap3A_391 = arith.index_cast %add3A_368 : i32 to index
      %swap3A_392 = arith.constant 32 : index
      %swap3A_393 = tpu.vector_load %arg8[%swap3A_391, %swap3A_392] {strides = array<i32>} : memref<200x64xf32, #tpu.memory_space<vmem>>, vector<1x16xf32>,
      %swap3A_394 = vector.shape_cast %swap3A_393 : vector<1x16xf32> to vector<16xf32>
      %swap3A_395 = vector.shape_cast %get3A_390 : vector<16xf32> to vector<1x16xf32>
      tpu.vector_store %arg8[%swap3A_391, %swap3A_392], %swap3A_395 {strides = array<i32>} : memref<200x64xf32, #tpu.memory_space<vmem>>, vector<1x16xf32>,
      %get3A_396 = arith.index_cast %add3A_368 : i32 to index
      %get3A_397 = arith.constant 48 : index
      %get3A_398 = tpu.vector_load %arg9[%get3A_396, %get3A_397] {strides = array<i32>} : memref<200x64xf32, #tpu.memory_space<vmem>>, vector<1x16xf32>,
      %get3A_399 = vector.shape_cast %get3A_398 : vector<1x16xf32> to vector<16xf32>
      %swap3A_400 = arith.index_cast %add3A_368 : i32 to index
      %swap3A_401 = arith.constant 48 : index
      %swap3A_402 = tpu.vector_load %arg8[%swap3A_400, %swap3A_401] {strides = array<i32>} : memref<200x64xf32, #tpu.memory_space<vmem>>, vector<1x16xf32>,
      %swap3A_403 = vector.shape_cast %swap3A_402 : vector<1x16xf32> to vector<16xf32>
      %swap3A_404 = vector.shape_cast %get3A_399 : vector<16xf32> to vector<1x16xf32>
      tpu.vector_store %arg8[%swap3A_400, %swap3A_401], %swap3A_404 {strides = array<i32>} : memref<200x64xf32, #tpu.memory_space<vmem>>, vector<1x16xf32>,
      %mul3A_405 = arith.constant 8 : i32
      %mul3A_406 = arith.muli %scan3A_246, %mul3A_405 : i32
      %add3A_407 = arith.constant 4 : i32
      %add3A_408 = arith.addi %mul3A_406, %add3A_407 : i32
      %get3A_409 = arith.index_cast %add3A_408 : i32 to index
      %get3A_410 = arith.constant 0 : index
      %get3A_411 = tpu.vector_load %arg9[%get3A_409, %get3A_410] {strides = array<i32>} : memref<200x64xf32, #tpu.memory_space<vmem>>, vector<1x16xf32>,
      %get3A_412 = vector.shape_cast %get3A_411 : vector<1x16xf32> to vector<16xf32>
      %swap3A_413 = arith.index_cast %add3A_408 : i32 to index
      %swap3A_414 = arith.constant 0 : index
      %swap3A_415 = tpu.vector_load %arg8[%swap3A_413, %swap3A_414] {strides = array<i32>} : memref<200x64xf32, #tpu.memory_space<vmem>>, vector<1x16xf32>,
      %swap3A_416 = vector.shape_cast %swap3A_415 : vector<1x16xf32> to vector<16xf32>
      %swap3A_417 = vector.shape_cast %get3A_412 : vector<16xf32> to vector<1x16xf32>
      tpu.vector_store %arg8[%swap3A_413, %swap3A_414], %swap3A_417 {strides = array<i32>} : memref<200x64xf32, #tpu.memory_space<vmem>>, vector<1x16xf32>,
      %get3A_418 = arith.index_cast %add3A_408 : i32 to index
      %get3A_419 = arith.constant 16 : index
      %get3A_420 = tpu.vector_load %arg9[%get3A_418, %get3A_419] {strides = array<i32>} : memref<200x64xf32, #tpu.memory_space<vmem>>, vector<1x16xf32>,
      %get3A_421 = vector.shape_cast %get3A_420 : vector<1x16xf32> to vector<16xf32>
      %swap3A_422 = arith.index_cast %add3A_408 : i32 to index
      %swap3A_423 = arith.constant 16 : index
      %swap3A_424 = tpu.vector_load %arg8[%swap3A_422, %swap3A_423] {strides = array<i32>} : memref<200x64xf32, #tpu.memory_space<vmem>>, vector<1x16xf32>,
      %swap3A_425 = vector.shape_cast %swap3A_424 : vector<1x16xf32> to vector<16xf32>
      %swap3A_426 = vector.shape_cast %get3A_421 : vector<16xf32> to vector<1x16xf32>
      tpu.vector_store %arg8[%swap3A_422, %swap3A_423], %swap3A_426 {strides = array<i32>} : memref<200x64xf32, #tpu.memory_space<vmem>>, vector<1x16xf32>,
      %get3A_427 = arith.index_cast %add3A_408 : i32 to index
      %get3A_428 = arith.constant 32 : index
      %get3A_429 = tpu.vector_load %arg9[%get3A_427, %get3A_428] {strides = array<i32>} : memref<200x64xf32, #tpu.memory_space<vmem>>, vector<1x16xf32>,
      %get3A_430 = vector.shape_cast %get3A_429 : vector<1x16xf32> to vector<16xf32>
      %swap3A_431 = arith.index_cast %add3A_408 : i32 to index
      %swap3A_432 = arith.constant 32 : index
      %swap3A_433 = tpu.vector_load %arg8[%swap3A_431, %swap3A_432] {strides = array<i32>} : memref<200x64xf32, #tpu.memory_space<vmem>>, vector<1x16xf32>,
      %swap3A_434 = vector.shape_cast %swap3A_433 : vector<1x16xf32> to vector<16xf32>
      %swap3A_435 = vector.shape_cast %get3A_430 : vector<16xf32> to vector<1x16xf32>
      tpu.vector_store %arg8[%swap3A_431, %swap3A_432], %swap3A_435 {strides = array<i32>} : memref<200x64xf32, #tpu.memory_space<vmem>>, vector<1x16xf32>,
      %get3A_436 = arith.index_cast %add3A_408 : i32 to index
      %get3A_437 = arith.constant 48 : index
      %get3A_438 = tpu.vector_load %arg9[%get3A_436, %get3A_437] {strides = array<i32>} : memref<200x64xf32, #tpu.memory_space<vmem>>, vector<1x16xf32>,
      %get3A_439 = vector.shape_cast %get3A_438 : vector<1x16xf32> to vector<16xf32>
      %swap3A_440 = arith.index_cast %add3A_408 : i32 to index
      %swap3A_441 = arith.constant 48 : index
      %swap3A_442 = tpu.vector_load %arg8[%swap3A_440, %swap3A_441] {strides = array<i32>} : memref<200x64xf32, #tpu.memory_space<vmem>>, vector<1x16xf32>,
      %swap3A_443 = vector.shape_cast %swap3A_442 : vector<1x16xf32> to vector<16xf32>
      %swap3A_444 = vector.shape_cast %get3A_439 : vector<16xf32> to vector<1x16xf32>
      tpu.vector_store %arg8[%swap3A_440, %swap3A_441], %swap3A_444 {strides = array<i32>} : memref<200x64xf32, #tpu.memory_space<vmem>>, vector<1x16xf32>,
      %mul3A_445 = arith.constant 8 : i32
      %mul3A_446 = arith.muli %scan3A_246, %mul3A_445 : i32
      %add3A_447 = arith.constant 5 : i32
      %add3A_448 = arith.addi %mul3A_446, %add3A_447 : i32
      %get3A_449 = arith.index_cast %add3A_448 : i32 to index
      %get3A_450 = arith.constant 0 : index
      %get3A_451 = tpu.vector_load %arg9[%get3A_449, %get3A_450] {strides = array<i32>} : memref<200x64xf32, #tpu.memory_space<vmem>>, vector<1x16xf32>,
      %get3A_452 = vector.shape_cast %get3A_451 : vector<1x16xf32> to vector<16xf32>
      %swap3A_453 = arith.index_cast %add3A_448 : i32 to index
      %swap3A_454 = arith.constant 0 : index
      %swap3A_455 = tpu.vector_load %arg8[%swap3A_453, %swap3A_454] {strides = array<i32>} : memref<200x64xf32, #tpu.memory_space<vmem>>, vector<1x16xf32>,
      %swap3A_456 = vector.shape_cast %swap3A_455 : vector<1x16xf32> to vector<16xf32>
      %swap3A_457 = vector.shape_cast %get3A_452 : vector<16xf32> to vector<1x16xf32>
      tpu.vector_store %arg8[%swap3A_453, %swap3A_454], %swap3A_457 {strides = array<i32>} : memref<200x64xf32, #tpu.memory_space<vmem>>, vector<1x16xf32>,
      %get3A_458 = arith.index_cast %add3A_448 : i32 to index
      %get3A_459 = arith.constant 16 : index
      %get3A_460 = tpu.vector_load %arg9[%get3A_458, %get3A_459] {strides = array<i32>} : memref<200x64xf32, #tpu.memory_space<vmem>>, vector<1x16xf32>,
      %get3A_461 = vector.shape_cast %get3A_460 : vector<1x16xf32> to vector<16xf32>
      %swap3A_462 = arith.index_cast %add3A_448 : i32 to index
      %swap3A_463 = arith.constant 16 : index
      %swap3A_464 = tpu.vector_load %arg8[%swap3A_462, %swap3A_463] {strides = array<i32>} : memref<200x64xf32, #tpu.memory_space<vmem>>, vector<1x16xf32>,
      %swap3A_465 = vector.shape_cast %swap3A_464 : vector<1x16xf32> to vector<16xf32>
      %swap3A_466 = vector.shape_cast %get3A_461 : vector<16xf32> to vector<1x16xf32>
      tpu.vector_store %arg8[%swap3A_462, %swap3A_463], %swap3A_466 {strides = array<i32>} : memref<200x64xf32, #tpu.memory_space<vmem>>, vector<1x16xf32>,
      %get3A_467 = arith.index_cast %add3A_448 : i32 to index
      %get3A_468 = arith.constant 32 : index
      %get3A_469 = tpu.vector_load %arg9[%get3A_467, %get3A_468] {strides = array<i32>} : memref<200x64xf32, #tpu.memory_space<vmem>>, vector<1x16xf32>,
      %get3A_470 = vector.shape_cast %get3A_469 : vector<1x16xf32> to vector<16xf32>
      %swap3A_471 = arith.index_cast %add3A_448 : i32 to index
      %swap3A_472 = arith.constant 32 : index
      %swap3A_473 = tpu.vector_load %arg8[%swap3A_471, %swap3A_472] {strides = array<i32>} : memref<200x64xf32, #tpu.memory_space<vmem>>, vector<1x16xf32>,
      %swap3A_474 = vector.shape_cast %swap3A_473 : vector<1x16xf32> to vector<16xf32>
      %swap3A_475 = vector.shape_cast %get3A_470 : vector<16xf32> to vector<1x16xf32>
      tpu.vector_store %arg8[%swap3A_471, %swap3A_472], %swap3A_475 {strides = array<i32>} : memref<200x64xf32, #tpu.memory_space<vmem>>, vector<1x16xf32>,
      %get3A_476 = arith.index_cast %add3A_448 : i32 to index
      %get3A_477 = arith.constant 48 : index
      %get3A_478 = tpu.vector_load %arg9[%get3A_476, %get3A_477] {strides = array<i32>} : memref<200x64xf32, #tpu.memory_space<vmem>>, vector<1x16xf32>,
      %get3A_479 = vector.shape_cast %get3A_478 : vector<1x16xf32> to vector<16xf32>
      %swap3A_480 = arith.index_cast %add3A_448 : i32 to index
      %swap3A_481 = arith.constant 48 : index
      %swap3A_482 = tpu.vector_load %arg8[%swap3A_480, %swap3A_481] {strides = array<i32>} : memref<200x64xf32, #tpu.memory_space<vmem>>, vector<1x16xf32>,
      %swap3A_483 = vector.shape_cast %swap3A_482 : vector<1x16xf32> to vector<16xf32>
      %swap3A_484 = vector.shape_cast %get3A_479 : vector<16xf32> to vector<1x16xf32>
      tpu.vector_store %arg8[%swap3A_480, %swap3A_481], %swap3A_484 {strides = array<i32>} : memref<200x64xf32, #tpu.memory_space<vmem>>, vector<1x16xf32>,
      %mul3A_485 = arith.constant 8 : i32
      %mul3A_486 = arith.muli %scan3A_246, %mul3A_485 : i32
      %add3A_487 = arith.constant 6 : i32
      %add3A_488 = arith.addi %mul3A_486, %add3A_487 : i32
      %get3A_489 = arith.index_cast %add3A_488 : i32 to index
      %get3A_490 = arith.constant 0 : index
      %get3A_491 = tpu.vector_load %arg9[%get3A_489, %get3A_490] {strides = array<i32>} : memref<200x64xf32, #tpu.memory_space<vmem>>, vector<1x16xf32>,
      %get3A_492 = vector.shape_cast %get3A_491 : vector<1x16xf32> to vector<16xf32>
      %swap3A_493 = arith.index_cast %add3A_488 : i32 to index
      %swap3A_494 = arith.constant 0 : index
      %swap3A_495 = tpu.vector_load %arg8[%swap3A_493, %swap3A_494] {strides = array<i32>} : memref<200x64xf32, #tpu.memory_space<vmem>>, vector<1x16xf32>,
      %swap3A_496 = vector.shape_cast %swap3A_495 : vector<1x16xf32> to vector<16xf32>
      %swap3A_497 = vector.shape_cast %get3A_492 : vector<16xf32> to vector<1x16xf32>
      tpu.vector_store %arg8[%swap3A_493, %swap3A_494], %swap3A_497 {strides = array<i32>} : memref<200x64xf32, #tpu.memory_space<vmem>>, vector<1x16xf32>,
      %get3A_498 = arith.index_cast %add3A_488 : i32 to index
      %get3A_499 = arith.constant 16 : index
      %get3A_500 = tpu.vector_load %arg9[%get3A_498, %get3A_499] {strides = array<i32>} : memref<200x64xf32, #tpu.memory_space<vmem>>, vector<1x16xf32>,
      %get3A_501 = vector.shape_cast %get3A_500 : vector<1x16xf32> to vector<16xf32>
      %swap3A_502 = arith.index_cast %add3A_488 : i32 to index
      %swap3A_503 = arith.constant 16 : index
      %swap3A_504 = tpu.vector_load %arg8[%swap3A_502, %swap3A_503] {strides = array<i32>} : memref<200x64xf32, #tpu.memory_space<vmem>>, vector<1x16xf32>,
      %swap3A_505 = vector.shape_cast %swap3A_504 : vector<1x16xf32> to vector<16xf32>
      %swap3A_506 = vector.shape_cast %get3A_501 : vector<16xf32> to vector<1x16xf32>
      tpu.vector_store %arg8[%swap3A_502, %swap3A_503], %swap3A_506 {strides = array<i32>} : memref<200x64xf32, #tpu.memory_space<vmem>>, vector<1x16xf32>,
      %get3A_507 = arith.index_cast %add3A_488 : i32 to index
      %get3A_508 = arith.constant 32 : index
      %get3A_509 = tpu.vector_load %arg9[%get3A_507, %get3A_508] {strides = array<i32>} : memref<200x64xf32, #tpu.memory_space<vmem>>, vector<1x16xf32>,
      %get3A_510 = vector.shape_cast %get3A_509 : vector<1x16xf32> to vector<16xf32>
      %swap3A_511 = arith.index_cast %add3A_488 : i32 to index
      %swap3A_512 = arith.constant 32 : index
      %swap3A_513 = tpu.vector_load %arg8[%swap3A_511, %swap3A_512] {strides = array<i32>} : memref<200x64xf32, #tpu.memory_space<vmem>>, vector<1x16xf32>,
      %swap3A_514 = vector.shape_cast %swap3A_513 : vector<1x16xf32> to vector<16xf32>
      %swap3A_515 = vector.shape_cast %get3A_510 : vector<16xf32> to vector<1x16xf32>
      tpu.vector_store %arg8[%swap3A_511, %swap3A_512], %swap3A_515 {strides = array<i32>} : memref<200x64xf32, #tpu.memory_space<vmem>>, vector<1x16xf32>,
      %get3A_516 = arith.index_cast %add3A_488 : i32 to index
      %get3A_517 = arith.constant 48 : index
      %get3A_518 = tpu.vector_load %arg9[%get3A_516, %get3A_517] {strides = array<i32>} : memref<200x64xf32, #tpu.memory_space<vmem>>, vector<1x16xf32>,
      %get3A_519 = vector.shape_cast %get3A_518 : vector<1x16xf32> to vector<16xf32>
      %swap3A_520 = arith.index_cast %add3A_488 : i32 to index
      %swap3A_521 = arith.constant 48 : index
      %swap3A_522 = tpu.vector_load %arg8[%swap3A_520, %swap3A_521] {strides = array<i32>} : memref<200x64xf32, #tpu.memory_space<vmem>>, vector<1x16xf32>,
      %swap3A_523 = vector.shape_cast %swap3A_522 : vector<1x16xf32> to vector<16xf32>
      %swap3A_524 = vector.shape_cast %get3A_519 : vector<16xf32> to vector<1x16xf32>
      tpu.vector_store %arg8[%swap3A_520, %swap3A_521], %swap3A_524 {strides = array<i32>} : memref<200x64xf32, #tpu.memory_space<vmem>>, vector<1x16xf32>,
      %mul3A_525 = arith.constant 8 : i32
      %mul3A_526 = arith.muli %scan3A_246, %mul3A_525 : i32
      %add3A_527 = arith.constant 7 : i32
      %add3A_528 = arith.addi %mul3A_526, %add3A_527 : i32
      %get3A_529 = arith.index_cast %add3A_528 : i32 to index
      %get3A_530 = arith.constant 0 : index
      %get3A_531 = tpu.vector_load %arg9[%get3A_529, %get3A_530] {strides = array<i32>} : memref<200x64xf32, #tpu.memory_space<vmem>>, vector<1x16xf32>,
      %get3A_532 = vector.shape_cast %get3A_531 : vector<1x16xf32> to vector<16xf32>
      %swap3A_533 = arith.index_cast %add3A_528 : i32 to index
      %swap3A_534 = arith.constant 0 : index
      %swap3A_535 = tpu.vector_load %arg8[%swap3A_533, %swap3A_534] {strides = array<i32>} : memref<200x64xf32, #tpu.memory_space<vmem>>, vector<1x16xf32>,
      %swap3A_536 = vector.shape_cast %swap3A_535 : vector<1x16xf32> to vector<16xf32>
      %swap3A_537 = vector.shape_cast %get3A_532 : vector<16xf32> to vector<1x16xf32>
      tpu.vector_store %arg8[%swap3A_533, %swap3A_534], %swap3A_537 {strides = array<i32>} : memref<200x64xf32, #tpu.memory_space<vmem>>, vector<1x16xf32>,
      %get3A_538 = arith.index_cast %add3A_528 : i32 to index
      %get3A_539 = arith.constant 16 : index
      %get3A_540 = tpu.vector_load %arg9[%get3A_538, %get3A_539] {strides = array<i32>} : memref<200x64xf32, #tpu.memory_space<vmem>>, vector<1x16xf32>,
      %get3A_541 = vector.shape_cast %get3A_540 : vector<1x16xf32> to vector<16xf32>
      %swap3A_542 = arith.index_cast %add3A_528 : i32 to index
      %swap3A_543 = arith.constant 16 : index
      %swap3A_544 = tpu.vector_load %arg8[%swap3A_542, %swap3A_543] {strides = array<i32>} : memref<200x64xf32, #tpu.memory_space<vmem>>, vector<1x16xf32>,
      %swap3A_545 = vector.shape_cast %swap3A_544 : vector<1x16xf32> to vector<16xf32>
      %swap3A_546 = vector.shape_cast %get3A_541 : vector<16xf32> to vector<1x16xf32>
      tpu.vector_store %arg8[%swap3A_542, %swap3A_543], %swap3A_546 {strides = array<i32>} : memref<200x64xf32, #tpu.memory_space<vmem>>, vector<1x16xf32>,
      %get3A_547 = arith.index_cast %add3A_528 : i32 to index
      %get3A_548 = arith.constant 32 : index
      %get3A_549 = tpu.vector_load %arg9[%get3A_547, %get3A_548] {strides = array<i32>} : memref<200x64xf32, #tpu.memory_space<vmem>>, vector<1x16xf32>,
      %get3A_550 = vector.shape_cast %get3A_549 : vector<1x16xf32> to vector<16xf32>
      %swap3A_551 = arith.index_cast %add3A_528 : i32 to index
      %swap3A_552 = arith.constant 32 : index
      %swap3A_553 = tpu.vector_load %arg8[%swap3A_551, %swap3A_552] {strides = array<i32>} : memref<200x64xf32, #tpu.memory_space<vmem>>, vector<1x16xf32>,
      %swap3A_554 = vector.shape_cast %swap3A_553 : vector<1x16xf32> to vector<16xf32>
      %swap3A_555 = vector.shape_cast %get3A_550 : vector<16xf32> to vector<1x16xf32>
      tpu.vector_store %arg8[%swap3A_551, %swap3A_552], %swap3A_555 {strides = array<i32>} : memref<200x64xf32, #tpu.memory_space<vmem>>, vector<1x16xf32>,
      %get3A_556 = arith.index_cast %add3A_528 : i32 to index
      %get3A_557 = arith.constant 48 : index
      %get3A_558 = tpu.vector_load %arg9[%get3A_556, %get3A_557] {strides = array<i32>} : memref<200x64xf32, #tpu.memory_space<vmem>>, vector<1x16xf32>,
      %get3A_559 = vector.shape_cast %get3A_558 : vector<1x16xf32> to vector<16xf32>
      %swap3A_560 = arith.index_cast %add3A_528 : i32 to index
      %swap3A_561 = arith.constant 48 : index
      %swap3A_562 = tpu.vector_load %arg8[%swap3A_560, %swap3A_561] {strides = array<i32>} : memref<200x64xf32, #tpu.memory_space<vmem>>, vector<1x16xf32>,
      %swap3A_563 = vector.shape_cast %swap3A_562 : vector<1x16xf32> to vector<16xf32>
      %swap3A_564 = vector.shape_cast %get3A_559 : vector<16xf32> to vector<1x16xf32>
      tpu.vector_store %arg8[%swap3A_560, %swap3A_561], %swap3A_564 {strides = array<i32>} : memref<200x64xf32, #tpu.memory_space<vmem>>, vector<1x16xf32>,
    }
    %scan3A_157 = arith.constant 25 : i32
    %dma_start3A_158 = arith.constant 127 : i32
    %dma_start3A_159 = arith.constant 0 : i32
    %dma_start3A_160 = arith.constant 0 : i32
    %dma_start3A_161 = tpu.memref_slice %arg8[%dma_start3A_159, %dma_start3A_160] : memref<200x64xf32, #tpu.memory_space<vmem>> -> memref<128x64xf32, #tpu.memory_space<vmem>>
    %dma_start3A_162 = arith.constant 0 : i32
    %dma_start3A_163 = tpu.memref_slice %arg6[%dma_start3A_158, %dma_start3A_162] : memref<128x200xi32, #tpu.memory_space<vmem>> -> memref<1x128xi32, #tpu.memory_space<vmem>>
    %dma_start3A_164 = tpu.memref_squeeze %dma_start3A_163 : memref<1x128xi32, #tpu.memory_space<vmem>> -> memref<128xi32, #tpu.memory_space<vmem>>
    %dma_start3A_165 = arith.constant 0 : i32
    %dma_start3A_166 = arith.constant 0 : i32
    %dma_start3A_167 = tpu.memref_slice %arg3[%dma_start3A_165, %dma_start3A_166] : memref<100000x64xf32, #tpu.memory_space<hbm>> -> memref<100000x64xf32, #tpu.memory_space<hbm>>
    tpu.enqueue_indirect_dma source(%dma_start3A_167 : memref<100000x64xf32, #tpu.memory_space<hbm>>) target(%dma_start3A_161 : memref<128x64xf32, #tpu.memory_space<vmem>>) offsets(%dma_start3A_164 : memref<128xi32, #tpu.memory_space<vmem>>) semaphore(%arg11 : memref<!tpu.dma_semaphore, #tpu.memory_space<semaphore_mem>>) {add = true}
    %dma_start3A_168 = arith.constant 127 : i32
    %dma_start3A_169 = arith.constant 128 : i32
    %dma_start3A_170 = arith.constant 0 : i32
    %dma_start3A_171 = tpu.memref_slice %arg8[%dma_start3A_169, %dma_start3A_170] : memref<200x64xf32, #tpu.memory_space<vmem>> -> memref<72x64xf32, #tpu.memory_space<vmem>>
    %dma_start3A_172 = arith.constant 128 : i32
    %dma_start3A_173 = tpu.memref_slice %arg6[%dma_start3A_168, %dma_start3A_172] : memref<128x200xi32, #tpu.memory_space<vmem>> -> memref<1x72xi32, #tpu.memory_space<vmem>>
    %dma_start3A_174 = tpu.memref_squeeze %dma_start3A_173 : memref<1x72xi32, #tpu.memory_space<vmem>> -> memref<72xi32, #tpu.memory_space<vmem>>
    %dma_start3A_175 = arith.constant 0 : i32
    %dma_start3A_176 = arith.constant 0 : i32
    %dma_start3A_177 = tpu.memref_slice %arg3[%dma_start3A_175, %dma_start3A_176] : memref<100000x64xf32, #tpu.memory_space<hbm>> -> memref<100000x64xf32, #tpu.memory_space<hbm>>
    tpu.enqueue_indirect_dma source(%dma_start3A_177 : memref<100000x64xf32, #tpu.memory_space<hbm>>) target(%dma_start3A_171 : memref<72x64xf32, #tpu.memory_space<vmem>>) offsets(%dma_start3A_174 : memref<72xi32, #tpu.memory_space<vmem>>) semaphore(%arg11 : memref<!tpu.dma_semaphore, #tpu.memory_space<semaphore_mem>>) {add = true}
    %dma_wait3A_178 = arith.constant 126 : i32
    %dma_wait3A_179 = arith.constant 0 : i32
    %dma_wait3A_180 = arith.constant 0 : i32
    %dma_wait3A_181 = tpu.memref_slice %arg7[%dma_wait3A_179, %dma_wait3A_180] : memref<200x64xf32, #tpu.memory_space<vmem>> -> memref<128x64xf32, #tpu.memory_space<vmem>>
    %dma_wait3A_182 = arith.constant 0 : i32
    %dma_wait3A_183 = tpu.memref_slice %arg6[%dma_wait3A_178, %dma_wait3A_182] : memref<128x200xi32, #tpu.memory_space<vmem>> -> memref<1x128xi32, #tpu.memory_space<vmem>>
    %dma_wait3A_184 = tpu.memref_squeeze %dma_wait3A_183 : memref<1x128xi32, #tpu.memory_space<vmem>> -> memref<128xi32, #tpu.memory_space<vmem>>
    %dma_wait3A_185 = arith.constant 0 : i32
    %dma_wait3A_186 = arith.constant 0 : i32
    %dma_wait3A_187 = tpu.memref_slice %arg3[%dma_wait3A_185, %dma_wait3A_186] : memref<100000x64xf32, #tpu.memory_space<hbm>> -> memref<100000x64xf32, #tpu.memory_space<hbm>>
    tpu.wait_indirect_dma semaphore(%arg10 : memref<!tpu.dma_semaphore, #tpu.memory_space<semaphore_mem>>) src(%dma_wait3A_187 : memref<100000x64xf32, #tpu.memory_space<hbm>>) dst(%dma_wait3A_181 : memref<128x64xf32, #tpu.memory_space<vmem>>)
    %dma_wait3A_188 = arith.constant 126 : i32
    %dma_wait3A_189 = arith.constant 128 : i32
    %dma_wait3A_190 = arith.constant 0 : i32
    %dma_wait3A_191 = tpu.memref_slice %arg7[%dma_wait3A_189, %dma_wait3A_190] : memref<200x64xf32, #tpu.memory_space<vmem>> -> memref<72x64xf32, #tpu.memory_space<vmem>>
    %dma_wait3A_192 = arith.constant 128 : i32
    %dma_wait3A_193 = tpu.memref_slice %arg6[%dma_wait3A_188, %dma_wait3A_192] : memref<128x200xi32, #tpu.memory_space<vmem>> -> memref<1x72xi32, #tpu.memory_space<vmem>>
    %dma_wait3A_194 = tpu.memref_squeeze %dma_wait3A_193 : memref<1x72xi32, #tpu.memory_space<vmem>> -> memref<72xi32, #tpu.memory_space<vmem>>
    %dma_wait3A_195 = arith.constant 0 : i32
    %dma_wait3A_196 = arith.constant 0 : i32
    %dma_wait3A_197 = tpu.memref_slice %arg3[%dma_wait3A_195, %dma_wait3A_196] : memref<100000x64xf32, #tpu.memory_space<hbm>> -> memref<100000x64xf32, #tpu.memory_space<hbm>>
    tpu.wait_indirect_dma semaphore(%arg10 : memref<!tpu.dma_semaphore, #tpu.memory_space<semaphore_mem>>) src(%dma_wait3A_197 : memref<100000x64xf32, #tpu.memory_space<hbm>>) dst(%dma_wait3A_191 : memref<72x64xf32, #tpu.memory_space<vmem>>)
    %add3A_198 = arith.constant 126 : i32
    %add3A_199 = arith.addi %mul3A_2, %add3A_198 : i32
    %mul3A_200 = arith.constant 200 : i32
    %mul3A_201 = arith.muli %add3A_199, %mul3A_200 : i32
    %dma_start3A_202 = arith.constant 0 : i32
    %dma_start3A_203 = tpu.memref_slice %arg5[%mul3A_201, %dma_start3A_202] : memref<819200x64xf32, #tpu.memory_space<hbm>> -> memref<200x64xf32, #tpu.memory_space<hbm>>
    %dma_start3A_204 = arith.constant 0 : i32
    %dma_start3A_205 = tpu.memref_slice %arg5[%mul3A_201, %dma_start3A_204] : memref<819200x64xf32, #tpu.memory_space<hbm>> -> memref<200x64xf32, #tpu.memory_space<hbm>>
    tpu.enqueue_dma source(%arg7 : memref<200x64xf32, #tpu.memory_space<vmem>>) target(%dma_start3A_205 : memref<200x64xf32, #tpu.memory_space<hbm>>) target_semaphore(%arg12 : memref<!tpu.dma_semaphore, #tpu.memory_space<semaphore_mem>>)
    %dma_wait3A_206 = arith.constant 127 : i32
    %dma_wait3A_207 = arith.constant 0 : i32
    %dma_wait3A_208 = arith.constant 0 : i32
    %dma_wait3A_209 = tpu.memref_slice %arg8[%dma_wait3A_207, %dma_wait3A_208] : memref<200x64xf32, #tpu.memory_space<vmem>> -> memref<128x64xf32, #tpu.memory_space<vmem>>
    %dma_wait3A_210 = arith.constant 0 : i32
    %dma_wait3A_211 = tpu.memref_slice %arg6[%dma_wait3A_206, %dma_wait3A_210] : memref<128x200xi32, #tpu.memory_space<vmem>> -> memref<1x128xi32, #tpu.memory_space<vmem>>
    %dma_wait3A_212 = tpu.memref_squeeze %dma_wait3A_211 : memref<1x128xi32, #tpu.memory_space<vmem>> -> memref<128xi32, #tpu.memory_space<vmem>>
    %dma_wait3A_213 = arith.constant 0 : i32
    %dma_wait3A_214 = arith.constant 0 : i32
    %dma_wait3A_215 = tpu.memref_slice %arg3[%dma_wait3A_213, %dma_wait3A_214] : memref<100000x64xf32, #tpu.memory_space<hbm>> -> memref<100000x64xf32, #tpu.memory_space<hbm>>
    tpu.wait_indirect_dma semaphore(%arg11 : memref<!tpu.dma_semaphore, #tpu.memory_space<semaphore_mem>>) src(%dma_wait3A_215 : memref<100000x64xf32, #tpu.memory_space<hbm>>) dst(%dma_wait3A_209 : memref<128x64xf32, #tpu.memory_space<vmem>>)
    %dma_wait3A_216 = arith.constant 127 : i32
    %dma_wait3A_217 = arith.constant 128 : i32
    %dma_wait3A_218 = arith.constant 0 : i32
    %dma_wait3A_219 = tpu.memref_slice %arg8[%dma_wait3A_217, %dma_wait3A_218] : memref<200x64xf32, #tpu.memory_space<vmem>> -> memref<72x64xf32, #tpu.memory_space<vmem>>
    %dma_wait3A_220 = arith.constant 128 : i32
    %dma_wait3A_221 = tpu.memref_slice %arg6[%dma_wait3A_216, %dma_wait3A_220] : memref<128x200xi32, #tpu.memory_space<vmem>> -> memref<1x72xi32, #tpu.memory_space<vmem>>
    %dma_wait3A_222 = tpu.memref_squeeze %dma_wait3A_221 : memref<1x72xi32, #tpu.memory_space<vmem>> -> memref<72xi32, #tpu.memory_space<vmem>>
    %dma_wait3A_223 = arith.constant 0 : i32
    %dma_wait3A_224 = arith.constant 0 : i32
    %dma_wait3A_225 = tpu.memref_slice %arg3[%dma_wait3A_223, %dma_wait3A_224] : memref<100000x64xf32, #tpu.memory_space<hbm>> -> memref<100000x64xf32, #tpu.memory_space<hbm>>
    tpu.wait_indirect_dma semaphore(%arg11 : memref<!tpu.dma_semaphore, #tpu.memory_space<semaphore_mem>>) src(%dma_wait3A_225 : memref<100000x64xf32, #tpu.memory_space<hbm>>) dst(%dma_wait3A_219 : memref<72x64xf32, #tpu.memory_space<vmem>>)
    %add3A_226 = arith.constant 127 : i32
    %add3A_227 = arith.addi %mul3A_2, %add3A_226 : i32
    %mul3A_228 = arith.constant 200 : i32
    %mul3A_229 = arith.muli %add3A_227, %mul3A_228 : i32
    %dma_start3A_230 = arith.constant 0 : i32
    %dma_start3A_231 = tpu.memref_slice %arg5[%mul3A_229, %dma_start3A_230] : memref<819200x64xf32, #tpu.memory_space<hbm>> -> memref<200x64xf32, #tpu.memory_space<hbm>>
    %dma_start3A_232 = arith.constant 0 : i32
    %dma_start3A_233 = tpu.memref_slice %arg5[%mul3A_229, %dma_start3A_232] : memref<819200x64xf32, #tpu.memory_space<hbm>> -> memref<200x64xf32, #tpu.memory_space<hbm>>
    tpu.enqueue_dma source(%arg8 : memref<200x64xf32, #tpu.memory_space<vmem>>) target(%dma_start3A_233 : memref<200x64xf32, #tpu.memory_space<hbm>>) target_semaphore(%arg13 : memref<!tpu.dma_semaphore, #tpu.memory_space<semaphore_mem>>)
    %mul3A_234 = arith.constant 200 : i32
    %mul3A_235 = arith.muli %mul3A_2, %mul3A_234 : i32
    %dma_wait3A_236 = arith.constant 0 : i32
    %dma_wait3A_237 = tpu.memref_slice %arg5[%mul3A_235, %dma_wait3A_236] : memref<819200x64xf32, #tpu.memory_space<hbm>> -> memref<200x64xf32, #tpu.memory_space<hbm>>
    %dma_wait3A_238 = arith.constant 0 : i32
    %dma_wait3A_239 = tpu.memref_slice %arg5[%mul3A_235, %dma_wait3A_238] : memref<819200x64xf32, #tpu.memory_space<hbm>> -> memref<200x64xf32, #tpu.memory_space<hbm>>
    tpu.wait_dma2 semaphore(%arg12 : memref<!tpu.dma_semaphore, #tpu.memory_space<semaphore_mem>>) src(%arg7 : memref<200x64xf32, #tpu.memory_space<vmem>>) dst(%dma_wait3A_239 : memref<200x64xf32, #tpu.memory_space<hbm>>)
    %mul3A_240 = arith.constant 200 : i32
    %mul3A_241 = arith.muli %mul3A_2, %mul3A_240 : i32
    %dma_wait3A_242 = arith.constant 0 : i32
    %dma_wait3A_243 = tpu.memref_slice %arg5[%mul3A_241, %dma_wait3A_242] : memref<819200x64xf32, #tpu.memory_space<hbm>> -> memref<200x64xf32, #tpu.memory_space<hbm>>
    %dma_wait3A_244 = arith.constant 0 : i32
    %dma_wait3A_245 = tpu.memref_slice %arg5[%mul3A_241, %dma_wait3A_244] : memref<819200x64xf32, #tpu.memory_space<hbm>> -> memref<200x64xf32, #tpu.memory_space<hbm>>
    tpu.wait_dma2 semaphore(%arg13 : memref<!tpu.dma_semaphore, #tpu.memory_space<semaphore_mem>>) src(%arg8 : memref<200x64xf32, #tpu.memory_space<vmem>>) dst(%dma_wait3A_245 : memref<200x64xf32, #tpu.memory_space<hbm>>)
    return
  }
}

</mosaic_0001>

<sc_bundles>
// kernel: kernel.3.cloned.1.call-start
scs
__scs_entry_jumppad:
0x0: {  	(pc) =	sbr.rel $0x88, $3  }
0x1: {  	(tag) =	ssettag $0x0;
	lr =	simm.s32 $0x1  }
0x2: {  	[smem:$0x3F9E] =	sst lr;
	_ =	strace $0xD0000000  }
0x3: {  	_ = 	snop  }
0x4: {  	_ = 	snop  }
0x5: {  	_ = 	snop  }
0x6: {  	_ = 	snop  }
0x7: {  	_ = 	snop  }
__scs_overlays_trampoline_lowered:
0x8: {  	[smem:$0x3FAD] =	sst s0  }
0x9: {  	[smem:$0x3FAE] =	sst s1  }
0xa: {  	[smem:$0x3FAF] =	sst s2  }
0xb: {  	[smem:$0x3FB0] =	sst s3  }
0xc: {  	[smem:$0x3FB1] =	sst s4  }
0xd: {  	[smem:$0x3FB2] =	sst s5  }
0xe: {  	[smem:$0x3FB3] =	sst s6  }
0xf: {  	[smem:$0x3FB4] =	sst s7  }
0x10: {  	[smem:$0x3FB5] =	sst s8  }
0x11: {  	[smem:$0x3FB6] =	sst s9;
	s0 =	simm.s32 @!p0 $0x0  }
0x12: {  	s1 =	sld [smem:$0x3F9C];
	s0 =	simm.s32 @p0 $0x1  }
0x13: {  	[smem:$0x3FB7] =	sst s0;
	s0 =	simm.s32 @!p1 $0x0  }
0x14: {  	s2 =	sld [smem:$0x3F9B];
	s0 =	simm.s32 @p1 $0x1  }
0x15: {  	[smem:$0x3FB8] =	sst s0;
	s0 =	simm.s32 @!p2 $0x0  }
0x16: {  	s3 =	sld [smem:$0x3FDB];
	s0 =	simm.s32 @p2 $0x1  }
0x17: {  	s4 =	simm.s32 $0x1BF5;
	[smem:$0x3FBA] =	sst s0  }
0x18: {  	s0 =	sld [smem:$0x3F9D];
	_ =	swait.ge [sflag:s4], $0x0  }
0x19: {  	s7 =	sld [smem:$0x3F9E]  }
0x1a: {  	s8 =	sadd.s32 $0xFFFFE003, lr  }
0x1b: {  	s9 =	sadd.s32 $0xFFFFFEF7, lr;
	s5 =	simm.s32 $0xFFFFFFFF;
	p2 =	slt.u32 s8, $0xFFFFF086  }
0x1c: {  	p1 =	slt.u32 s9, $0xF7A;
	s5 =	simm.s32 @!p2 $0x0  }
0x1d: {  	s5 =	simm.s32 @p1 $0x1;
	p0 =	seq.s32 s7, s2  }
0x1e: {  	s7 =	smul.u32 @!p0 $0xF7A, s2;
	p2 =	seq.s32 @!p0 s5, $0x0  }
0x1f: {  	s9 =	smul.u32 $0xF7A, s1;
	s8 =	simm.s32 @!p0 $0x1BF5;
	p2 =	por !p2, p0  }
0x20: {  	[sflag:s8] =	ssyncset.s32 @!p0 $0xFFFFF086;
	s6 =	sadd.s32 @!p0 s3, s7;
	s7 =	simm.s32 @!p0 $0x108  }
0x21: {  	s3 =	sadd.s32 s3, s9;
	s6 =	sadd.s32 @!p0 $0x88, s6;
	s7 =	simm.s32 @p2 $0x1082  }
0x22: {  	[simem:s7], [sflag:s8] =	dma.local @!p0 [hbm:s6], $0xF7A  }
0x23: {  	s9 =	sor.u32 $0xD0000000, s2;
	s6 =	simm.s32 $0x108;
	_ =	swait.ge @!p0 [sflag:s8], $0x0  }
0x24: {  	s3 =	sadd.s32 $0x88, s3;
	s6 =	simm.s32 @!p1 $0x1082;
	[sflag:s4] =	ssyncset.s32 $0xFFFFF086  }
0x25: {  	[simem:s6], [sflag:s4] =	dma.local [hbm:s3], $0xF7A  }
0x26: {  	[smem:$0x3F9E] =	sst s1;
	(tag) =	ssettag s2;
	_ =	strace s9  }
0x27: {  	s1 =	sld [smem:$0x3FAE]  }
0x28: {  	s2 =	sld [smem:$0x3FAF]  }
0x29: {  	s4 =	sld [smem:$0x3FB1]  }
0x2a: {  	p0 =	seq.s32 s5, $0x0;
	s5 =	sld [smem:$0x3FB2]  }
0x2b: {  	s6 =	sld [smem:$0x3FB3]  }
0x2c: {  	s7 =	sld [smem:$0x3FB4]  }
0x2d: {  	s3 =	simm.s32 $0x108;
	s8 =	sld [smem:$0x3FB5]  }
0x2e: {  	s3 =	simm.s32 @!p0 $0x1082;
	s9 =	sld [smem:$0x3FB6]  }
0x2f: {  	lr =	sadd.s32 s0, s3;
	s0 =	sld [smem:$0x3FAD]  }
0x30: {  	s3 =	sld [smem:$0x3FB0]  }
0x31: {  	[smem:$0x3FB9] =	sst s10  }
0x32: {  	s10 =	sld [smem:$0x3FB7];
	_ =	sdelay $0x3  }
0x33: {  	p0 =	seq.s32 s10, $0x1;
	s10 =	sld [smem:$0x3FB9];
	_ =	sdelay $0x3  }
0x34: {  	[smem:$0x3FB9] =	sst s10  }
0x35: {  	s10 =	sld [smem:$0x3FB8];
	_ =	sdelay $0x3  }
0x36: {  	p1 =	seq.s32 s10, $0x1;
	s10 =	sld [smem:$0x3FB9];
	_ =	sdelay $0x3  }
0x37: {  	[smem:$0x3FB9] =	sst s10  }
0x38: {  	s10 =	sld [smem:$0x3FBA]  }
0x39: {  	_ = 	snop;
	(pc) =	sbr.ind lr, $3  }
0x3a: {  	_ = 	snop  }
0x3b: {  	_ = 	snop  }
0x3c: {  	p2 =	seq.s32 s10, $0x1;
	s10 =	sld [smem:$0x3FB9]  }
0x3d: {  	_ =	shalt  }
0x3e: {  	_ =	shalt  }
0x3f: {  	_ =	shalt  }
0x40: {  	_ =	shalt  }
0x41: {  	_ =	shalt  }
0x42: {  	_ =	shalt  }
0x43: {  	_ =	shalt  }
0x44: {  	_ =	shalt  }
0x45: {  	_ =	shalt  }
0x46: {  	_ =	shalt  }
0x47: {  	_ =	shalt  }
0x48: {  	_ =	shalt  }
0x49: {  	_ =	shalt  }
0x4a: {  	_ =	shalt  }
0x4b: {  	_ =	shalt  }
0x4c: {  	_ =	shalt  }
0x4d: {  	_ =	shalt  }
0x4e: {  	_ =	shalt  }
0x4f: {  	_ =	shalt  }
0x50: {  	_ =	shalt  }
0x51: {  	_ =	shalt  }
0x52: {  	_ =	shalt  }
0x53: {  	_ =	shalt  }
0x54: {  	_ =	shalt  }
0x55: {  	_ =	shalt  }
0x56: {  	_ =	shalt  }
0x57: {  	_ =	shalt  }
0x58: {  	_ =	shalt  }
0x59: {  	_ =	shalt  }
0x5a: {  	_ =	shalt  }
0x5b: {  	_ =	shalt  }
0x5c: {  	_ =	shalt  }
0x5d: {  	_ =	shalt  }
0x5e: {  	_ =	shalt  }
0x5f: {  	_ =	shalt  }
0x60: {  	_ =	shalt  }
0x61: {  	_ =	shalt  }
0x62: {  	_ =	shalt  }
0x63: {  	_ =	shalt  }
0x64: {  	_ =	shalt  }
0x65: {  	_ =	shalt  }
0x66: {  	_ =	shalt  }
0x67: {  	_ =	shalt  }
0x68: {  	_ =	shalt  }
0x69: {  	_ =	shalt  }
0x6a: {  	_ =	shalt  }
0x6b: {  	_ =	shalt  }
0x6c: {  	_ =	shalt  }
0x6d: {  	_ =	shalt  }
0x6e: {  	_ =	shalt  }
0x6f: {  	_ =	shalt  }
0x70: {  	_ =	shalt  }
0x71: {  	_ =	shalt  }
0x72: {  	_ =	shalt  }
0x73: {  	_ =	shalt  }
0x74: {  	_ =	shalt  }
0x75: {  	_ =	shalt  }
0x76: {  	_ =	shalt  }
0x77: {  	_ =	shalt  }
0x78: {  	_ =	shalt  }
0x79: {  	_ =	shalt  }
0x7a: {  	_ =	shalt  }
0x7b: {  	_ =	shalt  }
0x7c: {  	_ =	shalt  }
0x7d: {  	_ =	shalt  }
0x7e: {  	_ =	shalt  }
0x7f: {  	_ =	shalt  }
0x80: {  	_ =	shalt  }
0x81: {  	_ =	shalt  }
0x82: {  	_ =	shalt  }
0x83: {  	_ =	shalt  }
0x84: {  	_ =	shalt  }
0x85: {  	_ =	shalt  }
0x86: {  	_ =	shalt  }
0x87: {  	_ =	shalt  }
.Lfunc_end0:
.L_simem_size_0:
called_computation.1_lowered:
.L_overlay_start_0:
0x88: {  	s2 =	sld [smem:$0x3FD9]  }
0x89: {  	s3 =	sld [smem:$0x3FFE];
	_ =	sdelay $0x1  }
0x8a: {  	s1 =	srdreg.scid  }
0x8b: {  	s0 =	sand.u32 $0x1, s1  }
0x8c: {  	s17 =	sshll.u32 s0, $0xA;
	s2 =	sadd.s32 s3, s2  }
0x8d: {  	s2 =	sadd.s32 s2, s17  }
0x8e: {  	[smem:$0x3FC5] =	sst s2  }
0x8f: {  	_ = 	snop  }
0x90: {  	s2 =	sld [smem:$0x3FD0];
	(tm) =	ssettm $0x1  }
0x91: {  	s18 =	sld [smem:$0x3FFB];
	_ =	sdelay $0x3  }
0x92: {  	_ =	strace s18  }
0x93: {  	s3 =	sld [smem:$0x3FFC];
	_ =	sdelay $0x3  }
0x94: {  	_ =	strace s3  }
0x95: {  	s3 =	sld [smem:$0x3FFD];
	_ =	sdelay $0x3  }
0x96: {  	_ =	strace s3  }
0x97: {  	_ =	strace $0x8FFFFFFF  }
0x98: {  	s19 =	sld [smem:$0x3FDB];
	_ =	sdelay $0x1  }
0x99: {  	s4 =	simm.s32 $_scs_section_size  }
0x9a: {  	s5 =	simm.s32 $_size__tile_overlayer_lowered;
	s6 =	simm.s32 $_tile_overlayer_lowered  }
0x9b: {  	s22 =	simm.s32 $0x1BFF;
	s21 =	sshll.u32 s6, $0x1;
	s3 =	sadd.s32 s4, s19  }
0x9c: {  	s7 =	simm.s32 $0x0;
	s20 =	sshll.u32 s5, $0x1;
	s5 =	sadd.s32 s21, s3  }
0x9d: {  	[timem:s7], [sflag:s22] =	dma.local [hbm:s5], s20  }
0x9e: {  	_ =	swait.ge [sflag:s22], s20  }
0x9f: {  	s4 =	ssub.s32 $0x0, s20;
	[sflag:s22] =	ssyncset.done $0x0  }
0xa0: {  	[sflag:s22] =	ssyncadd.s32 s4;
	_ =	sdelay $0x1  }
0xa1: {  	s23 =	simm.s32 $0x1B8B  }
0xa2: {  	_ =	swait.ge [sflag:s23], $0x1  }
0xa3: {  	[sflag:s23] =	ssyncset.done $0x0  }
0xa4: {  	s25 =	simm.s32 $0x1B8E;
	s24 =	sld [smem:$0x3FFE];
	[sflag:s23] =	ssyncadd.s32 $0xFFFFFFFF  }
0xa5: {  	s26 =	simm.s32 $execute0_lowered;
	[smem:$0x3FD2] =	sst s25  }
0xa6: {  	s5 =	sshll.u32 s26, $0x1;
	_ =	strace $0x80000046;
	[dreg:$0x1] =	wrdreg $0xFFFFFFFF  }
0xa7: {  	s28 =	simm.s32 $_size_execute0_lowered;
	s3 =	sadd.s32 s3, s5;
	[dreg:$0x0] =	wrdreg $0x0  }
0xa8: {  	s5 =	sshll.u32 s28, $0x1;
	[dreg:$0x2] =	wrdreg s3  }
0xa9: {  	[dreg:$0x3] =	wrdreg s5  }
0xaa: {  	[dreg:$0x4] =	wrdreg $0xC0  }
0xab: {  	_ =	task [dreg:s7], $0x5FFFF  }
0xac: {  	[dreg:$0x1] =	wrdreg $0xFFFFFFFF  }
0xad: {  	[dreg:$0x0] =	wrdreg $0x60  }
0xae: {  	[dreg:$0x2] =	wrdreg s24  }
0xaf: {  	[dreg:$0x3] =	wrdreg s2  }
0xb0: {  	[dreg:$0x4] =	wrdreg $0x9  }
0xb1: {  	_ =	task.clear_ibuf [dreg:s7], $0x5FFFF;
	_ =	strace $0x90000046  }
0xb2: {  	s29 =	simm.s32 $0x9;
	_ =	strace $0x80000048  }
0xb3: {  	_ =	swait.ge [sflag:s29], $0x1  }
0xb4: {  	[sflag:s29] =	ssyncadd.s32 $0xFFFFFFFF  }
0xb5: {  	_ =	strace $0x90000048  }
0xb6: {  	_ =	sfence  }
0xb7: {  	s30 =	sld [smem:$0x0];
	_ =	sdelay $0x2  }
0xb8: {  	s31 =	sshll.u32 s1, $0xD;
	s1 =	sshrl.u32 s1, $0x2  }
0xb9: {  	s3 =	sand.u32 $0x4000, s31;
	s1 =	sadd.s32 s1, s30  }
0xba: {  	s0 =	sor.u32 s3, s0;
	s1 =	sshll.u32 s1, $0x11  }
0xbb: {  	s0 =	sor.u32 s1, s0  }
0xbc: {  	s0 =	sadd.s32 $0x8F2B, s0  }
0xbd: {  	[sflag:s0] =	ssyncadd.remote.s32 $0x1  }
0xbe: {  	_ =	sfence.sel $0xFFFF  }
0xbf: {  	[dreg:$0x0] =	wrdreg $0xFFFFFFFF;
	(pc) =	sbr.abs _section_cstart, $3  }
0xc0: {  	[dreg:$0x1] =	wrdreg $0xFFFFFFFF  }
0xc1: {  	_ =	task.clear_ibuf [dreg:s7], $0x2FFFF;
	_ =	strace $0x9FFFFFFF  }
0xc2: {  	(tm) =	ssettm $0x7FFFFFFF  }
0xc3: {  	_ =	shalt  }
tec
execute0_lowered:
.L_overlay_start_1:
0x0: {  	(tag) =	ssettag $0x1  }
0x1: {  	s0 =	rddreg [dreg:$0x0];
	s1 =	srdreg.scid  }
0x2: {  	s3 =	stileid.u32;
	s2 =	rddreg [dreg:$0x1]  }
0x3: {  	s14 =	simm.s32 $0x5;
	s15 =	simm.s32 $0x80;
	s16 =	simm.s32 $0x6400  }
0x4: {  	s17 =	simm.s32 $0x48;
	s18 =	simm.s32 $0x8400;
	s20 =	simm.s32 $0x9600  }
0x5: {  	s22 =	simm.s32 $0xB600;
	s23 =	simm.s32 $0x1;
	s24 =	simm.s32 $0x3  }
0x6: {  	s25 =	simm.s32 $0x2;
	s29 =	simm.s32 $0x62F0;
	s30 =	simm.s32 $0x6338  }
0x7: {  	s31 =	simm.s32 $0x63B8;
	s1 =	sand.u32 $0x1, s1;
	s4 =	sshll.u32 s3, $0x1  }
0x8: {  	s3 =	simm.s32 $0x0;
	s5 =	sadd.s32 $0x800, s0;
	s6 =	sor.u32 s1, s4  }
0x9: {  	[smem:$0x7FF] =	sst s3;
	s1 =	ssub.s32 $0x2, s1;
	s4 =	smul.u32 $0xC80, s6  }
0xa: {  	_ =	strace $0x80000047;
	s8 =	smul.u32 $0x190000, s6;
	s26 =	sshrl.u32 s1, $0x1  }
0xb: {  	s28 =	smul.u32 $0x32000, s6;
	s6 =	sshll.u32 s6, $0x7;
	s7 =	sadd.s32 s4, s0  }
0xc: {  	s4 =	sadd.s32 $0x1D800, s0;
	s0 =	ssub.s32 s1, s26;
	s8 =	sshrl.u32 s8, $0x3  }
0xd: {  	s26 =	simm.s32 $0x4;
	s1 =	simm.s32 $0x0;
	s7 =	sadd.s32 $0x4800, s7  }
0xe: {  	s11 =	sadd.s32 s2, s8;
	s8 =	sadd.s32 s2, s28;
	s12 =	smax.u32 s0, $0x1  }
0xf: {  	s9 =	sadd.s32 $0x30D40, s11;
	s10 =	sadd.s32 $0x31380, s11;
	s11 =	sadd.s32 $0x319C0, s11  }
.LBB2_1:
0x10: {  	s0 =	simm.s32 $0xC800  }
0x11: {  	[tilespmem:s0], [sflag:$0x5] =	stream.linear.gather [hbm4b:s5+s3], $0x3200, $0x38;
	[tilespmem:$0xFA00] =	vst v63  }
0x12: {  	_ =	swait.ge [sflag:s14], $0x3200  }
0x13: {  	[sflag:s14] =	ssyncset.done $0x0  }
0x14: {  	[sflag:s14] =	ssyncadd.s32 $0xFFFFCE00  }
0x15: {  	[tilespmem:s3], [sflag:$0x5] =	stream.linear.gather [hbm4b:s7+s3], $0x6400, $0x38;
	[tilespmem:$0xFA00] =	vst v63  }
0x16: {  	_ =	swait.ge [sflag:s14], $0x6400  }
0x17: {  	[sflag:s14] =	ssyncset.done $0x0  }
0x18: {  	s0 =	simm.s32 $0x0;
	[sflag:s14] =	ssyncadd.s32 $0xFFFF9C00  }
0x19: {  	v0 =	vld [tilespmem:s0+$0xC9F0]  }
0x1a: {  	v1 =	vld [tilespmem:s0+$0xC800]  }
0x1b: {  	v2 =	vld [tilespmem:s0+$0xC810]  }
0x1c: {  	v3 =	vld [tilespmem:s0+$0xC820]  }
0x1d: {  	v4 =	vld [tilespmem:s0+$0xC830]  }
0x1e: {  	v5 =	vld [tilespmem:s0+$0xC840];
	[tilespmem:s0+$0x65F0] =	vst v0  }
0x1f: {  	[tilespmem:s0+$0x6400] =	vst v1;
	v0 =	vld [tilespmem:s0+$0xC850]  }
0x20: {  	[tilespmem:s0+$0x6410] =	vst v2;
	v1 =	vld [tilespmem:s0+$0xC860]  }
0x21: {  	[tilespmem:s0+$0x6420] =	vst v3;
	v2 =	vld [tilespmem:s0+$0xC870]  }
0x22: {  	[tilespmem:s0+$0x6430] =	vst v4;
	v3 =	vld [tilespmem:s0+$0xC880]  }
0x23: {  	[tilespmem:s0+$0x6440] =	vst v5;
	v4 =	vld [tilespmem:s0+$0xC890]  }
0x24: {  	v5 =	vld [tilespmem:s0+$0xC990];
	[tilespmem:s0+$0x6450] =	vst v0  }
0x25: {  	v0 =	vld [tilespmem:s0+$0xC8A0];
	[tilespmem:s0+$0x6460] =	vst v1  }
0x26: {  	v1 =	vld [tilespmem:s0+$0xC8B0];
	[tilespmem:s0+$0x6470] =	vst v2  }
0x27: {  	v2 =	vld [tilespmem:s0+$0xC8C0];
	[tilespmem:s0+$0x6480] =	vst v3  }
0x28: {  	v3 =	vld [tilespmem:s0+$0xC8D0];
	[tilespmem:s0+$0x6490] =	vst v4  }
0x29: {  	v4 =	vld [tilespmem:s0+$0xC8E0];
	[tilespmem:s0+$0x6590] =	vst v5  }
0x2a: {  	[tilespmem:s0+$0x64A0] =	vst v0;
	v0 =	vld [tilespmem:s0+$0xC8F0]  }
0x2b: {  	[tilespmem:s0+$0x64B0] =	vst v1;
	v1 =	vld [tilespmem:s0+$0xC900]  }
0x2c: {  	[tilespmem:s0+$0x64C0] =	vst v2;
	v2 =	vld [tilespmem:s0+$0xC910]  }
0x2d: {  	[tilespmem:s0+$0x64D0] =	vst v3;
	v3 =	vld [tilespmem:s0+$0xC920]  }
0x2e: {  	[tilespmem:s0+$0x64E0] =	vst v4;
	v4 =	vld [tilespmem:s0+$0xC930]  }
0x2f: {  	[tilespmem:s0+$0x64F0] =	vst v0;
	v0 =	vld [tilespmem:s0+$0xC940]  }
0x30: {  	[tilespmem:s0+$0x6500] =	vst v1;
	v1 =	vld [tilespmem:s0+$0xC950]  }
0x31: {  	[tilespmem:s0+$0x6510] =	vst v2;
	v2 =	vld [tilespmem:s0+$0xC960]  }
0x32: {  	[tilespmem:s0+$0x6520] =	vst v3;
	v3 =	vld [tilespmem:s0+$0xC970]  }
0x33: {  	[tilespmem:s0+$0x6530] =	vst v4;
	v4 =	vld [tilespmem:s0+$0xC980]  }
0x34: {  	[tilespmem:s0+$0x6540] =	vst v0;
	v0 =	vld [tilespmem:s0+$0xC9A0]  }
0x35: {  	[tilespmem:s0+$0x6550] =	vst v1;
	v1 =	vld [tilespmem:s0+$0xC9B0]  }
0x36: {  	[tilespmem:s0+$0x6560] =	vst v2;
	v2 =	vld [tilespmem:s0+$0xC9C0]  }
0x37: {  	[tilespmem:s0+$0x6570] =	vst v3;
	v3 =	vld [tilespmem:s0+$0xC9D0]  }
0x38: {  	s19 =	simm.s32 $0x200;
	s13 =	simm.s32 $0x1000;
	[tilespmem:s0+$0x6580] =	vst v4;
	v4 =	vld [tilespmem:s0+$0xC9E0]  }
.LBB2_2:
0x39: {  	p0 =	sne.s32 s13, $0xC000;
	v5 =	vld [tilespmem:s19+$0xC9F0];
	[tilespmem:s0+$0x65A0] =	vst v0  }
0x3a: {  	v0 =	vld [tilespmem:s19+$0xC800];
	[tilespmem:s0+$0x65B0] =	vst v1  }
0x3b: {  	v1 =	vld [tilespmem:s19+$0xC810];
	[tilespmem:s0+$0x65C0] =	vst v2  }
0x3c: {  	v2 =	vld [tilespmem:s19+$0xC820];
	[tilespmem:s0+$0x65D0] =	vst v3  }
0x3d: {  	v3 =	vld [tilespmem:s19+$0xC830];
	[tilespmem:s0+$0x65E0] =	vst v4;
	s0 =	smov.u32 s19  }
0x3e: {  	v4 =	vld [tilespmem:s0+$0xC840];
	[tilespmem:s0+$0x65F0] =	vst v5  }
0x3f: {  	[tilespmem:s0+$0x6400] =	vst v0;
	v0 =	vld [tilespmem:s0+$0xC850]  }
0x40: {  	[tilespmem:s0+$0x6410] =	vst v1;
	v1 =	vld [tilespmem:s0+$0xC860]  }
0x41: {  	[tilespmem:s0+$0x6420] =	vst v2;
	v2 =	vld [tilespmem:s0+$0xC870]  }
0x42: {  	[tilespmem:s0+$0x6430] =	vst v3;
	v3 =	vld [tilespmem:s0+$0xC880]  }
0x43: {  	[tilespmem:s0+$0x6440] =	vst v4;
	v4 =	vld [tilespmem:s0+$0xC890]  }
0x44: {  	[tilespmem:s0+$0x6450] =	vst v0;
	v0 =	vld [tilespmem:s0+$0xC8A0]  }
0x45: {  	[tilespmem:s0+$0x6460] =	vst v1;
	v1 =	vld [tilespmem:s0+$0xC8B0]  }
0x46: {  	[tilespmem:s0+$0x6470] =	vst v2;
	v2 =	vld [tilespmem:s0+$0xC8C0]  }
0x47: {  	[tilespmem:s0+$0x6480] =	vst v3;
	v3 =	vld [tilespmem:s0+$0xC8D0]  }
0x48: {  	[tilespmem:s0+$0x6490] =	vst v4;
	v4 =	vld [tilespmem:s0+$0xC8E0]  }
0x49: {  	[tilespmem:s0+$0x64A0] =	vst v0;
	v0 =	vld [tilespmem:s0+$0xC8F0]  }
0x4a: {  	[tilespmem:s0+$0x64B0] =	vst v1;
	v1 =	vld [tilespmem:s0+$0xC900]  }
0x4b: {  	[tilespmem:s0+$0x64C0] =	vst v2;
	v2 =	vld [tilespmem:s0+$0xC910]  }
0x4c: {  	[tilespmem:s0+$0x64D0] =	vst v3;
	v3 =	vld [tilespmem:s0+$0xC920]  }
0x4d: {  	[tilespmem:s0+$0x64E0] =	vst v4;
	v4 =	vld [tilespmem:s0+$0xC930]  }
0x4e: {  	[tilespmem:s0+$0x64F0] =	vst v0;
	v0 =	vld [tilespmem:s0+$0xC940]  }
0x4f: {  	[tilespmem:s0+$0x6500] =	vst v1;
	v1 =	vld [tilespmem:s0+$0xC950]  }
0x50: {  	[tilespmem:s0+$0x6510] =	vst v2;
	v2 =	vld [tilespmem:s0+$0xC960]  }
0x51: {  	[tilespmem:s0+$0x6520] =	vst v3;
	v3 =	vld [tilespmem:s0+$0xC970]  }
0x52: {  	[tilespmem:s0+$0x6530] =	vst v4;
	v4 =	vld [tilespmem:s0+$0xC980]  }
0x53: {  	[tilespmem:s0+$0x6540] =	vst v0;
	v5 =	vld [tilespmem:s0+$0xC990]  }
.Ltmp0:
0x54: {  	[tilespmem:s0+$0x6550] =	vst v1;
	v0 =	vld [tilespmem:s0+$0xC9A0];
	(pc) =	sbr.rel @p0 .LBB2_2-.Ltmp0, $4  }
0x55: {  	[tilespmem:s0+$0x6560] =	vst v2;
	v1 =	vld [tilespmem:s0+$0xC9B0]  }
0x56: {  	[tilespmem:s0+$0x6570] =	vst v3;
	v2 =	vld [tilespmem:s0+$0xC9C0]  }
0x57: {  	[tilespmem:s0+$0x6580] =	vst v4;
	v3 =	vld [tilespmem:s0+$0xC9D0]  }
0x58: {  	s19 =	sshra.s32 s13, $0x2;
	s13 =	sadd.s32 $0x800, s13;
	[tilespmem:s0+$0x6590] =	vst v5;
	v4 =	vld [tilespmem:s0+$0xC9E0]  }
0x59: {  	v5 =	vld [tilespmem:s19+$0xC9F0];
	[tilespmem:s0+$0x65A0] =	vst v0  }
0x5a: {  	v0 =	vld [tilespmem:s19+$0xC800];
	[tilespmem:s0+$0x65B0] =	vst v1  }
0x5b: {  	v1 =	vld [tilespmem:s19+$0xC810];
	[tilespmem:s0+$0x65C0] =	vst v2  }
0x5c: {  	v2 =	vld [tilespmem:s19+$0xC820];
	[tilespmem:s0+$0x65D0] =	vst v3  }
0x5d: {  	v3 =	vld [tilespmem:s19+$0xC830];
	[tilespmem:s0+$0x65E0] =	vst v4  }
0x5e: {  	v4 =	vld [tilespmem:s19+$0xC840];
	[tilespmem:s19+$0x65F0] =	vst v5  }
0x5f: {  	[tilespmem:s19+$0x6400] =	vst v0;
	v0 =	vld [tilespmem:s19+$0xC850]  }
0x60: {  	[tilespmem:s19+$0x6410] =	vst v1;
	v1 =	vld [tilespmem:s19+$0xC860]  }
0x61: {  	[tilespmem:s19+$0x6420] =	vst v2;
	v2 =	vld [tilespmem:s19+$0xC870]  }
0x62: {  	[tilespmem:s19+$0x6430] =	vst v3;
	v3 =	vld [tilespmem:s19+$0xC880]  }
0x63: {  	[tilespmem:s19+$0x6440] =	vst v4;
	v4 =	vld [tilespmem:s19+$0xC890]  }
0x64: {  	[tilespmem:s19+$0x6450] =	vst v0;
	v0 =	vld [tilespmem:s19+$0xC8A0]  }
0x65: {  	[tilespmem:s19+$0x6460] =	vst v1;
	v1 =	vld [tilespmem:s19+$0xC8B0]  }
0x66: {  	[tilespmem:s19+$0x6470] =	vst v2;
	v2 =	vld [tilespmem:s19+$0xC8C0]  }
0x67: {  	[tilespmem:s19+$0x6480] =	vst v3;
	v3 =	vld [tilespmem:s19+$0xC8D0]  }
0x68: {  	[tilespmem:s19+$0x6490] =	vst v4;
	v4 =	vld [tilespmem:s19+$0xC8E0]  }
0x69: {  	[tilespmem:s19+$0x64A0] =	vst v0;
	v0 =	vld [tilespmem:s19+$0xC8F0]  }
0x6a: {  	[tilespmem:s19+$0x64B0] =	vst v1;
	v1 =	vld [tilespmem:s19+$0xC900]  }
0x6b: {  	[tilespmem:s19+$0x64C0] =	vst v2;
	v2 =	vld [tilespmem:s19+$0xC910]  }
0x6c: {  	[tilespmem:s19+$0x64D0] =	vst v3;
	v3 =	vld [tilespmem:s19+$0xC920]  }
0x6d: {  	[tilespmem:s19+$0x64E0] =	vst v4;
	v4 =	vld [tilespmem:s19+$0xC930]  }
0x6e: {  	[tilespmem:s19+$0x64F0] =	vst v0;
	v0 =	vld [tilespmem:s19+$0xC940]  }
0x6f: {  	[tilespmem:s19+$0x6500] =	vst v1;
	v1 =	vld [tilespmem:s19+$0xC950]  }
0x70: {  	[tilespmem:s19+$0x6510] =	vst v2;
	v2 =	vld [tilespmem:s19+$0xC960]  }
0x71: {  	[tilespmem:s19+$0x6520] =	vst v3;
	v3 =	vld [tilespmem:s19+$0xC970]  }
0x72: {  	[tilespmem:s19+$0x6530] =	vst v4;
	v4 =	vld [tilespmem:s19+$0xC980]  }
0x73: {  	[tilespmem:s19+$0x6540] =	vst v0;
	v0 =	vld [tilespmem:s19+$0xC990]  }
0x74: {  	[tilespmem:s19+$0x6550] =	vst v1;
	v1 =	vld [tilespmem:s19+$0xC9A0]  }
0x75: {  	[tilespmem:s19+$0x6560] =	vst v2;
	v2 =	vld [tilespmem:s19+$0xC9B0]  }
0x76: {  	[tilespmem:s19+$0x6570] =	vst v3;
	v3 =	vld [tilespmem:s19+$0xC9C0]  }
0x77: {  	[tilespmem:s19+$0x6580] =	vst v4;
	v4 =	vld [tilespmem:s19+$0xC9D0]  }
0x78: {  	[tilespmem:s19+$0x6590] =	vst v0;
	v0 =	vld [tilespmem:s19+$0xC9E0]  }
0x79: {  	[tilespmem:s19+$0x65A0] =	vst v1  }
0x7a: {  	[tilespmem:s19+$0x65B0] =	vst v2  }
0x7b: {  	[tilespmem:s19+$0x65C0] =	vst v3  }
0x7c: {  	[tilespmem:s19+$0x65D0] =	vst v4  }
0x7d: {  	s28 =	simm.s32 $0x0;
	[tilespmem:s19+$0x65E0] =	vst v0  }
0x7e: {  	[tilespmem:s16], [sflag:$0x1] =	stream.indirect.gather.add.f32 [hbm:s4], $0x40, s28, s15, $0xb8;
	[tilespmem:$0xFA00] =	vst v63  }
0x7f: {  	s0 =	simm.s32 $0x0  }
0x80: {  	[tilespmem:s18], [sflag:$0x1] =	stream.indirect.gather.add.f32 [hbm:s4], $0x40, s15, s17, $0xb8;
	[tilespmem:$0xFA00] =	vst v63  }
0x81: {  	v0 =	vld [tilespmem:s0+$0xC9F0]  }
0x82: {  	v1 =	vld [tilespmem:s0+$0xC800]  }
0x83: {  	v2 =	vld [tilespmem:s0+$0xC810]  }
0x84: {  	v3 =	vld [tilespmem:s0+$0xC820]  }
0x85: {  	v4 =	vld [tilespmem:s0+$0xC830]  }
0x86: {  	v5 =	vld [tilespmem:s0+$0xC840];
	[tilespmem:s0+$0x97F0] =	vst v0  }
0x87: {  	[tilespmem:s0+$0x9600] =	vst v1;
	v0 =	vld [tilespmem:s0+$0xC850]  }
0x88: {  	[tilespmem:s0+$0x9610] =	vst v2;
	v1 =	vld [tilespmem:s0+$0xC860]  }
0x89: {  	[tilespmem:s0+$0x9620] =	vst v3;
	v2 =	vld [tilespmem:s0+$0xC870]  }
0x8a: {  	[tilespmem:s0+$0x9630] =	vst v4;
	v3 =	vld [tilespmem:s0+$0xC880]  }
0x8b: {  	[tilespmem:s0+$0x9640] =	vst v5;
	v4 =	vld [tilespmem:s0+$0xC890]  }
0x8c: {  	v5 =	vld [tilespmem:s0+$0xC990];
	[tilespmem:s0+$0x9650] =	vst v0  }
0x8d: {  	v0 =	vld [tilespmem:s0+$0xC8A0];
	[tilespmem:s0+$0x9660] =	vst v1  }
0x8e: {  	v1 =	vld [tilespmem:s0+$0xC8B0];
	[tilespmem:s0+$0x9670] =	vst v2  }
0x8f: {  	v2 =	vld [tilespmem:s0+$0xC8C0];
	[tilespmem:s0+$0x9680] =	vst v3  }
0x90: {  	v3 =	vld [tilespmem:s0+$0xC8D0];
	[tilespmem:s0+$0x9690] =	vst v4  }
0x91: {  	v4 =	vld [tilespmem:s0+$0xC8E0];
	[tilespmem:s0+$0x9790] =	vst v5  }
0x92: {  	[tilespmem:s0+$0x96A0] =	vst v0;
	v0 =	vld [tilespmem:s0+$0xC8F0]  }
0x93: {  	[tilespmem:s0+$0x96B0] =	vst v1;
	v1 =	vld [tilespmem:s0+$0xC900]  }
0x94: {  	[tilespmem:s0+$0x96C0] =	vst v2;
	v2 =	vld [tilespmem:s0+$0xC910]  }
0x95: {  	[tilespmem:s0+$0x96D0] =	vst v3;
	v3 =	vld [tilespmem:s0+$0xC920]  }
0x96: {  	[tilespmem:s0+$0x96E0] =	vst v4;
	v4 =	vld [tilespmem:s0+$0xC930]  }
0x97: {  	[tilespmem:s0+$0x96F0] =	vst v0;
	v0 =	vld [tilespmem:s0+$0xC940]  }
0x98: {  	[tilespmem:s0+$0x9700] =	vst v1;
	v1 =	vld [tilespmem:s0+$0xC950]  }
0x99: {  	[tilespmem:s0+$0x9710] =	vst v2;
	v2 =	vld [tilespmem:s0+$0xC960]  }
0x9a: {  	[tilespmem:s0+$0x9720] =	vst v3;
	v3 =	vld [tilespmem:s0+$0xC970]  }
0x9b: {  	[tilespmem:s0+$0x9730] =	vst v4;
	v4 =	vld [tilespmem:s0+$0xC980]  }
0x9c: {  	[tilespmem:s0+$0x9740] =	vst v0;
	v0 =	vld [tilespmem:s0+$0xC9A0]  }
0x9d: {  	[tilespmem:s0+$0x9750] =	vst v1;
	v1 =	vld [tilespmem:s0+$0xC9B0]  }
0x9e: {  	[tilespmem:s0+$0x9760] =	vst v2;
	v2 =	vld [tilespmem:s0+$0xC9C0]  }
0x9f: {  	[tilespmem:s0+$0x9770] =	vst v3;
	v3 =	vld [tilespmem:s0+$0xC9D0]  }
0xa0: {  	s13 =	simm.s32 $0x1000;
	s19 =	simm.s32 $0x200;
	[tilespmem:s0+$0x9780] =	vst v4;
	v4 =	vld [tilespmem:s0+$0xC9E0]  }
.LBB2_4:
0xa1: {  	p0 =	sne.s32 s13, $0xC000;
	v5 =	vld [tilespmem:s19+$0xC9F0];
	[tilespmem:s0+$0x97A0] =	vst v0  }
0xa2: {  	v0 =	vld [tilespmem:s19+$0xC800];
	[tilespmem:s0+$0x97B0] =	vst v1  }
0xa3: {  	v1 =	vld [tilespmem:s19+$0xC810];
	[tilespmem:s0+$0x97C0] =	vst v2  }
0xa4: {  	v2 =	vld [tilespmem:s19+$0xC820];
	[tilespmem:s0+$0x97D0] =	vst v3  }
0xa5: {  	v3 =	vld [tilespmem:s19+$0xC830];
	[tilespmem:s0+$0x97E0] =	vst v4;
	s0 =	smov.u32 s19  }
0xa6: {  	v4 =	vld [tilespmem:s0+$0xC840];
	[tilespmem:s0+$0x97F0] =	vst v5  }
0xa7: {  	[tilespmem:s0+$0x9600] =	vst v0;
	v0 =	vld [tilespmem:s0+$0xC850]  }
0xa8: {  	[tilespmem:s0+$0x9610] =	vst v1;
	v1 =	vld [tilespmem:s0+$0xC860]  }
0xa9: {  	[tilespmem:s0+$0x9620] =	vst v2;
	v2 =	vld [tilespmem:s0+$0xC870]  }
0xaa: {  	[tilespmem:s0+$0x9630] =	vst v3;
	v3 =	vld [tilespmem:s0+$0xC880]  }
0xab: {  	[tilespmem:s0+$0x9640] =	vst v4;
	v4 =	vld [tilespmem:s0+$0xC890]  }
0xac: {  	[tilespmem:s0+$0x9650] =	vst v0;
	v0 =	vld [tilespmem:s0+$0xC8A0]  }
0xad: {  	[tilespmem:s0+$0x9660] =	vst v1;
	v1 =	vld [tilespmem:s0+$0xC8B0]  }
0xae: {  	[tilespmem:s0+$0x9670] =	vst v2;
	v2 =	vld [tilespmem:s0+$0xC8C0]  }
0xaf: {  	[tilespmem:s0+$0x9680] =	vst v3;
	v3 =	vld [tilespmem:s0+$0xC8D0]  }
0xb0: {  	[tilespmem:s0+$0x9690] =	vst v4;
	v4 =	vld [tilespmem:s0+$0xC8E0]  }
0xb1: {  	[tilespmem:s0+$0x96A0] =	vst v0;
	v0 =	vld [tilespmem:s0+$0xC8F0]  }
0xb2: {  	[tilespmem:s0+$0x96B0] =	vst v1;
	v1 =	vld [tilespmem:s0+$0xC900]  }
0xb3: {  	[tilespmem:s0+$0x96C0] =	vst v2;
	v2 =	vld [tilespmem:s0+$0xC910]  }
0xb4: {  	[tilespmem:s0+$0x96D0] =	vst v3;
	v3 =	vld [tilespmem:s0+$0xC920]  }
0xb5: {  	[tilespmem:s0+$0x96E0] =	vst v4;
	v4 =	vld [tilespmem:s0+$0xC930]  }
0xb6: {  	[tilespmem:s0+$0x96F0] =	vst v0;
	v0 =	vld [tilespmem:s0+$0xC940]  }
0xb7: {  	[tilespmem:s0+$0x9700] =	vst v1;
	v1 =	vld [tilespmem:s0+$0xC950]  }
0xb8: {  	[tilespmem:s0+$0x9710] =	vst v2;
	v2 =	vld [tilespmem:s0+$0xC960]  }
0xb9: {  	[tilespmem:s0+$0x9720] =	vst v3;
	v3 =	vld [tilespmem:s0+$0xC970]  }
0xba: {  	[tilespmem:s0+$0x9730] =	vst v4;
	v4 =	vld [tilespmem:s0+$0xC980]  }
0xbb: {  	[tilespmem:s0+$0x9740] =	vst v0;
	v5 =	vld [tilespmem:s0+$0xC990]  }
.Ltmp1:
0xbc: {  	[tilespmem:s0+$0x9750] =	vst v1;
	v0 =	vld [tilespmem:s0+$0xC9A0];
	(pc) =	sbr.rel @p0 .LBB2_4-.Ltmp1, $4  }
0xbd: {  	[tilespmem:s0+$0x9760] =	vst v2;
	v1 =	vld [tilespmem:s0+$0xC9B0]  }
0xbe: {  	[tilespmem:s0+$0x9770] =	vst v3;
	v2 =	vld [tilespmem:s0+$0xC9C0]  }
0xbf: {  	[tilespmem:s0+$0x9780] =	vst v4;
	v3 =	vld [tilespmem:s0+$0xC9D0]  }
0xc0: {  	s19 =	sshra.s32 s13, $0x2;
	s13 =	sadd.s32 $0x800, s13;
	[tilespmem:s0+$0x9790] =	vst v5;
	v4 =	vld [tilespmem:s0+$0xC9E0]  }
0xc1: {  	v5 =	vld [tilespmem:s19+$0xC9F0];
	[tilespmem:s0+$0x97A0] =	vst v0  }
0xc2: {  	v0 =	vld [tilespmem:s19+$0xC800];
	[tilespmem:s0+$0x97B0] =	vst v1  }
0xc3: {  	v1 =	vld [tilespmem:s19+$0xC810];
	[tilespmem:s0+$0x97C0] =	vst v2  }
0xc4: {  	v2 =	vld [tilespmem:s19+$0xC820];
	[tilespmem:s0+$0x97D0] =	vst v3  }
0xc5: {  	v3 =	vld [tilespmem:s19+$0xC830];
	[tilespmem:s0+$0x97E0] =	vst v4  }
0xc6: {  	v4 =	vld [tilespmem:s19+$0xC840];
	[tilespmem:s19+$0x97F0] =	vst v5  }
0xc7: {  	v38 =	vld [tilespmem:s19+$0xC850];
	[tilespmem:s19+$0x9600] =	vst v0  }
0xc8: {  	v39 =	vld [tilespmem:s19+$0xC860];
	[tilespmem:s19+$0x9610] =	vst v1  }
0xc9: {  	v40 =	vld [tilespmem:s19+$0xC870];
	[tilespmem:s19+$0x9620] =	vst v2  }
0xca: {  	v41 =	vld [tilespmem:s19+$0xC880];
	[tilespmem:s19+$0x9630] =	vst v3  }
0xcb: {  	v42 =	vld [tilespmem:s19+$0xC890];
	[tilespmem:s19+$0x9640] =	vst v4  }
0xcc: {  	v43 =	vld [tilespmem:s19+$0xC8A0];
	[tilespmem:s19+$0x9650] =	vst v38  }
0xcd: {  	v44 =	vld [tilespmem:s19+$0xC8B0];
	[tilespmem:s19+$0x9660] =	vst v39  }
0xce: {  	v45 =	vld [tilespmem:s19+$0xC8C0];
	[tilespmem:s19+$0x9670] =	vst v40  }
0xcf: {  	v46 =	vld [tilespmem:s19+$0xC8D0];
	[tilespmem:s19+$0x9680] =	vst v41  }
0xd0: {  	v47 =	vld [tilespmem:s19+$0xC8E0];
	[tilespmem:s19+$0x9690] =	vst v42  }
0xd1: {  	v48 =	vld [tilespmem:s19+$0xC8F0];
	[tilespmem:s19+$0x96A0] =	vst v43  }
0xd2: {  	v49 =	vld [tilespmem:s19+$0xC900];
	[tilespmem:s19+$0x96B0] =	vst v44  }
0xd3: {  	v50 =	vld [tilespmem:s19+$0xC910];
	[tilespmem:s19+$0x96C0] =	vst v45  }
0xd4: {  	v51 =	vld [tilespmem:s19+$0xC920];
	[tilespmem:s19+$0x96D0] =	vst v46  }
0xd5: {  	v52 =	vld [tilespmem:s19+$0xC930];
	[tilespmem:s19+$0x96E0] =	vst v47  }
0xd6: {  	v53 =	vld [tilespmem:s19+$0xC940];
	[tilespmem:s19+$0x96F0] =	vst v48  }
0xd7: {  	v54 =	vld [tilespmem:s19+$0xC950];
	[tilespmem:s19+$0x9700] =	vst v49  }
0xd8: {  	v55 =	vld [tilespmem:s19+$0xC960];
	[tilespmem:s19+$0x9710] =	vst v50  }
0xd9: {  	v56 =	vld [tilespmem:s19+$0xC970];
	[tilespmem:s19+$0x9720] =	vst v51  }
0xda: {  	v57 =	vld [tilespmem:s19+$0xC980];
	[tilespmem:s19+$0x9730] =	vst v52  }
0xdb: {  	v58 =	vld [tilespmem:s19+$0xC990];
	[tilespmem:s19+$0x9740] =	vst v53  }
0xdc: {  	v59 =	vld [tilespmem:s19+$0xC9A0];
	[tilespmem:s19+$0x9750] =	vst v54  }
0xdd: {  	v60 =	vld [tilespmem:s19+$0xC9B0];
	[tilespmem:s19+$0x9760] =	vst v55  }
0xde: {  	v61 =	vld [tilespmem:s19+$0xC9C0];
	[tilespmem:s19+$0x9770] =	vst v56  }
0xdf: {  	v62 =	vld [tilespmem:s19+$0xC9D0];
	[tilespmem:s19+$0x9780] =	vst v57  }
0xe0: {  	v63 =	vld [tilespmem:s19+$0xC9E0];
	[tilespmem:s19+$0x9790] =	vst v58  }
0xe1: {  	[tilespmem:s19+$0x97A0] =	vst v59  }
0xe2: {  	[tilespmem:s19+$0x97B0] =	vst v60  }
0xe3: {  	[tilespmem:s19+$0x97C0] =	vst v61  }
0xe4: {  	[tilespmem:s19+$0x97D0] =	vst v62  }
0xe5: {  	s21 =	simm.s32 $0xC8;
	[tilespmem:s19+$0x97E0] =	vst v63  }
0xe6: {  	[tilespmem:s20], [sflag:$0x2] =	stream.indirect.gather.add.f32 [hbm:s4], $0x40, s21, s15, $0xb8;
	[tilespmem:$0xFA00] =	vst v63  }
0xe7: {  	s28 =	simm.s32 $0x148  }
0xe8: {  	[tilespmem:s22], [sflag:$0x2] =	stream.indirect.gather.add.f32 [hbm:s4], $0x40, s28, s17, $0xb8;
	[tilespmem:$0xFA00] =	vst v63  }
0xe9: {  	_ =	swait.ge [sflag:s23], $0x2000  }
0xea: {  	[sflag:s23] =	ssyncset.done $0x0  }
0xeb: {  	[sflag:s23] =	ssyncadd.s32 $0xFFFFE000  }
0xec: {  	_ =	swait.ge [sflag:s23], $0x1200  }
0xed: {  	[sflag:s23] =	ssyncset.done $0x0  }
0xee: {  	s0 =	simm.s32 $0x0;
	[sflag:s23] =	ssyncadd.s32 $0xFFFFEE00  }
0xef: {  	[hbm4b:s8+s0] =	stream.linear.scatter [tilespmem:s16], [sflag:$0x3], $0x3200, $0x38;
	[tilespmem:$0xFA00] =	vst v63  }
.LBB2_6:
0xf0: {  	_ =	swait.ge [sflag:s24], $0x3200  }
0xf1: {  	[sflag:s24] =	ssyncset.done $0x0  }
0xf2: {  	s13 =	simm.s32 $0x0;
	[sflag:s24] =	ssyncadd.s32 $0xFFFFCE00  }
0xf3: {  	v0 =	vld [tilespmem:s13+$0xC9F0]  }
0xf4: {  	v1 =	vld [tilespmem:s13+$0xC800]  }
0xf5: {  	v2 =	vld [tilespmem:s13+$0xC810]  }
0xf6: {  	v3 =	vld [tilespmem:s13+$0xC820]  }
0xf7: {  	v4 =	vld [tilespmem:s13+$0xC830]  }
0xf8: {  	v5 =	vld [tilespmem:s13+$0xC840];
	[tilespmem:s13+$0x65F0] =	vst v0  }
0xf9: {  	[tilespmem:s13+$0x6400] =	vst v1;
	v0 =	vld [tilespmem:s13+$0xC850]  }
0xfa: {  	[tilespmem:s13+$0x6410] =	vst v2;
	v1 =	vld [tilespmem:s13+$0xC860]  }
0xfb: {  	[tilespmem:s13+$0x6420] =	vst v3;
	v2 =	vld [tilespmem:s13+$0xC870]  }
0xfc: {  	[tilespmem:s13+$0x6430] =	vst v4;
	v3 =	vld [tilespmem:s13+$0xC880]  }
0xfd: {  	[tilespmem:s13+$0x6440] =	vst v5;
	v4 =	vld [tilespmem:s13+$0xC890]  }
0xfe: {  	v5 =	vld [tilespmem:s13+$0xC990];
	[tilespmem:s13+$0x6450] =	vst v0  }
0xff: {  	v0 =	vld [tilespmem:s13+$0xC8A0];
	[tilespmem:s13+$0x6460] =	vst v1  }
0x100: {  	v1 =	vld [tilespmem:s13+$0xC8B0];
	[tilespmem:s13+$0x6470] =	vst v2  }
0x101: {  	v2 =	vld [tilespmem:s13+$0xC8C0];
	[tilespmem:s13+$0x6480] =	vst v3  }
0x102: {  	v3 =	vld [tilespmem:s13+$0xC8D0];
	[tilespmem:s13+$0x6490] =	vst v4  }
0x103: {  	v4 =	vld [tilespmem:s13+$0xC8E0];
	[tilespmem:s13+$0x6590] =	vst v5  }
0x104: {  	[tilespmem:s13+$0x64A0] =	vst v0;
	v0 =	vld [tilespmem:s13+$0xC8F0]  }
0x105: {  	[tilespmem:s13+$0x64B0] =	vst v1;
	v1 =	vld [tilespmem:s13+$0xC900]  }
0x106: {  	[tilespmem:s13+$0x64C0] =	vst v2;
	v2 =	vld [tilespmem:s13+$0xC910]  }
0x107: {  	[tilespmem:s13+$0x64D0] =	vst v3;
	v3 =	vld [tilespmem:s13+$0xC920]  }
0x108: {  	[tilespmem:s13+$0x64E0] =	vst v4;
	v4 =	vld [tilespmem:s13+$0xC930]  }
0x109: {  	[tilespmem:s13+$0x64F0] =	vst v0;
	v0 =	vld [tilespmem:s13+$0xC940]  }
0x10a: {  	[tilespmem:s13+$0x6500] =	vst v1;
	v1 =	vld [tilespmem:s13+$0xC950]  }
0x10b: {  	[tilespmem:s13+$0x6510] =	vst v2;
	v2 =	vld [tilespmem:s13+$0xC960]  }
0x10c: {  	[tilespmem:s13+$0x6520] =	vst v3;
	v3 =	vld [tilespmem:s13+$0xC970]  }
0x10d: {  	[tilespmem:s13+$0x6530] =	vst v4;
	v4 =	vld [tilespmem:s13+$0xC980]  }
0x10e: {  	[tilespmem:s13+$0x6540] =	vst v0;
	v0 =	vld [tilespmem:s13+$0xC9A0]  }
0x10f: {  	[tilespmem:s13+$0x6550] =	vst v1;
	v1 =	vld [tilespmem:s13+$0xC9B0]  }
0x110: {  	[tilespmem:s13+$0x6560] =	vst v2;
	v2 =	vld [tilespmem:s13+$0xC9C0]  }
0x111: {  	[tilespmem:s13+$0x6570] =	vst v3;
	v3 =	vld [tilespmem:s13+$0xC9D0]  }
0x112: {  	s21 =	simm.s32 $0x200;
	s19 =	simm.s32 $0x1000;
	[tilespmem:s13+$0x6580] =	vst v4;
	v4 =	vld [tilespmem:s13+$0xC9E0]  }
.LBB2_7:
0x113: {  	p0 =	sne.s32 s19, $0xC000;
	v5 =	vld [tilespmem:s21+$0xC9F0];
	[tilespmem:s13+$0x65A0] =	vst v0  }
0x114: {  	v0 =	vld [tilespmem:s21+$0xC800];
	[tilespmem:s13+$0x65B0] =	vst v1  }
0x115: {  	v1 =	vld [tilespmem:s21+$0xC810];
	[tilespmem:s13+$0x65C0] =	vst v2  }
0x116: {  	v2 =	vld [tilespmem:s21+$0xC820];
	[tilespmem:s13+$0x65D0] =	vst v3  }
0x117: {  	v3 =	vld [tilespmem:s21+$0xC830];
	[tilespmem:s13+$0x65E0] =	vst v4;
	s13 =	smov.u32 s21  }
0x118: {  	v4 =	vld [tilespmem:s13+$0xC840];
	[tilespmem:s13+$0x65F0] =	vst v5  }
0x119: {  	[tilespmem:s13+$0x6400] =	vst v0;
	v0 =	vld [tilespmem:s13+$0xC850]  }
0x11a: {  	[tilespmem:s13+$0x6410] =	vst v1;
	v1 =	vld [tilespmem:s13+$0xC860]  }
0x11b: {  	[tilespmem:s13+$0x6420] =	vst v2;
	v2 =	vld [tilespmem:s13+$0xC870]  }
0x11c: {  	[tilespmem:s13+$0x6430] =	vst v3;
	v3 =	vld [tilespmem:s13+$0xC880]  }
0x11d: {  	[tilespmem:s13+$0x6440] =	vst v4;
	v4 =	vld [tilespmem:s13+$0xC890]  }
0x11e: {  	[tilespmem:s13+$0x6450] =	vst v0;
	v0 =	vld [tilespmem:s13+$0xC8A0]  }
0x11f: {  	[tilespmem:s13+$0x6460] =	vst v1;
	v1 =	vld [tilespmem:s13+$0xC8B0]  }
0x120: {  	[tilespmem:s13+$0x6470] =	vst v2;
	v2 =	vld [tilespmem:s13+$0xC8C0]  }
0x121: {  	[tilespmem:s13+$0x6480] =	vst v3;
	v3 =	vld [tilespmem:s13+$0xC8D0]  }
0x122: {  	[tilespmem:s13+$0x6490] =	vst v4;
	v4 =	vld [tilespmem:s13+$0xC8E0]  }
0x123: {  	[tilespmem:s13+$0x64A0] =	vst v0;
	v0 =	vld [tilespmem:s13+$0xC8F0]  }
0x124: {  	[tilespmem:s13+$0x64B0] =	vst v1;
	v1 =	vld [tilespmem:s13+$0xC900]  }
0x125: {  	[tilespmem:s13+$0x64C0] =	vst v2;
	v2 =	vld [tilespmem:s13+$0xC910]  }
0x126: {  	[tilespmem:s13+$0x64D0] =	vst v3;
	v3 =	vld [tilespmem:s13+$0xC920]  }
0x127: {  	[tilespmem:s13+$0x64E0] =	vst v4;
	v4 =	vld [tilespmem:s13+$0xC930]  }
0x128: {  	[tilespmem:s13+$0x64F0] =	vst v0;
	v0 =	vld [tilespmem:s13+$0xC940]  }
0x129: {  	[tilespmem:s13+$0x6500] =	vst v1;
	v1 =	vld [tilespmem:s13+$0xC950]  }
0x12a: {  	[tilespmem:s13+$0x6510] =	vst v2;
	v2 =	vld [tilespmem:s13+$0xC960]  }
0x12b: {  	[tilespmem:s13+$0x6520] =	vst v3;
	v3 =	vld [tilespmem:s13+$0xC970]  }
0x12c: {  	[tilespmem:s13+$0x6530] =	vst v4;
	v4 =	vld [tilespmem:s13+$0xC980]  }
0x12d: {  	[tilespmem:s13+$0x6540] =	vst v0;
	v5 =	vld [tilespmem:s13+$0xC990]  }
.Ltmp2:
0x12e: {  	[tilespmem:s13+$0x6550] =	vst v1;
	v0 =	vld [tilespmem:s13+$0xC9A0];
	(pc) =	sbr.rel @p0 .LBB2_7-.Ltmp2, $4  }
0x12f: {  	[tilespmem:s13+$0x6560] =	vst v2;
	v1 =	vld [tilespmem:s13+$0xC9B0]  }
0x130: {  	[tilespmem:s13+$0x6570] =	vst v3;
	v2 =	vld [tilespmem:s13+$0xC9C0]  }
0x131: {  	[tilespmem:s13+$0x6580] =	vst v4;
	v3 =	vld [tilespmem:s13+$0xC9D0]  }
0x132: {  	s21 =	sshra.s32 s19, $0x2;
	s19 =	sadd.s32 $0x800, s19;
	[tilespmem:s13+$0x6590] =	vst v5;
	v4 =	vld [tilespmem:s13+$0xC9E0]  }
0x133: {  	v5 =	vld [tilespmem:s21+$0xC9F0];
	[tilespmem:s13+$0x65A0] =	vst v0  }
0x134: {  	v0 =	vld [tilespmem:s21+$0xC800];
	[tilespmem:s13+$0x65B0] =	vst v1  }
0x135: {  	v1 =	vld [tilespmem:s21+$0xC810];
	[tilespmem:s13+$0x65C0] =	vst v2  }
0x136: {  	v2 =	vld [tilespmem:s21+$0xC820];
	[tilespmem:s13+$0x65D0] =	vst v3  }
0x137: {  	v3 =	vld [tilespmem:s21+$0xC830];
	[tilespmem:s13+$0x65E0] =	vst v4  }
0x138: {  	v4 =	vld [tilespmem:s21+$0xC840];
	[tilespmem:s21+$0x65F0] =	vst v5  }
0x139: {  	[tilespmem:s21+$0x6400] =	vst v0;
	v0 =	vld [tilespmem:s21+$0xC850]  }
0x13a: {  	[tilespmem:s21+$0x6410] =	vst v1;
	v1 =	vld [tilespmem:s21+$0xC860]  }
0x13b: {  	[tilespmem:s21+$0x6420] =	vst v2;
	v2 =	vld [tilespmem:s21+$0xC870]  }
0x13c: {  	[tilespmem:s21+$0x6430] =	vst v3;
	v3 =	vld [tilespmem:s21+$0xC880]  }
0x13d: {  	[tilespmem:s21+$0x6440] =	vst v4;
	v4 =	vld [tilespmem:s21+$0xC890]  }
0x13e: {  	[tilespmem:s21+$0x6450] =	vst v0;
	v0 =	vld [tilespmem:s21+$0xC8A0]  }
0x13f: {  	[tilespmem:s21+$0x6460] =	vst v1;
	v1 =	vld [tilespmem:s21+$0xC8B0]  }
0x140: {  	[tilespmem:s21+$0x6470] =	vst v2;
	v2 =	vld [tilespmem:s21+$0xC8C0]  }
0x141: {  	[tilespmem:s21+$0x6480] =	vst v3;
	v3 =	vld [tilespmem:s21+$0xC8D0]  }
0x142: {  	[tilespmem:s21+$0x6490] =	vst v4;
	v4 =	vld [tilespmem:s21+$0xC8E0]  }
0x143: {  	[tilespmem:s21+$0x64A0] =	vst v0;
	v0 =	vld [tilespmem:s21+$0xC8F0]  }
0x144: {  	[tilespmem:s21+$0x64B0] =	vst v1;
	v1 =	vld [tilespmem:s21+$0xC900]  }
0x145: {  	[tilespmem:s21+$0x64C0] =	vst v2;
	v2 =	vld [tilespmem:s21+$0xC910]  }
0x146: {  	[tilespmem:s21+$0x64D0] =	vst v3;
	v3 =	vld [tilespmem:s21+$0xC920]  }
0x147: {  	[tilespmem:s21+$0x64E0] =	vst v4;
	v4 =	vld [tilespmem:s21+$0xC930]  }
0x148: {  	[tilespmem:s21+$0x64F0] =	vst v0;
	v0 =	vld [tilespmem:s21+$0xC940]  }
0x149: {  	[tilespmem:s21+$0x6500] =	vst v1;
	v1 =	vld [tilespmem:s21+$0xC950]  }
0x14a: {  	[tilespmem:s21+$0x6510] =	vst v2;
	v2 =	vld [tilespmem:s21+$0xC960]  }
0x14b: {  	[tilespmem:s21+$0x6520] =	vst v3;
	v3 =	vld [tilespmem:s21+$0xC970]  }
0x14c: {  	[tilespmem:s21+$0x6530] =	vst v4;
	v4 =	vld [tilespmem:s21+$0xC980]  }
0x14d: {  	[tilespmem:s21+$0x6540] =	vst v0;
	v0 =	vld [tilespmem:s21+$0xC990]  }
0x14e: {  	[tilespmem:s21+$0x6550] =	vst v1;
	v1 =	vld [tilespmem:s21+$0xC9A0]  }
0x14f: {  	[tilespmem:s21+$0x6560] =	vst v2;
	v2 =	vld [tilespmem:s21+$0xC9B0]  }
0x150: {  	[tilespmem:s21+$0x6570] =	vst v3;
	v3 =	vld [tilespmem:s21+$0xC9C0]  }
0x151: {  	[tilespmem:s21+$0x6580] =	vst v4;
	v4 =	vld [tilespmem:s21+$0xC9D0]  }
0x152: {  	[tilespmem:s21+$0x6590] =	vst v0;
	v0 =	vld [tilespmem:s21+$0xC9E0]  }
0x153: {  	s19 =	sshll.u32 s0, $0x1;
	[tilespmem:s21+$0x65A0] =	vst v1  }
0x154: {  	s13 =	sadd.s32 $0x2, s19;
	[tilespmem:s21+$0x65B0] =	vst v2  }
0x155: {  	s28 =	smul.u32 $0x320, s13;
	[tilespmem:s21+$0x65C0] =	vst v3  }
0x156: {  	[tilespmem:s21+$0x65D0] =	vst v4  }
0x157: {  	[tilespmem:s21+$0x65E0] =	vst v0;
	s21 =	sshra.s32 s28, $0x2  }
0x158: {  	[tilespmem:s16], [sflag:$0x1] =	stream.indirect.gather.add.f32 [hbm:s4], $0x40, s21, s15, $0xb8;
	[tilespmem:$0xFA00] =	vst v63  }
0x159: {  	s21 =	sadd.s32 $0x80, s21  }
0x15a: {  	[tilespmem:s18], [sflag:$0x1] =	stream.indirect.gather.add.f32 [hbm:s4], $0x40, s21, s17, $0xb8;
	[tilespmem:$0xFA00] =	vst v63  }
0x15b: {  	_ =	swait.ge [sflag:s25], $0x2000  }
0x15c: {  	s19 =	sadd.s32 s19, s6;
	[sflag:s25] =	ssyncset.done $0x0  }
0x15d: {  	s19 =	smul.u32 $0x640, s19;
	[sflag:s25] =	ssyncadd.s32 $0xFFFFE000  }
0x15e: {  	_ =	swait.ge [sflag:s25], $0x1200  }
0x15f: {  	s19 =	sadd.s32 s2, s19;
	[sflag:s25] =	ssyncset.done $0x0  }
0x160: {  	s19 =	sadd.s32 $0x640, s19;
	s21 =	simm.s32 $0x0;
	[sflag:s25] =	ssyncadd.s32 $0xFFFFEE00  }
0x161: {  	[hbm4b:s19+s21] =	stream.linear.scatter [tilespmem:s20], [sflag:$0x4], $0x3200, $0x38;
	[tilespmem:$0xFA00] =	vst v63  }
0x162: {  	_ =	swait.ge [sflag:s26], $0x3200  }
0x163: {  	[sflag:s26] =	ssyncset.done $0x0  }
0x164: {  	s19 =	simm.s32 $0x0;
	[sflag:s26] =	ssyncadd.s32 $0xFFFFCE00  }
0x165: {  	v0 =	vld [tilespmem:s19+$0xC9F0]  }
0x166: {  	v1 =	vld [tilespmem:s19+$0xC800]  }
0x167: {  	v2 =	vld [tilespmem:s19+$0xC810]  }
0x168: {  	v3 =	vld [tilespmem:s19+$0xC820]  }
0x169: {  	v4 =	vld [tilespmem:s19+$0xC830]  }
0x16a: {  	v5 =	vld [tilespmem:s19+$0xC840];
	[tilespmem:s19+$0x97F0] =	vst v0  }
0x16b: {  	[tilespmem:s19+$0x9600] =	vst v1;
	v0 =	vld [tilespmem:s19+$0xC850]  }
0x16c: {  	[tilespmem:s19+$0x9610] =	vst v2;
	v1 =	vld [tilespmem:s19+$0xC860]  }
0x16d: {  	[tilespmem:s19+$0x9620] =	vst v3;
	v2 =	vld [tilespmem:s19+$0xC870]  }
0x16e: {  	[tilespmem:s19+$0x9630] =	vst v4;
	v3 =	vld [tilespmem:s19+$0xC880]  }
0x16f: {  	[tilespmem:s19+$0x9640] =	vst v5;
	v4 =	vld [tilespmem:s19+$0xC890]  }
0x170: {  	v5 =	vld [tilespmem:s19+$0xC990];
	[tilespmem:s19+$0x9650] =	vst v0  }
0x171: {  	v0 =	vld [tilespmem:s19+$0xC8A0];
	[tilespmem:s19+$0x9660] =	vst v1  }
0x172: {  	v1 =	vld [tilespmem:s19+$0xC8B0];
	[tilespmem:s19+$0x9670] =	vst v2  }
0x173: {  	v2 =	vld [tilespmem:s19+$0xC8C0];
	[tilespmem:s19+$0x9680] =	vst v3  }
0x174: {  	v3 =	vld [tilespmem:s19+$0xC8D0];
	[tilespmem:s19+$0x9690] =	vst v4  }
0x175: {  	v4 =	vld [tilespmem:s19+$0xC8E0];
	[tilespmem:s19+$0x9790] =	vst v5  }
0x176: {  	[tilespmem:s19+$0x96A0] =	vst v0;
	v0 =	vld [tilespmem:s19+$0xC8F0]  }
0x177: {  	[tilespmem:s19+$0x96B0] =	vst v1;
	v1 =	vld [tilespmem:s19+$0xC900]  }
0x178: {  	[tilespmem:s19+$0x96C0] =	vst v2;
	v2 =	vld [tilespmem:s19+$0xC910]  }
0x179: {  	[tilespmem:s19+$0x96D0] =	vst v3;
	v3 =	vld [tilespmem:s19+$0xC920]  }
0x17a: {  	[tilespmem:s19+$0x96E0] =	vst v4;
	v4 =	vld [tilespmem:s19+$0xC930]  }
0x17b: {  	[tilespmem:s19+$0x96F0] =	vst v0;
	v0 =	vld [tilespmem:s19+$0xC940]  }
0x17c: {  	[tilespmem:s19+$0x9700] =	vst v1;
	v1 =	vld [tilespmem:s19+$0xC950]  }
0x17d: {  	[tilespmem:s19+$0x9710] =	vst v2;
	v2 =	vld [tilespmem:s19+$0xC960]  }
0x17e: {  	[tilespmem:s19+$0x9720] =	vst v3;
	v3 =	vld [tilespmem:s19+$0xC970]  }
0x17f: {  	[tilespmem:s19+$0x9730] =	vst v4;
	v4 =	vld [tilespmem:s19+$0xC980]  }
0x180: {  	[tilespmem:s19+$0x9740] =	vst v0;
	v0 =	vld [tilespmem:s19+$0xC9A0]  }
0x181: {  	[tilespmem:s19+$0x9750] =	vst v1;
	v1 =	vld [tilespmem:s19+$0xC9B0]  }
0x182: {  	[tilespmem:s19+$0x9760] =	vst v2;
	v2 =	vld [tilespmem:s19+$0xC9C0]  }
0x183: {  	[tilespmem:s19+$0x9770] =	vst v3;
	v3 =	vld [tilespmem:s19+$0xC9D0]  }
0x184: {  	s28 =	simm.s32 $0x200;
	s21 =	simm.s32 $0x1000;
	[tilespmem:s19+$0x9780] =	vst v4;
	v4 =	vld [tilespmem:s19+$0xC9E0]  }
.LBB2_9:
0x185: {  	p0 =	sne.s32 s21, $0xC000;
	v5 =	vld [tilespmem:s28+$0xC9F0];
	[tilespmem:s19+$0x97A0] =	vst v0  }
0x186: {  	v0 =	vld [tilespmem:s28+$0xC800];
	[tilespmem:s19+$0x97B0] =	vst v1  }
0x187: {  	v1 =	vld [tilespmem:s28+$0xC810];
	[tilespmem:s19+$0x97C0] =	vst v2  }
0x188: {  	v2 =	vld [tilespmem:s28+$0xC820];
	[tilespmem:s19+$0x97D0] =	vst v3  }
0x189: {  	v3 =	vld [tilespmem:s28+$0xC830];
	[tilespmem:s19+$0x97E0] =	vst v4;
	s19 =	smov.u32 s28  }
0x18a: {  	v4 =	vld [tilespmem:s19+$0xC840];
	[tilespmem:s19+$0x97F0] =	vst v5  }
0x18b: {  	[tilespmem:s19+$0x9600] =	vst v0;
	v0 =	vld [tilespmem:s19+$0xC850]  }
0x18c: {  	[tilespmem:s19+$0x9610] =	vst v1;
	v1 =	vld [tilespmem:s19+$0xC860]  }
0x18d: {  	[tilespmem:s19+$0x9620] =	vst v2;
	v2 =	vld [tilespmem:s19+$0xC870]  }
0x18e: {  	[tilespmem:s19+$0x9630] =	vst v3;
	v3 =	vld [tilespmem:s19+$0xC880]  }
0x18f: {  	[tilespmem:s19+$0x9640] =	vst v4;
	v4 =	vld [tilespmem:s19+$0xC890]  }
0x190: {  	[tilespmem:s19+$0x9650] =	vst v0;
	v0 =	vld [tilespmem:s19+$0xC8A0]  }
0x191: {  	[tilespmem:s19+$0x9660] =	vst v1;
	v1 =	vld [tilespmem:s19+$0xC8B0]  }
0x192: {  	[tilespmem:s19+$0x9670] =	vst v2;
	v2 =	vld [tilespmem:s19+$0xC8C0]  }
0x193: {  	[tilespmem:s19+$0x9680] =	vst v3;
	v3 =	vld [tilespmem:s19+$0xC8D0]  }
0x194: {  	[tilespmem:s19+$0x9690] =	vst v4;
	v4 =	vld [tilespmem:s19+$0xC8E0]  }
0x195: {  	[tilespmem:s19+$0x96A0] =	vst v0;
	v0 =	vld [tilespmem:s19+$0xC8F0]  }
0x196: {  	[tilespmem:s19+$0x96B0] =	vst v1;
	v1 =	vld [tilespmem:s19+$0xC900]  }
0x197: {  	[tilespmem:s19+$0x96C0] =	vst v2;
	v2 =	vld [tilespmem:s19+$0xC910]  }
0x198: {  	[tilespmem:s19+$0x96D0] =	vst v3;
	v3 =	vld [tilespmem:s19+$0xC920]  }
0x199: {  	[tilespmem:s19+$0x96E0] =	vst v4;
	v4 =	vld [tilespmem:s19+$0xC930]  }
0x19a: {  	[tilespmem:s19+$0x96F0] =	vst v0;
	v0 =	vld [tilespmem:s19+$0xC940]  }
0x19b: {  	[tilespmem:s19+$0x9700] =	vst v1;
	v1 =	vld [tilespmem:s19+$0xC950]  }
0x19c: {  	[tilespmem:s19+$0x9710] =	vst v2;
	v2 =	vld [tilespmem:s19+$0xC960]  }
0x19d: {  	[tilespmem:s19+$0x9720] =	vst v3;
	v3 =	vld [tilespmem:s19+$0xC970]  }
0x19e: {  	[tilespmem:s19+$0x9730] =	vst v4;
	v4 =	vld [tilespmem:s19+$0xC980]  }
0x19f: {  	[tilespmem:s19+$0x9740] =	vst v0;
	v5 =	vld [tilespmem:s19+$0xC990]  }
.Ltmp3:
0x1a0: {  	[tilespmem:s19+$0x9750] =	vst v1;
	v0 =	vld [tilespmem:s19+$0xC9A0];
	(pc) =	sbr.rel @p0 .LBB2_9-.Ltmp3, $4  }
0x1a1: {  	[tilespmem:s19+$0x9760] =	vst v2;
	v1 =	vld [tilespmem:s19+$0xC9B0]  }
0x1a2: {  	[tilespmem:s19+$0x9770] =	vst v3;
	v2 =	vld [tilespmem:s19+$0xC9C0]  }
0x1a3: {  	[tilespmem:s19+$0x9780] =	vst v4;
	v3 =	vld [tilespmem:s19+$0xC9D0]  }
0x1a4: {  	s28 =	sshra.s32 s21, $0x2;
	s21 =	sadd.s32 $0x800, s21;
	[tilespmem:s19+$0x9790] =	vst v5;
	v4 =	vld [tilespmem:s19+$0xC9E0]  }
0x1a5: {  	v5 =	vld [tilespmem:s28+$0xC9F0];
	[tilespmem:s19+$0x97A0] =	vst v0  }
0x1a6: {  	v0 =	vld [tilespmem:s28+$0xC800];
	[tilespmem:s19+$0x97B0] =	vst v1  }
0x1a7: {  	v1 =	vld [tilespmem:s28+$0xC810];
	[tilespmem:s19+$0x97C0] =	vst v2  }
0x1a8: {  	v2 =	vld [tilespmem:s28+$0xC820];
	[tilespmem:s19+$0x97D0] =	vst v3  }
0x1a9: {  	v3 =	vld [tilespmem:s28+$0xC830];
	[tilespmem:s19+$0x97E0] =	vst v4  }
0x1aa: {  	v4 =	vld [tilespmem:s28+$0xC840];
	[tilespmem:s28+$0x97F0] =	vst v5  }
0x1ab: {  	v38 =	vld [tilespmem:s28+$0xC850];
	[tilespmem:s28+$0x9600] =	vst v0  }
0x1ac: {  	v39 =	vld [tilespmem:s28+$0xC860];
	[tilespmem:s28+$0x9610] =	vst v1  }
0x1ad: {  	v40 =	vld [tilespmem:s28+$0xC870];
	[tilespmem:s28+$0x9620] =	vst v2  }
0x1ae: {  	v41 =	vld [tilespmem:s28+$0xC880];
	[tilespmem:s28+$0x9630] =	vst v3  }
0x1af: {  	v42 =	vld [tilespmem:s28+$0xC890];
	[tilespmem:s28+$0x9640] =	vst v4  }
0x1b0: {  	v43 =	vld [tilespmem:s28+$0xC8A0];
	[tilespmem:s28+$0x9650] =	vst v38  }
0x1b1: {  	v44 =	vld [tilespmem:s28+$0xC8B0];
	[tilespmem:s28+$0x9660] =	vst v39  }
0x1b2: {  	v45 =	vld [tilespmem:s28+$0xC8C0];
	[tilespmem:s28+$0x9670] =	vst v40  }
0x1b3: {  	v46 =	vld [tilespmem:s28+$0xC8D0];
	[tilespmem:s28+$0x9680] =	vst v41  }
0x1b4: {  	v47 =	vld [tilespmem:s28+$0xC8E0];
	[tilespmem:s28+$0x9690] =	vst v42  }
0x1b5: {  	v48 =	vld [tilespmem:s28+$0xC8F0];
	[tilespmem:s28+$0x96A0] =	vst v43  }
0x1b6: {  	v49 =	vld [tilespmem:s28+$0xC900];
	[tilespmem:s28+$0x96B0] =	vst v44  }
0x1b7: {  	v50 =	vld [tilespmem:s28+$0xC910];
	[tilespmem:s28+$0x96C0] =	vst v45  }
0x1b8: {  	v51 =	vld [tilespmem:s28+$0xC920];
	[tilespmem:s28+$0x96D0] =	vst v46  }
0x1b9: {  	v52 =	vld [tilespmem:s28+$0xC930];
	[tilespmem:s28+$0x96E0] =	vst v47  }
0x1ba: {  	v53 =	vld [tilespmem:s28+$0xC940];
	[tilespmem:s28+$0x96F0] =	vst v48  }
0x1bb: {  	v54 =	vld [tilespmem:s28+$0xC950];
	[tilespmem:s28+$0x9700] =	vst v49  }
0x1bc: {  	v55 =	vld [tilespmem:s28+$0xC960];
	[tilespmem:s28+$0x9710] =	vst v50  }
0x1bd: {  	v56 =	vld [tilespmem:s28+$0xC970];
	[tilespmem:s28+$0x9720] =	vst v51  }
0x1be: {  	v57 =	vld [tilespmem:s28+$0xC980];
	[tilespmem:s28+$0x9730] =	vst v52  }
0x1bf: {  	v58 =	vld [tilespmem:s28+$0xC990];
	[tilespmem:s28+$0x9740] =	vst v53  }
0x1c0: {  	v59 =	vld [tilespmem:s28+$0xC9A0];
	[tilespmem:s28+$0x9750] =	vst v54  }
0x1c1: {  	v60 =	vld [tilespmem:s28+$0xC9B0];
	[tilespmem:s28+$0x9760] =	vst v55  }
0x1c2: {  	v61 =	vld [tilespmem:s28+$0xC9C0];
	[tilespmem:s28+$0x9770] =	vst v56  }
0x1c3: {  	v62 =	vld [tilespmem:s28+$0xC9D0];
	[tilespmem:s28+$0x9780] =	vst v57  }
0x1c4: {  	v63 =	vld [tilespmem:s28+$0xC9E0];
	[tilespmem:s28+$0x9790] =	vst v58  }
0x1c5: {  	[tilespmem:s28+$0x97A0] =	vst v59  }
0x1c6: {  	s21 =	smul.u32 $0x640, s0;
	[tilespmem:s28+$0x97B0] =	vst v60  }
0x1c7: {  	[tilespmem:s28+$0x97C0] =	vst v61  }
0x1c8: {  	s19 =	sshra.s32 s21, $0x2;
	[tilespmem:s28+$0x97D0] =	vst v62  }
0x1c9: {  	s21 =	sadd.s32 $0x258, s19;
	[tilespmem:s28+$0x97E0] =	vst v63  }
0x1ca: {  	[tilespmem:s20], [sflag:$0x2] =	stream.indirect.gather.add.f32 [hbm:s4], $0x40, s21, s15, $0xb8;
	[tilespmem:$0xFA00] =	vst v63  }
0x1cb: {  	s19 =	sadd.s32 $0x2D8, s19  }
0x1cc: {  	[tilespmem:s22], [sflag:$0x2] =	stream.indirect.gather.add.f32 [hbm:s4], $0x40, s19, s17, $0xb8;
	[tilespmem:$0xFA00] =	vst v63  }
0x1cd: {  	s0 =	sadd.s32 $0x1, s0;
	_ =	swait.ge [sflag:s23], $0x2000  }
0x1ce: {  	p0 =	sne.s32 s0, $0x3E;
	[sflag:s23] =	ssyncset.done $0x0  }
.Ltmp4:
0x1cf: {  	s13 =	sadd.s32 s6, s13;
	[sflag:s23] =	ssyncadd.s32 $0xFFFFE000;
	(pc) =	sbr.rel @p0 .LBB2_6-.Ltmp4, $4  }
0x1d0: {  	s13 =	smul.u32 $0x640, s13;
	_ =	swait.ge [sflag:s23], $0x1200  }
0x1d1: {  	[sflag:s23] =	ssyncset.done $0x0  }
0x1d2: {  	s13 =	sadd.s32 s2, s13;
	[sflag:s23] =	ssyncadd.s32 $0xFFFFEE00  }
0x1d3: {  	[hbm4b:s13+s3] =	stream.linear.scatter [tilespmem:s16], [sflag:$0x3], $0x3200, $0x38;
	[tilespmem:$0xFA00] =	vst v63  }
0x1d4: {  	_ =	swait.ge [sflag:s24], $0x3200  }
0x1d5: {  	[sflag:s24] =	ssyncset.done $0x0  }
0x1d6: {  	s0 =	simm.s32 $0x0;
	[sflag:s24] =	ssyncadd.s32 $0xFFFFCE00  }
0x1d7: {  	v0 =	vld [tilespmem:s0+$0xC9F0]  }
0x1d8: {  	v1 =	vld [tilespmem:s0+$0xC800]  }
0x1d9: {  	v2 =	vld [tilespmem:s0+$0xC810]  }
0x1da: {  	v3 =	vld [tilespmem:s0+$0xC820]  }
0x1db: {  	v4 =	vld [tilespmem:s0+$0xC830]  }
0x1dc: {  	v5 =	vld [tilespmem:s0+$0xC840];
	[tilespmem:s0+$0x65F0] =	vst v0  }
0x1dd: {  	[tilespmem:s0+$0x6400] =	vst v1;
	v0 =	vld [tilespmem:s0+$0xC850]  }
0x1de: {  	[tilespmem:s0+$0x6410] =	vst v2;
	v1 =	vld [tilespmem:s0+$0xC860]  }
0x1df: {  	[tilespmem:s0+$0x6420] =	vst v3;
	v2 =	vld [tilespmem:s0+$0xC870]  }
0x1e0: {  	[tilespmem:s0+$0x6430] =	vst v4;
	v3 =	vld [tilespmem:s0+$0xC880]  }
0x1e1: {  	[tilespmem:s0+$0x6440] =	vst v5;
	v4 =	vld [tilespmem:s0+$0xC890]  }
0x1e2: {  	v5 =	vld [tilespmem:s0+$0xC990];
	[tilespmem:s0+$0x6450] =	vst v0  }
0x1e3: {  	v0 =	vld [tilespmem:s0+$0xC8A0];
	[tilespmem:s0+$0x6460] =	vst v1  }
0x1e4: {  	v1 =	vld [tilespmem:s0+$0xC8B0];
	[tilespmem:s0+$0x6470] =	vst v2  }
0x1e5: {  	v2 =	vld [tilespmem:s0+$0xC8C0];
	[tilespmem:s0+$0x6480] =	vst v3  }
0x1e6: {  	v3 =	vld [tilespmem:s0+$0xC8D0];
	[tilespmem:s0+$0x6490] =	vst v4  }
0x1e7: {  	v4 =	vld [tilespmem:s0+$0xC8E0];
	[tilespmem:s0+$0x6590] =	vst v5  }
0x1e8: {  	[tilespmem:s0+$0x64A0] =	vst v0;
	v0 =	vld [tilespmem:s0+$0xC8F0]  }
0x1e9: {  	[tilespmem:s0+$0x64B0] =	vst v1;
	v1 =	vld [tilespmem:s0+$0xC900]  }
0x1ea: {  	[tilespmem:s0+$0x64C0] =	vst v2;
	v2 =	vld [tilespmem:s0+$0xC910]  }
0x1eb: {  	[tilespmem:s0+$0x64D0] =	vst v3;
	v3 =	vld [tilespmem:s0+$0xC920]  }
0x1ec: {  	[tilespmem:s0+$0x64E0] =	vst v4;
	v4 =	vld [tilespmem:s0+$0xC930]  }
0x1ed: {  	[tilespmem:s0+$0x64F0] =	vst v0;
	v0 =	vld [tilespmem:s0+$0xC940]  }
0x1ee: {  	[tilespmem:s0+$0x6500] =	vst v1;
	v1 =	vld [tilespmem:s0+$0xC950]  }
0x1ef: {  	[tilespmem:s0+$0x6510] =	vst v2;
	v2 =	vld [tilespmem:s0+$0xC960]  }
0x1f0: {  	[tilespmem:s0+$0x6520] =	vst v3;
	v3 =	vld [tilespmem:s0+$0xC970]  }
0x1f1: {  	[tilespmem:s0+$0x6530] =	vst v4;
	v4 =	vld [tilespmem:s0+$0xC980]  }
0x1f2: {  	[tilespmem:s0+$0x6540] =	vst v0;
	v0 =	vld [tilespmem:s0+$0xC9A0]  }
0x1f3: {  	[tilespmem:s0+$0x6550] =	vst v1;
	v1 =	vld [tilespmem:s0+$0xC9B0]  }
0x1f4: {  	[tilespmem:s0+$0x6560] =	vst v2;
	v2 =	vld [tilespmem:s0+$0xC9C0]  }
0x1f5: {  	[tilespmem:s0+$0x6570] =	vst v3;
	v3 =	vld [tilespmem:s0+$0xC9D0]  }
0x1f6: {  	s19 =	simm.s32 $0x200;
	s13 =	simm.s32 $0x1000;
	[tilespmem:s0+$0x6580] =	vst v4;
	v4 =	vld [tilespmem:s0+$0xC9E0]  }
.LBB2_12:
0x1f7: {  	p0 =	sne.s32 s13, $0xC000;
	v5 =	vld [tilespmem:s19+$0xC9F0];
	[tilespmem:s0+$0x65A0] =	vst v0  }
0x1f8: {  	v0 =	vld [tilespmem:s19+$0xC800];
	[tilespmem:s0+$0x65B0] =	vst v1  }
0x1f9: {  	v1 =	vld [tilespmem:s19+$0xC810];
	[tilespmem:s0+$0x65C0] =	vst v2  }
0x1fa: {  	v2 =	vld [tilespmem:s19+$0xC820];
	[tilespmem:s0+$0x65D0] =	vst v3  }
0x1fb: {  	v3 =	vld [tilespmem:s19+$0xC830];
	[tilespmem:s0+$0x65E0] =	vst v4;
	s0 =	smov.u32 s19  }
0x1fc: {  	v4 =	vld [tilespmem:s0+$0xC840];
	[tilespmem:s0+$0x65F0] =	vst v5  }
0x1fd: {  	[tilespmem:s0+$0x6400] =	vst v0;
	v0 =	vld [tilespmem:s0+$0xC850]  }
0x1fe: {  	[tilespmem:s0+$0x6410] =	vst v1;
	v1 =	vld [tilespmem:s0+$0xC860]  }
0x1ff: {  	[tilespmem:s0+$0x6420] =	vst v2;
	v2 =	vld [tilespmem:s0+$0xC870]  }
0x200: {  	[tilespmem:s0+$0x6430] =	vst v3;
	v3 =	vld [tilespmem:s0+$0xC880]  }
0x201: {  	[tilespmem:s0+$0x6440] =	vst v4;
	v4 =	vld [tilespmem:s0+$0xC890]  }
0x202: {  	[tilespmem:s0+$0x6450] =	vst v0;
	v0 =	vld [tilespmem:s0+$0xC8A0]  }
0x203: {  	[tilespmem:s0+$0x6460] =	vst v1;
	v1 =	vld [tilespmem:s0+$0xC8B0]  }
0x204: {  	[tilespmem:s0+$0x6470] =	vst v2;
	v2 =	vld [tilespmem:s0+$0xC8C0]  }
0x205: {  	[tilespmem:s0+$0x6480] =	vst v3;
	v3 =	vld [tilespmem:s0+$0xC8D0]  }
0x206: {  	[tilespmem:s0+$0x6490] =	vst v4;
	v4 =	vld [tilespmem:s0+$0xC8E0]  }
0x207: {  	[tilespmem:s0+$0x64A0] =	vst v0;
	v0 =	vld [tilespmem:s0+$0xC8F0]  }
0x208: {  	[tilespmem:s0+$0x64B0] =	vst v1;
	v1 =	vld [tilespmem:s0+$0xC900]  }
0x209: {  	[tilespmem:s0+$0x64C0] =	vst v2;
	v2 =	vld [tilespmem:s0+$0xC910]  }
0x20a: {  	[tilespmem:s0+$0x64D0] =	vst v3;
	v3 =	vld [tilespmem:s0+$0xC920]  }
0x20b: {  	[tilespmem:s0+$0x64E0] =	vst v4;
	v4 =	vld [tilespmem:s0+$0xC930]  }
0x20c: {  	[tilespmem:s0+$0x64F0] =	vst v0;
	v0 =	vld [tilespmem:s0+$0xC940]  }
0x20d: {  	[tilespmem:s0+$0x6500] =	vst v1;
	v1 =	vld [tilespmem:s0+$0xC950]  }
0x20e: {  	[tilespmem:s0+$0x6510] =	vst v2;
	v2 =	vld [tilespmem:s0+$0xC960]  }
0x20f: {  	[tilespmem:s0+$0x6520] =	vst v3;
	v3 =	vld [tilespmem:s0+$0xC970]  }
0x210: {  	[tilespmem:s0+$0x6530] =	vst v4;
	v4 =	vld [tilespmem:s0+$0xC980]  }
0x211: {  	[tilespmem:s0+$0x6540] =	vst v0;
	v5 =	vld [tilespmem:s0+$0xC990]  }
.Ltmp5:
0x212: {  	[tilespmem:s0+$0x6550] =	vst v1;
	v0 =	vld [tilespmem:s0+$0xC9A0];
	(pc) =	sbr.rel @p0 .LBB2_12-.Ltmp5, $4  }
0x213: {  	[tilespmem:s0+$0x6560] =	vst v2;
	v1 =	vld [tilespmem:s0+$0xC9B0]  }
0x214: {  	[tilespmem:s0+$0x6570] =	vst v3;
	v2 =	vld [tilespmem:s0+$0xC9C0]  }
0x215: {  	[tilespmem:s0+$0x6580] =	vst v4;
	v3 =	vld [tilespmem:s0+$0xC9D0]  }
0x216: {  	s19 =	sshra.s32 s13, $0x2;
	s13 =	sadd.s32 $0x800, s13;
	[tilespmem:s0+$0x6590] =	vst v5;
	v4 =	vld [tilespmem:s0+$0xC9E0]  }
0x217: {  	v5 =	vld [tilespmem:s19+$0xC9F0];
	[tilespmem:s0+$0x65A0] =	vst v0  }
0x218: {  	v0 =	vld [tilespmem:s19+$0xC800];
	[tilespmem:s0+$0x65B0] =	vst v1  }
0x219: {  	v1 =	vld [tilespmem:s19+$0xC810];
	[tilespmem:s0+$0x65C0] =	vst v2  }
0x21a: {  	v2 =	vld [tilespmem:s19+$0xC820];
	[tilespmem:s0+$0x65D0] =	vst v3  }
0x21b: {  	v3 =	vld [tilespmem:s19+$0xC830];
	[tilespmem:s0+$0x65E0] =	vst v4  }
0x21c: {  	v4 =	vld [tilespmem:s19+$0xC840];
	[tilespmem:s19+$0x65F0] =	vst v5  }
0x21d: {  	[tilespmem:s19+$0x6400] =	vst v0;
	v0 =	vld [tilespmem:s19+$0xC850]  }
0x21e: {  	[tilespmem:s19+$0x6410] =	vst v1;
	v1 =	vld [tilespmem:s19+$0xC860]  }
0x21f: {  	[tilespmem:s19+$0x6420] =	vst v2;
	v2 =	vld [tilespmem:s19+$0xC870]  }
0x220: {  	[tilespmem:s19+$0x6430] =	vst v3;
	v3 =	vld [tilespmem:s19+$0xC880]  }
0x221: {  	[tilespmem:s19+$0x6440] =	vst v4;
	v4 =	vld [tilespmem:s19+$0xC890]  }
0x222: {  	[tilespmem:s19+$0x6450] =	vst v0;
	v0 =	vld [tilespmem:s19+$0xC8A0]  }
0x223: {  	[tilespmem:s19+$0x6460] =	vst v1;
	v1 =	vld [tilespmem:s19+$0xC8B0]  }
0x224: {  	[tilespmem:s19+$0x6470] =	vst v2;
	v2 =	vld [tilespmem:s19+$0xC8C0]  }
0x225: {  	[tilespmem:s19+$0x6480] =	vst v3;
	v3 =	vld [tilespmem:s19+$0xC8D0]  }
0x226: {  	[tilespmem:s19+$0x6490] =	vst v4;
	v4 =	vld [tilespmem:s19+$0xC8E0]  }
0x227: {  	[tilespmem:s19+$0x64A0] =	vst v0;
	v0 =	vld [tilespmem:s19+$0xC8F0]  }
0x228: {  	[tilespmem:s19+$0x64B0] =	vst v1;
	v1 =	vld [tilespmem:s19+$0xC900]  }
0x229: {  	[tilespmem:s19+$0x64C0] =	vst v2;
	v2 =	vld [tilespmem:s19+$0xC910]  }
0x22a: {  	[tilespmem:s19+$0x64D0] =	vst v3;
	v3 =	vld [tilespmem:s19+$0xC920]  }
0x22b: {  	[tilespmem:s19+$0x64E0] =	vst v4;
	v4 =	vld [tilespmem:s19+$0xC930]  }
0x22c: {  	[tilespmem:s19+$0x64F0] =	vst v0;
	v0 =	vld [tilespmem:s19+$0xC940]  }
0x22d: {  	[tilespmem:s19+$0x6500] =	vst v1;
	v1 =	vld [tilespmem:s19+$0xC950]  }
0x22e: {  	[tilespmem:s19+$0x6510] =	vst v2;
	v2 =	vld [tilespmem:s19+$0xC960]  }
0x22f: {  	[tilespmem:s19+$0x6520] =	vst v3;
	v3 =	vld [tilespmem:s19+$0xC970]  }
0x230: {  	[tilespmem:s19+$0x6530] =	vst v4;
	v4 =	vld [tilespmem:s19+$0xC980]  }
0x231: {  	[tilespmem:s19+$0x6540] =	vst v0;
	v0 =	vld [tilespmem:s19+$0xC990]  }
0x232: {  	[tilespmem:s19+$0x6550] =	vst v1;
	v1 =	vld [tilespmem:s19+$0xC9A0]  }
0x233: {  	[tilespmem:s19+$0x6560] =	vst v2;
	v2 =	vld [tilespmem:s19+$0xC9B0]  }
0x234: {  	[tilespmem:s19+$0x6570] =	vst v3;
	v3 =	vld [tilespmem:s19+$0xC9C0]  }
0x235: {  	[tilespmem:s19+$0x6580] =	vst v4;
	v4 =	vld [tilespmem:s19+$0xC9D0]  }
0x236: {  	[tilespmem:s19+$0x6590] =	vst v0;
	v0 =	vld [tilespmem:s19+$0xC9E0]  }
0x237: {  	[tilespmem:s19+$0x65A0] =	vst v1  }
0x238: {  	[tilespmem:s19+$0x65B0] =	vst v2  }
0x239: {  	[tilespmem:s19+$0x65C0] =	vst v3  }
0x23a: {  	[tilespmem:s19+$0x65D0] =	vst v4  }
0x23b: {  	s21 =	simm.s32 $0x6270;
	[tilespmem:s19+$0x65E0] =	vst v0  }
0x23c: {  	[tilespmem:s16], [sflag:$0x1] =	stream.indirect.gather.add.f32 [hbm:s4], $0x40, s21, s15, $0xb8;
	[tilespmem:$0xFA00] =	vst v63  }
0x23d: {  	_ = 	snop  }
0x23e: {  	[tilespmem:s18], [sflag:$0x1] =	stream.indirect.gather.add.f32 [hbm:s4], $0x40, s29, s17, $0xb8;
	[tilespmem:$0xFA00] =	vst v63  }
0x23f: {  	_ =	swait.ge [sflag:s25], $0x2000  }
0x240: {  	[sflag:s25] =	ssyncset.done $0x0  }
0x241: {  	[sflag:s25] =	ssyncadd.s32 $0xFFFFE000  }
0x242: {  	_ =	swait.ge [sflag:s25], $0x1200  }
0x243: {  	[sflag:s25] =	ssyncset.done $0x0  }
0x244: {  	s28 =	simm.s32 $0x0;
	[sflag:s25] =	ssyncadd.s32 $0xFFFFEE00  }
0x245: {  	[hbm4b:s9+s28] =	stream.linear.scatter [tilespmem:s20], [sflag:$0x4], $0x3200, $0x38;
	[tilespmem:$0xFA00] =	vst v63  }
0x246: {  	_ =	swait.ge [sflag:s26], $0x3200  }
0x247: {  	[sflag:s26] =	ssyncset.done $0x0  }
0x248: {  	s0 =	simm.s32 $0x0;
	[sflag:s26] =	ssyncadd.s32 $0xFFFFCE00  }
0x249: {  	v0 =	vld [tilespmem:s0+$0xC9F0]  }
0x24a: {  	v1 =	vld [tilespmem:s0+$0xC800]  }
0x24b: {  	v2 =	vld [tilespmem:s0+$0xC810]  }
0x24c: {  	v3 =	vld [tilespmem:s0+$0xC820]  }
0x24d: {  	v4 =	vld [tilespmem:s0+$0xC830]  }
0x24e: {  	v5 =	vld [tilespmem:s0+$0xC840];
	[tilespmem:s0+$0x97F0] =	vst v0  }
0x24f: {  	[tilespmem:s0+$0x9600] =	vst v1;
	v0 =	vld [tilespmem:s0+$0xC850]  }
0x250: {  	[tilespmem:s0+$0x9610] =	vst v2;
	v1 =	vld [tilespmem:s0+$0xC860]  }
0x251: {  	[tilespmem:s0+$0x9620] =	vst v3;
	v2 =	vld [tilespmem:s0+$0xC870]  }
0x252: {  	[tilespmem:s0+$0x9630] =	vst v4;
	v3 =	vld [tilespmem:s0+$0xC880]  }
0x253: {  	[tilespmem:s0+$0x9640] =	vst v5;
	v4 =	vld [tilespmem:s0+$0xC890]  }
0x254: {  	v5 =	vld [tilespmem:s0+$0xC990];
	[tilespmem:s0+$0x9650] =	vst v0  }
0x255: {  	v0 =	vld [tilespmem:s0+$0xC8A0];
	[tilespmem:s0+$0x9660] =	vst v1  }
0x256: {  	v1 =	vld [tilespmem:s0+$0xC8B0];
	[tilespmem:s0+$0x9670] =	vst v2  }
0x257: {  	v2 =	vld [tilespmem:s0+$0xC8C0];
	[tilespmem:s0+$0x9680] =	vst v3  }
0x258: {  	v3 =	vld [tilespmem:s0+$0xC8D0];
	[tilespmem:s0+$0x9690] =	vst v4  }
0x259: {  	v4 =	vld [tilespmem:s0+$0xC8E0];
	[tilespmem:s0+$0x9790] =	vst v5  }
0x25a: {  	[tilespmem:s0+$0x96A0] =	vst v0;
	v0 =	vld [tilespmem:s0+$0xC8F0]  }
0x25b: {  	[tilespmem:s0+$0x96B0] =	vst v1;
	v1 =	vld [tilespmem:s0+$0xC900]  }
0x25c: {  	[tilespmem:s0+$0x96C0] =	vst v2;
	v2 =	vld [tilespmem:s0+$0xC910]  }
0x25d: {  	[tilespmem:s0+$0x96D0] =	vst v3;
	v3 =	vld [tilespmem:s0+$0xC920]  }
0x25e: {  	[tilespmem:s0+$0x96E0] =	vst v4;
	v4 =	vld [tilespmem:s0+$0xC930]  }
0x25f: {  	[tilespmem:s0+$0x96F0] =	vst v0;
	v0 =	vld [tilespmem:s0+$0xC940]  }
0x260: {  	[tilespmem:s0+$0x9700] =	vst v1;
	v1 =	vld [tilespmem:s0+$0xC950]  }
0x261: {  	[tilespmem:s0+$0x9710] =	vst v2;
	v2 =	vld [tilespmem:s0+$0xC960]  }
0x262: {  	[tilespmem:s0+$0x9720] =	vst v3;
	v3 =	vld [tilespmem:s0+$0xC970]  }
0x263: {  	[tilespmem:s0+$0x9730] =	vst v4;
	v4 =	vld [tilespmem:s0+$0xC980]  }
0x264: {  	[tilespmem:s0+$0x9740] =	vst v0;
	v0 =	vld [tilespmem:s0+$0xC9A0]  }
0x265: {  	[tilespmem:s0+$0x9750] =	vst v1;
	v1 =	vld [tilespmem:s0+$0xC9B0]  }
0x266: {  	[tilespmem:s0+$0x9760] =	vst v2;
	v2 =	vld [tilespmem:s0+$0xC9C0]  }
0x267: {  	[tilespmem:s0+$0x9770] =	vst v3;
	v3 =	vld [tilespmem:s0+$0xC9D0]  }
0x268: {  	s13 =	simm.s32 $0x1000;
	s19 =	simm.s32 $0x200;
	[tilespmem:s0+$0x9780] =	vst v4;
	v4 =	vld [tilespmem:s0+$0xC9E0]  }
.LBB2_14:
0x269: {  	p0 =	sne.s32 s13, $0xC000;
	v5 =	vld [tilespmem:s19+$0xC9F0];
	[tilespmem:s0+$0x97A0] =	vst v0  }
0x26a: {  	v0 =	vld [tilespmem:s19+$0xC800];
	[tilespmem:s0+$0x97B0] =	vst v1  }
0x26b: {  	v1 =	vld [tilespmem:s19+$0xC810];
	[tilespmem:s0+$0x97C0] =	vst v2  }
0x26c: {  	v2 =	vld [tilespmem:s19+$0xC820];
	[tilespmem:s0+$0x97D0] =	vst v3  }
0x26d: {  	v3 =	vld [tilespmem:s19+$0xC830];
	[tilespmem:s0+$0x97E0] =	vst v4;
	s0 =	smov.u32 s19  }
0x26e: {  	v4 =	vld [tilespmem:s0+$0xC840];
	[tilespmem:s0+$0x97F0] =	vst v5  }
0x26f: {  	[tilespmem:s0+$0x9600] =	vst v0;
	v0 =	vld [tilespmem:s0+$0xC850]  }
0x270: {  	[tilespmem:s0+$0x9610] =	vst v1;
	v1 =	vld [tilespmem:s0+$0xC860]  }
0x271: {  	[tilespmem:s0+$0x9620] =	vst v2;
	v2 =	vld [tilespmem:s0+$0xC870]  }
0x272: {  	[tilespmem:s0+$0x9630] =	vst v3;
	v3 =	vld [tilespmem:s0+$0xC880]  }
0x273: {  	[tilespmem:s0+$0x9640] =	vst v4;
	v4 =	vld [tilespmem:s0+$0xC890]  }
0x274: {  	[tilespmem:s0+$0x9650] =	vst v0;
	v0 =	vld [tilespmem:s0+$0xC8A0]  }
0x275: {  	[tilespmem:s0+$0x9660] =	vst v1;
	v1 =	vld [tilespmem:s0+$0xC8B0]  }
0x276: {  	[tilespmem:s0+$0x9670] =	vst v2;
	v2 =	vld [tilespmem:s0+$0xC8C0]  }
0x277: {  	[tilespmem:s0+$0x9680] =	vst v3;
	v3 =	vld [tilespmem:s0+$0xC8D0]  }
0x278: {  	[tilespmem:s0+$0x9690] =	vst v4;
	v4 =	vld [tilespmem:s0+$0xC8E0]  }
0x279: {  	[tilespmem:s0+$0x96A0] =	vst v0;
	v0 =	vld [tilespmem:s0+$0xC8F0]  }
0x27a: {  	[tilespmem:s0+$0x96B0] =	vst v1;
	v1 =	vld [tilespmem:s0+$0xC900]  }
0x27b: {  	[tilespmem:s0+$0x96C0] =	vst v2;
	v2 =	vld [tilespmem:s0+$0xC910]  }
0x27c: {  	[tilespmem:s0+$0x96D0] =	vst v3;
	v3 =	vld [tilespmem:s0+$0xC920]  }
0x27d: {  	[tilespmem:s0+$0x96E0] =	vst v4;
	v4 =	vld [tilespmem:s0+$0xC930]  }
0x27e: {  	[tilespmem:s0+$0x96F0] =	vst v0;
	v0 =	vld [tilespmem:s0+$0xC940]  }
0x27f: {  	[tilespmem:s0+$0x9700] =	vst v1;
	v1 =	vld [tilespmem:s0+$0xC950]  }
0x280: {  	[tilespmem:s0+$0x9710] =	vst v2;
	v2 =	vld [tilespmem:s0+$0xC960]  }
0x281: {  	[tilespmem:s0+$0x9720] =	vst v3;
	v3 =	vld [tilespmem:s0+$0xC970]  }
0x282: {  	[tilespmem:s0+$0x9730] =	vst v4;
	v4 =	vld [tilespmem:s0+$0xC980]  }
0x283: {  	[tilespmem:s0+$0x9740] =	vst v0;
	v5 =	vld [tilespmem:s0+$0xC990]  }
.Ltmp6:
0x284: {  	[tilespmem:s0+$0x9750] =	vst v1;
	v0 =	vld [tilespmem:s0+$0xC9A0];
	(pc) =	sbr.rel @p0 .LBB2_14-.Ltmp6, $4  }
0x285: {  	[tilespmem:s0+$0x9760] =	vst v2;
	v1 =	vld [tilespmem:s0+$0xC9B0]  }
0x286: {  	[tilespmem:s0+$0x9770] =	vst v3;
	v2 =	vld [tilespmem:s0+$0xC9C0]  }
0x287: {  	[tilespmem:s0+$0x9780] =	vst v4;
	v3 =	vld [tilespmem:s0+$0xC9D0]  }
0x288: {  	s19 =	sshra.s32 s13, $0x2;
	s13 =	sadd.s32 $0x800, s13;
	[tilespmem:s0+$0x9790] =	vst v5;
	v4 =	vld [tilespmem:s0+$0xC9E0]  }
0x289: {  	v5 =	vld [tilespmem:s19+$0xC9F0];
	[tilespmem:s0+$0x97A0] =	vst v0  }
0x28a: {  	v0 =	vld [tilespmem:s19+$0xC800];
	[tilespmem:s0+$0x97B0] =	vst v1  }
0x28b: {  	v1 =	vld [tilespmem:s19+$0xC810];
	[tilespmem:s0+$0x97C0] =	vst v2  }
0x28c: {  	v2 =	vld [tilespmem:s19+$0xC820];
	[tilespmem:s0+$0x97D0] =	vst v3  }
0x28d: {  	v3 =	vld [tilespmem:s19+$0xC830];
	[tilespmem:s0+$0x97E0] =	vst v4  }
0x28e: {  	v4 =	vld [tilespmem:s19+$0xC840];
	[tilespmem:s19+$0x97F0] =	vst v5  }
0x28f: {  	v38 =	vld [tilespmem:s19+$0xC850];
	[tilespmem:s19+$0x9600] =	vst v0  }
0x290: {  	v39 =	vld [tilespmem:s19+$0xC860];
	[tilespmem:s19+$0x9610] =	vst v1  }
0x291: {  	v40 =	vld [tilespmem:s19+$0xC870];
	[tilespmem:s19+$0x9620] =	vst v2  }
0x292: {  	v41 =	vld [tilespmem:s19+$0xC880];
	[tilespmem:s19+$0x9630] =	vst v3  }
0x293: {  	v42 =	vld [tilespmem:s19+$0xC890];
	[tilespmem:s19+$0x9640] =	vst v4  }
0x294: {  	v43 =	vld [tilespmem:s19+$0xC8A0];
	[tilespmem:s19+$0x9650] =	vst v38  }
0x295: {  	v44 =	vld [tilespmem:s19+$0xC8B0];
	[tilespmem:s19+$0x9660] =	vst v39  }
0x296: {  	v45 =	vld [tilespmem:s19+$0xC8C0];
	[tilespmem:s19+$0x9670] =	vst v40  }
0x297: {  	v46 =	vld [tilespmem:s19+$0xC8D0];
	[tilespmem:s19+$0x9680] =	vst v41  }
0x298: {  	v47 =	vld [tilespmem:s19+$0xC8E0];
	[tilespmem:s19+$0x9690] =	vst v42  }
0x299: {  	v48 =	vld [tilespmem:s19+$0xC8F0];
	[tilespmem:s19+$0x96A0] =	vst v43  }
0x29a: {  	v49 =	vld [tilespmem:s19+$0xC900];
	[tilespmem:s19+$0x96B0] =	vst v44  }
0x29b: {  	v50 =	vld [tilespmem:s19+$0xC910];
	[tilespmem:s19+$0x96C0] =	vst v45  }
0x29c: {  	v51 =	vld [tilespmem:s19+$0xC920];
	[tilespmem:s19+$0x96D0] =	vst v46  }
0x29d: {  	v52 =	vld [tilespmem:s19+$0xC930];
	[tilespmem:s19+$0x96E0] =	vst v47  }
0x29e: {  	v53 =	vld [tilespmem:s19+$0xC940];
	[tilespmem:s19+$0x96F0] =	vst v48  }
0x29f: {  	v54 =	vld [tilespmem:s19+$0xC950];
	[tilespmem:s19+$0x9700] =	vst v49  }
0x2a0: {  	v55 =	vld [tilespmem:s19+$0xC960];
	[tilespmem:s19+$0x9710] =	vst v50  }
0x2a1: {  	v56 =	vld [tilespmem:s19+$0xC970];
	[tilespmem:s19+$0x9720] =	vst v51  }
0x2a2: {  	v57 =	vld [tilespmem:s19+$0xC980];
	[tilespmem:s19+$0x9730] =	vst v52  }
0x2a3: {  	v58 =	vld [tilespmem:s19+$0xC990];
	[tilespmem:s19+$0x9740] =	vst v53  }
0x2a4: {  	v59 =	vld [tilespmem:s19+$0xC9A0];
	[tilespmem:s19+$0x9750] =	vst v54  }
0x2a5: {  	v60 =	vld [tilespmem:s19+$0xC9B0];
	[tilespmem:s19+$0x9760] =	vst v55  }
0x2a6: {  	v61 =	vld [tilespmem:s19+$0xC9C0];
	[tilespmem:s19+$0x9770] =	vst v56  }
0x2a7: {  	v62 =	vld [tilespmem:s19+$0xC9D0];
	[tilespmem:s19+$0x9780] =	vst v57  }
0x2a8: {  	v63 =	vld [tilespmem:s19+$0xC9E0];
	[tilespmem:s19+$0x9790] =	vst v58  }
0x2a9: {  	[tilespmem:s19+$0x97A0] =	vst v59  }
0x2aa: {  	[tilespmem:s19+$0x97B0] =	vst v60  }
0x2ab: {  	[tilespmem:s19+$0x97C0] =	vst v61  }
0x2ac: {  	[tilespmem:s19+$0x97D0] =	vst v62  }
0x2ad: {  	[tilespmem:s19+$0x97E0] =	vst v63  }
0x2ae: {  	[tilespmem:s20], [sflag:$0x2] =	stream.indirect.gather.add.f32 [hbm:s4], $0x40, s30, s15, $0xb8;
	[tilespmem:$0xFA00] =	vst v63  }
0x2af: {  	_ = 	snop  }
0x2b0: {  	[tilespmem:s22], [sflag:$0x2] =	stream.indirect.gather.add.f32 [hbm:s4], $0x40, s31, s17, $0xb8;
	[tilespmem:$0xFA00] =	vst v63  }
0x2b1: {  	_ =	swait.ge [sflag:s23], $0x2000  }
0x2b2: {  	[sflag:s23] =	ssyncset.done $0x0  }
0x2b3: {  	[sflag:s23] =	ssyncadd.s32 $0xFFFFE000  }
0x2b4: {  	_ =	swait.ge [sflag:s23], $0x1200  }
0x2b5: {  	[sflag:s23] =	ssyncset.done $0x0  }
0x2b6: {  	[sflag:s23] =	ssyncadd.s32 $0xFFFFEE00  }
0x2b7: {  	[hbm4b:s10+s3] =	stream.linear.scatter [tilespmem:s16], [sflag:$0x3], $0x3200, $0x38;
	[tilespmem:$0xFA00] =	vst v63  }
0x2b8: {  	_ =	swait.ge [sflag:s25], $0x2000  }
0x2b9: {  	[sflag:s25] =	ssyncset.done $0x0  }
0x2ba: {  	[sflag:s25] =	ssyncadd.s32 $0xFFFFE000  }
0x2bb: {  	_ =	swait.ge [sflag:s25], $0x1200  }
0x2bc: {  	[sflag:s25] =	ssyncset.done $0x0  }
0x2bd: {  	s1 =	sadd.s32 $0x1, s1;
	[sflag:s25] =	ssyncadd.s32 $0xFFFFEE00  }
0x2be: {  	[hbm4b:s11+s3] =	stream.linear.scatter [tilespmem:s20], [sflag:$0x4], $0x3200, $0x38;
	[tilespmem:$0xFA00] =	vst v63  }
0x2bf: {  	p0 =	sne.s32 s1, s12;
	_ =	swait.ge [sflag:s24], $0x3200  }
.Ltmp7:
0x2c0: {  	[sflag:s24] =	ssyncset.done $0x0;
	(pc) =	sbr.rel @p0 .LBB2_1-.Ltmp7, $4  }
0x2c1: {  	[sflag:s24] =	ssyncadd.s32 $0xFFFFCE00  }
0x2c2: {  	_ =	swait.ge [sflag:s26], $0x3200  }
0x2c3: {  	[sflag:s26] =	ssyncset.done $0x0  }
0x2c4: {  	[sflag:s26] =	ssyncadd.s32 $0xFFFFCE00  }
0x2c5: {  	_ =	sfence.sel $0x180000  }
0x2c6: {  	[bflag:$0x0] =	sbarrier.arrive $0xFFFF  }
0x2c7: {  	_ =	strace $0x90000047  }
0x2c8: {  	s0 =	stileid.u32;
	[bflag:$0x2] =	sbarrier.arrive $0xFFFF  }
0x2c9: {  	p0 =	sne.s32 s0, $0x0;
	s0 =	rddreg [dreg:$0x2]  }
0x2ca: {  	s0 =	sadd.s32 @!p0 $0x100000, s0  }
0x2cb: {  	[sflag:s0] =	ssyncadd.tile.s32 @!p0 $0x1;
	_ =	shalt  }
.Lfunc_end2:
_tile_overlayer_lowered:
.L_overlay_start_2:
0x2cc: {  	(tag) =	ssettag $0x2  }
0x2cd: {  	s0 =	rddreg [dreg:$0x0];
	s2 =	stileid.u32  }
0x2ce: {  	s1 =	rddreg [dreg:$0x1];
	p0 =	sne.s32 s2, $0x0  }
0x2cf: {  	s3 =	rddreg [dreg:$0x2];
	[bflag:$0x3] =	sbarrier.arrive $0xFFFF;
	s2 =	simm.s32 @!p0 $0x1C05  }
0x2d0: {  	[timem:s3], [sflag:s2] =	dma.local @!p0 [hbm:s0], s1  }
0x2d1: {  	s0 =	simm.s32 @!p0 $0x5  }
0x2d2: {  	_ =	swait.ge @!p0 [sflag:s0], s1  }
0x2d3: {  	s1 =	ssub.s32 @!p0 $0x0, s1;
	[sflag:s0] =	ssyncset.done @!p0 $0x0  }
0x2d4: {  	[sflag:s0] =	ssyncadd.s32 @!p0 s1  }
0x2d5: {  	[bflag:$0x3] =	sbarrier.arrive $0xFFFF  }
0x2d6: {  	_ =	shalt  }

// kernel: sparse-core-data-format-call.cloned.1.call-start
scs
called_computation_lowered:
.L_overlay_start_0:
0x0: {  	s2 =	sld [smem:$0x3FD9]  }
0x1: {  	s3 =	sld [smem:$0x3FFE];
	_ =	sdelay $0x1  }
0x2: {  	s1 =	srdreg.scid  }
0x3: {  	s0 =	sand.u32 $0x1, s1  }
0x4: {  	s18 =	sshll.u32 s0, $0xA;
	s2 =	sadd.s32 s3, s2  }
0x5: {  	s2 =	sadd.s32 s2, s18  }
0x6: {  	[smem:$0x3FC5] =	sst s2  }
0x7: {  	_ = 	snop  }
0x8: {  	s2 =	sld [smem:$0x3FD0];
	(tm) =	ssettm $0x1  }
0x9: {  	s19 =	sld [smem:$0x3FFB];
	_ =	sdelay $0x3  }
0xa: {  	_ =	strace s19  }
0xb: {  	s3 =	sld [smem:$0x3FFC];
	_ =	sdelay $0x3  }
0xc: {  	_ =	strace s3  }
0xd: {  	s3 =	sld [smem:$0x3FFD];
	_ =	sdelay $0x3  }
0xe: {  	_ =	strace s3  }
0xf: {  	_ =	strace $0x8FFFFFFF  }
0x10: {  	s20 =	sld [smem:$0x3FDB];
	_ =	sdelay $0x1  }
0x11: {  	s4 =	simm.s32 $_scs_section_size  }
0x12: {  	s5 =	simm.s32 $_size__tile_overlayer_lowered;
	s6 =	simm.s32 $_tile_overlayer_lowered  }
0x13: {  	s23 =	simm.s32 $0x1BFF;
	s22 =	sshll.u32 s6, $0x1;
	s3 =	sadd.s32 s4, s20  }
0x14: {  	s7 =	simm.s32 $0x0;
	s21 =	sshll.u32 s5, $0x1;
	s5 =	sadd.s32 s22, s3  }
0x15: {  	[timem:s7], [sflag:s23] =	dma.local [hbm:s5], s21  }
0x16: {  	_ =	swait.ge [sflag:s23], s21  }
0x17: {  	s4 =	ssub.s32 $0x0, s21;
	[sflag:s23] =	ssyncset.done $0x0  }
0x18: {  	[sflag:s23] =	ssyncadd.s32 s4;
	_ =	sdelay $0x1  }
0x19: {  	s24 =	simm.s32 $0x1B8B  }
0x1a: {  	_ =	swait.ge [sflag:s24], $0x1  }
0x1b: {  	[sflag:s24] =	ssyncset.done $0x0  }
0x1c: {  	s26 =	simm.s32 $0x1B8E;
	s25 =	sld [smem:$0x3FFE];
	[sflag:s24] =	ssyncadd.s32 $0xFFFFFFFF  }
0x1d: {  	s27 =	simm.s32 $execute0_lowered;
	[smem:$0x3FD2] =	sst s26  }
0x1e: {  	s5 =	sshll.u32 s27, $0x1;
	_ =	strace $0x80000049;
	[dreg:$0x1] =	wrdreg $0xFFFFFFFF  }
0x1f: {  	s28 =	simm.s32 $_size_execute0_lowered;
	s3 =	sadd.s32 s3, s5;
	[dreg:$0x0] =	wrdreg $0x0  }
0x20: {  	s5 =	sshll.u32 s28, $0x1;
	[dreg:$0x2] =	wrdreg s3  }
0x21: {  	[dreg:$0x3] =	wrdreg s5  }
0x22: {  	[dreg:$0x4] =	wrdreg $0xC0  }
0x23: {  	_ =	task [dreg:s7], $0x5FFFF  }
0x24: {  	[dreg:$0x1] =	wrdreg $0xFFFFFFFF  }
0x25: {  	[dreg:$0x0] =	wrdreg $0x60  }
0x26: {  	[dreg:$0x2] =	wrdreg s25  }
0x27: {  	[dreg:$0x3] =	wrdreg s2  }
0x28: {  	[dreg:$0x4] =	wrdreg $0x9  }
0x29: {  	_ =	task.clear_ibuf [dreg:s7], $0x5FFFF;
	_ =	strace $0x90000049  }
0x2a: {  	s29 =	simm.s32 $0x9;
	_ =	strace $0x8000004B  }
0x2b: {  	_ =	swait.ge [sflag:s29], $0x1  }
0x2c: {  	[sflag:s29] =	ssyncadd.s32 $0xFFFFFFFF  }
0x2d: {  	_ =	strace $0x9000004B  }
0x2e: {  	_ =	sfence  }
0x2f: {  	s30 =	sld [smem:$0x0];
	_ =	sdelay $0x2  }
0x30: {  	s31 =	sshll.u32 s1, $0xD;
	s1 =	sshrl.u32 s1, $0x2  }
0x31: {  	s3 =	sand.u32 $0x4000, s31;
	s1 =	sadd.s32 s1, s30  }
0x32: {  	s0 =	sor.u32 s3, s0;
	s1 =	sshll.u32 s1, $0x11  }
0x33: {  	s0 =	sor.u32 s1, s0  }
0x34: {  	s0 =	sadd.s32 $0x8F2B, s0  }
0x35: {  	[sflag:s0] =	ssyncadd.remote.s32 $0x1  }
0x36: {  	_ =	sfence.sel $0xFFFF  }
0x37: {  	[dreg:$0x0] =	wrdreg $0xFFFFFFFF;
	(pc) =	sbr.abs _section_cstart, $3  }
0x38: {  	[dreg:$0x1] =	wrdreg $0xFFFFFFFF  }
0x39: {  	_ =	task.clear_ibuf [dreg:s7], $0x2FFFF;
	_ =	strace $0x9FFFFFFF  }
0x3a: {  	(tm) =	ssettm $0x7FFFFFFF  }
0x3b: {  	_ =	shalt  }
tec
execute0_lowered:
.L_overlay_start_1:
0x0: {  	(tag) =	ssettag $0x1  }
0x1: {  	s0 =	srdreg.scid  }
0x2: {  	s1 =	sshll.u32 s0, $0x4  }
0x3: {  	s0 =	stileid.u32;
	s1 =	sand.u32 $0x10, s1  }
0x4: {  	s1 =	sor.u32 s0, s1  }
0x5: {  	s6 =	rddreg [dreg:$0x0];
	s4 =	simm.s32 $0x1;
	s2 =	sshll.u32 s1, $0x7  }
0x6: {  	s7 =	simm.s32 $0x2;
	s12 =	simm.s32 $0x0;
	s1 =	ssub.s32 $0x1000, s2  }
0x7: {  	s8 =	simm.s32 $0x8000;
	s13 =	simm.s32 $0x0;
	s3 =	sand.u32 $0xF80, s1  }
0x8: {  	s9 =	simm.s32 $0x0;
	s5 =	sshrl.u32 s1, $0xC;
	p0 =	sne.s32 s3, $0x0  }
.Ltmp0:
0x9: {  	s1 =	rddreg [dreg:$0x2];
	s4 =	simm.s32 @!p0 $0x0;
	(pc) =	sbr.rel .LBB1_1-.Ltmp0, $4  }
0xa: {  	s11 =	simm.s32 $0x0;
	s3 =	rddreg [dreg:$0x1];
	s5 =	sadd.s32 s4, s5  }
0xb: {  	_ =	strace $0x8000004A;
	s4 =	simm.s32 $0x1;
	s5 =	smul.u32 $0xC8, s5  }
0xc: {  	s6 =	sadd.s32 $0x800, s6;
	s10 =	smov.u32 s2;
	[sflag:s4] =	ssyncpa.u1 $0x0  }
0xd: {  	p0 =	por $0x0, $0x0;
	[sflag:s7] =	ssyncpa.u1 $0x0;
	s7 =	sor.u32 $0x1, s5  }
.LBB1_4:
0xe: {  	s16 =	sshll.u32 s13, $0x3;
	s17 =	sand.u32 $0x78, s13  }
0xf: {  	s30 =	sand.u32 $0x7E00, s13;
	s12 =	sshll.u32 s12, $0xF;
	s16 =	sand.u32 $0xC00, s16  }
0x10: {  	[tilespmem:s15+$0x810 ss:$0x81] =	vst.msk $0xffff, v2;
	s31 =	sand.u32 $0x7, s13;
	s16 =	sor.u32 s17, s16;
	s17 =	sadd.s32 s3, s30  }
0x11: {  	[tilespmem:s15+$0x1020 ss:$0x81] =	vst.msk $0xffff, v0;
	s13 =	sshll.u32 s31, $0x12;
	s12 =	sadd.s32 s12, s17;
	s16 =	sshrl.u32 s16, $0x3  }
0x12: {  	[tilespmem:s15+$0x0 ss:$0x81] =	vst.msk $0xffff, v1;
	s13 =	sor.u32 $0x400, s13;
	s12 =	sadd.s32 s16, s12  }
0x13: {  	[hbm4b:s12+s13] =	stream.strided.scatter [tilespmem:s14], [sflag:$0x2], $0x2000, s8, s13, $0x20;
	[tilespmem:$0x8080] =	vst v63  }
.LBB1_5:
0x14: {  	s14 =	sadd.s32 $0x1, s9  }
0x15: {  	s12 =	sadd.s32 $0x1000, s10;
	s16 =	smov.u32 s10;
	p2 =	sgt.s32 s14, $0xC7  }
0x16: {  	s16 =	smov.u32 @p2 s12  }
0x17: {  	s14 =	simm.s32 @p2 $0x0;
	p2 =	sgt.s32 s16, $0xFFF  }
0x18: {  	s16 =	smov.u32 @p2 s2;
	p2 =	sne.s32 s11, s7  }
.Ltmp1:
0x19: {  	p1 =	slt.u32 s11, $0x2;
	(pc) =	sbr.rel @!p2 .LBB1_6-.Ltmp1, $4  }
0x1a: {  	s15 =	simm.s32 @!p1 $0x2  }
0x1b: {  	s13 =	smov.u32 s10;
	p0 =	por !p0, !p0;
	_ =	swait.ge @!p1 [sflag:s15], $0x2000  }
0x1c: {  	s12 =	smov.u32 s9;
	[sflag:s15] =	ssyncset.done @!p1 $0x0;
	s9 =	smov.u32 s14  }
0x1d: {  	s11 =	sadd.s32 $0x1, s11;
	[sflag:s15] =	ssyncadd.s32 @!p1 $0xFFFFE000;
	s10 =	smov.u32 s16  }
.LBB1_1:
0x1e: {  	p1 =	sge.u32 s11, s5  }
0x1f: {  	s14 =	sand.u32 @!p1 $0x1FFFFFF, s9  }
0x20: {  	s15 =	smulhi.u32 @!p1 $0x147AE15, s14;
	_ =	sdelay $0x1  }
0x21: {  	s15 =	smul.u32 @!p1 $0xC8, s15  }
0x22: {  	s16 =	sxor.u32 @!p1 $0xFFFFFFFF, s11;
	s17 =	smul.u32 @!p1 $0xC80, s10  }
0x23: {  	s31 =	sadd.s32 $0xFFFFFFFF, s11;
	s16 =	sshll.u32 @!p1 s16, $0xD;
	s14 =	ssub.s32 @!p1 s14, s15  }
0x24: {  	s15 =	sand.u32 @!p1 $0x2000, s16;
	s16 =	sadd.s32 @!p1 s6, s17;
	s14 =	sshll.u32 @!p1 s14, $0x4  }
0x25: {  	s17 =	simm.s32 @!p1 $0x6400;
	s14 =	sadd.s32 @!p1 s14, s16;
	s16 =	simm.s32 @!p1 $0x40  }
0x26: {  	[tilespmem:s15], [sflag:$0x1] =	stream.strided.gather @!p1 [hbm4b:s14+s16], $0x2000, s17, s16, $0x38;
	[tilespmem:$0x8080] =	vst v63  }
0x27: {  	p1 =	sge.u32 s31, s5  }
.Ltmp2:
0x28: {  	_ = 	snop;
	(pc) =	sbr.rel @p1 .LBB1_5-.Ltmp2, $1  }
0x29: {  	_ =	sdelay $0x3  }
0x2a: {  	s14 =	simm.s32 $0x1  }
0x2b: {  	_ =	swait.ge [sflag:s4], $0x2000;
	s14 =	simm.s32 @!p0 $0x0  }
0x2c: {  	[sflag:s4] =	ssyncset.done $0x0;
	s15 =	sshll.u32 s14, $0xD  }
0x2d: {  	[sflag:s4] =	ssyncadd.s32 $0xFFFFE000;
	s18 =	sor.u32 $0x20, s15  }
0x2e: {  	s14 =	smul.u32 $0x8100, s14;
	v3 =	vld [tilespmem:s18+$0x10]  }
0x2f: {  	s30 =	sand.u32 $0x1, s11;
	v2 =	vld [tilespmem:s18+$0xFFFFFFF0]  }
0x30: {  	s15 =	smul.u32 $0x8100, s30;
	s14 =	sshrl.u32 s14, $0x2;
	v0 =	vld [tilespmem:s18+$0x0]  }
0x31: {  	v1 =	vld [tilespmem:s18+$0xFFFFFFE0];
	s16 =	sor.u32 $0x4000, s14  }
0x32: {  	s31 =	sshrl.u32 s15, $0x2;
	s15 =	sadd.s32 $0x0, s16  }
0x33: {  	s17 =	simm.s32 $0x4;
	s18 =	sadd.s32 $0x40, s18;
	s14 =	sor.u32 $0x4000, s31;
	[tilespmem:s15+$0x1830 ss:$0x81] =	vst.msk $0xffff, v3  }
.LBB1_3:
0x34: {  	v3 =	vld [tilespmem:s18+$0x10];
	p1 =	sne.s32 s17, $0x1FC;
	[tilespmem:s15+$0x810 ss:$0x81] =	vst.msk $0xffff, v2;
	s19 =	smov.u32 s17;
	s17 =	sadd.s32 $0x4, s17  }
.Ltmp3:
0x35: {  	v2 =	vld [tilespmem:s18+$0xFFFFFFF0];
	[tilespmem:s15+$0x1020 ss:$0x81] =	vst.msk $0xffff, v0;
	(pc) =	sbr.rel @p1 .LBB1_3-.Ltmp3, $4  }
0x36: {  	v0 =	vld [tilespmem:s18+$0x0];
	[tilespmem:s15+$0x0 ss:$0x81] =	vst.msk $0xffff, v1  }
0x37: {  	s15 =	sshra.s32 s19, $0x2;
	v1 =	vld [tilespmem:s18+$0xFFFFFFE0]  }
0x38: {  	s15 =	sadd.s32 s15, s16  }
0x39: {  	s18 =	sadd.s32 $0x40, s18;
	[tilespmem:s15+$0x1830 ss:$0x81] =	vst.msk $0xffff, v3  }
.Ltmp4:
0x3a: {  	_ = 	snop;
	(pc) =	sbr.rel .LBB1_4-.Ltmp4, $1  }
0x3b: {  	_ =	sdelay $0x3  }
.LBB1_6:
0x3c: {  	_ =	sfence.sel $0x180000  }
0x3d: {  	s2 =	simm.s32 $0x1;
	[bflag:$0x0] =	sbarrier.arrive $0xFFFF  }
0x3e: {  	s31 =	simm.s32 $0x2;
	[sflag:s2] =	ssyncpa.u1 $0x1  }
0x3f: {  	[sflag:s31] =	ssyncpa.u1 $0x1  }
0x40: {  	p0 =	sne.s32 s0, $0x0;
	_ =	strace $0x9000004A  }
0x41: {  	s0 =	sadd.s32 @!p0 $0x100000, s1;
	[bflag:$0x2] =	sbarrier.arrive $0xFFFF  }
0x42: {  	[sflag:s0] =	ssyncadd.tile.s32 @!p0 $0x1;
	_ =	shalt  }
.Lfunc_end1:
_tile_overlayer_lowered:
.L_overlay_start_2:
0x43: {  	(tag) =	ssettag $0x2  }
0x44: {  	s0 =	rddreg [dreg:$0x0];
	s2 =	stileid.u32  }
0x45: {  	s1 =	rddreg [dreg:$0x1];
	p0 =	sne.s32 s2, $0x0  }
0x46: {  	s3 =	rddreg [dreg:$0x2];
	[bflag:$0x3] =	sbarrier.arrive $0xFFFF;
	s2 =	simm.s32 @!p0 $0x1C01  }
0x47: {  	[timem:s3], [sflag:s2] =	dma.local @!p0 [hbm:s0], s1  }
0x48: {  	s0 =	simm.s32 @!p0 $0x1  }
0x49: {  	_ =	swait.ge @!p0 [sflag:s0], s1  }
0x4a: {  	s1 =	ssub.s32 @!p0 $0x0, s1;
	[sflag:s0] =	ssyncset.done @!p0 $0x0  }
0x4b: {  	[sflag:s0] =	ssyncadd.s32 @!p0 s1  }
0x4c: {  	[bflag:$0x3] =	sbarrier.arrive $0xFFFF  }
0x4d: {  	_ =	shalt  }

</sc_bundles>
